<compile_context>
chip_gen: v7x
topology: tpu7x:2x2x1
jax: 0.10.2.dev20260603
libtpu: 0.0.44.dev20260713+nightly
codegen_flags: <defaults>
</compile_context>

<pallas_src>
import jax
import jax.numpy as jnp
from jax import lax
from jax.experimental import pallas as pl
from jax.experimental.pallas import tpu as pltpu
from jax.experimental.pallas import tpu_sc as plsc

N_NODES = 10000
N_EDGES = 320000
D_FEAT = 128
HC = 64
NPAD = 10112
NW = 32
B = 64
CH = 164
EP = NW * CH * B
ROWS_PER_TILE = NPAD // 16
RPT_FULL = ROWS_PER_TILE // B
RPT_REM = ROWS_PER_TILE % B


def _lane_perm(x, idx):
    dn = lax.GatherDimensionNumbers(
        offset_dims=(), collapsed_slice_dims=(0,), start_index_map=(0,))
    return lax.gather(x, idx.reshape(16, 1), dn, (1,),
                      mode=lax.GatherScatterMode.PROMISE_IN_BOUNDS)



def _proj1_body(x_ref, wl_ref, bl_ref, wr_ref, br_ref, xl_ref, xr_ref):
    x = x_ref[...]
    xl_ref[...] = jnp.dot(x, wl_ref[...].T,
                          preferred_element_type=jnp.float32) + bl_ref[...]
    xr_ref[...] = jnp.dot(x, wr_ref[...].T,
                          preferred_element_type=jnp.float32) + br_ref[...]


def _proj1(x_pad, wl, bl, wr, br):
    blk = 632
    grid = NPAD // blk
    return pl.pallas_call(
        _proj1_body,
        grid=(grid,),
        in_specs=[
            pl.BlockSpec((blk, D_FEAT), lambda i: (i, 0)),
            pl.BlockSpec((128, D_FEAT), lambda i: (0, 0)),
            pl.BlockSpec((1, 128), lambda i: (0, 0)),
            pl.BlockSpec((128, D_FEAT), lambda i: (0, 0)),
            pl.BlockSpec((1, 128), lambda i: (0, 0)),
        ],
        out_specs=[
            pl.BlockSpec((blk, 128), lambda i: (i, 0)),
            pl.BlockSpec((blk, 128), lambda i: (i, 0)),
        ],
        out_shape=[
            jax.ShapeDtypeStruct((NPAD, 128), jnp.float32),
            jax.ShapeDtypeStruct((NPAD, 128), jnp.float32),
        ],
    )(x_pad, wl, bl.reshape(1, 128), wr, br.reshape(1, 128))



def _sc_edge_body(compute,
                  xl_hbm, xr_hbm, att_hbm, sd_hbm, out_hbm,
                  sdv0, sdv1, srcv0, dstv0, srcv1, dstv1,
                  xlb0, xrb0, xlb1, xrb1, val0, val1,
                  attb, acc, g0, g1, s0, s1, i0, i1):
    cid = lax.axis_index("c")
    sid = lax.axis_index("s")
    wid = cid * 16 + sid

    sdv = (sdv0, sdv1)
    srcv = (srcv0, srcv1)
    dstv = (dstv0, dstv1)
    xlb = (xlb0, xlb1)
    xrb = (xrb0, xrb1)
    val = (val0, val1)
    g = (g0, g1)
    s = (s0, s1)
    ih = (i0, i1)

    zeros16 = jnp.zeros((16,), jnp.float32)

    def zrow(i, _):
        for kk in range(8):
            val0[i, pl.ds(kk * 16, 16)] = zeros16
            val1[i, pl.ds(kk * 16, 16)] = zeros16
        return 0
    lax.fori_loop(0, B, zrow, 0)
    for i in range(RPT_FULL):
        pltpu.sync_copy(val0, acc.at[pl.ds(sid * ROWS_PER_TILE + i * B, B)])
    pltpu.sync_copy(
        val0.at[pl.ds(0, RPT_REM)],
        acc.at[pl.ds(sid * ROWS_PER_TILE + RPT_FULL * B, RPT_REM)])
    pltpu.sync_copy(att_hbm, attb)
    plsc.subcore_barrier()

    ebase = wid * (CH * B)

    def unpack_and_gather(pb):
        for kk in range(B // 16):
            w = sdv[pb][pl.ds(kk * 16, 16)]
            srcv[pb][pl.ds(kk * 16, 16)] = w & 16383
            dstv[pb][pl.ds(kk * 16, 16)] = w >> 14
        pltpu.async_copy(xl_hbm.at[srcv[pb]], xlb[pb], g[pb])
        pltpu.async_copy(xr_hbm.at[dstv[pb]], xrb[pb], g[pb])

    def step(j, pb):
        q = 1 - pb
        @pl.when(j >= 1)
        def _():
            pltpu.make_async_copy(val[q], acc.at[dstv[q]], s[q]).wait()

        @pl.when(j + 1 < CH)
        def _():
            pltpu.make_async_copy(
                sd_hbm.at[pl.ds(ebase + (j + 1) * B, B)], sdv[q],
                ih[q]).wait()
            unpack_and_gather(q)

        @pl.when(j + 2 < CH)
        def _():
            pltpu.async_copy(
                sd_hbm.at[pl.ds(ebase + (j + 2) * B, B)], sdv[pb], ih[pb])

        pltpu.make_async_copy(xl_hbm.at[srcv[pb]], xlb[pb], g[pb]).wait()
        pltpu.make_async_copy(xr_hbm.at[dstv[pb]], xrb[pb], g[pb]).wait()
        lax.fori_loop(
            0, B, lambda b, _: compute(b, xlb[pb], xrb[pb], val[pb], attb), 0)
        pltpu.async_copy(val[pb], acc.at[dstv[pb]], s[pb], add=True)

    pltpu.sync_copy(sd_hbm.at[pl.ds(ebase, B)], sdv[0])
    unpack_and_gather(0)
    pltpu.async_copy(sd_hbm.at[pl.ds(ebase + B, B)], sdv[1], ih[1])

    def pair(t, _):
        step(2 * t, 0)
        step(2 * t + 1, 1)
        return 0
    lax.fori_loop(0, CH // 2, pair, 0)
    pltpu.make_async_copy(val[1], acc.at[dstv[1]], s[1]).wait()

    plsc.subcore_barrier()
    for i in range(RPT_FULL):
        pltpu.sync_copy(
            acc.at[pl.ds(sid * ROWS_PER_TILE + i * B, B)],
            out_hbm.at[cid, pl.ds(sid * ROWS_PER_TILE + i * B, B)])
    pltpu.sync_copy(
        acc.at[pl.ds(sid * ROWS_PER_TILE + RPT_FULL * B, RPT_REM)],
        out_hbm.at[cid, pl.ds(sid * ROWS_PER_TILE + RPT_FULL * B, RPT_REM)])


def _sc_scratch(att_len):
    return [
        pltpu.VMEM((B,), jnp.int32),
        pltpu.VMEM((B,), jnp.int32),
        pltpu.VMEM((B,), jnp.int32),
        pltpu.VMEM((B,), jnp.int32),
        pltpu.VMEM((B,), jnp.int32),
        pltpu.VMEM((B,), jnp.int32),
        pltpu.VMEM((B, 128), jnp.float32),
        pltpu.VMEM((B, 128), jnp.float32),
        pltpu.VMEM((B, 128), jnp.float32),
        pltpu.VMEM((B, 128), jnp.float32),
        pltpu.VMEM((B, 128), jnp.float32),
        pltpu.VMEM((B, 128), jnp.float32),
        pltpu.VMEM((att_len,), jnp.float32),
        pltpu.VMEM_SHARED((NPAD, 128), jnp.float32),
        pltpu.SemaphoreType.DMA,
        pltpu.SemaphoreType.DMA,
        pltpu.SemaphoreType.DMA,
        pltpu.SemaphoreType.DMA,
        pltpu.SemaphoreType.DMA,
        pltpu.SemaphoreType.DMA,
    ]



def _edge1_compute(b, xlb, xrb, val, attb):
    i16 = lax.broadcasted_iota(jnp.int32, (16,), 0)
    p4 = i16 ^ 4
    p2 = i16 ^ 2
    p1 = i16 ^ 1
    for kk in range(4):
        xlv = xlb[b, pl.ds(kk * 16, 16)]
        xrv = xrb[b, pl.ds(kk * 16, 16)]
        sm = xlv + xrv
        e = jnp.maximum(sm, 0.2 * sm)
        p = e * attb[pl.ds(kk * 16, 16)]
        r = p + _lane_perm(p, p4)
        r = r + _lane_perm(r, p2)
        r = r + _lane_perm(r, p1)
        ev = jnp.exp(r)
        val[b, pl.ds(kk * 16, 16)] = ev * xlv
        val[b, pl.ds(64 + kk * 16, 16)] = ev
    return 0


def _sc_edge1_body(*refs):
    _sc_edge_body(_edge1_compute, *refs)


def _sc_edge1(xl, xr, att1f, sd_all):
    mesh = plsc.VectorSubcoreMesh(core_axis_name="c", subcore_axis_name="s")
    f = pl.kernel(
        _sc_edge1_body,
        out_type=jax.ShapeDtypeStruct((2, NPAD, 2 * HC), jnp.float32),
        mesh=mesh,
        scratch_types=_sc_scratch(HC),
    )
    return f(xl, xr, att1f, sd_all)



def _mid_body(acc_ref, b1_ref, wl_ref, bl_ref, wr_ref, br_ref,
              xl2_ref, xr2_ref):
    a0 = acc_ref[0]
    a1 = acc_ref[1]
    num = a0[:, :HC] + a1[:, :HC]
    den = a0[:, HC:] + a1[:, HC:]
    h = num / (den + 1e-16) + b1_ref[...]
    h = jnp.where(h > 0, h, jnp.exp(jnp.minimum(h, 0.0)) - 1.0)
    xl2_ref[...] = jnp.dot(h, wl_ref[...].T,
                           preferred_element_type=jnp.float32) + bl_ref[...]
    xr2_ref[...] = jnp.dot(h, wr_ref[...].T,
                           preferred_element_type=jnp.float32) + br_ref[...]


def _mid(acc1, bias1, wl2p, bl2p, wr2p, br2p):
    blk = 632
    grid = NPAD // blk
    return pl.pallas_call(
        _mid_body,
        grid=(grid,),
        in_specs=[
            pl.BlockSpec((2, blk, 2 * HC), lambda i: (0, i, 0)),
            pl.BlockSpec((1, HC), lambda i: (0, 0)),
            pl.BlockSpec((128, HC), lambda i: (0, 0)),
            pl.BlockSpec((1, 128), lambda i: (0, 0)),
            pl.BlockSpec((128, HC), lambda i: (0, 0)),
            pl.BlockSpec((1, 128), lambda i: (0, 0)),
        ],
        out_specs=[
            pl.BlockSpec((blk, 128), lambda i: (i, 0)),
            pl.BlockSpec((blk, 128), lambda i: (i, 0)),
        ],
        out_shape=[
            jax.ShapeDtypeStruct((NPAD, 128), jnp.float32),
            jax.ShapeDtypeStruct((NPAD, 128), jnp.float32),
        ],
    )(acc1, bias1.reshape(1, HC), wl2p, bl2p.reshape(1, 128),
      wr2p, br2p.reshape(1, 128))



def _edge2_compute(b, xlb, xrb, val, attb):
    i16 = lax.broadcasted_iota(jnp.int32, (16,), 0)
    p8 = i16 ^ 8
    p4 = i16 ^ 4
    p2 = i16 ^ 2
    p1 = i16 ^ 1
    xlv = xlb[b, pl.ds(0, 16)]
    xrv = xrb[b, pl.ds(0, 16)]
    sm = xlv + xrv
    e = jnp.maximum(sm, 0.2 * sm)
    p = e * attb[pl.ds(0, 16)]
    r = p + _lane_perm(p, p8)
    r = r + _lane_perm(r, p4)
    r = r + _lane_perm(r, p2)
    r = r + _lane_perm(r, p1)
    val[b, pl.ds(0, 16)] = jnp.exp(r) * xlv
    return 0


def _sc_edge2_body(*refs):
    _sc_edge_body(_edge2_compute, *refs)


def _sc_edge2(xl2, xr2, att2p, sd_all):
    mesh = plsc.VectorSubcoreMesh(core_axis_name="c", subcore_axis_name="s")
    f = pl.kernel(
        _sc_edge2_body,
        out_type=jax.ShapeDtypeStruct((2, NPAD, 128), jnp.float32),
        mesh=mesh,
        scratch_types=_sc_scratch(16),
    )
    return f(xl2, xr2, att2p, sd_all)



def _final_body(acc_ref, b2_ref, out_ref):
    a = acc_ref[0] + acc_ref[1]
    o = a[:, :7] / (a[:, 7:8] + 1e-16) + b2_ref[...]
    m = jnp.max(o, axis=1, keepdims=True)
    ls = m + jnp.log(jnp.sum(jnp.exp(o - m), axis=1, keepdims=True))
    out_ref[...] = o - ls


def _final(acc2, bias2):
    blk = 632
    grid = NPAD // blk
    return pl.pallas_call(
        _final_body,
        grid=(grid,),
        in_specs=[
            pl.BlockSpec((2, blk, 128), lambda i: (0, i, 0)),
            pl.BlockSpec((1, 7), lambda i: (0, 0)),
        ],
        out_specs=pl.BlockSpec((blk, 7), lambda i: (i, 0)),
        out_shape=jax.ShapeDtypeStruct((NPAD, 7), jnp.float32),
    )(acc2, bias2.reshape(1, 7))




def kernel(x, edge_index, Wl1, bl1, Wr1, br1, att1, bias1,
           Wl2, bl2, Wr2, br2, att2, bias2):
    x_pad = jnp.zeros((NPAD, D_FEAT), jnp.float32).at[:N_NODES].set(x)
    ei = edge_index.astype(jnp.int32)
    loop = jnp.arange(N_NODES, dtype=jnp.int32)
    padi = jnp.full((EP - N_EDGES - N_NODES,), N_NODES, jnp.int32)
    src_all = jnp.concatenate([ei[0], loop, padi])
    dst_all = jnp.concatenate([ei[1], loop, padi])
    sd_all = src_all | (dst_all << 14)

    wl1p = jnp.zeros((128, D_FEAT), jnp.float32).at[:HC].set(Wl1)
    wr1p = jnp.zeros((128, D_FEAT), jnp.float32).at[:HC].set(Wr1)
    bl1p = jnp.zeros((128,), jnp.float32).at[:HC].set(bl1)
    br1p = jnp.zeros((128,), jnp.float32).at[:HC].set(br1)
    wl2p = jnp.zeros((128, HC), jnp.float32).at[:7].set(Wl2)
    bl2p = jnp.zeros((128,), jnp.float32).at[:7].set(bl2).at[7].set(1.0)
    wr2p = jnp.zeros((128, HC), jnp.float32).at[:7].set(Wr2)
    br2p = jnp.zeros((128,), jnp.float32).at[:7].set(br2)
    att2p = jnp.zeros((16,), jnp.float32).at[:7].set(att2[0])

    xl1, xr1 = _proj1(x_pad, wl1p, bl1p, wr1p, br1p)
    acc1 = _sc_edge1(xl1, xr1, att1.reshape(HC), sd_all)
    xl2, xr2 = _mid(acc1, bias1, wl2p, bl2p, wr2p, br2p)
    acc2 = _sc_edge2(xl2, xr2, att2p, sd_all)
    out = _final(acc2, bias2)
    return out[:N_NODES]

# --- scband reference (transcript-rebuilt; emitter-appended) ---
"""Pipeline reference for scband-gatv2-1382979470034 (READ-ONLY COPY).

The authoritative reference and input builder live on the scoring server;
editing this copy changes nothing except your own understanding.
"""

import jax, jax.numpy as jnp
import numpy as np

N_NODES = 10000
N_EDGES = 320000
D_FEAT = 128
HID = 8
HEADS = 8
NUM_CLASSES = 7


def setup_inputs(seed: int = 0) -> dict:
    key = jax.random.key(seed)
    ks = [jax.random.fold_in(key, i) for i in range(16)]
    x = jax.random.normal(ks[0], (N_NODES, D_FEAT), dtype=jnp.float32)
    edge_index = jax.random.randint(ks[1], (2, N_EDGES), 0, N_NODES, dtype=jnp.int64)
    s1 = 1.0 / np.sqrt(D_FEAT)
    s2 = 1.0 / np.sqrt(HEADS * HID)
    Wl1 = jax.random.normal(ks[2], (HEADS * HID, D_FEAT), dtype=jnp.float32) * s1
    bl1 = jnp.zeros((HEADS * HID,), dtype=jnp.float32)
    Wr1 = jax.random.normal(ks[3], (HEADS * HID, D_FEAT), dtype=jnp.float32) * s1
    br1 = jnp.zeros((HEADS * HID,), dtype=jnp.float32)
    att1 = jax.random.normal(ks[4], (HEADS, HID), dtype=jnp.float32) * (1.0 / np.sqrt(HID))
    bias1 = jnp.zeros((HEADS * HID,), dtype=jnp.float32)
    Wl2 = jax.random.normal(ks[5], (NUM_CLASSES, HEADS * HID), dtype=jnp.float32) * s2
    bl2 = jnp.zeros((NUM_CLASSES,), dtype=jnp.float32)
    Wr2 = jax.random.normal(ks[6], (NUM_CLASSES, HEADS * HID), dtype=jnp.float32) * s2
    br2 = jnp.zeros((NUM_CLASSES,), dtype=jnp.float32)
    att2 = jax.random.normal(ks[7], (1, NUM_CLASSES), dtype=jnp.float32) * (1.0 / np.sqrt(NUM_CLASSES))
    bias2 = jnp.zeros((NUM_CLASSES,), dtype=jnp.float32)
    return {"x": x, "edge_index": edge_index,
            "Wl1": Wl1, "bl1": bl1, "Wr1": Wr1, "br1": br1, "att1": att1, "bias1": bias1,
            "Wl2": Wl2, "bl2": bl2, "Wr2": Wr2, "br2": br2, "att2": att2, "bias2": bias2}


def _gatv2_layer(x, edge_index, Wl, bl, Wr, br, att, bias, concat):
    # Faithful GATv2Conv (PyG): add_self_loops=True, negative_slope=0.2, eval mode (no dropout)
    N = x.shape[0]
    H, C = att.shape
    loop = jnp.arange(N, dtype=edge_index.dtype)
    ei = jnp.concatenate([edge_index, jnp.stack([loop, loop])], axis=1)
    src, dst = ei[0], ei[1]
    xl = (x @ Wl.T + bl).reshape(N, H, C)  # source transform
    xr = (x @ Wr.T + br).reshape(N, H, C)  # target transform
    e = xl[src] + xr[dst]                  # [E, H, C]
    e = jax.nn.leaky_relu(e, negative_slope=0.2)
    alpha = jnp.einsum('ehc,hc->eh', e, att)  # [E, H]
    amax = jax.lax.stop_gradient(jax.ops.segment_max(alpha, dst, num_segments=N))
    alpha = jnp.exp(alpha - amax[dst])
    denom = jax.ops.segment_sum(alpha, dst, num_segments=N)
    alpha = alpha / (denom[dst] + 1e-16)
    out = jax.ops.segment_sum(xl[src] * alpha[:, :, None], dst, num_segments=N)  # [N, H, C]
    if concat:
        out = out.reshape(N, H * C)
    else:
        out = out.mean(axis=1)
    return out + bias


def reference(x, edge_index, Wl1, bl1, Wr1, br1, att1, bias1, Wl2, bl2, Wr2, br2, att2, bias2):
    # eval mode: F.dropout is identity
    h = _gatv2_layer(x, edge_index, Wl1, bl1, Wr1, br1, att1, bias1, concat=True)
    h = jax.nn.elu(h)
    h = _gatv2_layer(h, edge_index, Wl2, bl2, Wr2, br2, att2, bias2, concat=False)
    return jax.nn.log_softmax(h, axis=1)

if __name__ == "__main__":
    import jax
    _d = setup_inputs()
    print(jax.jit(kernel)(*tuple(_d.values())))

</pallas_src>

<mosaic_0001>
#map = affine_map<(d0, d1) -> (0, 0)>
#map1 = affine_map<(d0, d1) -> (0)>
#map2 = affine_map<(d0, d1) -> (0, 0, 0)>
module attributes {stable_mosaic.version = 14 : i64} {
  func.func @_sc_edge2_body(%arg0: i32, %arg1: i32, %arg2: memref<10112x128xf32, #tpu.memory_space<hbm>>, %arg3: memref<10112x128xf32, #tpu.memory_space<hbm>>, %arg4: memref<16xf32, #tpu.memory_space<hbm>>, %arg5: memref<335872xi32, #tpu.memory_space<hbm>>, %arg6: memref<2x10112x128xf32, #tpu.memory_space<hbm>>, %arg7: memref<64xi32, #tpu.memory_space<vmem>>, %arg8: memref<64xi32, #tpu.memory_space<vmem>>, %arg9: memref<64xi32, #tpu.memory_space<vmem>>, %arg10: memref<64xi32, #tpu.memory_space<vmem>>, %arg11: memref<64xi32, #tpu.memory_space<vmem>>, %arg12: memref<64xi32, #tpu.memory_space<vmem>>, %arg13: memref<64x128xf32, #tpu.memory_space<vmem>>, %arg14: memref<64x128xf32, #tpu.memory_space<vmem>>, %arg15: memref<64x128xf32, #tpu.memory_space<vmem>>, %arg16: memref<64x128xf32, #tpu.memory_space<vmem>>, %arg17: memref<64x128xf32, #tpu.memory_space<vmem>>, %arg18: memref<64x128xf32, #tpu.memory_space<vmem>>, %arg19: memref<16xf32, #tpu.memory_space<vmem>>, %arg20: memref<10112x128xf32, #tpu.memory_space<vmem_shared>>, %arg21: memref<!tpu.dma_semaphore, #tpu.memory_space<semaphore_mem>>, %arg22: memref<!tpu.dma_semaphore, #tpu.memory_space<semaphore_mem>>, %arg23: memref<!tpu.dma_semaphore, #tpu.memory_space<semaphore_mem>>, %arg24: memref<!tpu.dma_semaphore, #tpu.memory_space<semaphore_mem>>, %arg25: memref<!tpu.dma_semaphore, #tpu.memory_space<semaphore_mem>>, %arg26: memref<!tpu.dma_semaphore, #tpu.memory_space<semaphore_mem>>) attributes {dimension_semantics = [#tpu.dimension_semantics<core_parallel>, #tpu.dimension_semantics<subcore_parallel>], iteration_bounds = array<i64: 2, 16>, scalar_prefetch = 0 : i64, scratch_operands = 20 : i64, tpu.core_type = #tpu.core_type<sc_vector_subcore>, window_params = [{transform_indices = #map}, {transform_indices = #map}, {transform_indices = #map1}, {transform_indices = #map1}, {transform_indices = #map2}]} {
    %mul3A = arith.constant 16 : i32
    %mul3A_0 = arith.muli %arg0, %mul3A : i32
    %add3A = arith.addi %mul3A_0, %arg1 : i32
    %broadcast_in_dim3A = arith.constant 0.000000e+00 : f32
    %broadcast_in_dim3A_1 = vector.broadcast %broadcast_in_dim3A : f32 to vector<16xf32>
    %scan3A = arith.constant 0 : i32
    %scan3A_2 = arith.constant 0 : i32
    %scan3A_3 = arith.constant 64 : i32
    %scan3A_4 = arith.addi %scan3A_2, %scan3A_3 : i32
    %scan3A_5 = arith.constant 1 : i32
    %scan3A_6 = scf.for %scan3A_213 = %scan3A_2 to %scan3A_4 step %scan3A_5 iter_args(%scan3A_214 = %scan3A) -> (i32)  : i32 {
      %swap3A_215 = arith.index_cast %scan3A_213 : i32 to index
      %swap3A_216 = arith.constant 0 : index
      %swap3A_217 = tpu.vector_load %arg17[%swap3A_215, %swap3A_216] {strides = array<i32>} : memref<64x128xf32, #tpu.memory_space<vmem>>, vector<1x16xf32>,
      %swap3A_218 = vector.shape_cast %swap3A_217 : vector<1x16xf32> to vector<16xf32>
      %swap3A_219 = vector.shape_cast %broadcast_in_dim3A_1 : vector<16xf32> to vector<1x16xf32>
      tpu.vector_store %arg17[%swap3A_215, %swap3A_216], %swap3A_219 {strides = array<i32>} : memref<64x128xf32, #tpu.memory_space<vmem>>, vector<1x16xf32>,
      %swap3A_220 = arith.index_cast %scan3A_213 : i32 to index
      %swap3A_221 = arith.constant 0 : index
      %swap3A_222 = tpu.vector_load %arg18[%swap3A_220, %swap3A_221] {strides = array<i32>} : memref<64x128xf32, #tpu.memory_space<vmem>>, vector<1x16xf32>,
      %swap3A_223 = vector.shape_cast %swap3A_222 : vector<1x16xf32> to vector<16xf32>
      %swap3A_224 = vector.shape_cast %broadcast_in_dim3A_1 : vector<16xf32> to vector<1x16xf32>
      tpu.vector_store %arg18[%swap3A_220, %swap3A_221], %swap3A_224 {strides = array<i32>} : memref<64x128xf32, #tpu.memory_space<vmem>>, vector<1x16xf32>,
      %swap3A_225 = arith.index_cast %scan3A_213 : i32 to index
      %swap3A_226 = arith.constant 16 : index
      %swap3A_227 = tpu.vector_load %arg17[%swap3A_225, %swap3A_226] {strides = array<i32>} : memref<64x128xf32, #tpu.memory_space<vmem>>, vector<1x16xf32>,
      %swap3A_228 = vector.shape_cast %swap3A_227 : vector<1x16xf32> to vector<16xf32>
      %swap3A_229 = vector.shape_cast %broadcast_in_dim3A_1 : vector<16xf32> to vector<1x16xf32>
      tpu.vector_store %arg17[%swap3A_225, %swap3A_226], %swap3A_229 {strides = array<i32>} : memref<64x128xf32, #tpu.memory_space<vmem>>, vector<1x16xf32>,
      %swap3A_230 = arith.index_cast %scan3A_213 : i32 to index
      %swap3A_231 = arith.constant 16 : index
      %swap3A_232 = tpu.vector_load %arg18[%swap3A_230, %swap3A_231] {strides = array<i32>} : memref<64x128xf32, #tpu.memory_space<vmem>>, vector<1x16xf32>,
      %swap3A_233 = vector.shape_cast %swap3A_232 : vector<1x16xf32> to vector<16xf32>
      %swap3A_234 = vector.shape_cast %broadcast_in_dim3A_1 : vector<16xf32> to vector<1x16xf32>
      tpu.vector_store %arg18[%swap3A_230, %swap3A_231], %swap3A_234 {strides = array<i32>} : memref<64x128xf32, #tpu.memory_space<vmem>>, vector<1x16xf32>,
      %swap3A_235 = arith.index_cast %scan3A_213 : i32 to index
      %swap3A_236 = arith.constant 32 : index
      %swap3A_237 = tpu.vector_load %arg17[%swap3A_235, %swap3A_236] {strides = array<i32>} : memref<64x128xf32, #tpu.memory_space<vmem>>, vector<1x16xf32>,
      %swap3A_238 = vector.shape_cast %swap3A_237 : vector<1x16xf32> to vector<16xf32>
      %swap3A_239 = vector.shape_cast %broadcast_in_dim3A_1 : vector<16xf32> to vector<1x16xf32>
      tpu.vector_store %arg17[%swap3A_235, %swap3A_236], %swap3A_239 {strides = array<i32>} : memref<64x128xf32, #tpu.memory_space<vmem>>, vector<1x16xf32>,
      %swap3A_240 = arith.index_cast %scan3A_213 : i32 to index
      %swap3A_241 = arith.constant 32 : index
      %swap3A_242 = tpu.vector_load %arg18[%swap3A_240, %swap3A_241] {strides = array<i32>} : memref<64x128xf32, #tpu.memory_space<vmem>>, vector<1x16xf32>,
      %swap3A_243 = vector.shape_cast %swap3A_242 : vector<1x16xf32> to vector<16xf32>
      %swap3A_244 = vector.shape_cast %broadcast_in_dim3A_1 : vector<16xf32> to vector<1x16xf32>
      tpu.vector_store %arg18[%swap3A_240, %swap3A_241], %swap3A_244 {strides = array<i32>} : memref<64x128xf32, #tpu.memory_space<vmem>>, vector<1x16xf32>,
      %swap3A_245 = arith.index_cast %scan3A_213 : i32 to index
      %swap3A_246 = arith.constant 48 : index
      %swap3A_247 = tpu.vector_load %arg17[%swap3A_245, %swap3A_246] {strides = array<i32>} : memref<64x128xf32, #tpu.memory_space<vmem>>, vector<1x16xf32>,
      %swap3A_248 = vector.shape_cast %swap3A_247 : vector<1x16xf32> to vector<16xf32>
      %swap3A_249 = vector.shape_cast %broadcast_in_dim3A_1 : vector<16xf32> to vector<1x16xf32>
      tpu.vector_store %arg17[%swap3A_245, %swap3A_246], %swap3A_249 {strides = array<i32>} : memref<64x128xf32, #tpu.memory_space<vmem>>, vector<1x16xf32>,
      %swap3A_250 = arith.index_cast %scan3A_213 : i32 to index
      %swap3A_251 = arith.constant 48 : index
      %swap3A_252 = tpu.vector_load %arg18[%swap3A_250, %swap3A_251] {strides = array<i32>} : memref<64x128xf32, #tpu.memory_space<vmem>>, vector<1x16xf32>,
      %swap3A_253 = vector.shape_cast %swap3A_252 : vector<1x16xf32> to vector<16xf32>
      %swap3A_254 = vector.shape_cast %broadcast_in_dim3A_1 : vector<16xf32> to vector<1x16xf32>
      tpu.vector_store %arg18[%swap3A_250, %swap3A_251], %swap3A_254 {strides = array<i32>} : memref<64x128xf32, #tpu.memory_space<vmem>>, vector<1x16xf32>,
      %swap3A_255 = arith.index_cast %scan3A_213 : i32 to index
      %swap3A_256 = arith.constant 64 : index
      %swap3A_257 = tpu.vector_load %arg17[%swap3A_255, %swap3A_256] {strides = array<i32>} : memref<64x128xf32, #tpu.memory_space<vmem>>, vector<1x16xf32>,
      %swap3A_258 = vector.shape_cast %swap3A_257 : vector<1x16xf32> to vector<16xf32>
      %swap3A_259 = vector.shape_cast %broadcast_in_dim3A_1 : vector<16xf32> to vector<1x16xf32>
      tpu.vector_store %arg17[%swap3A_255, %swap3A_256], %swap3A_259 {strides = array<i32>} : memref<64x128xf32, #tpu.memory_space<vmem>>, vector<1x16xf32>,
      %swap3A_260 = arith.index_cast %scan3A_213 : i32 to index
      %swap3A_261 = arith.constant 64 : index
      %swap3A_262 = tpu.vector_load %arg18[%swap3A_260, %swap3A_261] {strides = array<i32>} : memref<64x128xf32, #tpu.memory_space<vmem>>, vector<1x16xf32>,
      %swap3A_263 = vector.shape_cast %swap3A_262 : vector<1x16xf32> to vector<16xf32>
      %swap3A_264 = vector.shape_cast %broadcast_in_dim3A_1 : vector<16xf32> to vector<1x16xf32>
      tpu.vector_store %arg18[%swap3A_260, %swap3A_261], %swap3A_264 {strides = array<i32>} : memref<64x128xf32, #tpu.memory_space<vmem>>, vector<1x16xf32>,
      %swap3A_265 = arith.index_cast %scan3A_213 : i32 to index
      %swap3A_266 = arith.constant 80 : index
      %swap3A_267 = tpu.vector_load %arg17[%swap3A_265, %swap3A_266] {strides = array<i32>} : memref<64x128xf32, #tpu.memory_space<vmem>>, vector<1x16xf32>,
      %swap3A_268 = vector.shape_cast %swap3A_267 : vector<1x16xf32> to vector<16xf32>
      %swap3A_269 = vector.shape_cast %broadcast_in_dim3A_1 : vector<16xf32> to vector<1x16xf32>
      tpu.vector_store %arg17[%swap3A_265, %swap3A_266], %swap3A_269 {strides = array<i32>} : memref<64x128xf32, #tpu.memory_space<vmem>>, vector<1x16xf32>,
      %swap3A_270 = arith.index_cast %scan3A_213 : i32 to index
      %swap3A_271 = arith.constant 80 : index
      %swap3A_272 = tpu.vector_load %arg18[%swap3A_270, %swap3A_271] {strides = array<i32>} : memref<64x128xf32, #tpu.memory_space<vmem>>, vector<1x16xf32>,
      %swap3A_273 = vector.shape_cast %swap3A_272 : vector<1x16xf32> to vector<16xf32>
      %swap3A_274 = vector.shape_cast %broadcast_in_dim3A_1 : vector<16xf32> to vector<1x16xf32>
      tpu.vector_store %arg18[%swap3A_270, %swap3A_271], %swap3A_274 {strides = array<i32>} : memref<64x128xf32, #tpu.memory_space<vmem>>, vector<1x16xf32>,
      %swap3A_275 = arith.index_cast %scan3A_213 : i32 to index
      %swap3A_276 = arith.constant 96 : index
      %swap3A_277 = tpu.vector_load %arg17[%swap3A_275, %swap3A_276] {strides = array<i32>} : memref<64x128xf32, #tpu.memory_space<vmem>>, vector<1x16xf32>,
      %swap3A_278 = vector.shape_cast %swap3A_277 : vector<1x16xf32> to vector<16xf32>
      %swap3A_279 = vector.shape_cast %broadcast_in_dim3A_1 : vector<16xf32> to vector<1x16xf32>
      tpu.vector_store %arg17[%swap3A_275, %swap3A_276], %swap3A_279 {strides = array<i32>} : memref<64x128xf32, #tpu.memory_space<vmem>>, vector<1x16xf32>,
      %swap3A_280 = arith.index_cast %scan3A_213 : i32 to index
      %swap3A_281 = arith.constant 96 : index
      %swap3A_282 = tpu.vector_load %arg18[%swap3A_280, %swap3A_281] {strides = array<i32>} : memref<64x128xf32, #tpu.memory_space<vmem>>, vector<1x16xf32>,
      %swap3A_283 = vector.shape_cast %swap3A_282 : vector<1x16xf32> to vector<16xf32>
      %swap3A_284 = vector.shape_cast %broadcast_in_dim3A_1 : vector<16xf32> to vector<1x16xf32>
      tpu.vector_store %arg18[%swap3A_280, %swap3A_281], %swap3A_284 {strides = array<i32>} : memref<64x128xf32, #tpu.memory_space<vmem>>, vector<1x16xf32>,
      %swap3A_285 = arith.index_cast %scan3A_213 : i32 to index
      %swap3A_286 = arith.constant 112 : index
      %swap3A_287 = tpu.vector_load %arg17[%swap3A_285, %swap3A_286] {strides = array<i32>} : memref<64x128xf32, #tpu.memory_space<vmem>>, vector<1x16xf32>,
      %swap3A_288 = vector.shape_cast %swap3A_287 : vector<1x16xf32> to vector<16xf32>
      %swap3A_289 = vector.shape_cast %broadcast_in_dim3A_1 : vector<16xf32> to vector<1x16xf32>
      tpu.vector_store %arg17[%swap3A_285, %swap3A_286], %swap3A_289 {strides = array<i32>} : memref<64x128xf32, #tpu.memory_space<vmem>>, vector<1x16xf32>,
      %swap3A_290 = arith.index_cast %scan3A_213 : i32 to index
      %swap3A_291 = arith.constant 112 : index
      %swap3A_292 = tpu.vector_load %arg18[%swap3A_290, %swap3A_291] {strides = array<i32>} : memref<64x128xf32, #tpu.memory_space<vmem>>, vector<1x16xf32>,
      %swap3A_293 = vector.shape_cast %swap3A_292 : vector<1x16xf32> to vector<16xf32>
      %swap3A_294 = vector.shape_cast %broadcast_in_dim3A_1 : vector<16xf32> to vector<1x16xf32>
      tpu.vector_store %arg18[%swap3A_290, %swap3A_291], %swap3A_294 {strides = array<i32>} : memref<64x128xf32, #tpu.memory_space<vmem>>, vector<1x16xf32>,
      %scan3A_295 = arith.constant 0 : i32
      scf.yield %scan3A_295 : i32
    }
    %scan3A_7 = arith.constant 64 : i32
    %mul3A_8 = arith.constant 632 : i32
    %mul3A_9 = arith.muli %arg1, %mul3A_8 : i32
    %add3A_10 = arith.constant 0 : i32
    %add3A_11 = arith.addi %mul3A_9, %add3A_10 : i32
    "tpu.region"() ({
      %run_scoped3A = tpu.sem_alloc : memref<!tpu.dma_semaphore, #tpu.memory_space<semaphore_mem>>
      %dma_start3A_213 = arith.constant 0 : i32
      %dma_start3A_214 = tpu.memref_slice %arg20[%add3A_11, %dma_start3A_213] : memref<10112x128xf32, #tpu.memory_space<vmem_shared>> -> memref<64x128xf32, #tpu.memory_space<vmem_shared>>
      %dma_start3A_215 = arith.constant 0 : i32
      %dma_start3A_216 = tpu.memref_slice %arg20[%add3A_11, %dma_start3A_215] : memref<10112x128xf32, #tpu.memory_space<vmem_shared>> -> memref<64x128xf32, #tpu.memory_space<vmem_shared>>
      tpu.enqueue_dma source(%arg17 : memref<64x128xf32, #tpu.memory_space<vmem>>) target(%dma_start3A_216 : memref<64x128xf32, #tpu.memory_space<vmem_shared>>) target_semaphore(%run_scoped3A : memref<!tpu.dma_semaphore, #tpu.memory_space<semaphore_mem>>)
      %dma_wait3A_217 = arith.constant 0 : i32
      %dma_wait3A_218 = tpu.memref_slice %arg20[%add3A_11, %dma_wait3A_217] : memref<10112x128xf32, #tpu.memory_space<vmem_shared>> -> memref<64x128xf32, #tpu.memory_space<vmem_shared>>
      %dma_wait3A_219 = arith.constant 0 : i32
      %dma_wait3A_220 = tpu.memref_slice %arg20[%add3A_11, %dma_wait3A_219] : memref<10112x128xf32, #tpu.memory_space<vmem_shared>> -> memref<64x128xf32, #tpu.memory_space<vmem_shared>>
      tpu.wait_dma2 semaphore(%run_scoped3A : memref<!tpu.dma_semaphore, #tpu.memory_space<semaphore_mem>>) src(%arg17 : memref<64x128xf32, #tpu.memory_space<vmem>>) dst(%dma_wait3A_220 : memref<64x128xf32, #tpu.memory_space<vmem_shared>>)
      tpu.yield
    }) : () -> ()
    %mul3A_12 = arith.constant 632 : i32
    %mul3A_13 = arith.muli %arg1, %mul3A_12 : i32
    %add3A_14 = arith.constant 64 : i32
    %add3A_15 = arith.addi %mul3A_13, %add3A_14 : i32
    "tpu.region"() ({
      %run_scoped3A = tpu.sem_alloc : memref<!tpu.dma_semaphore, #tpu.memory_space<semaphore_mem>>
      %dma_start3A_213 = arith.constant 0 : i32
      %dma_start3A_214 = tpu.memref_slice %arg20[%add3A_15, %dma_start3A_213] : memref<10112x128xf32, #tpu.memory_space<vmem_shared>> -> memref<64x128xf32, #tpu.memory_space<vmem_shared>>
      %dma_start3A_215 = arith.constant 0 : i32
      %dma_start3A_216 = tpu.memref_slice %arg20[%add3A_15, %dma_start3A_215] : memref<10112x128xf32, #tpu.memory_space<vmem_shared>> -> memref<64x128xf32, #tpu.memory_space<vmem_shared>>
      tpu.enqueue_dma source(%arg17 : memref<64x128xf32, #tpu.memory_space<vmem>>) target(%dma_start3A_216 : memref<64x128xf32, #tpu.memory_space<vmem_shared>>) target_semaphore(%run_scoped3A : memref<!tpu.dma_semaphore, #tpu.memory_space<semaphore_mem>>)
      %dma_wait3A_217 = arith.constant 0 : i32
      %dma_wait3A_218 = tpu.memref_slice %arg20[%add3A_15, %dma_wait3A_217] : memref<10112x128xf32, #tpu.memory_space<vmem_shared>> -> memref<64x128xf32, #tpu.memory_space<vmem_shared>>
      %dma_wait3A_219 = arith.constant 0 : i32
      %dma_wait3A_220 = tpu.memref_slice %arg20[%add3A_15, %dma_wait3A_219] : memref<10112x128xf32, #tpu.memory_space<vmem_shared>> -> memref<64x128xf32, #tpu.memory_space<vmem_shared>>
      tpu.wait_dma2 semaphore(%run_scoped3A : memref<!tpu.dma_semaphore, #tpu.memory_space<semaphore_mem>>) src(%arg17 : memref<64x128xf32, #tpu.memory_space<vmem>>) dst(%dma_wait3A_220 : memref<64x128xf32, #tpu.memory_space<vmem_shared>>)
      tpu.yield
    }) : () -> ()
    %mul3A_16 = arith.constant 632 : i32
    %mul3A_17 = arith.muli %arg1, %mul3A_16 : i32
    %add3A_18 = arith.constant 128 : i32
    %add3A_19 = arith.addi %mul3A_17, %add3A_18 : i32
    "tpu.region"() ({
      %run_scoped3A = tpu.sem_alloc : memref<!tpu.dma_semaphore, #tpu.memory_space<semaphore_mem>>
      %dma_start3A_213 = arith.constant 0 : i32
      %dma_start3A_214 = tpu.memref_slice %arg20[%add3A_19, %dma_start3A_213] : memref<10112x128xf32, #tpu.memory_space<vmem_shared>> -> memref<64x128xf32, #tpu.memory_space<vmem_shared>>
      %dma_start3A_215 = arith.constant 0 : i32
      %dma_start3A_216 = tpu.memref_slice %arg20[%add3A_19, %dma_start3A_215] : memref<10112x128xf32, #tpu.memory_space<vmem_shared>> -> memref<64x128xf32, #tpu.memory_space<vmem_shared>>
      tpu.enqueue_dma source(%arg17 : memref<64x128xf32, #tpu.memory_space<vmem>>) target(%dma_start3A_216 : memref<64x128xf32, #tpu.memory_space<vmem_shared>>) target_semaphore(%run_scoped3A : memref<!tpu.dma_semaphore, #tpu.memory_space<semaphore_mem>>)
      %dma_wait3A_217 = arith.constant 0 : i32
      %dma_wait3A_218 = tpu.memref_slice %arg20[%add3A_19, %dma_wait3A_217] : memref<10112x128xf32, #tpu.memory_space<vmem_shared>> -> memref<64x128xf32, #tpu.memory_space<vmem_shared>>
      %dma_wait3A_219 = arith.constant 0 : i32
      %dma_wait3A_220 = tpu.memref_slice %arg20[%add3A_19, %dma_wait3A_219] : memref<10112x128xf32, #tpu.memory_space<vmem_shared>> -> memref<64x128xf32, #tpu.memory_space<vmem_shared>>
      tpu.wait_dma2 semaphore(%run_scoped3A : memref<!tpu.dma_semaphore, #tpu.memory_space<semaphore_mem>>) src(%arg17 : memref<64x128xf32, #tpu.memory_space<vmem>>) dst(%dma_wait3A_220 : memref<64x128xf32, #tpu.memory_space<vmem_shared>>)
      tpu.yield
    }) : () -> ()
    %mul3A_20 = arith.constant 632 : i32
    %mul3A_21 = arith.muli %arg1, %mul3A_20 : i32
    %add3A_22 = arith.constant 192 : i32
    %add3A_23 = arith.addi %mul3A_21, %add3A_22 : i32
    "tpu.region"() ({
      %run_scoped3A = tpu.sem_alloc : memref<!tpu.dma_semaphore, #tpu.memory_space<semaphore_mem>>
      %dma_start3A_213 = arith.constant 0 : i32
      %dma_start3A_214 = tpu.memref_slice %arg20[%add3A_23, %dma_start3A_213] : memref<10112x128xf32, #tpu.memory_space<vmem_shared>> -> memref<64x128xf32, #tpu.memory_space<vmem_shared>>
      %dma_start3A_215 = arith.constant 0 : i32
      %dma_start3A_216 = tpu.memref_slice %arg20[%add3A_23, %dma_start3A_215] : memref<10112x128xf32, #tpu.memory_space<vmem_shared>> -> memref<64x128xf32, #tpu.memory_space<vmem_shared>>
      tpu.enqueue_dma source(%arg17 : memref<64x128xf32, #tpu.memory_space<vmem>>) target(%dma_start3A_216 : memref<64x128xf32, #tpu.memory_space<vmem_shared>>) target_semaphore(%run_scoped3A : memref<!tpu.dma_semaphore, #tpu.memory_space<semaphore_mem>>)
      %dma_wait3A_217 = arith.constant 0 : i32
      %dma_wait3A_218 = tpu.memref_slice %arg20[%add3A_23, %dma_wait3A_217] : memref<10112x128xf32, #tpu.memory_space<vmem_shared>> -> memref<64x128xf32, #tpu.memory_space<vmem_shared>>
      %dma_wait3A_219 = arith.constant 0 : i32
      %dma_wait3A_220 = tpu.memref_slice %arg20[%add3A_23, %dma_wait3A_219] : memref<10112x128xf32, #tpu.memory_space<vmem_shared>> -> memref<64x128xf32, #tpu.memory_space<vmem_shared>>
      tpu.wait_dma2 semaphore(%run_scoped3A : memref<!tpu.dma_semaphore, #tpu.memory_space<semaphore_mem>>) src(%arg17 : memref<64x128xf32, #tpu.memory_space<vmem>>) dst(%dma_wait3A_220 : memref<64x128xf32, #tpu.memory_space<vmem_shared>>)
      tpu.yield
    }) : () -> ()
    %mul3A_24 = arith.constant 632 : i32
    %mul3A_25 = arith.muli %arg1, %mul3A_24 : i32
    %add3A_26 = arith.constant 256 : i32
    %add3A_27 = arith.addi %mul3A_25, %add3A_26 : i32
    "tpu.region"() ({
      %run_scoped3A = tpu.sem_alloc : memref<!tpu.dma_semaphore, #tpu.memory_space<semaphore_mem>>
      %dma_start3A_213 = arith.constant 0 : i32
      %dma_start3A_214 = tpu.memref_slice %arg20[%add3A_27, %dma_start3A_213] : memref<10112x128xf32, #tpu.memory_space<vmem_shared>> -> memref<64x128xf32, #tpu.memory_space<vmem_shared>>
      %dma_start3A_215 = arith.constant 0 : i32
      %dma_start3A_216 = tpu.memref_slice %arg20[%add3A_27, %dma_start3A_215] : memref<10112x128xf32, #tpu.memory_space<vmem_shared>> -> memref<64x128xf32, #tpu.memory_space<vmem_shared>>
      tpu.enqueue_dma source(%arg17 : memref<64x128xf32, #tpu.memory_space<vmem>>) target(%dma_start3A_216 : memref<64x128xf32, #tpu.memory_space<vmem_shared>>) target_semaphore(%run_scoped3A : memref<!tpu.dma_semaphore, #tpu.memory_space<semaphore_mem>>)
      %dma_wait3A_217 = arith.constant 0 : i32
      %dma_wait3A_218 = tpu.memref_slice %arg20[%add3A_27, %dma_wait3A_217] : memref<10112x128xf32, #tpu.memory_space<vmem_shared>> -> memref<64x128xf32, #tpu.memory_space<vmem_shared>>
      %dma_wait3A_219 = arith.constant 0 : i32
      %dma_wait3A_220 = tpu.memref_slice %arg20[%add3A_27, %dma_wait3A_219] : memref<10112x128xf32, #tpu.memory_space<vmem_shared>> -> memref<64x128xf32, #tpu.memory_space<vmem_shared>>
      tpu.wait_dma2 semaphore(%run_scoped3A : memref<!tpu.dma_semaphore, #tpu.memory_space<semaphore_mem>>) src(%arg17 : memref<64x128xf32, #tpu.memory_space<vmem>>) dst(%dma_wait3A_220 : memref<64x128xf32, #tpu.memory_space<vmem_shared>>)
      tpu.yield
    }) : () -> ()
    %mul3A_28 = arith.constant 632 : i32
    %mul3A_29 = arith.muli %arg1, %mul3A_28 : i32
    %add3A_30 = arith.constant 320 : i32
    %add3A_31 = arith.addi %mul3A_29, %add3A_30 : i32
    "tpu.region"() ({
      %run_scoped3A = tpu.sem_alloc : memref<!tpu.dma_semaphore, #tpu.memory_space<semaphore_mem>>
      %dma_start3A_213 = arith.constant 0 : i32
      %dma_start3A_214 = tpu.memref_slice %arg20[%add3A_31, %dma_start3A_213] : memref<10112x128xf32, #tpu.memory_space<vmem_shared>> -> memref<64x128xf32, #tpu.memory_space<vmem_shared>>
      %dma_start3A_215 = arith.constant 0 : i32
      %dma_start3A_216 = tpu.memref_slice %arg20[%add3A_31, %dma_start3A_215] : memref<10112x128xf32, #tpu.memory_space<vmem_shared>> -> memref<64x128xf32, #tpu.memory_space<vmem_shared>>
      tpu.enqueue_dma source(%arg17 : memref<64x128xf32, #tpu.memory_space<vmem>>) target(%dma_start3A_216 : memref<64x128xf32, #tpu.memory_space<vmem_shared>>) target_semaphore(%run_scoped3A : memref<!tpu.dma_semaphore, #tpu.memory_space<semaphore_mem>>)
      %dma_wait3A_217 = arith.constant 0 : i32
      %dma_wait3A_218 = tpu.memref_slice %arg20[%add3A_31, %dma_wait3A_217] : memref<10112x128xf32, #tpu.memory_space<vmem_shared>> -> memref<64x128xf32, #tpu.memory_space<vmem_shared>>
      %dma_wait3A_219 = arith.constant 0 : i32
      %dma_wait3A_220 = tpu.memref_slice %arg20[%add3A_31, %dma_wait3A_219] : memref<10112x128xf32, #tpu.memory_space<vmem_shared>> -> memref<64x128xf32, #tpu.memory_space<vmem_shared>>
      tpu.wait_dma2 semaphore(%run_scoped3A : memref<!tpu.dma_semaphore, #tpu.memory_space<semaphore_mem>>) src(%arg17 : memref<64x128xf32, #tpu.memory_space<vmem>>) dst(%dma_wait3A_220 : memref<64x128xf32, #tpu.memory_space<vmem_shared>>)
      tpu.yield
    }) : () -> ()
    %mul3A_32 = arith.constant 632 : i32
    %mul3A_33 = arith.muli %arg1, %mul3A_32 : i32
    %add3A_34 = arith.constant 384 : i32
    %add3A_35 = arith.addi %mul3A_33, %add3A_34 : i32
    "tpu.region"() ({
      %run_scoped3A = tpu.sem_alloc : memref<!tpu.dma_semaphore, #tpu.memory_space<semaphore_mem>>
      %dma_start3A_213 = arith.constant 0 : i32
      %dma_start3A_214 = tpu.memref_slice %arg20[%add3A_35, %dma_start3A_213] : memref<10112x128xf32, #tpu.memory_space<vmem_shared>> -> memref<64x128xf32, #tpu.memory_space<vmem_shared>>
      %dma_start3A_215 = arith.constant 0 : i32
      %dma_start3A_216 = tpu.memref_slice %arg20[%add3A_35, %dma_start3A_215] : memref<10112x128xf32, #tpu.memory_space<vmem_shared>> -> memref<64x128xf32, #tpu.memory_space<vmem_shared>>
      tpu.enqueue_dma source(%arg17 : memref<64x128xf32, #tpu.memory_space<vmem>>) target(%dma_start3A_216 : memref<64x128xf32, #tpu.memory_space<vmem_shared>>) target_semaphore(%run_scoped3A : memref<!tpu.dma_semaphore, #tpu.memory_space<semaphore_mem>>)
      %dma_wait3A_217 = arith.constant 0 : i32
      %dma_wait3A_218 = tpu.memref_slice %arg20[%add3A_35, %dma_wait3A_217] : memref<10112x128xf32, #tpu.memory_space<vmem_shared>> -> memref<64x128xf32, #tpu.memory_space<vmem_shared>>
      %dma_wait3A_219 = arith.constant 0 : i32
      %dma_wait3A_220 = tpu.memref_slice %arg20[%add3A_35, %dma_wait3A_219] : memref<10112x128xf32, #tpu.memory_space<vmem_shared>> -> memref<64x128xf32, #tpu.memory_space<vmem_shared>>
      tpu.wait_dma2 semaphore(%run_scoped3A : memref<!tpu.dma_semaphore, #tpu.memory_space<semaphore_mem>>) src(%arg17 : memref<64x128xf32, #tpu.memory_space<vmem>>) dst(%dma_wait3A_220 : memref<64x128xf32, #tpu.memory_space<vmem_shared>>)
      tpu.yield
    }) : () -> ()
    %mul3A_36 = arith.constant 632 : i32
    %mul3A_37 = arith.muli %arg1, %mul3A_36 : i32
    %add3A_38 = arith.constant 448 : i32
    %add3A_39 = arith.addi %mul3A_37, %add3A_38 : i32
    "tpu.region"() ({
      %run_scoped3A = tpu.sem_alloc : memref<!tpu.dma_semaphore, #tpu.memory_space<semaphore_mem>>
      %dma_start3A_213 = arith.constant 0 : i32
      %dma_start3A_214 = tpu.memref_slice %arg20[%add3A_39, %dma_start3A_213] : memref<10112x128xf32, #tpu.memory_space<vmem_shared>> -> memref<64x128xf32, #tpu.memory_space<vmem_shared>>
      %dma_start3A_215 = arith.constant 0 : i32
      %dma_start3A_216 = tpu.memref_slice %arg20[%add3A_39, %dma_start3A_215] : memref<10112x128xf32, #tpu.memory_space<vmem_shared>> -> memref<64x128xf32, #tpu.memory_space<vmem_shared>>
      tpu.enqueue_dma source(%arg17 : memref<64x128xf32, #tpu.memory_space<vmem>>) target(%dma_start3A_216 : memref<64x128xf32, #tpu.memory_space<vmem_shared>>) target_semaphore(%run_scoped3A : memref<!tpu.dma_semaphore, #tpu.memory_space<semaphore_mem>>)
      %dma_wait3A_217 = arith.constant 0 : i32
      %dma_wait3A_218 = tpu.memref_slice %arg20[%add3A_39, %dma_wait3A_217] : memref<10112x128xf32, #tpu.memory_space<vmem_shared>> -> memref<64x128xf32, #tpu.memory_space<vmem_shared>>
      %dma_wait3A_219 = arith.constant 0 : i32
      %dma_wait3A_220 = tpu.memref_slice %arg20[%add3A_39, %dma_wait3A_219] : memref<10112x128xf32, #tpu.memory_space<vmem_shared>> -> memref<64x128xf32, #tpu.memory_space<vmem_shared>>
      tpu.wait_dma2 semaphore(%run_scoped3A : memref<!tpu.dma_semaphore, #tpu.memory_space<semaphore_mem>>) src(%arg17 : memref<64x128xf32, #tpu.memory_space<vmem>>) dst(%dma_wait3A_220 : memref<64x128xf32, #tpu.memory_space<vmem_shared>>)
      tpu.yield
    }) : () -> ()
    %mul3A_40 = arith.constant 632 : i32
    %mul3A_41 = arith.muli %arg1, %mul3A_40 : i32
    %add3A_42 = arith.constant 512 : i32
    %add3A_43 = arith.addi %mul3A_41, %add3A_42 : i32
    "tpu.region"() ({
      %run_scoped3A = tpu.sem_alloc : memref<!tpu.dma_semaphore, #tpu.memory_space<semaphore_mem>>
      %dma_start3A_213 = arith.constant 0 : i32
      %dma_start3A_214 = tpu.memref_slice %arg20[%add3A_43, %dma_start3A_213] : memref<10112x128xf32, #tpu.memory_space<vmem_shared>> -> memref<64x128xf32, #tpu.memory_space<vmem_shared>>
      %dma_start3A_215 = arith.constant 0 : i32
      %dma_start3A_216 = tpu.memref_slice %arg20[%add3A_43, %dma_start3A_215] : memref<10112x128xf32, #tpu.memory_space<vmem_shared>> -> memref<64x128xf32, #tpu.memory_space<vmem_shared>>
      tpu.enqueue_dma source(%arg17 : memref<64x128xf32, #tpu.memory_space<vmem>>) target(%dma_start3A_216 : memref<64x128xf32, #tpu.memory_space<vmem_shared>>) target_semaphore(%run_scoped3A : memref<!tpu.dma_semaphore, #tpu.memory_space<semaphore_mem>>)
      %dma_wait3A_217 = arith.constant 0 : i32
      %dma_wait3A_218 = tpu.memref_slice %arg20[%add3A_43, %dma_wait3A_217] : memref<10112x128xf32, #tpu.memory_space<vmem_shared>> -> memref<64x128xf32, #tpu.memory_space<vmem_shared>>
      %dma_wait3A_219 = arith.constant 0 : i32
      %dma_wait3A_220 = tpu.memref_slice %arg20[%add3A_43, %dma_wait3A_219] : memref<10112x128xf32, #tpu.memory_space<vmem_shared>> -> memref<64x128xf32, #tpu.memory_space<vmem_shared>>
      tpu.wait_dma2 semaphore(%run_scoped3A : memref<!tpu.dma_semaphore, #tpu.memory_space<semaphore_mem>>) src(%arg17 : memref<64x128xf32, #tpu.memory_space<vmem>>) dst(%dma_wait3A_220 : memref<64x128xf32, #tpu.memory_space<vmem_shared>>)
      tpu.yield
    }) : () -> ()
    %mul3A_44 = arith.constant 632 : i32
    %mul3A_45 = arith.muli %arg1, %mul3A_44 : i32
    %add3A_46 = arith.constant 576 : i32
    %add3A_47 = arith.addi %mul3A_45, %add3A_46 : i32
    "tpu.region"() ({
      %run_scoped3A = tpu.sem_alloc : memref<!tpu.dma_semaphore, #tpu.memory_space<semaphore_mem>>
      %dma_start3A_213 = arith.constant 0 : i32
      %dma_start3A_214 = arith.constant 0 : i32
      %dma_start3A_215 = tpu.memref_slice %arg17[%dma_start3A_213, %dma_start3A_214] : memref<64x128xf32, #tpu.memory_space<vmem>> -> memref<56x128xf32, #tpu.memory_space<vmem>>
      %dma_start3A_216 = arith.constant 0 : i32
      %dma_start3A_217 = tpu.memref_slice %arg20[%add3A_47, %dma_start3A_216] : memref<10112x128xf32, #tpu.memory_space<vmem_shared>> -> memref<56x128xf32, #tpu.memory_space<vmem_shared>>
      %dma_start3A_218 = arith.constant 0 : i32
      %dma_start3A_219 = tpu.memref_slice %arg20[%add3A_47, %dma_start3A_218] : memref<10112x128xf32, #tpu.memory_space<vmem_shared>> -> memref<56x128xf32, #tpu.memory_space<vmem_shared>>
      %dma_start3A_220 = arith.constant 0 : i32
      %dma_start3A_221 = arith.constant 0 : i32
      %dma_start3A_222 = tpu.memref_slice %arg17[%dma_start3A_220, %dma_start3A_221] : memref<64x128xf32, #tpu.memory_space<vmem>> -> memref<56x128xf32, #tpu.memory_space<vmem>>
      tpu.enqueue_dma source(%dma_start3A_222 : memref<56x128xf32, #tpu.memory_space<vmem>>) target(%dma_start3A_219 : memref<56x128xf32, #tpu.memory_space<vmem_shared>>) target_semaphore(%run_scoped3A : memref<!tpu.dma_semaphore, #tpu.memory_space<semaphore_mem>>)
      %dma_wait3A_223 = arith.constant 0 : i32
      %dma_wait3A_224 = arith.constant 0 : i32
      %dma_wait3A_225 = tpu.memref_slice %arg17[%dma_wait3A_223, %dma_wait3A_224] : memref<64x128xf32, #tpu.memory_space<vmem>> -> memref<56x128xf32, #tpu.memory_space<vmem>>
      %dma_wait3A_226 = arith.constant 0 : i32
      %dma_wait3A_227 = tpu.memref_slice %arg20[%add3A_47, %dma_wait3A_226] : memref<10112x128xf32, #tpu.memory_space<vmem_shared>> -> memref<56x128xf32, #tpu.memory_space<vmem_shared>>
      %dma_wait3A_228 = arith.constant 0 : i32
      %dma_wait3A_229 = tpu.memref_slice %arg20[%add3A_47, %dma_wait3A_228] : memref<10112x128xf32, #tpu.memory_space<vmem_shared>> -> memref<56x128xf32, #tpu.memory_space<vmem_shared>>
      %dma_wait3A_230 = arith.constant 0 : i32
      %dma_wait3A_231 = arith.constant 0 : i32
      %dma_wait3A_232 = tpu.memref_slice %arg17[%dma_wait3A_230, %dma_wait3A_231] : memref<64x128xf32, #tpu.memory_space<vmem>> -> memref<56x128xf32, #tpu.memory_space<vmem>>
      tpu.wait_dma2 semaphore(%run_scoped3A : memref<!tpu.dma_semaphore, #tpu.memory_space<semaphore_mem>>) src(%dma_wait3A_232 : memref<56x128xf32, #tpu.memory_space<vmem>>) dst(%dma_wait3A_229 : memref<56x128xf32, #tpu.memory_space<vmem_shared>>)
      tpu.yield
    }) : () -> ()
    "tpu.region"() ({
      %run_scoped3A = tpu.sem_alloc : memref<!tpu.dma_semaphore, #tpu.memory_space<semaphore_mem>>
      tpu.enqueue_dma source(%arg4 : memref<16xf32, #tpu.memory_space<hbm>>) target(%arg19 : memref<16xf32, #tpu.memory_space<vmem>>) target_semaphore(%run_scoped3A : memref<!tpu.dma_semaphore, #tpu.memory_space<semaphore_mem>>)
      tpu.wait_dma2 semaphore(%run_scoped3A : memref<!tpu.dma_semaphore, #tpu.memory_space<semaphore_mem>>) src(%arg4 : memref<16xf32, #tpu.memory_space<hbm>>) dst(%arg19 : memref<16xf32, #tpu.memory_space<vmem>>)
      tpu.yield
    }) : () -> ()
    %barrier3A = arith.constant 0 : index
    tpu.barrier barrier_id(%barrier3A)
    %mul3A_48 = arith.constant 10496 : i32
    %mul3A_49 = arith.muli %add3A, %mul3A_48 : i32
    "tpu.region"() ({
      %run_scoped3A = tpu.sem_alloc : memref<!tpu.dma_semaphore, #tpu.memory_space<semaphore_mem>>
      %dma_start3A_213 = tpu.memref_slice %arg5[%mul3A_49] : memref<335872xi32, #tpu.memory_space<hbm>> -> memref<64xi32, #tpu.memory_space<hbm>>
      %dma_start3A_214 = tpu.memref_slice %arg5[%mul3A_49] : memref<335872xi32, #tpu.memory_space<hbm>> -> memref<64xi32, #tpu.memory_space<hbm>>
      tpu.enqueue_dma source(%dma_start3A_214 : memref<64xi32, #tpu.memory_space<hbm>>) target(%arg7 : memref<64xi32, #tpu.memory_space<vmem>>) target_semaphore(%run_scoped3A : memref<!tpu.dma_semaphore, #tpu.memory_space<semaphore_mem>>)
      %dma_wait3A_215 = tpu.memref_slice %arg5[%mul3A_49] : memref<335872xi32, #tpu.memory_space<hbm>> -> memref<64xi32, #tpu.memory_space<hbm>>
      %dma_wait3A_216 = tpu.memref_slice %arg5[%mul3A_49] : memref<335872xi32, #tpu.memory_space<hbm>> -> memref<64xi32, #tpu.memory_space<hbm>>
      tpu.wait_dma2 semaphore(%run_scoped3A : memref<!tpu.dma_semaphore, #tpu.memory_space<semaphore_mem>>) src(%dma_wait3A_216 : memref<64xi32, #tpu.memory_space<hbm>>) dst(%arg7 : memref<64xi32, #tpu.memory_space<vmem>>)
      tpu.yield
    }) : () -> ()
    %get3A = arith.constant 0 : index
    %get3A_50 = tpu.vector_load %arg7[%get3A] {strides = array<i32>} : memref<64xi32, #tpu.memory_space<vmem>>, vector<16xi32>,
    %get3A_51 = vector.shape_cast %get3A_50 : vector<16xi32> to vector<16xi32>
    %and3A = arith.constant 16383 : i32
    %and3A_52 = vector.broadcast %and3A : i32 to vector<16xi32>
    %and3A_53 = arith.andi %get3A_51, %and3A_52 : vector<16xi32>
    %swap3A = arith.constant 0 : index
    %swap3A_54 = tpu.vector_load %arg9[%swap3A] {strides = array<i32>} : memref<64xi32, #tpu.memory_space<vmem>>, vector<16xi32>,
    %swap3A_55 = vector.shape_cast %swap3A_54 : vector<16xi32> to vector<16xi32>
    %swap3A_56 = vector.shape_cast %and3A_53 : vector<16xi32> to vector<16xi32>
    tpu.vector_store %arg9[%swap3A], %swap3A_56 {strides = array<i32>} : memref<64xi32, #tpu.memory_space<vmem>>, vector<16xi32>,
    %shift_right_arithmetic3A = arith.constant 14 : i32
    %shift_right_arithmetic3A_57 = vector.broadcast %shift_right_arithmetic3A : i32 to vector<16xi32>
    %shift_right_arithmetic3A_58 = arith.shrsi %get3A_51, %shift_right_arithmetic3A_57 : vector<16xi32>
    %swap3A_59 = arith.constant 0 : index
    %swap3A_60 = tpu.vector_load %arg10[%swap3A_59] {strides = array<i32>} : memref<64xi32, #tpu.memory_space<vmem>>, vector<16xi32>,
    %swap3A_61 = vector.shape_cast %swap3A_60 : vector<16xi32> to vector<16xi32>
    %swap3A_62 = vector.shape_cast %shift_right_arithmetic3A_58 : vector<16xi32> to vector<16xi32>
    tpu.vector_store %arg10[%swap3A_59], %swap3A_62 {strides = array<i32>} : memref<64xi32, #tpu.memory_space<vmem>>, vector<16xi32>,
    %get3A_63 = arith.constant 16 : index
    %get3A_64 = tpu.vector_load %arg7[%get3A_63] {strides = array<i32>} : memref<64xi32, #tpu.memory_space<vmem>>, vector<16xi32>,
    %get3A_65 = vector.shape_cast %get3A_64 : vector<16xi32> to vector<16xi32>
    %and3A_66 = arith.constant 16383 : i32
    %and3A_67 = vector.broadcast %and3A_66 : i32 to vector<16xi32>
    %and3A_68 = arith.andi %get3A_65, %and3A_67 : vector<16xi32>
    %swap3A_69 = arith.constant 16 : index
    %swap3A_70 = tpu.vector_load %arg9[%swap3A_69] {strides = array<i32>} : memref<64xi32, #tpu.memory_space<vmem>>, vector<16xi32>,
    %swap3A_71 = vector.shape_cast %swap3A_70 : vector<16xi32> to vector<16xi32>
    %swap3A_72 = vector.shape_cast %and3A_68 : vector<16xi32> to vector<16xi32>
    tpu.vector_store %arg9[%swap3A_69], %swap3A_72 {strides = array<i32>} : memref<64xi32, #tpu.memory_space<vmem>>, vector<16xi32>,
    %shift_right_arithmetic3A_73 = arith.constant 14 : i32
    %shift_right_arithmetic3A_74 = vector.broadcast %shift_right_arithmetic3A_73 : i32 to vector<16xi32>
    %shift_right_arithmetic3A_75 = arith.shrsi %get3A_65, %shift_right_arithmetic3A_74 : vector<16xi32>
    %swap3A_76 = arith.constant 16 : index
    %swap3A_77 = tpu.vector_load %arg10[%swap3A_76] {strides = array<i32>} : memref<64xi32, #tpu.memory_space<vmem>>, vector<16xi32>,
    %swap3A_78 = vector.shape_cast %swap3A_77 : vector<16xi32> to vector<16xi32>
    %swap3A_79 = vector.shape_cast %shift_right_arithmetic3A_75 : vector<16xi32> to vector<16xi32>
    tpu.vector_store %arg10[%swap3A_76], %swap3A_79 {strides = array<i32>} : memref<64xi32, #tpu.memory_space<vmem>>, vector<16xi32>,
    %get3A_80 = arith.constant 32 : index
    %get3A_81 = tpu.vector_load %arg7[%get3A_80] {strides = array<i32>} : memref<64xi32, #tpu.memory_space<vmem>>, vector<16xi32>,
    %get3A_82 = vector.shape_cast %get3A_81 : vector<16xi32> to vector<16xi32>
    %and3A_83 = arith.constant 16383 : i32
    %and3A_84 = vector.broadcast %and3A_83 : i32 to vector<16xi32>
    %and3A_85 = arith.andi %get3A_82, %and3A_84 : vector<16xi32>
    %swap3A_86 = arith.constant 32 : index
    %swap3A_87 = tpu.vector_load %arg9[%swap3A_86] {strides = array<i32>} : memref<64xi32, #tpu.memory_space<vmem>>, vector<16xi32>,
    %swap3A_88 = vector.shape_cast %swap3A_87 : vector<16xi32> to vector<16xi32>
    %swap3A_89 = vector.shape_cast %and3A_85 : vector<16xi32> to vector<16xi32>
    tpu.vector_store %arg9[%swap3A_86], %swap3A_89 {strides = array<i32>} : memref<64xi32, #tpu.memory_space<vmem>>, vector<16xi32>,
    %shift_right_arithmetic3A_90 = arith.constant 14 : i32
    %shift_right_arithmetic3A_91 = vector.broadcast %shift_right_arithmetic3A_90 : i32 to vector<16xi32>
    %shift_right_arithmetic3A_92 = arith.shrsi %get3A_82, %shift_right_arithmetic3A_91 : vector<16xi32>
    %swap3A_93 = arith.constant 32 : index
    %swap3A_94 = tpu.vector_load %arg10[%swap3A_93] {strides = array<i32>} : memref<64xi32, #tpu.memory_space<vmem>>, vector<16xi32>,
    %swap3A_95 = vector.shape_cast %swap3A_94 : vector<16xi32> to vector<16xi32>
    %swap3A_96 = vector.shape_cast %shift_right_arithmetic3A_92 : vector<16xi32> to vector<16xi32>
    tpu.vector_store %arg10[%swap3A_93], %swap3A_96 {strides = array<i32>} : memref<64xi32, #tpu.memory_space<vmem>>, vector<16xi32>,
    %get3A_97 = arith.constant 48 : index
    %get3A_98 = tpu.vector_load %arg7[%get3A_97] {strides = array<i32>} : memref<64xi32, #tpu.memory_space<vmem>>, vector<16xi32>,
    %get3A_99 = vector.shape_cast %get3A_98 : vector<16xi32> to vector<16xi32>
    %and3A_100 = arith.constant 16383 : i32
    %and3A_101 = vector.broadcast %and3A_100 : i32 to vector<16xi32>
    %and3A_102 = arith.andi %get3A_99, %and3A_101 : vector<16xi32>
    %swap3A_103 = arith.constant 48 : index
    %swap3A_104 = tpu.vector_load %arg9[%swap3A_103] {strides = array<i32>} : memref<64xi32, #tpu.memory_space<vmem>>, vector<16xi32>,
    %swap3A_105 = vector.shape_cast %swap3A_104 : vector<16xi32> to vector<16xi32>
    %swap3A_106 = vector.shape_cast %and3A_102 : vector<16xi32> to vector<16xi32>
    tpu.vector_store %arg9[%swap3A_103], %swap3A_106 {strides = array<i32>} : memref<64xi32, #tpu.memory_space<vmem>>, vector<16xi32>,
    %shift_right_arithmetic3A_107 = arith.constant 14 : i32
    %shift_right_arithmetic3A_108 = vector.broadcast %shift_right_arithmetic3A_107 : i32 to vector<16xi32>
    %shift_right_arithmetic3A_109 = arith.shrsi %get3A_99, %shift_right_arithmetic3A_108 : vector<16xi32>
    %swap3A_110 = arith.constant 48 : index
    %swap3A_111 = tpu.vector_load %arg10[%swap3A_110] {strides = array<i32>} : memref<64xi32, #tpu.memory_space<vmem>>, vector<16xi32>,
    %swap3A_112 = vector.shape_cast %swap3A_111 : vector<16xi32> to vector<16xi32>
    %swap3A_113 = vector.shape_cast %shift_right_arithmetic3A_109 : vector<16xi32> to vector<16xi32>
    tpu.vector_store %arg10[%swap3A_110], %swap3A_113 {strides = array<i32>} : memref<64xi32, #tpu.memory_space<vmem>>, vector<16xi32>,
    %dma_start3A = arith.constant 0 : i32
    %dma_start3A_114 = arith.constant 0 : i32
    %dma_start3A_115 = tpu.memref_slice %arg2[%dma_start3A, %dma_start3A_114] : memref<10112x128xf32, #tpu.memory_space<hbm>> -> memref<10112x128xf32, #tpu.memory_space<hbm>>
    tpu.enqueue_indirect_dma source(%dma_start3A_115 : memref<10112x128xf32, #tpu.memory_space<hbm>>) target(%arg13 : memref<64x128xf32, #tpu.memory_space<vmem>>) offsets(%arg9 : memref<64xi32, #tpu.memory_space<vmem>>) semaphore(%arg21 : memref<!tpu.dma_semaphore, #tpu.memory_space<semaphore_mem>>)
    %dma_start3A_116 = arith.constant 0 : i32
    %dma_start3A_117 = arith.constant 0 : i32
    %dma_start3A_118 = tpu.memref_slice %arg3[%dma_start3A_116, %dma_start3A_117] : memref<10112x128xf32, #tpu.memory_space<hbm>> -> memref<10112x128xf32, #tpu.memory_space<hbm>>
    tpu.enqueue_indirect_dma source(%dma_start3A_118 : memref<10112x128xf32, #tpu.memory_space<hbm>>) target(%arg14 : memref<64x128xf32, #tpu.memory_space<vmem>>) offsets(%arg10 : memref<64xi32, #tpu.memory_space<vmem>>) semaphore(%arg21 : memref<!tpu.dma_semaphore, #tpu.memory_space<semaphore_mem>>)
    %add3A_119 = arith.constant 64 : i32
    %add3A_120 = arith.addi %mul3A_49, %add3A_119 : i32
    %dma_start3A_121 = tpu.memref_slice %arg5[%add3A_120] : memref<335872xi32, #tpu.memory_space<hbm>> -> memref<64xi32, #tpu.memory_space<hbm>>
    %dma_start3A_122 = tpu.memref_slice %arg5[%add3A_120] : memref<335872xi32, #tpu.memory_space<hbm>> -> memref<64xi32, #tpu.memory_space<hbm>>
    tpu.enqueue_dma source(%dma_start3A_122 : memref<64xi32, #tpu.memory_space<hbm>>) target(%arg8 : memref<64xi32, #tpu.memory_space<vmem>>) target_semaphore(%arg26 : memref<!tpu.dma_semaphore, #tpu.memory_space<semaphore_mem>>)
    %scan3A_123 = arith.constant 0 : i32
    %scan3A_124 = arith.constant 0 : i32
    %scan3A_125 = arith.constant 82 : i32
    %scan3A_126 = arith.addi %scan3A_124, %scan3A_125 : i32
    %scan3A_127 = arith.constant 1 : i32
    %scan3A_128 = scf.for %scan3A_213 = %scan3A_124 to %scan3A_126 step %scan3A_127 iter_args(%scan3A_214 = %scan3A_123) -> (i32)  : i32 {
      %mul3A_215 = arith.constant 2 : i32
      %mul3A_216 = arith.muli %mul3A_215, %scan3A_213 : i32
      %ge3A = arith.constant 1 : i32
      %ge3A_217 = arith.cmpi sge, %mul3A_216, %ge3A : i32
      %convert_element_type3A = arith.extui %ge3A_217 : i1 to i32
      %cond3A = arith.constant 0 : i32
      %cond3A_218 = arith.cmpi ne, %convert_element_type3A, %cond3A : i32
      scf.if %cond3A_218 {
        %dma_wait3A_288 = arith.constant 0 : i32
        %dma_wait3A_289 = arith.constant 0 : i32
        %dma_wait3A_290 = tpu.memref_slice %arg20[%dma_wait3A_288, %dma_wait3A_289] : memref<10112x128xf32, #tpu.memory_space<vmem_shared>> -> memref<10112x128xf32, #tpu.memory_space<vmem_shared>>
        tpu.wait_indirect_dma semaphore(%arg24 : memref<!tpu.dma_semaphore, #tpu.memory_space<semaphore_mem>>) src(%arg18 : memref<64x128xf32, #tpu.memory_space<vmem>>) dst(%dma_wait3A_290 : memref<10112x128xf32, #tpu.memory_space<vmem_shared>>)
      } else {
      }
      %add3A_219 = arith.constant 1 : i32
      %add3A_220 = arith.addi %mul3A_216, %add3A_219 : i32
      %lt3A = arith.constant 164 : i32
      %lt3A_221 = arith.cmpi slt, %add3A_220, %lt3A : i32
      %convert_element_type3A_222 = arith.extui %lt3A_221 : i1 to i32
      %cond3A_223 = arith.constant 0 : i32
      %cond3A_224 = arith.cmpi ne, %convert_element_type3A_222, %cond3A_223 : i32
      scf.if %cond3A_224 {
        %add3A_288 = arith.constant 1 : i32
        %add3A_289 = arith.addi %mul3A_216, %add3A_288 : i32
        %mul3A_290 = arith.constant 64 : i32
        %mul3A_291 = arith.muli %add3A_289, %mul3A_290 : i32
        %add3A_292 = arith.addi %mul3A_49, %mul3A_291 : i32
        %dma_wait3A_293 = tpu.memref_slice %arg5[%add3A_292] : memref<335872xi32, #tpu.memory_space<hbm>> -> memref<64xi32, #tpu.memory_space<hbm>>
        %dma_wait3A_294 = tpu.memref_slice %arg5[%add3A_292] : memref<335872xi32, #tpu.memory_space<hbm>> -> memref<64xi32, #tpu.memory_space<hbm>>
        tpu.wait_dma2 semaphore(%arg26 : memref<!tpu.dma_semaphore, #tpu.memory_space<semaphore_mem>>) src(%dma_wait3A_294 : memref<64xi32, #tpu.memory_space<hbm>>) dst(%arg8 : memref<64xi32, #tpu.memory_space<vmem>>)
        %get3A_295 = arith.constant 0 : index
        %get3A_296 = tpu.vector_load %arg8[%get3A_295] {strides = array<i32>} : memref<64xi32, #tpu.memory_space<vmem>>, vector<16xi32>,
        %get3A_297 = vector.shape_cast %get3A_296 : vector<16xi32> to vector<16xi32>
        %and3A_298 = arith.constant 16383 : i32
        %and3A_299 = vector.broadcast %and3A_298 : i32 to vector<16xi32>
        %and3A_300 = arith.andi %get3A_297, %and3A_299 : vector<16xi32>
        %swap3A_301 = arith.constant 0 : index
        %swap3A_302 = tpu.vector_load %arg11[%swap3A_301] {strides = array<i32>} : memref<64xi32, #tpu.memory_space<vmem>>, vector<16xi32>,
        %swap3A_303 = vector.shape_cast %swap3A_302 : vector<16xi32> to vector<16xi32>
        %swap3A_304 = vector.shape_cast %and3A_300 : vector<16xi32> to vector<16xi32>
        tpu.vector_store %arg11[%swap3A_301], %swap3A_304 {strides = array<i32>} : memref<64xi32, #tpu.memory_space<vmem>>, vector<16xi32>,
        %shift_right_arithmetic3A_305 = arith.constant 14 : i32
        %shift_right_arithmetic3A_306 = vector.broadcast %shift_right_arithmetic3A_305 : i32 to vector<16xi32>
        %shift_right_arithmetic3A_307 = arith.shrsi %get3A_297, %shift_right_arithmetic3A_306 : vector<16xi32>
        %swap3A_308 = arith.constant 0 : index
        %swap3A_309 = tpu.vector_load %arg12[%swap3A_308] {strides = array<i32>} : memref<64xi32, #tpu.memory_space<vmem>>, vector<16xi32>,
        %swap3A_310 = vector.shape_cast %swap3A_309 : vector<16xi32> to vector<16xi32>
        %swap3A_311 = vector.shape_cast %shift_right_arithmetic3A_307 : vector<16xi32> to vector<16xi32>
        tpu.vector_store %arg12[%swap3A_308], %swap3A_311 {strides = array<i32>} : memref<64xi32, #tpu.memory_space<vmem>>, vector<16xi32>,
        %get3A_312 = arith.constant 16 : index
        %get3A_313 = tpu.vector_load %arg8[%get3A_312] {strides = array<i32>} : memref<64xi32, #tpu.memory_space<vmem>>, vector<16xi32>,
        %get3A_314 = vector.shape_cast %get3A_313 : vector<16xi32> to vector<16xi32>
        %and3A_315 = arith.constant 16383 : i32
        %and3A_316 = vector.broadcast %and3A_315 : i32 to vector<16xi32>
        %and3A_317 = arith.andi %get3A_314, %and3A_316 : vector<16xi32>
        %swap3A_318 = arith.constant 16 : index
        %swap3A_319 = tpu.vector_load %arg11[%swap3A_318] {strides = array<i32>} : memref<64xi32, #tpu.memory_space<vmem>>, vector<16xi32>,
        %swap3A_320 = vector.shape_cast %swap3A_319 : vector<16xi32> to vector<16xi32>
        %swap3A_321 = vector.shape_cast %and3A_317 : vector<16xi32> to vector<16xi32>
        tpu.vector_store %arg11[%swap3A_318], %swap3A_321 {strides = array<i32>} : memref<64xi32, #tpu.memory_space<vmem>>, vector<16xi32>,
        %shift_right_arithmetic3A_322 = arith.constant 14 : i32
        %shift_right_arithmetic3A_323 = vector.broadcast %shift_right_arithmetic3A_322 : i32 to vector<16xi32>
        %shift_right_arithmetic3A_324 = arith.shrsi %get3A_314, %shift_right_arithmetic3A_323 : vector<16xi32>
        %swap3A_325 = arith.constant 16 : index
        %swap3A_326 = tpu.vector_load %arg12[%swap3A_325] {strides = array<i32>} : memref<64xi32, #tpu.memory_space<vmem>>, vector<16xi32>,
        %swap3A_327 = vector.shape_cast %swap3A_326 : vector<16xi32> to vector<16xi32>
        %swap3A_328 = vector.shape_cast %shift_right_arithmetic3A_324 : vector<16xi32> to vector<16xi32>
        tpu.vector_store %arg12[%swap3A_325], %swap3A_328 {strides = array<i32>} : memref<64xi32, #tpu.memory_space<vmem>>, vector<16xi32>,
        %get3A_329 = arith.constant 32 : index
        %get3A_330 = tpu.vector_load %arg8[%get3A_329] {strides = array<i32>} : memref<64xi32, #tpu.memory_space<vmem>>, vector<16xi32>,
        %get3A_331 = vector.shape_cast %get3A_330 : vector<16xi32> to vector<16xi32>
        %and3A_332 = arith.constant 16383 : i32
        %and3A_333 = vector.broadcast %and3A_332 : i32 to vector<16xi32>
        %and3A_334 = arith.andi %get3A_331, %and3A_333 : vector<16xi32>
        %swap3A_335 = arith.constant 32 : index
        %swap3A_336 = tpu.vector_load %arg11[%swap3A_335] {strides = array<i32>} : memref<64xi32, #tpu.memory_space<vmem>>, vector<16xi32>,
        %swap3A_337 = vector.shape_cast %swap3A_336 : vector<16xi32> to vector<16xi32>
        %swap3A_338 = vector.shape_cast %and3A_334 : vector<16xi32> to vector<16xi32>
        tpu.vector_store %arg11[%swap3A_335], %swap3A_338 {strides = array<i32>} : memref<64xi32, #tpu.memory_space<vmem>>, vector<16xi32>,
        %shift_right_arithmetic3A_339 = arith.constant 14 : i32
        %shift_right_arithmetic3A_340 = vector.broadcast %shift_right_arithmetic3A_339 : i32 to vector<16xi32>
        %shift_right_arithmetic3A_341 = arith.shrsi %get3A_331, %shift_right_arithmetic3A_340 : vector<16xi32>
        %swap3A_342 = arith.constant 32 : index
        %swap3A_343 = tpu.vector_load %arg12[%swap3A_342] {strides = array<i32>} : memref<64xi32, #tpu.memory_space<vmem>>, vector<16xi32>,
        %swap3A_344 = vector.shape_cast %swap3A_343 : vector<16xi32> to vector<16xi32>
        %swap3A_345 = vector.shape_cast %shift_right_arithmetic3A_341 : vector<16xi32> to vector<16xi32>
        tpu.vector_store %arg12[%swap3A_342], %swap3A_345 {strides = array<i32>} : memref<64xi32, #tpu.memory_space<vmem>>, vector<16xi32>,
        %get3A_346 = arith.constant 48 : index
        %get3A_347 = tpu.vector_load %arg8[%get3A_346] {strides = array<i32>} : memref<64xi32, #tpu.memory_space<vmem>>, vector<16xi32>,
        %get3A_348 = vector.shape_cast %get3A_347 : vector<16xi32> to vector<16xi32>
        %and3A_349 = arith.constant 16383 : i32
        %and3A_350 = vector.broadcast %and3A_349 : i32 to vector<16xi32>
        %and3A_351 = arith.andi %get3A_348, %and3A_350 : vector<16xi32>
        %swap3A_352 = arith.constant 48 : index
        %swap3A_353 = tpu.vector_load %arg11[%swap3A_352] {strides = array<i32>} : memref<64xi32, #tpu.memory_space<vmem>>, vector<16xi32>,
        %swap3A_354 = vector.shape_cast %swap3A_353 : vector<16xi32> to vector<16xi32>
        %swap3A_355 = vector.shape_cast %and3A_351 : vector<16xi32> to vector<16xi32>
        tpu.vector_store %arg11[%swap3A_352], %swap3A_355 {strides = array<i32>} : memref<64xi32, #tpu.memory_space<vmem>>, vector<16xi32>,
        %shift_right_arithmetic3A_356 = arith.constant 14 : i32
        %shift_right_arithmetic3A_357 = vector.broadcast %shift_right_arithmetic3A_356 : i32 to vector<16xi32>
        %shift_right_arithmetic3A_358 = arith.shrsi %get3A_348, %shift_right_arithmetic3A_357 : vector<16xi32>
        %swap3A_359 = arith.constant 48 : index
        %swap3A_360 = tpu.vector_load %arg12[%swap3A_359] {strides = array<i32>} : memref<64xi32, #tpu.memory_space<vmem>>, vector<16xi32>,
        %swap3A_361 = vector.shape_cast %swap3A_360 : vector<16xi32> to vector<16xi32>
        %swap3A_362 = vector.shape_cast %shift_right_arithmetic3A_358 : vector<16xi32> to vector<16xi32>
        tpu.vector_store %arg12[%swap3A_359], %swap3A_362 {strides = array<i32>} : memref<64xi32, #tpu.memory_space<vmem>>, vector<16xi32>,
        %dma_start3A_363 = arith.constant 0 : i32
        %dma_start3A_364 = arith.constant 0 : i32
        %dma_start3A_365 = tpu.memref_slice %arg2[%dma_start3A_363, %dma_start3A_364] : memref<10112x128xf32, #tpu.memory_space<hbm>> -> memref<10112x128xf32, #tpu.memory_space<hbm>>
        tpu.enqueue_indirect_dma source(%dma_start3A_365 : memref<10112x128xf32, #tpu.memory_space<hbm>>) target(%arg15 : memref<64x128xf32, #tpu.memory_space<vmem>>) offsets(%arg11 : memref<64xi32, #tpu.memory_space<vmem>>) semaphore(%arg22 : memref<!tpu.dma_semaphore, #tpu.memory_space<semaphore_mem>>)
        %dma_start3A_366 = arith.constant 0 : i32
        %dma_start3A_367 = arith.constant 0 : i32
        %dma_start3A_368 = tpu.memref_slice %arg3[%dma_start3A_366, %dma_start3A_367] : memref<10112x128xf32, #tpu.memory_space<hbm>> -> memref<10112x128xf32, #tpu.memory_space<hbm>>
        tpu.enqueue_indirect_dma source(%dma_start3A_368 : memref<10112x128xf32, #tpu.memory_space<hbm>>) target(%arg16 : memref<64x128xf32, #tpu.memory_space<vmem>>) offsets(%arg12 : memref<64xi32, #tpu.memory_space<vmem>>) semaphore(%arg22 : memref<!tpu.dma_semaphore, #tpu.memory_space<semaphore_mem>>)
      } else {
      }
      %add3A_225 = arith.constant 2 : i32
      %add3A_226 = arith.addi %mul3A_216, %add3A_225 : i32
      %lt3A_227 = arith.constant 164 : i32
      %lt3A_228 = arith.cmpi slt, %add3A_226, %lt3A_227 : i32
      %convert_element_type3A_229 = arith.extui %lt3A_228 : i1 to i32
      %cond3A_230 = arith.constant 0 : i32
      %cond3A_231 = arith.cmpi ne, %convert_element_type3A_229, %cond3A_230 : i32
      scf.if %cond3A_231 {
        %add3A_288 = arith.constant 2 : i32
        %add3A_289 = arith.addi %mul3A_216, %add3A_288 : i32
        %mul3A_290 = arith.constant 64 : i32
        %mul3A_291 = arith.muli %add3A_289, %mul3A_290 : i32
        %add3A_292 = arith.addi %mul3A_49, %mul3A_291 : i32
        %dma_start3A_293 = tpu.memref_slice %arg5[%add3A_292] : memref<335872xi32, #tpu.memory_space<hbm>> -> memref<64xi32, #tpu.memory_space<hbm>>
        %dma_start3A_294 = tpu.memref_slice %arg5[%add3A_292] : memref<335872xi32, #tpu.memory_space<hbm>> -> memref<64xi32, #tpu.memory_space<hbm>>
        tpu.enqueue_dma source(%dma_start3A_294 : memref<64xi32, #tpu.memory_space<hbm>>) target(%arg7 : memref<64xi32, #tpu.memory_space<vmem>>) target_semaphore(%arg25 : memref<!tpu.dma_semaphore, #tpu.memory_space<semaphore_mem>>)
      } else {
      }
      %dma_wait3A_232 = arith.constant 0 : i32
      %dma_wait3A_233 = arith.constant 0 : i32
      %dma_wait3A_234 = tpu.memref_slice %arg2[%dma_wait3A_232, %dma_wait3A_233] : memref<10112x128xf32, #tpu.memory_space<hbm>> -> memref<10112x128xf32, #tpu.memory_space<hbm>>
      tpu.wait_indirect_dma semaphore(%arg21 : memref<!tpu.dma_semaphore, #tpu.memory_space<semaphore_mem>>) src(%dma_wait3A_234 : memref<10112x128xf32, #tpu.memory_space<hbm>>) dst(%arg13 : memref<64x128xf32, #tpu.memory_space<vmem>>)
      %dma_wait3A_235 = arith.constant 0 : i32
      %dma_wait3A_236 = arith.constant 0 : i32
      %dma_wait3A_237 = tpu.memref_slice %arg3[%dma_wait3A_235, %dma_wait3A_236] : memref<10112x128xf32, #tpu.memory_space<hbm>> -> memref<10112x128xf32, #tpu.memory_space<hbm>>
      tpu.wait_indirect_dma semaphore(%arg21 : memref<!tpu.dma_semaphore, #tpu.memory_space<semaphore_mem>>) src(%dma_wait3A_237 : memref<10112x128xf32, #tpu.memory_space<hbm>>) dst(%arg14 : memref<64x128xf32, #tpu.memory_space<vmem>>)
      %scan3A_238 = arith.constant 0 : i32
      %scan3A_239 = arith.constant 0 : i32
      %scan3A_240 = arith.constant 64 : i32
      %scan3A_241 = arith.addi %scan3A_239, %scan3A_240 : i32
      %scan3A_242 = arith.constant 1 : i32
      %scan3A_243 = scf.for %scan3A_288 = %scan3A_239 to %scan3A_241 step %scan3A_242 iter_args(%scan3A_289 = %scan3A_238) -> (i32)  : i32 {
        %iota3A = tpu.iota {dimensions = array<i32: 0>} : vector<16xi32>
        %xor3A = arith.constant 8 : i32
        %xor3A_290 = vector.broadcast %xor3A : i32 to vector<16xi32>
        %xor3A_291 = arith.xori %iota3A, %xor3A_290 : vector<16xi32>
        %xor3A_292 = arith.constant 4 : i32
        %xor3A_293 = vector.broadcast %xor3A_292 : i32 to vector<16xi32>
        %xor3A_294 = arith.xori %iota3A, %xor3A_293 : vector<16xi32>
        %xor3A_295 = arith.constant 2 : i32
        %xor3A_296 = vector.broadcast %xor3A_295 : i32 to vector<16xi32>
        %xor3A_297 = arith.xori %iota3A, %xor3A_296 : vector<16xi32>
        %xor3A_298 = arith.constant 1 : i32
        %xor3A_299 = vector.broadcast %xor3A_298 : i32 to vector<16xi32>
        %xor3A_300 = arith.xori %iota3A, %xor3A_299 : vector<16xi32>
        %get3A_301 = arith.index_cast %scan3A_288 : i32 to index
        %get3A_302 = arith.constant 0 : index
        %get3A_303 = tpu.vector_load %arg13[%get3A_301, %get3A_302] {strides = array<i32>} : memref<64x128xf32, #tpu.memory_space<vmem>>, vector<1x16xf32>,
        %get3A_304 = vector.shape_cast %get3A_303 : vector<1x16xf32> to vector<16xf32>
        %get3A_305 = arith.index_cast %scan3A_288 : i32 to index
        %get3A_306 = arith.constant 0 : index
        %get3A_307 = tpu.vector_load %arg14[%get3A_305, %get3A_306] {strides = array<i32>} : memref<64x128xf32, #tpu.memory_space<vmem>>, vector<1x16xf32>,
        %get3A_308 = vector.shape_cast %get3A_307 : vector<1x16xf32> to vector<16xf32>
        %add3A_309 = arith.addf %get3A_304, %get3A_308 : vector<16xf32>
        %mul3A_310 = arith.constant 2.000000e-01 : f32
        %mul3A_311 = vector.broadcast %mul3A_310 : f32 to vector<16xf32>
        %mul3A_312 = arith.mulf %mul3A_311, %add3A_309 : vector<16xf32>
        %max3A = arith.maximumf %add3A_309, %mul3A_312 : vector<16xf32>
        %get3A_313 = arith.constant 0 : index
        %get3A_314 = tpu.vector_load %arg19[%get3A_313] {strides = array<i32>} : memref<16xf32, #tpu.memory_space<vmem>>, vector<16xf32>,
        %get3A_315 = vector.shape_cast %get3A_314 : vector<16xf32> to vector<16xf32>
        %mul3A_316 = arith.mulf %max3A, %get3A_315 : vector<16xf32>
        %reshape3A = vector.shape_cast %xor3A_291 : vector<16xi32> to vector<16x1xi32>
        %gather3A = vector.shape_cast %reshape3A : vector<16x1xi32> to vector<16xi32>
        %gather3A_317 = tpu.dynamic_gather %mul3A_316[%gather3A] in [0] : vector<16xf32>, vector<16xi32> -> vector<16xf32>
        %add3A_318 = arith.addf %mul3A_316, %gather3A_317 : vector<16xf32>
        %reshape3A_319 = vector.shape_cast %xor3A_294 : vector<16xi32> to vector<16x1xi32>
        %gather3A_320 = vector.shape_cast %reshape3A_319 : vector<16x1xi32> to vector<16xi32>
        %gather3A_321 = tpu.dynamic_gather %add3A_318[%gather3A_320] in [0] : vector<16xf32>, vector<16xi32> -> vector<16xf32>
        %add3A_322 = arith.addf %add3A_318, %gather3A_321 : vector<16xf32>
        %reshape3A_323 = vector.shape_cast %xor3A_297 : vector<16xi32> to vector<16x1xi32>
        %gather3A_324 = vector.shape_cast %reshape3A_323 : vector<16x1xi32> to vector<16xi32>
        %gather3A_325 = tpu.dynamic_gather %add3A_322[%gather3A_324] in [0] : vector<16xf32>, vector<16xi32> -> vector<16xf32>
        %add3A_326 = arith.addf %add3A_322, %gather3A_325 : vector<16xf32>
        %reshape3A_327 = vector.shape_cast %xor3A_300 : vector<16xi32> to vector<16x1xi32>
        %gather3A_328 = vector.shape_cast %reshape3A_327 : vector<16x1xi32> to vector<16xi32>
        %gather3A_329 = tpu.dynamic_gather %add3A_326[%gather3A_328] in [0] : vector<16xf32>, vector<16xi32> -> vector<16xf32>
        %add3A_330 = arith.addf %add3A_326, %gather3A_329 : vector<16xf32>
        %exp3A = math.exp %add3A_330 : vector<16xf32>
        %mul3A_331 = arith.mulf %exp3A, %get3A_304 : vector<16xf32>
        %swap3A_332 = arith.index_cast %scan3A_288 : i32 to index
        %swap3A_333 = arith.constant 0 : index
        %swap3A_334 = tpu.vector_load %arg17[%swap3A_332, %swap3A_333] {strides = array<i32>} : memref<64x128xf32, #tpu.memory_space<vmem>>, vector<1x16xf32>,
        %swap3A_335 = vector.shape_cast %swap3A_334 : vector<1x16xf32> to vector<16xf32>
        %swap3A_336 = vector.shape_cast %mul3A_331 : vector<16xf32> to vector<1x16xf32>
        tpu.vector_store %arg17[%swap3A_332, %swap3A_333], %swap3A_336 {strides = array<i32>} : memref<64x128xf32, #tpu.memory_space<vmem>>, vector<1x16xf32>,
        %scan3A_337 = arith.constant 0 : i32
        scf.yield %scan3A_337 : i32
      }
      %scan3A_244 = arith.constant 64 : i32
      %dma_start3A_245 = arith.constant 0 : i32
      %dma_start3A_246 = arith.constant 0 : i32
      %dma_start3A_247 = tpu.memref_slice %arg20[%dma_start3A_245, %dma_start3A_246] : memref<10112x128xf32, #tpu.memory_space<vmem_shared>> -> memref<10112x128xf32, #tpu.memory_space<vmem_shared>>
      tpu.enqueue_indirect_dma source(%arg17 : memref<64x128xf32, #tpu.memory_space<vmem>>) target(%dma_start3A_247 : memref<10112x128xf32, #tpu.memory_space<vmem_shared>>) offsets(%arg10 : memref<64xi32, #tpu.memory_space<vmem>>) semaphore(%arg23 : memref<!tpu.dma_semaphore, #tpu.memory_space<semaphore_mem>>) {add = true}
      %mul3A_248 = arith.constant 2 : i32
      %mul3A_249 = arith.muli %mul3A_248, %scan3A_213 : i32
      %add3A_250 = arith.constant 1 : i32
      %add3A_251 = arith.addi %mul3A_249, %add3A_250 : i32
      %ge3A_252 = arith.constant 1 : i32
      %ge3A_253 = arith.cmpi sge, %add3A_251, %ge3A_252 : i32
      %convert_element_type3A_254 = arith.extui %ge3A_253 : i1 to i32
      %cond3A_255 = arith.constant 0 : i32
      %cond3A_256 = arith.cmpi ne, %convert_element_type3A_254, %cond3A_255 : i32
      scf.if %cond3A_256 {
        %dma_wait3A_288 = arith.constant 0 : i32
        %dma_wait3A_289 = arith.constant 0 : i32
        %dma_wait3A_290 = tpu.memref_slice %arg20[%dma_wait3A_288, %dma_wait3A_289] : memref<10112x128xf32, #tpu.memory_space<vmem_shared>> -> memref<10112x128xf32, #tpu.memory_space<vmem_shared>>
        tpu.wait_indirect_dma semaphore(%arg23 : memref<!tpu.dma_semaphore, #tpu.memory_space<semaphore_mem>>) src(%arg17 : memref<64x128xf32, #tpu.memory_space<vmem>>) dst(%dma_wait3A_290 : memref<10112x128xf32, #tpu.memory_space<vmem_shared>>)
      } else {
      }
      %add3A_257 = arith.constant 1 : i32
      %add3A_258 = arith.addi %add3A_251, %add3A_257 : i32
      %lt3A_259 = arith.constant 164 : i32
      %lt3A_260 = arith.cmpi slt, %add3A_258, %lt3A_259 : i32
      %convert_element_type3A_261 = arith.extui %lt3A_260 : i1 to i32
      %cond3A_262 = arith.constant 0 : i32
      %cond3A_263 = arith.cmpi ne, %convert_element_type3A_261, %cond3A_262 : i32
      scf.if %cond3A_263 {
        %add3A_288 = arith.constant 1 : i32
        %add3A_289 = arith.addi %add3A_251, %add3A_288 : i32
        %mul3A_290 = arith.constant 64 : i32
        %mul3A_291 = arith.muli %add3A_289, %mul3A_290 : i32
        %add3A_292 = arith.addi %mul3A_49, %mul3A_291 : i32
        %dma_wait3A_293 = tpu.memref_slice %arg5[%add3A_292] : memref<335872xi32, #tpu.memory_space<hbm>> -> memref<64xi32, #tpu.memory_space<hbm>>
        %dma_wait3A_294 = tpu.memref_slice %arg5[%add3A_292] : memref<335872xi32, #tpu.memory_space<hbm>> -> memref<64xi32, #tpu.memory_space<hbm>>
        tpu.wait_dma2 semaphore(%arg25 : memref<!tpu.dma_semaphore, #tpu.memory_space<semaphore_mem>>) src(%dma_wait3A_294 : memref<64xi32, #tpu.memory_space<hbm>>) dst(%arg7 : memref<64xi32, #tpu.memory_space<vmem>>)
        %get3A_295 = arith.constant 0 : index
        %get3A_296 = tpu.vector_load %arg7[%get3A_295] {strides = array<i32>} : memref<64xi32, #tpu.memory_space<vmem>>, vector<16xi32>,
        %get3A_297 = vector.shape_cast %get3A_296 : vector<16xi32> to vector<16xi32>
        %and3A_298 = arith.constant 16383 : i32
        %and3A_299 = vector.broadcast %and3A_298 : i32 to vector<16xi32>
        %and3A_300 = arith.andi %get3A_297, %and3A_299 : vector<16xi32>
        %swap3A_301 = arith.constant 0 : index
        %swap3A_302 = tpu.vector_load %arg9[%swap3A_301] {strides = array<i32>} : memref<64xi32, #tpu.memory_space<vmem>>, vector<16xi32>,
        %swap3A_303 = vector.shape_cast %swap3A_302 : vector<16xi32> to vector<16xi32>
        %swap3A_304 = vector.shape_cast %and3A_300 : vector<16xi32> to vector<16xi32>
        tpu.vector_store %arg9[%swap3A_301], %swap3A_304 {strides = array<i32>} : memref<64xi32, #tpu.memory_space<vmem>>, vector<16xi32>,
        %shift_right_arithmetic3A_305 = arith.constant 14 : i32
        %shift_right_arithmetic3A_306 = vector.broadcast %shift_right_arithmetic3A_305 : i32 to vector<16xi32>
        %shift_right_arithmetic3A_307 = arith.shrsi %get3A_297, %shift_right_arithmetic3A_306 : vector<16xi32>
        %swap3A_308 = arith.constant 0 : index
        %swap3A_309 = tpu.vector_load %arg10[%swap3A_308] {strides = array<i32>} : memref<64xi32, #tpu.memory_space<vmem>>, vector<16xi32>,
        %swap3A_310 = vector.shape_cast %swap3A_309 : vector<16xi32> to vector<16xi32>
        %swap3A_311 = vector.shape_cast %shift_right_arithmetic3A_307 : vector<16xi32> to vector<16xi32>
        tpu.vector_store %arg10[%swap3A_308], %swap3A_311 {strides = array<i32>} : memref<64xi32, #tpu.memory_space<vmem>>, vector<16xi32>,
        %get3A_312 = arith.constant 16 : index
        %get3A_313 = tpu.vector_load %arg7[%get3A_312] {strides = array<i32>} : memref<64xi32, #tpu.memory_space<vmem>>, vector<16xi32>,
        %get3A_314 = vector.shape_cast %get3A_313 : vector<16xi32> to vector<16xi32>
        %and3A_315 = arith.constant 16383 : i32
        %and3A_316 = vector.broadcast %and3A_315 : i32 to vector<16xi32>
        %and3A_317 = arith.andi %get3A_314, %and3A_316 : vector<16xi32>
        %swap3A_318 = arith.constant 16 : index
        %swap3A_319 = tpu.vector_load %arg9[%swap3A_318] {strides = array<i32>} : memref<64xi32, #tpu.memory_space<vmem>>, vector<16xi32>,
        %swap3A_320 = vector.shape_cast %swap3A_319 : vector<16xi32> to vector<16xi32>
        %swap3A_321 = vector.shape_cast %and3A_317 : vector<16xi32> to vector<16xi32>
        tpu.vector_store %arg9[%swap3A_318], %swap3A_321 {strides = array<i32>} : memref<64xi32, #tpu.memory_space<vmem>>, vector<16xi32>,
        %shift_right_arithmetic3A_322 = arith.constant 14 : i32
        %shift_right_arithmetic3A_323 = vector.broadcast %shift_right_arithmetic3A_322 : i32 to vector<16xi32>
        %shift_right_arithmetic3A_324 = arith.shrsi %get3A_314, %shift_right_arithmetic3A_323 : vector<16xi32>
        %swap3A_325 = arith.constant 16 : index
        %swap3A_326 = tpu.vector_load %arg10[%swap3A_325] {strides = array<i32>} : memref<64xi32, #tpu.memory_space<vmem>>, vector<16xi32>,
        %swap3A_327 = vector.shape_cast %swap3A_326 : vector<16xi32> to vector<16xi32>
        %swap3A_328 = vector.shape_cast %shift_right_arithmetic3A_324 : vector<16xi32> to vector<16xi32>
        tpu.vector_store %arg10[%swap3A_325], %swap3A_328 {strides = array<i32>} : memref<64xi32, #tpu.memory_space<vmem>>, vector<16xi32>,
        %get3A_329 = arith.constant 32 : index
        %get3A_330 = tpu.vector_load %arg7[%get3A_329] {strides = array<i32>} : memref<64xi32, #tpu.memory_space<vmem>>, vector<16xi32>,
        %get3A_331 = vector.shape_cast %get3A_330 : vector<16xi32> to vector<16xi32>
        %and3A_332 = arith.constant 16383 : i32
        %and3A_333 = vector.broadcast %and3A_332 : i32 to vector<16xi32>
        %and3A_334 = arith.andi %get3A_331, %and3A_333 : vector<16xi32>
        %swap3A_335 = arith.constant 32 : index
        %swap3A_336 = tpu.vector_load %arg9[%swap3A_335] {strides = array<i32>} : memref<64xi32, #tpu.memory_space<vmem>>, vector<16xi32>,
        %swap3A_337 = vector.shape_cast %swap3A_336 : vector<16xi32> to vector<16xi32>
        %swap3A_338 = vector.shape_cast %and3A_334 : vector<16xi32> to vector<16xi32>
        tpu.vector_store %arg9[%swap3A_335], %swap3A_338 {strides = array<i32>} : memref<64xi32, #tpu.memory_space<vmem>>, vector<16xi32>,
        %shift_right_arithmetic3A_339 = arith.constant 14 : i32
        %shift_right_arithmetic3A_340 = vector.broadcast %shift_right_arithmetic3A_339 : i32 to vector<16xi32>
        %shift_right_arithmetic3A_341 = arith.shrsi %get3A_331, %shift_right_arithmetic3A_340 : vector<16xi32>
        %swap3A_342 = arith.constant 32 : index
        %swap3A_343 = tpu.vector_load %arg10[%swap3A_342] {strides = array<i32>} : memref<64xi32, #tpu.memory_space<vmem>>, vector<16xi32>,
        %swap3A_344 = vector.shape_cast %swap3A_343 : vector<16xi32> to vector<16xi32>
        %swap3A_345 = vector.shape_cast %shift_right_arithmetic3A_341 : vector<16xi32> to vector<16xi32>
        tpu.vector_store %arg10[%swap3A_342], %swap3A_345 {strides = array<i32>} : memref<64xi32, #tpu.memory_space<vmem>>, vector<16xi32>,
        %get3A_346 = arith.constant 48 : index
        %get3A_347 = tpu.vector_load %arg7[%get3A_346] {strides = array<i32>} : memref<64xi32, #tpu.memory_space<vmem>>, vector<16xi32>,
        %get3A_348 = vector.shape_cast %get3A_347 : vector<16xi32> to vector<16xi32>
        %and3A_349 = arith.constant 16383 : i32
        %and3A_350 = vector.broadcast %and3A_349 : i32 to vector<16xi32>
        %and3A_351 = arith.andi %get3A_348, %and3A_350 : vector<16xi32>
        %swap3A_352 = arith.constant 48 : index
        %swap3A_353 = tpu.vector_load %arg9[%swap3A_352] {strides = array<i32>} : memref<64xi32, #tpu.memory_space<vmem>>, vector<16xi32>,
        %swap3A_354 = vector.shape_cast %swap3A_353 : vector<16xi32> to vector<16xi32>
        %swap3A_355 = vector.shape_cast %and3A_351 : vector<16xi32> to vector<16xi32>
        tpu.vector_store %arg9[%swap3A_352], %swap3A_355 {strides = array<i32>} : memref<64xi32, #tpu.memory_space<vmem>>, vector<16xi32>,
        %shift_right_arithmetic3A_356 = arith.constant 14 : i32
        %shift_right_arithmetic3A_357 = vector.broadcast %shift_right_arithmetic3A_356 : i32 to vector<16xi32>
        %shift_right_arithmetic3A_358 = arith.shrsi %get3A_348, %shift_right_arithmetic3A_357 : vector<16xi32>
        %swap3A_359 = arith.constant 48 : index
        %swap3A_360 = tpu.vector_load %arg10[%swap3A_359] {strides = array<i32>} : memref<64xi32, #tpu.memory_space<vmem>>, vector<16xi32>,
        %swap3A_361 = vector.shape_cast %swap3A_360 : vector<16xi32> to vector<16xi32>
        %swap3A_362 = vector.shape_cast %shift_right_arithmetic3A_358 : vector<16xi32> to vector<16xi32>
        tpu.vector_store %arg10[%swap3A_359], %swap3A_362 {strides = array<i32>} : memref<64xi32, #tpu.memory_space<vmem>>, vector<16xi32>,
        %dma_start3A_363 = arith.constant 0 : i32
        %dma_start3A_364 = arith.constant 0 : i32
        %dma_start3A_365 = tpu.memref_slice %arg2[%dma_start3A_363, %dma_start3A_364] : memref<10112x128xf32, #tpu.memory_space<hbm>> -> memref<10112x128xf32, #tpu.memory_space<hbm>>
        tpu.enqueue_indirect_dma source(%dma_start3A_365 : memref<10112x128xf32, #tpu.memory_space<hbm>>) target(%arg13 : memref<64x128xf32, #tpu.memory_space<vmem>>) offsets(%arg9 : memref<64xi32, #tpu.memory_space<vmem>>) semaphore(%arg21 : memref<!tpu.dma_semaphore, #tpu.memory_space<semaphore_mem>>)
        %dma_start3A_366 = arith.constant 0 : i32
        %dma_start3A_367 = arith.constant 0 : i32
        %dma_start3A_368 = tpu.memref_slice %arg3[%dma_start3A_366, %dma_start3A_367] : memref<10112x128xf32, #tpu.memory_space<hbm>> -> memref<10112x128xf32, #tpu.memory_space<hbm>>
        tpu.enqueue_indirect_dma source(%dma_start3A_368 : memref<10112x128xf32, #tpu.memory_space<hbm>>) target(%arg14 : memref<64x128xf32, #tpu.memory_space<vmem>>) offsets(%arg10 : memref<64xi32, #tpu.memory_space<vmem>>) semaphore(%arg21 : memref<!tpu.dma_semaphore, #tpu.memory_space<semaphore_mem>>)
      } else {
      }
      %add3A_264 = arith.constant 2 : i32
      %add3A_265 = arith.addi %add3A_251, %add3A_264 : i32
      %lt3A_266 = arith.constant 164 : i32
      %lt3A_267 = arith.cmpi slt, %add3A_265, %lt3A_266 : i32
      %convert_element_type3A_268 = arith.extui %lt3A_267 : i1 to i32
      %cond3A_269 = arith.constant 0 : i32
      %cond3A_270 = arith.cmpi ne, %convert_element_type3A_268, %cond3A_269 : i32
      scf.if %cond3A_270 {
        %add3A_288 = arith.constant 2 : i32
        %add3A_289 = arith.addi %add3A_251, %add3A_288 : i32
        %mul3A_290 = arith.constant 64 : i32
        %mul3A_291 = arith.muli %add3A_289, %mul3A_290 : i32
        %add3A_292 = arith.addi %mul3A_49, %mul3A_291 : i32
        %dma_start3A_293 = tpu.memref_slice %arg5[%add3A_292] : memref<335872xi32, #tpu.memory_space<hbm>> -> memref<64xi32, #tpu.memory_space<hbm>>
        %dma_start3A_294 = tpu.memref_slice %arg5[%add3A_292] : memref<335872xi32, #tpu.memory_space<hbm>> -> memref<64xi32, #tpu.memory_space<hbm>>
        tpu.enqueue_dma source(%dma_start3A_294 : memref<64xi32, #tpu.memory_space<hbm>>) target(%arg8 : memref<64xi32, #tpu.memory_space<vmem>>) target_semaphore(%arg26 : memref<!tpu.dma_semaphore, #tpu.memory_space<semaphore_mem>>)
      } else {
      }
      %dma_wait3A_271 = arith.constant 0 : i32
      %dma_wait3A_272 = arith.constant 0 : i32
      %dma_wait3A_273 = tpu.memref_slice %arg2[%dma_wait3A_271, %dma_wait3A_272] : memref<10112x128xf32, #tpu.memory_space<hbm>> -> memref<10112x128xf32, #tpu.memory_space<hbm>>
      tpu.wait_indirect_dma semaphore(%arg22 : memref<!tpu.dma_semaphore, #tpu.memory_space<semaphore_mem>>) src(%dma_wait3A_273 : memref<10112x128xf32, #tpu.memory_space<hbm>>) dst(%arg15 : memref<64x128xf32, #tpu.memory_space<vmem>>)
      %dma_wait3A_274 = arith.constant 0 : i32
      %dma_wait3A_275 = arith.constant 0 : i32
      %dma_wait3A_276 = tpu.memref_slice %arg3[%dma_wait3A_274, %dma_wait3A_275] : memref<10112x128xf32, #tpu.memory_space<hbm>> -> memref<10112x128xf32, #tpu.memory_space<hbm>>
      tpu.wait_indirect_dma semaphore(%arg22 : memref<!tpu.dma_semaphore, #tpu.memory_space<semaphore_mem>>) src(%dma_wait3A_276 : memref<10112x128xf32, #tpu.memory_space<hbm>>) dst(%arg16 : memref<64x128xf32, #tpu.memory_space<vmem>>)
      %scan3A_277 = arith.constant 0 : i32
      %scan3A_278 = arith.constant 0 : i32
      %scan3A_279 = arith.constant 64 : i32
      %scan3A_280 = arith.addi %scan3A_278, %scan3A_279 : i32
      %scan3A_281 = arith.constant 1 : i32
      %scan3A_282 = scf.for %scan3A_288 = %scan3A_278 to %scan3A_280 step %scan3A_281 iter_args(%scan3A_289 = %scan3A_277) -> (i32)  : i32 {
        %iota3A = tpu.iota {dimensions = array<i32: 0>} : vector<16xi32>
        %xor3A = arith.constant 8 : i32
        %xor3A_290 = vector.broadcast %xor3A : i32 to vector<16xi32>
        %xor3A_291 = arith.xori %iota3A, %xor3A_290 : vector<16xi32>
        %xor3A_292 = arith.constant 4 : i32
        %xor3A_293 = vector.broadcast %xor3A_292 : i32 to vector<16xi32>
        %xor3A_294 = arith.xori %iota3A, %xor3A_293 : vector<16xi32>
        %xor3A_295 = arith.constant 2 : i32
        %xor3A_296 = vector.broadcast %xor3A_295 : i32 to vector<16xi32>
        %xor3A_297 = arith.xori %iota3A, %xor3A_296 : vector<16xi32>
        %xor3A_298 = arith.constant 1 : i32
        %xor3A_299 = vector.broadcast %xor3A_298 : i32 to vector<16xi32>
        %xor3A_300 = arith.xori %iota3A, %xor3A_299 : vector<16xi32>
        %get3A_301 = arith.index_cast %scan3A_288 : i32 to index
        %get3A_302 = arith.constant 0 : index
        %get3A_303 = tpu.vector_load %arg15[%get3A_301, %get3A_302] {strides = array<i32>} : memref<64x128xf32, #tpu.memory_space<vmem>>, vector<1x16xf32>,
        %get3A_304 = vector.shape_cast %get3A_303 : vector<1x16xf32> to vector<16xf32>
        %get3A_305 = arith.index_cast %scan3A_288 : i32 to index
        %get3A_306 = arith.constant 0 : index
        %get3A_307 = tpu.vector_load %arg16[%get3A_305, %get3A_306] {strides = array<i32>} : memref<64x128xf32, #tpu.memory_space<vmem>>, vector<1x16xf32>,
        %get3A_308 = vector.shape_cast %get3A_307 : vector<1x16xf32> to vector<16xf32>
        %add3A_309 = arith.addf %get3A_304, %get3A_308 : vector<16xf32>
        %mul3A_310 = arith.constant 2.000000e-01 : f32
        %mul3A_311 = vector.broadcast %mul3A_310 : f32 to vector<16xf32>
        %mul3A_312 = arith.mulf %mul3A_311, %add3A_309 : vector<16xf32>
        %max3A = arith.maximumf %add3A_309, %mul3A_312 : vector<16xf32>
        %get3A_313 = arith.constant 0 : index
        %get3A_314 = tpu.vector_load %arg19[%get3A_313] {strides = array<i32>} : memref<16xf32, #tpu.memory_space<vmem>>, vector<16xf32>,
        %get3A_315 = vector.shape_cast %get3A_314 : vector<16xf32> to vector<16xf32>
        %mul3A_316 = arith.mulf %max3A, %get3A_315 : vector<16xf32>
        %reshape3A = vector.shape_cast %xor3A_291 : vector<16xi32> to vector<16x1xi32>
        %gather3A = vector.shape_cast %reshape3A : vector<16x1xi32> to vector<16xi32>
        %gather3A_317 = tpu.dynamic_gather %mul3A_316[%gather3A] in [0] : vector<16xf32>, vector<16xi32> -> vector<16xf32>
        %add3A_318 = arith.addf %mul3A_316, %gather3A_317 : vector<16xf32>
        %reshape3A_319 = vector.shape_cast %xor3A_294 : vector<16xi32> to vector<16x1xi32>
        %gather3A_320 = vector.shape_cast %reshape3A_319 : vector<16x1xi32> to vector<16xi32>
        %gather3A_321 = tpu.dynamic_gather %add3A_318[%gather3A_320] in [0] : vector<16xf32>, vector<16xi32> -> vector<16xf32>
        %add3A_322 = arith.addf %add3A_318, %gather3A_321 : vector<16xf32>
        %reshape3A_323 = vector.shape_cast %xor3A_297 : vector<16xi32> to vector<16x1xi32>
        %gather3A_324 = vector.shape_cast %reshape3A_323 : vector<16x1xi32> to vector<16xi32>
        %gather3A_325 = tpu.dynamic_gather %add3A_322[%gather3A_324] in [0] : vector<16xf32>, vector<16xi32> -> vector<16xf32>
        %add3A_326 = arith.addf %add3A_322, %gather3A_325 : vector<16xf32>
        %reshape3A_327 = vector.shape_cast %xor3A_300 : vector<16xi32> to vector<16x1xi32>
        %gather3A_328 = vector.shape_cast %reshape3A_327 : vector<16x1xi32> to vector<16xi32>
        %gather3A_329 = tpu.dynamic_gather %add3A_326[%gather3A_328] in [0] : vector<16xf32>, vector<16xi32> -> vector<16xf32>
        %add3A_330 = arith.addf %add3A_326, %gather3A_329 : vector<16xf32>
        %exp3A = math.exp %add3A_330 : vector<16xf32>
        %mul3A_331 = arith.mulf %exp3A, %get3A_304 : vector<16xf32>
        %swap3A_332 = arith.index_cast %scan3A_288 : i32 to index
        %swap3A_333 = arith.constant 0 : index
        %swap3A_334 = tpu.vector_load %arg18[%swap3A_332, %swap3A_333] {strides = array<i32>} : memref<64x128xf32, #tpu.memory_space<vmem>>, vector<1x16xf32>,
        %swap3A_335 = vector.shape_cast %swap3A_334 : vector<1x16xf32> to vector<16xf32>
        %swap3A_336 = vector.shape_cast %mul3A_331 : vector<16xf32> to vector<1x16xf32>
        tpu.vector_store %arg18[%swap3A_332, %swap3A_333], %swap3A_336 {strides = array<i32>} : memref<64x128xf32, #tpu.memory_space<vmem>>, vector<1x16xf32>,
        %scan3A_337 = arith.constant 0 : i32
        scf.yield %scan3A_337 : i32
      }
      %scan3A_283 = arith.constant 64 : i32
      %dma_start3A_284 = arith.constant 0 : i32
      %dma_start3A_285 = arith.constant 0 : i32
      %dma_start3A_286 = tpu.memref_slice %arg20[%dma_start3A_284, %dma_start3A_285] : memref<10112x128xf32, #tpu.memory_space<vmem_shared>> -> memref<10112x128xf32, #tpu.memory_space<vmem_shared>>
      tpu.enqueue_indirect_dma source(%arg18 : memref<64x128xf32, #tpu.memory_space<vmem>>) target(%dma_start3A_286 : memref<10112x128xf32, #tpu.memory_space<vmem_shared>>) offsets(%arg12 : memref<64xi32, #tpu.memory_space<vmem>>) semaphore(%arg24 : memref<!tpu.dma_semaphore, #tpu.memory_space<semaphore_mem>>) {add = true}
      %scan3A_287 = arith.constant 0 : i32
      scf.yield %scan3A_287 : i32
    }
    %scan3A_129 = arith.constant 82 : i32
    %dma_wait3A = arith.constant 0 : i32
    %dma_wait3A_130 = arith.constant 0 : i32
    %dma_wait3A_131 = tpu.memref_slice %arg20[%dma_wait3A, %dma_wait3A_130] : memref<10112x128xf32, #tpu.memory_space<vmem_shared>> -> memref<10112x128xf32, #tpu.memory_space<vmem_shared>>
    tpu.wait_indirect_dma semaphore(%arg24 : memref<!tpu.dma_semaphore, #tpu.memory_space<semaphore_mem>>) src(%arg18 : memref<64x128xf32, #tpu.memory_space<vmem>>) dst(%dma_wait3A_131 : memref<10112x128xf32, #tpu.memory_space<vmem_shared>>)
    %barrier3A_132 = arith.constant 0 : index
    tpu.barrier barrier_id(%barrier3A_132)
    %mul3A_133 = arith.constant 632 : i32
    %mul3A_134 = arith.muli %arg1, %mul3A_133 : i32
    %add3A_135 = arith.constant 0 : i32
    %add3A_136 = arith.addi %mul3A_134, %add3A_135 : i32
    %mul3A_137 = arith.constant 632 : i32
    %mul3A_138 = arith.muli %arg1, %mul3A_137 : i32
    %add3A_139 = arith.constant 0 : i32
    %add3A_140 = arith.addi %mul3A_138, %add3A_139 : i32
    "tpu.region"() ({
      %run_scoped3A = tpu.sem_alloc : memref<!tpu.dma_semaphore, #tpu.memory_space<semaphore_mem>>
      %dma_start3A_213 = arith.constant 0 : i32
      %dma_start3A_214 = tpu.memref_slice %arg6[%arg0, %add3A_140, %dma_start3A_213] : memref<2x10112x128xf32, #tpu.memory_space<hbm>> -> memref<1x64x128xf32, #tpu.memory_space<hbm>>
      %dma_start3A_215 = tpu.memref_squeeze %dma_start3A_214 : memref<1x64x128xf32, #tpu.memory_space<hbm>> -> memref<64x128xf32, #tpu.memory_space<hbm>>
      %dma_start3A_216 = arith.constant 0 : i32
      %dma_start3A_217 = tpu.memref_slice %arg20[%add3A_136, %dma_start3A_216] : memref<10112x128xf32, #tpu.memory_space<vmem_shared>> -> memref<64x128xf32, #tpu.memory_space<vmem_shared>>
      tpu.enqueue_dma source(%dma_start3A_217 : memref<64x128xf32, #tpu.memory_space<vmem_shared>>) target(%dma_start3A_215 : memref<64x128xf32, #tpu.memory_space<hbm>>) target_semaphore(%run_scoped3A : memref<!tpu.dma_semaphore, #tpu.memory_space<semaphore_mem>>)
      %dma_wait3A_218 = arith.constant 0 : i32
      %dma_wait3A_219 = tpu.memref_slice %arg6[%arg0, %add3A_140, %dma_wait3A_218] : memref<2x10112x128xf32, #tpu.memory_space<hbm>> -> memref<1x64x128xf32, #tpu.memory_space<hbm>>
      %dma_wait3A_220 = tpu.memref_squeeze %dma_wait3A_219 : memref<1x64x128xf32, #tpu.memory_space<hbm>> -> memref<64x128xf32, #tpu.memory_space<hbm>>
      %dma_wait3A_221 = arith.constant 0 : i32
      %dma_wait3A_222 = tpu.memref_slice %arg20[%add3A_136, %dma_wait3A_221] : memref<10112x128xf32, #tpu.memory_space<vmem_shared>> -> memref<64x128xf32, #tpu.memory_space<vmem_shared>>
      tpu.wait_dma2 semaphore(%run_scoped3A : memref<!tpu.dma_semaphore, #tpu.memory_space<semaphore_mem>>) src(%dma_wait3A_222 : memref<64x128xf32, #tpu.memory_space<vmem_shared>>) dst(%dma_wait3A_220 : memref<64x128xf32, #tpu.memory_space<hbm>>)
      tpu.yield
    }) : () -> ()
    %mul3A_141 = arith.constant 632 : i32
    %mul3A_142 = arith.muli %arg1, %mul3A_141 : i32
    %add3A_143 = arith.constant 64 : i32
    %add3A_144 = arith.addi %mul3A_142, %add3A_143 : i32
    %mul3A_145 = arith.constant 632 : i32
    %mul3A_146 = arith.muli %arg1, %mul3A_145 : i32
    %add3A_147 = arith.constant 64 : i32
    %add3A_148 = arith.addi %mul3A_146, %add3A_147 : i32
    "tpu.region"() ({
      %run_scoped3A = tpu.sem_alloc : memref<!tpu.dma_semaphore, #tpu.memory_space<semaphore_mem>>
      %dma_start3A_213 = arith.constant 0 : i32
      %dma_start3A_214 = tpu.memref_slice %arg6[%arg0, %add3A_148, %dma_start3A_213] : memref<2x10112x128xf32, #tpu.memory_space<hbm>> -> memref<1x64x128xf32, #tpu.memory_space<hbm>>
      %dma_start3A_215 = tpu.memref_squeeze %dma_start3A_214 : memref<1x64x128xf32, #tpu.memory_space<hbm>> -> memref<64x128xf32, #tpu.memory_space<hbm>>
      %dma_start3A_216 = arith.constant 0 : i32
      %dma_start3A_217 = tpu.memref_slice %arg20[%add3A_144, %dma_start3A_216] : memref<10112x128xf32, #tpu.memory_space<vmem_shared>> -> memref<64x128xf32, #tpu.memory_space<vmem_shared>>
      tpu.enqueue_dma source(%dma_start3A_217 : memref<64x128xf32, #tpu.memory_space<vmem_shared>>) target(%dma_start3A_215 : memref<64x128xf32, #tpu.memory_space<hbm>>) target_semaphore(%run_scoped3A : memref<!tpu.dma_semaphore, #tpu.memory_space<semaphore_mem>>)
      %dma_wait3A_218 = arith.constant 0 : i32
      %dma_wait3A_219 = tpu.memref_slice %arg6[%arg0, %add3A_148, %dma_wait3A_218] : memref<2x10112x128xf32, #tpu.memory_space<hbm>> -> memref<1x64x128xf32, #tpu.memory_space<hbm>>
      %dma_wait3A_220 = tpu.memref_squeeze %dma_wait3A_219 : memref<1x64x128xf32, #tpu.memory_space<hbm>> -> memref<64x128xf32, #tpu.memory_space<hbm>>
      %dma_wait3A_221 = arith.constant 0 : i32
      %dma_wait3A_222 = tpu.memref_slice %arg20[%add3A_144, %dma_wait3A_221] : memref<10112x128xf32, #tpu.memory_space<vmem_shared>> -> memref<64x128xf32, #tpu.memory_space<vmem_shared>>
      tpu.wait_dma2 semaphore(%run_scoped3A : memref<!tpu.dma_semaphore, #tpu.memory_space<semaphore_mem>>) src(%dma_wait3A_222 : memref<64x128xf32, #tpu.memory_space<vmem_shared>>) dst(%dma_wait3A_220 : memref<64x128xf32, #tpu.memory_space<hbm>>)
      tpu.yield
    }) : () -> ()
    %mul3A_149 = arith.constant 632 : i32
    %mul3A_150 = arith.muli %arg1, %mul3A_149 : i32
    %add3A_151 = arith.constant 128 : i32
    %add3A_152 = arith.addi %mul3A_150, %add3A_151 : i32
    %mul3A_153 = arith.constant 632 : i32
    %mul3A_154 = arith.muli %arg1, %mul3A_153 : i32
    %add3A_155 = arith.constant 128 : i32
    %add3A_156 = arith.addi %mul3A_154, %add3A_155 : i32
    "tpu.region"() ({
      %run_scoped3A = tpu.sem_alloc : memref<!tpu.dma_semaphore, #tpu.memory_space<semaphore_mem>>
      %dma_start3A_213 = arith.constant 0 : i32
      %dma_start3A_214 = tpu.memref_slice %arg6[%arg0, %add3A_156, %dma_start3A_213] : memref<2x10112x128xf32, #tpu.memory_space<hbm>> -> memref<1x64x128xf32, #tpu.memory_space<hbm>>
      %dma_start3A_215 = tpu.memref_squeeze %dma_start3A_214 : memref<1x64x128xf32, #tpu.memory_space<hbm>> -> memref<64x128xf32, #tpu.memory_space<hbm>>
      %dma_start3A_216 = arith.constant 0 : i32
      %dma_start3A_217 = tpu.memref_slice %arg20[%add3A_152, %dma_start3A_216] : memref<10112x128xf32, #tpu.memory_space<vmem_shared>> -> memref<64x128xf32, #tpu.memory_space<vmem_shared>>
      tpu.enqueue_dma source(%dma_start3A_217 : memref<64x128xf32, #tpu.memory_space<vmem_shared>>) target(%dma_start3A_215 : memref<64x128xf32, #tpu.memory_space<hbm>>) target_semaphore(%run_scoped3A : memref<!tpu.dma_semaphore, #tpu.memory_space<semaphore_mem>>)
      %dma_wait3A_218 = arith.constant 0 : i32
      %dma_wait3A_219 = tpu.memref_slice %arg6[%arg0, %add3A_156, %dma_wait3A_218] : memref<2x10112x128xf32, #tpu.memory_space<hbm>> -> memref<1x64x128xf32, #tpu.memory_space<hbm>>
      %dma_wait3A_220 = tpu.memref_squeeze %dma_wait3A_219 : memref<1x64x128xf32, #tpu.memory_space<hbm>> -> memref<64x128xf32, #tpu.memory_space<hbm>>
      %dma_wait3A_221 = arith.constant 0 : i32
      %dma_wait3A_222 = tpu.memref_slice %arg20[%add3A_152, %dma_wait3A_221] : memref<10112x128xf32, #tpu.memory_space<vmem_shared>> -> memref<64x128xf32, #tpu.memory_space<vmem_shared>>
      tpu.wait_dma2 semaphore(%run_scoped3A : memref<!tpu.dma_semaphore, #tpu.memory_space<semaphore_mem>>) src(%dma_wait3A_222 : memref<64x128xf32, #tpu.memory_space<vmem_shared>>) dst(%dma_wait3A_220 : memref<64x128xf32, #tpu.memory_space<hbm>>)
      tpu.yield
    }) : () -> ()
    %mul3A_157 = arith.constant 632 : i32
    %mul3A_158 = arith.muli %arg1, %mul3A_157 : i32
    %add3A_159 = arith.constant 192 : i32
    %add3A_160 = arith.addi %mul3A_158, %add3A_159 : i32
    %mul3A_161 = arith.constant 632 : i32
    %mul3A_162 = arith.muli %arg1, %mul3A_161 : i32
    %add3A_163 = arith.constant 192 : i32
    %add3A_164 = arith.addi %mul3A_162, %add3A_163 : i32
    "tpu.region"() ({
      %run_scoped3A = tpu.sem_alloc : memref<!tpu.dma_semaphore, #tpu.memory_space<semaphore_mem>>
      %dma_start3A_213 = arith.constant 0 : i32
      %dma_start3A_214 = tpu.memref_slice %arg6[%arg0, %add3A_164, %dma_start3A_213] : memref<2x10112x128xf32, #tpu.memory_space<hbm>> -> memref<1x64x128xf32, #tpu.memory_space<hbm>>
      %dma_start3A_215 = tpu.memref_squeeze %dma_start3A_214 : memref<1x64x128xf32, #tpu.memory_space<hbm>> -> memref<64x128xf32, #tpu.memory_space<hbm>>
      %dma_start3A_216 = arith.constant 0 : i32
      %dma_start3A_217 = tpu.memref_slice %arg20[%add3A_160, %dma_start3A_216] : memref<10112x128xf32, #tpu.memory_space<vmem_shared>> -> memref<64x128xf32, #tpu.memory_space<vmem_shared>>
      tpu.enqueue_dma source(%dma_start3A_217 : memref<64x128xf32, #tpu.memory_space<vmem_shared>>) target(%dma_start3A_215 : memref<64x128xf32, #tpu.memory_space<hbm>>) target_semaphore(%run_scoped3A : memref<!tpu.dma_semaphore, #tpu.memory_space<semaphore_mem>>)
      %dma_wait3A_218 = arith.constant 0 : i32
      %dma_wait3A_219 = tpu.memref_slice %arg6[%arg0, %add3A_164, %dma_wait3A_218] : memref<2x10112x128xf32, #tpu.memory_space<hbm>> -> memref<1x64x128xf32, #tpu.memory_space<hbm>>
      %dma_wait3A_220 = tpu.memref_squeeze %dma_wait3A_219 : memref<1x64x128xf32, #tpu.memory_space<hbm>> -> memref<64x128xf32, #tpu.memory_space<hbm>>
      %dma_wait3A_221 = arith.constant 0 : i32
      %dma_wait3A_222 = tpu.memref_slice %arg20[%add3A_160, %dma_wait3A_221] : memref<10112x128xf32, #tpu.memory_space<vmem_shared>> -> memref<64x128xf32, #tpu.memory_space<vmem_shared>>
      tpu.wait_dma2 semaphore(%run_scoped3A : memref<!tpu.dma_semaphore, #tpu.memory_space<semaphore_mem>>) src(%dma_wait3A_222 : memref<64x128xf32, #tpu.memory_space<vmem_shared>>) dst(%dma_wait3A_220 : memref<64x128xf32, #tpu.memory_space<hbm>>)
      tpu.yield
    }) : () -> ()
    %mul3A_165 = arith.constant 632 : i32
    %mul3A_166 = arith.muli %arg1, %mul3A_165 : i32
    %add3A_167 = arith.constant 256 : i32
    %add3A_168 = arith.addi %mul3A_166, %add3A_167 : i32
    %mul3A_169 = arith.constant 632 : i32
    %mul3A_170 = arith.muli %arg1, %mul3A_169 : i32
    %add3A_171 = arith.constant 256 : i32
    %add3A_172 = arith.addi %mul3A_170, %add3A_171 : i32
    "tpu.region"() ({
      %run_scoped3A = tpu.sem_alloc : memref<!tpu.dma_semaphore, #tpu.memory_space<semaphore_mem>>
      %dma_start3A_213 = arith.constant 0 : i32
      %dma_start3A_214 = tpu.memref_slice %arg6[%arg0, %add3A_172, %dma_start3A_213] : memref<2x10112x128xf32, #tpu.memory_space<hbm>> -> memref<1x64x128xf32, #tpu.memory_space<hbm>>
      %dma_start3A_215 = tpu.memref_squeeze %dma_start3A_214 : memref<1x64x128xf32, #tpu.memory_space<hbm>> -> memref<64x128xf32, #tpu.memory_space<hbm>>
      %dma_start3A_216 = arith.constant 0 : i32
      %dma_start3A_217 = tpu.memref_slice %arg20[%add3A_168, %dma_start3A_216] : memref<10112x128xf32, #tpu.memory_space<vmem_shared>> -> memref<64x128xf32, #tpu.memory_space<vmem_shared>>
      tpu.enqueue_dma source(%dma_start3A_217 : memref<64x128xf32, #tpu.memory_space<vmem_shared>>) target(%dma_start3A_215 : memref<64x128xf32, #tpu.memory_space<hbm>>) target_semaphore(%run_scoped3A : memref<!tpu.dma_semaphore, #tpu.memory_space<semaphore_mem>>)
      %dma_wait3A_218 = arith.constant 0 : i32
      %dma_wait3A_219 = tpu.memref_slice %arg6[%arg0, %add3A_172, %dma_wait3A_218] : memref<2x10112x128xf32, #tpu.memory_space<hbm>> -> memref<1x64x128xf32, #tpu.memory_space<hbm>>
      %dma_wait3A_220 = tpu.memref_squeeze %dma_wait3A_219 : memref<1x64x128xf32, #tpu.memory_space<hbm>> -> memref<64x128xf32, #tpu.memory_space<hbm>>
      %dma_wait3A_221 = arith.constant 0 : i32
      %dma_wait3A_222 = tpu.memref_slice %arg20[%add3A_168, %dma_wait3A_221] : memref<10112x128xf32, #tpu.memory_space<vmem_shared>> -> memref<64x128xf32, #tpu.memory_space<vmem_shared>>
      tpu.wait_dma2 semaphore(%run_scoped3A : memref<!tpu.dma_semaphore, #tpu.memory_space<semaphore_mem>>) src(%dma_wait3A_222 : memref<64x128xf32, #tpu.memory_space<vmem_shared>>) dst(%dma_wait3A_220 : memref<64x128xf32, #tpu.memory_space<hbm>>)
      tpu.yield
    }) : () -> ()
    %mul3A_173 = arith.constant 632 : i32
    %mul3A_174 = arith.muli %arg1, %mul3A_173 : i32
    %add3A_175 = arith.constant 320 : i32
    %add3A_176 = arith.addi %mul3A_174, %add3A_175 : i32
    %mul3A_177 = arith.constant 632 : i32
    %mul3A_178 = arith.muli %arg1, %mul3A_177 : i32
    %add3A_179 = arith.constant 320 : i32
    %add3A_180 = arith.addi %mul3A_178, %add3A_179 : i32
    "tpu.region"() ({
      %run_scoped3A = tpu.sem_alloc : memref<!tpu.dma_semaphore, #tpu.memory_space<semaphore_mem>>
      %dma_start3A_213 = arith.constant 0 : i32
      %dma_start3A_214 = tpu.memref_slice %arg6[%arg0, %add3A_180, %dma_start3A_213] : memref<2x10112x128xf32, #tpu.memory_space<hbm>> -> memref<1x64x128xf32, #tpu.memory_space<hbm>>
      %dma_start3A_215 = tpu.memref_squeeze %dma_start3A_214 : memref<1x64x128xf32, #tpu.memory_space<hbm>> -> memref<64x128xf32, #tpu.memory_space<hbm>>
      %dma_start3A_216 = arith.constant 0 : i32
      %dma_start3A_217 = tpu.memref_slice %arg20[%add3A_176, %dma_start3A_216] : memref<10112x128xf32, #tpu.memory_space<vmem_shared>> -> memref<64x128xf32, #tpu.memory_space<vmem_shared>>
      tpu.enqueue_dma source(%dma_start3A_217 : memref<64x128xf32, #tpu.memory_space<vmem_shared>>) target(%dma_start3A_215 : memref<64x128xf32, #tpu.memory_space<hbm>>) target_semaphore(%run_scoped3A : memref<!tpu.dma_semaphore, #tpu.memory_space<semaphore_mem>>)
      %dma_wait3A_218 = arith.constant 0 : i32
      %dma_wait3A_219 = tpu.memref_slice %arg6[%arg0, %add3A_180, %dma_wait3A_218] : memref<2x10112x128xf32, #tpu.memory_space<hbm>> -> memref<1x64x128xf32, #tpu.memory_space<hbm>>
      %dma_wait3A_220 = tpu.memref_squeeze %dma_wait3A_219 : memref<1x64x128xf32, #tpu.memory_space<hbm>> -> memref<64x128xf32, #tpu.memory_space<hbm>>
      %dma_wait3A_221 = arith.constant 0 : i32
      %dma_wait3A_222 = tpu.memref_slice %arg20[%add3A_176, %dma_wait3A_221] : memref<10112x128xf32, #tpu.memory_space<vmem_shared>> -> memref<64x128xf32, #tpu.memory_space<vmem_shared>>
      tpu.wait_dma2 semaphore(%run_scoped3A : memref<!tpu.dma_semaphore, #tpu.memory_space<semaphore_mem>>) src(%dma_wait3A_222 : memref<64x128xf32, #tpu.memory_space<vmem_shared>>) dst(%dma_wait3A_220 : memref<64x128xf32, #tpu.memory_space<hbm>>)
      tpu.yield
    }) : () -> ()
    %mul3A_181 = arith.constant 632 : i32
    %mul3A_182 = arith.muli %arg1, %mul3A_181 : i32
    %add3A_183 = arith.constant 384 : i32
    %add3A_184 = arith.addi %mul3A_182, %add3A_183 : i32
    %mul3A_185 = arith.constant 632 : i32
    %mul3A_186 = arith.muli %arg1, %mul3A_185 : i32
    %add3A_187 = arith.constant 384 : i32
    %add3A_188 = arith.addi %mul3A_186, %add3A_187 : i32
    "tpu.region"() ({
      %run_scoped3A = tpu.sem_alloc : memref<!tpu.dma_semaphore, #tpu.memory_space<semaphore_mem>>
      %dma_start3A_213 = arith.constant 0 : i32
      %dma_start3A_214 = tpu.memref_slice %arg6[%arg0, %add3A_188, %dma_start3A_213] : memref<2x10112x128xf32, #tpu.memory_space<hbm>> -> memref<1x64x128xf32, #tpu.memory_space<hbm>>
      %dma_start3A_215 = tpu.memref_squeeze %dma_start3A_214 : memref<1x64x128xf32, #tpu.memory_space<hbm>> -> memref<64x128xf32, #tpu.memory_space<hbm>>
      %dma_start3A_216 = arith.constant 0 : i32
      %dma_start3A_217 = tpu.memref_slice %arg20[%add3A_184, %dma_start3A_216] : memref<10112x128xf32, #tpu.memory_space<vmem_shared>> -> memref<64x128xf32, #tpu.memory_space<vmem_shared>>
      tpu.enqueue_dma source(%dma_start3A_217 : memref<64x128xf32, #tpu.memory_space<vmem_shared>>) target(%dma_start3A_215 : memref<64x128xf32, #tpu.memory_space<hbm>>) target_semaphore(%run_scoped3A : memref<!tpu.dma_semaphore, #tpu.memory_space<semaphore_mem>>)
      %dma_wait3A_218 = arith.constant 0 : i32
      %dma_wait3A_219 = tpu.memref_slice %arg6[%arg0, %add3A_188, %dma_wait3A_218] : memref<2x10112x128xf32, #tpu.memory_space<hbm>> -> memref<1x64x128xf32, #tpu.memory_space<hbm>>
      %dma_wait3A_220 = tpu.memref_squeeze %dma_wait3A_219 : memref<1x64x128xf32, #tpu.memory_space<hbm>> -> memref<64x128xf32, #tpu.memory_space<hbm>>
      %dma_wait3A_221 = arith.constant 0 : i32
      %dma_wait3A_222 = tpu.memref_slice %arg20[%add3A_184, %dma_wait3A_221] : memref<10112x128xf32, #tpu.memory_space<vmem_shared>> -> memref<64x128xf32, #tpu.memory_space<vmem_shared>>
      tpu.wait_dma2 semaphore(%run_scoped3A : memref<!tpu.dma_semaphore, #tpu.memory_space<semaphore_mem>>) src(%dma_wait3A_222 : memref<64x128xf32, #tpu.memory_space<vmem_shared>>) dst(%dma_wait3A_220 : memref<64x128xf32, #tpu.memory_space<hbm>>)
      tpu.yield
    }) : () -> ()
    %mul3A_189 = arith.constant 632 : i32
    %mul3A_190 = arith.muli %arg1, %mul3A_189 : i32
    %add3A_191 = arith.constant 448 : i32
    %add3A_192 = arith.addi %mul3A_190, %add3A_191 : i32
    %mul3A_193 = arith.constant 632 : i32
    %mul3A_194 = arith.muli %arg1, %mul3A_193 : i32
    %add3A_195 = arith.constant 448 : i32
    %add3A_196 = arith.addi %mul3A_194, %add3A_195 : i32
    "tpu.region"() ({
      %run_scoped3A = tpu.sem_alloc : memref<!tpu.dma_semaphore, #tpu.memory_space<semaphore_mem>>
      %dma_start3A_213 = arith.constant 0 : i32
      %dma_start3A_214 = tpu.memref_slice %arg6[%arg0, %add3A_196, %dma_start3A_213] : memref<2x10112x128xf32, #tpu.memory_space<hbm>> -> memref<1x64x128xf32, #tpu.memory_space<hbm>>
      %dma_start3A_215 = tpu.memref_squeeze %dma_start3A_214 : memref<1x64x128xf32, #tpu.memory_space<hbm>> -> memref<64x128xf32, #tpu.memory_space<hbm>>
      %dma_start3A_216 = arith.constant 0 : i32
      %dma_start3A_217 = tpu.memref_slice %arg20[%add3A_192, %dma_start3A_216] : memref<10112x128xf32, #tpu.memory_space<vmem_shared>> -> memref<64x128xf32, #tpu.memory_space<vmem_shared>>
      tpu.enqueue_dma source(%dma_start3A_217 : memref<64x128xf32, #tpu.memory_space<vmem_shared>>) target(%dma_start3A_215 : memref<64x128xf32, #tpu.memory_space<hbm>>) target_semaphore(%run_scoped3A : memref<!tpu.dma_semaphore, #tpu.memory_space<semaphore_mem>>)
      %dma_wait3A_218 = arith.constant 0 : i32
      %dma_wait3A_219 = tpu.memref_slice %arg6[%arg0, %add3A_196, %dma_wait3A_218] : memref<2x10112x128xf32, #tpu.memory_space<hbm>> -> memref<1x64x128xf32, #tpu.memory_space<hbm>>
      %dma_wait3A_220 = tpu.memref_squeeze %dma_wait3A_219 : memref<1x64x128xf32, #tpu.memory_space<hbm>> -> memref<64x128xf32, #tpu.memory_space<hbm>>
      %dma_wait3A_221 = arith.constant 0 : i32
      %dma_wait3A_222 = tpu.memref_slice %arg20[%add3A_192, %dma_wait3A_221] : memref<10112x128xf32, #tpu.memory_space<vmem_shared>> -> memref<64x128xf32, #tpu.memory_space<vmem_shared>>
      tpu.wait_dma2 semaphore(%run_scoped3A : memref<!tpu.dma_semaphore, #tpu.memory_space<semaphore_mem>>) src(%dma_wait3A_222 : memref<64x128xf32, #tpu.memory_space<vmem_shared>>) dst(%dma_wait3A_220 : memref<64x128xf32, #tpu.memory_space<hbm>>)
      tpu.yield
    }) : () -> ()
    %mul3A_197 = arith.constant 632 : i32
    %mul3A_198 = arith.muli %arg1, %mul3A_197 : i32
    %add3A_199 = arith.constant 512 : i32
    %add3A_200 = arith.addi %mul3A_198, %add3A_199 : i32
    %mul3A_201 = arith.constant 632 : i32
    %mul3A_202 = arith.muli %arg1, %mul3A_201 : i32
    %add3A_203 = arith.constant 512 : i32
    %add3A_204 = arith.addi %mul3A_202, %add3A_203 : i32
    "tpu.region"() ({
      %run_scoped3A = tpu.sem_alloc : memref<!tpu.dma_semaphore, #tpu.memory_space<semaphore_mem>>
      %dma_start3A_213 = arith.constant 0 : i32
      %dma_start3A_214 = tpu.memref_slice %arg6[%arg0, %add3A_204, %dma_start3A_213] : memref<2x10112x128xf32, #tpu.memory_space<hbm>> -> memref<1x64x128xf32, #tpu.memory_space<hbm>>
      %dma_start3A_215 = tpu.memref_squeeze %dma_start3A_214 : memref<1x64x128xf32, #tpu.memory_space<hbm>> -> memref<64x128xf32, #tpu.memory_space<hbm>>
      %dma_start3A_216 = arith.constant 0 : i32
      %dma_start3A_217 = tpu.memref_slice %arg20[%add3A_200, %dma_start3A_216] : memref<10112x128xf32, #tpu.memory_space<vmem_shared>> -> memref<64x128xf32, #tpu.memory_space<vmem_shared>>
      tpu.enqueue_dma source(%dma_start3A_217 : memref<64x128xf32, #tpu.memory_space<vmem_shared>>) target(%dma_start3A_215 : memref<64x128xf32, #tpu.memory_space<hbm>>) target_semaphore(%run_scoped3A : memref<!tpu.dma_semaphore, #tpu.memory_space<semaphore_mem>>)
      %dma_wait3A_218 = arith.constant 0 : i32
      %dma_wait3A_219 = tpu.memref_slice %arg6[%arg0, %add3A_204, %dma_wait3A_218] : memref<2x10112x128xf32, #tpu.memory_space<hbm>> -> memref<1x64x128xf32, #tpu.memory_space<hbm>>
      %dma_wait3A_220 = tpu.memref_squeeze %dma_wait3A_219 : memref<1x64x128xf32, #tpu.memory_space<hbm>> -> memref<64x128xf32, #tpu.memory_space<hbm>>
      %dma_wait3A_221 = arith.constant 0 : i32
      %dma_wait3A_222 = tpu.memref_slice %arg20[%add3A_200, %dma_wait3A_221] : memref<10112x128xf32, #tpu.memory_space<vmem_shared>> -> memref<64x128xf32, #tpu.memory_space<vmem_shared>>
      tpu.wait_dma2 semaphore(%run_scoped3A : memref<!tpu.dma_semaphore, #tpu.memory_space<semaphore_mem>>) src(%dma_wait3A_222 : memref<64x128xf32, #tpu.memory_space<vmem_shared>>) dst(%dma_wait3A_220 : memref<64x128xf32, #tpu.memory_space<hbm>>)
      tpu.yield
    }) : () -> ()
    %mul3A_205 = arith.constant 632 : i32
    %mul3A_206 = arith.muli %arg1, %mul3A_205 : i32
    %add3A_207 = arith.constant 576 : i32
    %add3A_208 = arith.addi %mul3A_206, %add3A_207 : i32
    %mul3A_209 = arith.constant 632 : i32
    %mul3A_210 = arith.muli %arg1, %mul3A_209 : i32
    %add3A_211 = arith.constant 576 : i32
    %add3A_212 = arith.addi %mul3A_210, %add3A_211 : i32
    "tpu.region"() ({
      %run_scoped3A = tpu.sem_alloc : memref<!tpu.dma_semaphore, #tpu.memory_space<semaphore_mem>>
      %dma_start3A_213 = arith.constant 0 : i32
      %dma_start3A_214 = tpu.memref_slice %arg6[%arg0, %add3A_212, %dma_start3A_213] : memref<2x10112x128xf32, #tpu.memory_space<hbm>> -> memref<1x56x128xf32, #tpu.memory_space<hbm>>
      %dma_start3A_215 = tpu.memref_squeeze %dma_start3A_214 : memref<1x56x128xf32, #tpu.memory_space<hbm>> -> memref<56x128xf32, #tpu.memory_space<hbm>>
      %dma_start3A_216 = arith.constant 0 : i32
      %dma_start3A_217 = tpu.memref_slice %arg20[%add3A_208, %dma_start3A_216] : memref<10112x128xf32, #tpu.memory_space<vmem_shared>> -> memref<56x128xf32, #tpu.memory_space<vmem_shared>>
      tpu.enqueue_dma source(%dma_start3A_217 : memref<56x128xf32, #tpu.memory_space<vmem_shared>>) target(%dma_start3A_215 : memref<56x128xf32, #tpu.memory_space<hbm>>) target_semaphore(%run_scoped3A : memref<!tpu.dma_semaphore, #tpu.memory_space<semaphore_mem>>)
      %dma_wait3A_218 = arith.constant 0 : i32
      %dma_wait3A_219 = tpu.memref_slice %arg6[%arg0, %add3A_212, %dma_wait3A_218] : memref<2x10112x128xf32, #tpu.memory_space<hbm>> -> memref<1x56x128xf32, #tpu.memory_space<hbm>>
      %dma_wait3A_220 = tpu.memref_squeeze %dma_wait3A_219 : memref<1x56x128xf32, #tpu.memory_space<hbm>> -> memref<56x128xf32, #tpu.memory_space<hbm>>
      %dma_wait3A_221 = arith.constant 0 : i32
      %dma_wait3A_222 = tpu.memref_slice %arg20[%add3A_208, %dma_wait3A_221] : memref<10112x128xf32, #tpu.memory_space<vmem_shared>> -> memref<56x128xf32, #tpu.memory_space<vmem_shared>>
      tpu.wait_dma2 semaphore(%run_scoped3A : memref<!tpu.dma_semaphore, #tpu.memory_space<semaphore_mem>>) src(%dma_wait3A_222 : memref<56x128xf32, #tpu.memory_space<vmem_shared>>) dst(%dma_wait3A_220 : memref<56x128xf32, #tpu.memory_space<hbm>>)
      tpu.yield
    }) : () -> ()
    return
  }
}

#map = affine_map<(d0, d1) -> (0, 0)>
#map1 = affine_map<(d0, d1) -> (0)>
#map2 = affine_map<(d0, d1) -> (0, 0, 0)>
module attributes {stable_mosaic.version = 14 : i64} {
  func.func @_sc_edge1_body(%arg0: i32, %arg1: i32, %arg2: memref<10112x128xf32, #tpu.memory_space<hbm>>, %arg3: memref<10112x128xf32, #tpu.memory_space<hbm>>, %arg4: memref<64xf32, #tpu.memory_space<hbm>>, %arg5: memref<335872xi32, #tpu.memory_space<hbm>>, %arg6: memref<2x10112x128xf32, #tpu.memory_space<hbm>>, %arg7: memref<64xi32, #tpu.memory_space<vmem>>, %arg8: memref<64xi32, #tpu.memory_space<vmem>>, %arg9: memref<64xi32, #tpu.memory_space<vmem>>, %arg10: memref<64xi32, #tpu.memory_space<vmem>>, %arg11: memref<64xi32, #tpu.memory_space<vmem>>, %arg12: memref<64xi32, #tpu.memory_space<vmem>>, %arg13: memref<64x128xf32, #tpu.memory_space<vmem>>, %arg14: memref<64x128xf32, #tpu.memory_space<vmem>>, %arg15: memref<64x128xf32, #tpu.memory_space<vmem>>, %arg16: memref<64x128xf32, #tpu.memory_space<vmem>>, %arg17: memref<64x128xf32, #tpu.memory_space<vmem>>, %arg18: memref<64x128xf32, #tpu.memory_space<vmem>>, %arg19: memref<64xf32, #tpu.memory_space<vmem>>, %arg20: memref<10112x128xf32, #tpu.memory_space<vmem_shared>>, %arg21: memref<!tpu.dma_semaphore, #tpu.memory_space<semaphore_mem>>, %arg22: memref<!tpu.dma_semaphore, #tpu.memory_space<semaphore_mem>>, %arg23: memref<!tpu.dma_semaphore, #tpu.memory_space<semaphore_mem>>, %arg24: memref<!tpu.dma_semaphore, #tpu.memory_space<semaphore_mem>>, %arg25: memref<!tpu.dma_semaphore, #tpu.memory_space<semaphore_mem>>, %arg26: memref<!tpu.dma_semaphore, #tpu.memory_space<semaphore_mem>>) attributes {dimension_semantics = [#tpu.dimension_semantics<core_parallel>, #tpu.dimension_semantics<subcore_parallel>], iteration_bounds = array<i64: 2, 16>, scalar_prefetch = 0 : i64, scratch_operands = 20 : i64, tpu.core_type = #tpu.core_type<sc_vector_subcore>, window_params = [{transform_indices = #map}, {transform_indices = #map}, {transform_indices = #map1}, {transform_indices = #map1}, {transform_indices = #map2}]} {
    %mul3A = arith.constant 16 : i32
    %mul3A_0 = arith.muli %arg0, %mul3A : i32
    %add3A = arith.addi %mul3A_0, %arg1 : i32
    %broadcast_in_dim3A = arith.constant 0.000000e+00 : f32
    %broadcast_in_dim3A_1 = vector.broadcast %broadcast_in_dim3A : f32 to vector<16xf32>
    %scan3A = arith.constant 0 : i32
    %scan3A_2 = arith.constant 0 : i32
    %scan3A_3 = arith.constant 64 : i32
    %scan3A_4 = arith.addi %scan3A_2, %scan3A_3 : i32
    %scan3A_5 = arith.constant 1 : i32
    %scan3A_6 = scf.for %scan3A_213 = %scan3A_2 to %scan3A_4 step %scan3A_5 iter_args(%scan3A_214 = %scan3A) -> (i32)  : i32 {
      %swap3A_215 = arith.index_cast %scan3A_213 : i32 to index
      %swap3A_216 = arith.constant 0 : index
      %swap3A_217 = tpu.vector_load %arg17[%swap3A_215, %swap3A_216] {strides = array<i32>} : memref<64x128xf32, #tpu.memory_space<vmem>>, vector<1x16xf32>,
      %swap3A_218 = vector.shape_cast %swap3A_217 : vector<1x16xf32> to vector<16xf32>
      %swap3A_219 = vector.shape_cast %broadcast_in_dim3A_1 : vector<16xf32> to vector<1x16xf32>
      tpu.vector_store %arg17[%swap3A_215, %swap3A_216], %swap3A_219 {strides = array<i32>} : memref<64x128xf32, #tpu.memory_space<vmem>>, vector<1x16xf32>,
      %swap3A_220 = arith.index_cast %scan3A_213 : i32 to index
      %swap3A_221 = arith.constant 0 : index
      %swap3A_222 = tpu.vector_load %arg18[%swap3A_220, %swap3A_221] {strides = array<i32>} : memref<64x128xf32, #tpu.memory_space<vmem>>, vector<1x16xf32>,
      %swap3A_223 = vector.shape_cast %swap3A_222 : vector<1x16xf32> to vector<16xf32>
      %swap3A_224 = vector.shape_cast %broadcast_in_dim3A_1 : vector<16xf32> to vector<1x16xf32>
      tpu.vector_store %arg18[%swap3A_220, %swap3A_221], %swap3A_224 {strides = array<i32>} : memref<64x128xf32, #tpu.memory_space<vmem>>, vector<1x16xf32>,
      %swap3A_225 = arith.index_cast %scan3A_213 : i32 to index
      %swap3A_226 = arith.constant 16 : index
      %swap3A_227 = tpu.vector_load %arg17[%swap3A_225, %swap3A_226] {strides = array<i32>} : memref<64x128xf32, #tpu.memory_space<vmem>>, vector<1x16xf32>,
      %swap3A_228 = vector.shape_cast %swap3A_227 : vector<1x16xf32> to vector<16xf32>
      %swap3A_229 = vector.shape_cast %broadcast_in_dim3A_1 : vector<16xf32> to vector<1x16xf32>
      tpu.vector_store %arg17[%swap3A_225, %swap3A_226], %swap3A_229 {strides = array<i32>} : memref<64x128xf32, #tpu.memory_space<vmem>>, vector<1x16xf32>,
      %swap3A_230 = arith.index_cast %scan3A_213 : i32 to index
      %swap3A_231 = arith.constant 16 : index
      %swap3A_232 = tpu.vector_load %arg18[%swap3A_230, %swap3A_231] {strides = array<i32>} : memref<64x128xf32, #tpu.memory_space<vmem>>, vector<1x16xf32>,
      %swap3A_233 = vector.shape_cast %swap3A_232 : vector<1x16xf32> to vector<16xf32>
      %swap3A_234 = vector.shape_cast %broadcast_in_dim3A_1 : vector<16xf32> to vector<1x16xf32>
      tpu.vector_store %arg18[%swap3A_230, %swap3A_231], %swap3A_234 {strides = array<i32>} : memref<64x128xf32, #tpu.memory_space<vmem>>, vector<1x16xf32>,
      %swap3A_235 = arith.index_cast %scan3A_213 : i32 to index
      %swap3A_236 = arith.constant 32 : index
      %swap3A_237 = tpu.vector_load %arg17[%swap3A_235, %swap3A_236] {strides = array<i32>} : memref<64x128xf32, #tpu.memory_space<vmem>>, vector<1x16xf32>,
      %swap3A_238 = vector.shape_cast %swap3A_237 : vector<1x16xf32> to vector<16xf32>
      %swap3A_239 = vector.shape_cast %broadcast_in_dim3A_1 : vector<16xf32> to vector<1x16xf32>
      tpu.vector_store %arg17[%swap3A_235, %swap3A_236], %swap3A_239 {strides = array<i32>} : memref<64x128xf32, #tpu.memory_space<vmem>>, vector<1x16xf32>,
      %swap3A_240 = arith.index_cast %scan3A_213 : i32 to index
      %swap3A_241 = arith.constant 32 : index
      %swap3A_242 = tpu.vector_load %arg18[%swap3A_240, %swap3A_241] {strides = array<i32>} : memref<64x128xf32, #tpu.memory_space<vmem>>, vector<1x16xf32>,
      %swap3A_243 = vector.shape_cast %swap3A_242 : vector<1x16xf32> to vector<16xf32>
      %swap3A_244 = vector.shape_cast %broadcast_in_dim3A_1 : vector<16xf32> to vector<1x16xf32>
      tpu.vector_store %arg18[%swap3A_240, %swap3A_241], %swap3A_244 {strides = array<i32>} : memref<64x128xf32, #tpu.memory_space<vmem>>, vector<1x16xf32>,
      %swap3A_245 = arith.index_cast %scan3A_213 : i32 to index
      %swap3A_246 = arith.constant 48 : index
      %swap3A_247 = tpu.vector_load %arg17[%swap3A_245, %swap3A_246] {strides = array<i32>} : memref<64x128xf32, #tpu.memory_space<vmem>>, vector<1x16xf32>,
      %swap3A_248 = vector.shape_cast %swap3A_247 : vector<1x16xf32> to vector<16xf32>
      %swap3A_249 = vector.shape_cast %broadcast_in_dim3A_1 : vector<16xf32> to vector<1x16xf32>
      tpu.vector_store %arg17[%swap3A_245, %swap3A_246], %swap3A_249 {strides = array<i32>} : memref<64x128xf32, #tpu.memory_space<vmem>>, vector<1x16xf32>,
      %swap3A_250 = arith.index_cast %scan3A_213 : i32 to index
      %swap3A_251 = arith.constant 48 : index
      %swap3A_252 = tpu.vector_load %arg18[%swap3A_250, %swap3A_251] {strides = array<i32>} : memref<64x128xf32, #tpu.memory_space<vmem>>, vector<1x16xf32>,
      %swap3A_253 = vector.shape_cast %swap3A_252 : vector<1x16xf32> to vector<16xf32>
      %swap3A_254 = vector.shape_cast %broadcast_in_dim3A_1 : vector<16xf32> to vector<1x16xf32>
      tpu.vector_store %arg18[%swap3A_250, %swap3A_251], %swap3A_254 {strides = array<i32>} : memref<64x128xf32, #tpu.memory_space<vmem>>, vector<1x16xf32>,
      %swap3A_255 = arith.index_cast %scan3A_213 : i32 to index
      %swap3A_256 = arith.constant 64 : index
      %swap3A_257 = tpu.vector_load %arg17[%swap3A_255, %swap3A_256] {strides = array<i32>} : memref<64x128xf32, #tpu.memory_space<vmem>>, vector<1x16xf32>,
      %swap3A_258 = vector.shape_cast %swap3A_257 : vector<1x16xf32> to vector<16xf32>
      %swap3A_259 = vector.shape_cast %broadcast_in_dim3A_1 : vector<16xf32> to vector<1x16xf32>
      tpu.vector_store %arg17[%swap3A_255, %swap3A_256], %swap3A_259 {strides = array<i32>} : memref<64x128xf32, #tpu.memory_space<vmem>>, vector<1x16xf32>,
      %swap3A_260 = arith.index_cast %scan3A_213 : i32 to index
      %swap3A_261 = arith.constant 64 : index
      %swap3A_262 = tpu.vector_load %arg18[%swap3A_260, %swap3A_261] {strides = array<i32>} : memref<64x128xf32, #tpu.memory_space<vmem>>, vector<1x16xf32>,
      %swap3A_263 = vector.shape_cast %swap3A_262 : vector<1x16xf32> to vector<16xf32>
      %swap3A_264 = vector.shape_cast %broadcast_in_dim3A_1 : vector<16xf32> to vector<1x16xf32>
      tpu.vector_store %arg18[%swap3A_260, %swap3A_261], %swap3A_264 {strides = array<i32>} : memref<64x128xf32, #tpu.memory_space<vmem>>, vector<1x16xf32>,
      %swap3A_265 = arith.index_cast %scan3A_213 : i32 to index
      %swap3A_266 = arith.constant 80 : index
      %swap3A_267 = tpu.vector_load %arg17[%swap3A_265, %swap3A_266] {strides = array<i32>} : memref<64x128xf32, #tpu.memory_space<vmem>>, vector<1x16xf32>,
      %swap3A_268 = vector.shape_cast %swap3A_267 : vector<1x16xf32> to vector<16xf32>
      %swap3A_269 = vector.shape_cast %broadcast_in_dim3A_1 : vector<16xf32> to vector<1x16xf32>
      tpu.vector_store %arg17[%swap3A_265, %swap3A_266], %swap3A_269 {strides = array<i32>} : memref<64x128xf32, #tpu.memory_space<vmem>>, vector<1x16xf32>,
      %swap3A_270 = arith.index_cast %scan3A_213 : i32 to index
      %swap3A_271 = arith.constant 80 : index
      %swap3A_272 = tpu.vector_load %arg18[%swap3A_270, %swap3A_271] {strides = array<i32>} : memref<64x128xf32, #tpu.memory_space<vmem>>, vector<1x16xf32>,
      %swap3A_273 = vector.shape_cast %swap3A_272 : vector<1x16xf32> to vector<16xf32>
      %swap3A_274 = vector.shape_cast %broadcast_in_dim3A_1 : vector<16xf32> to vector<1x16xf32>
      tpu.vector_store %arg18[%swap3A_270, %swap3A_271], %swap3A_274 {strides = array<i32>} : memref<64x128xf32, #tpu.memory_space<vmem>>, vector<1x16xf32>,
      %swap3A_275 = arith.index_cast %scan3A_213 : i32 to index
      %swap3A_276 = arith.constant 96 : index
      %swap3A_277 = tpu.vector_load %arg17[%swap3A_275, %swap3A_276] {strides = array<i32>} : memref<64x128xf32, #tpu.memory_space<vmem>>, vector<1x16xf32>,
      %swap3A_278 = vector.shape_cast %swap3A_277 : vector<1x16xf32> to vector<16xf32>
      %swap3A_279 = vector.shape_cast %broadcast_in_dim3A_1 : vector<16xf32> to vector<1x16xf32>
      tpu.vector_store %arg17[%swap3A_275, %swap3A_276], %swap3A_279 {strides = array<i32>} : memref<64x128xf32, #tpu.memory_space<vmem>>, vector<1x16xf32>,
      %swap3A_280 = arith.index_cast %scan3A_213 : i32 to index
      %swap3A_281 = arith.constant 96 : index
      %swap3A_282 = tpu.vector_load %arg18[%swap3A_280, %swap3A_281] {strides = array<i32>} : memref<64x128xf32, #tpu.memory_space<vmem>>, vector<1x16xf32>,
      %swap3A_283 = vector.shape_cast %swap3A_282 : vector<1x16xf32> to vector<16xf32>
      %swap3A_284 = vector.shape_cast %broadcast_in_dim3A_1 : vector<16xf32> to vector<1x16xf32>
      tpu.vector_store %arg18[%swap3A_280, %swap3A_281], %swap3A_284 {strides = array<i32>} : memref<64x128xf32, #tpu.memory_space<vmem>>, vector<1x16xf32>,
      %swap3A_285 = arith.index_cast %scan3A_213 : i32 to index
      %swap3A_286 = arith.constant 112 : index
      %swap3A_287 = tpu.vector_load %arg17[%swap3A_285, %swap3A_286] {strides = array<i32>} : memref<64x128xf32, #tpu.memory_space<vmem>>, vector<1x16xf32>,
      %swap3A_288 = vector.shape_cast %swap3A_287 : vector<1x16xf32> to vector<16xf32>
      %swap3A_289 = vector.shape_cast %broadcast_in_dim3A_1 : vector<16xf32> to vector<1x16xf32>
      tpu.vector_store %arg17[%swap3A_285, %swap3A_286], %swap3A_289 {strides = array<i32>} : memref<64x128xf32, #tpu.memory_space<vmem>>, vector<1x16xf32>,
      %swap3A_290 = arith.index_cast %scan3A_213 : i32 to index
      %swap3A_291 = arith.constant 112 : index
      %swap3A_292 = tpu.vector_load %arg18[%swap3A_290, %swap3A_291] {strides = array<i32>} : memref<64x128xf32, #tpu.memory_space<vmem>>, vector<1x16xf32>,
      %swap3A_293 = vector.shape_cast %swap3A_292 : vector<1x16xf32> to vector<16xf32>
      %swap3A_294 = vector.shape_cast %broadcast_in_dim3A_1 : vector<16xf32> to vector<1x16xf32>
      tpu.vector_store %arg18[%swap3A_290, %swap3A_291], %swap3A_294 {strides = array<i32>} : memref<64x128xf32, #tpu.memory_space<vmem>>, vector<1x16xf32>,
      %scan3A_295 = arith.constant 0 : i32
      scf.yield %scan3A_295 : i32
    }
    %scan3A_7 = arith.constant 64 : i32
    %mul3A_8 = arith.constant 632 : i32
    %mul3A_9 = arith.muli %arg1, %mul3A_8 : i32
    %add3A_10 = arith.constant 0 : i32
    %add3A_11 = arith.addi %mul3A_9, %add3A_10 : i32
    "tpu.region"() ({
      %run_scoped3A = tpu.sem_alloc : memref<!tpu.dma_semaphore, #tpu.memory_space<semaphore_mem>>
      %dma_start3A_213 = arith.constant 0 : i32
      %dma_start3A_214 = tpu.memref_slice %arg20[%add3A_11, %dma_start3A_213] : memref<10112x128xf32, #tpu.memory_space<vmem_shared>> -> memref<64x128xf32, #tpu.memory_space<vmem_shared>>
      %dma_start3A_215 = arith.constant 0 : i32
      %dma_start3A_216 = tpu.memref_slice %arg20[%add3A_11, %dma_start3A_215] : memref<10112x128xf32, #tpu.memory_space<vmem_shared>> -> memref<64x128xf32, #tpu.memory_space<vmem_shared>>
      tpu.enqueue_dma source(%arg17 : memref<64x128xf32, #tpu.memory_space<vmem>>) target(%dma_start3A_216 : memref<64x128xf32, #tpu.memory_space<vmem_shared>>) target_semaphore(%run_scoped3A : memref<!tpu.dma_semaphore, #tpu.memory_space<semaphore_mem>>)
      %dma_wait3A_217 = arith.constant 0 : i32
      %dma_wait3A_218 = tpu.memref_slice %arg20[%add3A_11, %dma_wait3A_217] : memref<10112x128xf32, #tpu.memory_space<vmem_shared>> -> memref<64x128xf32, #tpu.memory_space<vmem_shared>>
      %dma_wait3A_219 = arith.constant 0 : i32
      %dma_wait3A_220 = tpu.memref_slice %arg20[%add3A_11, %dma_wait3A_219] : memref<10112x128xf32, #tpu.memory_space<vmem_shared>> -> memref<64x128xf32, #tpu.memory_space<vmem_shared>>
      tpu.wait_dma2 semaphore(%run_scoped3A : memref<!tpu.dma_semaphore, #tpu.memory_space<semaphore_mem>>) src(%arg17 : memref<64x128xf32, #tpu.memory_space<vmem>>) dst(%dma_wait3A_220 : memref<64x128xf32, #tpu.memory_space<vmem_shared>>)
      tpu.yield
    }) : () -> ()
    %mul3A_12 = arith.constant 632 : i32
    %mul3A_13 = arith.muli %arg1, %mul3A_12 : i32
    %add3A_14 = arith.constant 64 : i32
    %add3A_15 = arith.addi %mul3A_13, %add3A_14 : i32
    "tpu.region"() ({
      %run_scoped3A = tpu.sem_alloc : memref<!tpu.dma_semaphore, #tpu.memory_space<semaphore_mem>>
      %dma_start3A_213 = arith.constant 0 : i32
      %dma_start3A_214 = tpu.memref_slice %arg20[%add3A_15, %dma_start3A_213] : memref<10112x128xf32, #tpu.memory_space<vmem_shared>> -> memref<64x128xf32, #tpu.memory_space<vmem_shared>>
      %dma_start3A_215 = arith.constant 0 : i32
      %dma_start3A_216 = tpu.memref_slice %arg20[%add3A_15, %dma_start3A_215] : memref<10112x128xf32, #tpu.memory_space<vmem_shared>> -> memref<64x128xf32, #tpu.memory_space<vmem_shared>>
      tpu.enqueue_dma source(%arg17 : memref<64x128xf32, #tpu.memory_space<vmem>>) target(%dma_start3A_216 : memref<64x128xf32, #tpu.memory_space<vmem_shared>>) target_semaphore(%run_scoped3A : memref<!tpu.dma_semaphore, #tpu.memory_space<semaphore_mem>>)
      %dma_wait3A_217 = arith.constant 0 : i32
      %dma_wait3A_218 = tpu.memref_slice %arg20[%add3A_15, %dma_wait3A_217] : memref<10112x128xf32, #tpu.memory_space<vmem_shared>> -> memref<64x128xf32, #tpu.memory_space<vmem_shared>>
      %dma_wait3A_219 = arith.constant 0 : i32
      %dma_wait3A_220 = tpu.memref_slice %arg20[%add3A_15, %dma_wait3A_219] : memref<10112x128xf32, #tpu.memory_space<vmem_shared>> -> memref<64x128xf32, #tpu.memory_space<vmem_shared>>
      tpu.wait_dma2 semaphore(%run_scoped3A : memref<!tpu.dma_semaphore, #tpu.memory_space<semaphore_mem>>) src(%arg17 : memref<64x128xf32, #tpu.memory_space<vmem>>) dst(%dma_wait3A_220 : memref<64x128xf32, #tpu.memory_space<vmem_shared>>)
      tpu.yield
    }) : () -> ()
    %mul3A_16 = arith.constant 632 : i32
    %mul3A_17 = arith.muli %arg1, %mul3A_16 : i32
    %add3A_18 = arith.constant 128 : i32
    %add3A_19 = arith.addi %mul3A_17, %add3A_18 : i32
    "tpu.region"() ({
      %run_scoped3A = tpu.sem_alloc : memref<!tpu.dma_semaphore, #tpu.memory_space<semaphore_mem>>
      %dma_start3A_213 = arith.constant 0 : i32
      %dma_start3A_214 = tpu.memref_slice %arg20[%add3A_19, %dma_start3A_213] : memref<10112x128xf32, #tpu.memory_space<vmem_shared>> -> memref<64x128xf32, #tpu.memory_space<vmem_shared>>
      %dma_start3A_215 = arith.constant 0 : i32
      %dma_start3A_216 = tpu.memref_slice %arg20[%add3A_19, %dma_start3A_215] : memref<10112x128xf32, #tpu.memory_space<vmem_shared>> -> memref<64x128xf32, #tpu.memory_space<vmem_shared>>
      tpu.enqueue_dma source(%arg17 : memref<64x128xf32, #tpu.memory_space<vmem>>) target(%dma_start3A_216 : memref<64x128xf32, #tpu.memory_space<vmem_shared>>) target_semaphore(%run_scoped3A : memref<!tpu.dma_semaphore, #tpu.memory_space<semaphore_mem>>)
      %dma_wait3A_217 = arith.constant 0 : i32
      %dma_wait3A_218 = tpu.memref_slice %arg20[%add3A_19, %dma_wait3A_217] : memref<10112x128xf32, #tpu.memory_space<vmem_shared>> -> memref<64x128xf32, #tpu.memory_space<vmem_shared>>
      %dma_wait3A_219 = arith.constant 0 : i32
      %dma_wait3A_220 = tpu.memref_slice %arg20[%add3A_19, %dma_wait3A_219] : memref<10112x128xf32, #tpu.memory_space<vmem_shared>> -> memref<64x128xf32, #tpu.memory_space<vmem_shared>>
      tpu.wait_dma2 semaphore(%run_scoped3A : memref<!tpu.dma_semaphore, #tpu.memory_space<semaphore_mem>>) src(%arg17 : memref<64x128xf32, #tpu.memory_space<vmem>>) dst(%dma_wait3A_220 : memref<64x128xf32, #tpu.memory_space<vmem_shared>>)
      tpu.yield
    }) : () -> ()
    %mul3A_20 = arith.constant 632 : i32
    %mul3A_21 = arith.muli %arg1, %mul3A_20 : i32
    %add3A_22 = arith.constant 192 : i32
    %add3A_23 = arith.addi %mul3A_21, %add3A_22 : i32
    "tpu.region"() ({
      %run_scoped3A = tpu.sem_alloc : memref<!tpu.dma_semaphore, #tpu.memory_space<semaphore_mem>>
      %dma_start3A_213 = arith.constant 0 : i32
      %dma_start3A_214 = tpu.memref_slice %arg20[%add3A_23, %dma_start3A_213] : memref<10112x128xf32, #tpu.memory_space<vmem_shared>> -> memref<64x128xf32, #tpu.memory_space<vmem_shared>>
      %dma_start3A_215 = arith.constant 0 : i32
      %dma_start3A_216 = tpu.memref_slice %arg20[%add3A_23, %dma_start3A_215] : memref<10112x128xf32, #tpu.memory_space<vmem_shared>> -> memref<64x128xf32, #tpu.memory_space<vmem_shared>>
      tpu.enqueue_dma source(%arg17 : memref<64x128xf32, #tpu.memory_space<vmem>>) target(%dma_start3A_216 : memref<64x128xf32, #tpu.memory_space<vmem_shared>>) target_semaphore(%run_scoped3A : memref<!tpu.dma_semaphore, #tpu.memory_space<semaphore_mem>>)
      %dma_wait3A_217 = arith.constant 0 : i32
      %dma_wait3A_218 = tpu.memref_slice %arg20[%add3A_23, %dma_wait3A_217] : memref<10112x128xf32, #tpu.memory_space<vmem_shared>> -> memref<64x128xf32, #tpu.memory_space<vmem_shared>>
      %dma_wait3A_219 = arith.constant 0 : i32
      %dma_wait3A_220 = tpu.memref_slice %arg20[%add3A_23, %dma_wait3A_219] : memref<10112x128xf32, #tpu.memory_space<vmem_shared>> -> memref<64x128xf32, #tpu.memory_space<vmem_shared>>
      tpu.wait_dma2 semaphore(%run_scoped3A : memref<!tpu.dma_semaphore, #tpu.memory_space<semaphore_mem>>) src(%arg17 : memref<64x128xf32, #tpu.memory_space<vmem>>) dst(%dma_wait3A_220 : memref<64x128xf32, #tpu.memory_space<vmem_shared>>)
      tpu.yield
    }) : () -> ()
    %mul3A_24 = arith.constant 632 : i32
    %mul3A_25 = arith.muli %arg1, %mul3A_24 : i32
    %add3A_26 = arith.constant 256 : i32
    %add3A_27 = arith.addi %mul3A_25, %add3A_26 : i32
    "tpu.region"() ({
      %run_scoped3A = tpu.sem_alloc : memref<!tpu.dma_semaphore, #tpu.memory_space<semaphore_mem>>
      %dma_start3A_213 = arith.constant 0 : i32
      %dma_start3A_214 = tpu.memref_slice %arg20[%add3A_27, %dma_start3A_213] : memref<10112x128xf32, #tpu.memory_space<vmem_shared>> -> memref<64x128xf32, #tpu.memory_space<vmem_shared>>
      %dma_start3A_215 = arith.constant 0 : i32
      %dma_start3A_216 = tpu.memref_slice %arg20[%add3A_27, %dma_start3A_215] : memref<10112x128xf32, #tpu.memory_space<vmem_shared>> -> memref<64x128xf32, #tpu.memory_space<vmem_shared>>
      tpu.enqueue_dma source(%arg17 : memref<64x128xf32, #tpu.memory_space<vmem>>) target(%dma_start3A_216 : memref<64x128xf32, #tpu.memory_space<vmem_shared>>) target_semaphore(%run_scoped3A : memref<!tpu.dma_semaphore, #tpu.memory_space<semaphore_mem>>)
      %dma_wait3A_217 = arith.constant 0 : i32
      %dma_wait3A_218 = tpu.memref_slice %arg20[%add3A_27, %dma_wait3A_217] : memref<10112x128xf32, #tpu.memory_space<vmem_shared>> -> memref<64x128xf32, #tpu.memory_space<vmem_shared>>
      %dma_wait3A_219 = arith.constant 0 : i32
      %dma_wait3A_220 = tpu.memref_slice %arg20[%add3A_27, %dma_wait3A_219] : memref<10112x128xf32, #tpu.memory_space<vmem_shared>> -> memref<64x128xf32, #tpu.memory_space<vmem_shared>>
      tpu.wait_dma2 semaphore(%run_scoped3A : memref<!tpu.dma_semaphore, #tpu.memory_space<semaphore_mem>>) src(%arg17 : memref<64x128xf32, #tpu.memory_space<vmem>>) dst(%dma_wait3A_220 : memref<64x128xf32, #tpu.memory_space<vmem_shared>>)
      tpu.yield
    }) : () -> ()
    %mul3A_28 = arith.constant 632 : i32
    %mul3A_29 = arith.muli %arg1, %mul3A_28 : i32
    %add3A_30 = arith.constant 320 : i32
    %add3A_31 = arith.addi %mul3A_29, %add3A_30 : i32
    "tpu.region"() ({
      %run_scoped3A = tpu.sem_alloc : memref<!tpu.dma_semaphore, #tpu.memory_space<semaphore_mem>>
      %dma_start3A_213 = arith.constant 0 : i32
      %dma_start3A_214 = tpu.memref_slice %arg20[%add3A_31, %dma_start3A_213] : memref<10112x128xf32, #tpu.memory_space<vmem_shared>> -> memref<64x128xf32, #tpu.memory_space<vmem_shared>>
      %dma_start3A_215 = arith.constant 0 : i32
      %dma_start3A_216 = tpu.memref_slice %arg20[%add3A_31, %dma_start3A_215] : memref<10112x128xf32, #tpu.memory_space<vmem_shared>> -> memref<64x128xf32, #tpu.memory_space<vmem_shared>>
      tpu.enqueue_dma source(%arg17 : memref<64x128xf32, #tpu.memory_space<vmem>>) target(%dma_start3A_216 : memref<64x128xf32, #tpu.memory_space<vmem_shared>>) target_semaphore(%run_scoped3A : memref<!tpu.dma_semaphore, #tpu.memory_space<semaphore_mem>>)
      %dma_wait3A_217 = arith.constant 0 : i32
      %dma_wait3A_218 = tpu.memref_slice %arg20[%add3A_31, %dma_wait3A_217] : memref<10112x128xf32, #tpu.memory_space<vmem_shared>> -> memref<64x128xf32, #tpu.memory_space<vmem_shared>>
      %dma_wait3A_219 = arith.constant 0 : i32
      %dma_wait3A_220 = tpu.memref_slice %arg20[%add3A_31, %dma_wait3A_219] : memref<10112x128xf32, #tpu.memory_space<vmem_shared>> -> memref<64x128xf32, #tpu.memory_space<vmem_shared>>
      tpu.wait_dma2 semaphore(%run_scoped3A : memref<!tpu.dma_semaphore, #tpu.memory_space<semaphore_mem>>) src(%arg17 : memref<64x128xf32, #tpu.memory_space<vmem>>) dst(%dma_wait3A_220 : memref<64x128xf32, #tpu.memory_space<vmem_shared>>)
      tpu.yield
    }) : () -> ()
    %mul3A_32 = arith.constant 632 : i32
    %mul3A_33 = arith.muli %arg1, %mul3A_32 : i32
    %add3A_34 = arith.constant 384 : i32
    %add3A_35 = arith.addi %mul3A_33, %add3A_34 : i32
    "tpu.region"() ({
      %run_scoped3A = tpu.sem_alloc : memref<!tpu.dma_semaphore, #tpu.memory_space<semaphore_mem>>
      %dma_start3A_213 = arith.constant 0 : i32
      %dma_start3A_214 = tpu.memref_slice %arg20[%add3A_35, %dma_start3A_213] : memref<10112x128xf32, #tpu.memory_space<vmem_shared>> -> memref<64x128xf32, #tpu.memory_space<vmem_shared>>
      %dma_start3A_215 = arith.constant 0 : i32
      %dma_start3A_216 = tpu.memref_slice %arg20[%add3A_35, %dma_start3A_215] : memref<10112x128xf32, #tpu.memory_space<vmem_shared>> -> memref<64x128xf32, #tpu.memory_space<vmem_shared>>
      tpu.enqueue_dma source(%arg17 : memref<64x128xf32, #tpu.memory_space<vmem>>) target(%dma_start3A_216 : memref<64x128xf32, #tpu.memory_space<vmem_shared>>) target_semaphore(%run_scoped3A : memref<!tpu.dma_semaphore, #tpu.memory_space<semaphore_mem>>)
      %dma_wait3A_217 = arith.constant 0 : i32
      %dma_wait3A_218 = tpu.memref_slice %arg20[%add3A_35, %dma_wait3A_217] : memref<10112x128xf32, #tpu.memory_space<vmem_shared>> -> memref<64x128xf32, #tpu.memory_space<vmem_shared>>
      %dma_wait3A_219 = arith.constant 0 : i32
      %dma_wait3A_220 = tpu.memref_slice %arg20[%add3A_35, %dma_wait3A_219] : memref<10112x128xf32, #tpu.memory_space<vmem_shared>> -> memref<64x128xf32, #tpu.memory_space<vmem_shared>>
      tpu.wait_dma2 semaphore(%run_scoped3A : memref<!tpu.dma_semaphore, #tpu.memory_space<semaphore_mem>>) src(%arg17 : memref<64x128xf32, #tpu.memory_space<vmem>>) dst(%dma_wait3A_220 : memref<64x128xf32, #tpu.memory_space<vmem_shared>>)
      tpu.yield
    }) : () -> ()
    %mul3A_36 = arith.constant 632 : i32
    %mul3A_37 = arith.muli %arg1, %mul3A_36 : i32
    %add3A_38 = arith.constant 448 : i32
    %add3A_39 = arith.addi %mul3A_37, %add3A_38 : i32
    "tpu.region"() ({
      %run_scoped3A = tpu.sem_alloc : memref<!tpu.dma_semaphore, #tpu.memory_space<semaphore_mem>>
      %dma_start3A_213 = arith.constant 0 : i32
      %dma_start3A_214 = tpu.memref_slice %arg20[%add3A_39, %dma_start3A_213] : memref<10112x128xf32, #tpu.memory_space<vmem_shared>> -> memref<64x128xf32, #tpu.memory_space<vmem_shared>>
      %dma_start3A_215 = arith.constant 0 : i32
      %dma_start3A_216 = tpu.memref_slice %arg20[%add3A_39, %dma_start3A_215] : memref<10112x128xf32, #tpu.memory_space<vmem_shared>> -> memref<64x128xf32, #tpu.memory_space<vmem_shared>>
      tpu.enqueue_dma source(%arg17 : memref<64x128xf32, #tpu.memory_space<vmem>>) target(%dma_start3A_216 : memref<64x128xf32, #tpu.memory_space<vmem_shared>>) target_semaphore(%run_scoped3A : memref<!tpu.dma_semaphore, #tpu.memory_space<semaphore_mem>>)
      %dma_wait3A_217 = arith.constant 0 : i32
      %dma_wait3A_218 = tpu.memref_slice %arg20[%add3A_39, %dma_wait3A_217] : memref<10112x128xf32, #tpu.memory_space<vmem_shared>> -> memref<64x128xf32, #tpu.memory_space<vmem_shared>>
      %dma_wait3A_219 = arith.constant 0 : i32
      %dma_wait3A_220 = tpu.memref_slice %arg20[%add3A_39, %dma_wait3A_219] : memref<10112x128xf32, #tpu.memory_space<vmem_shared>> -> memref<64x128xf32, #tpu.memory_space<vmem_shared>>
      tpu.wait_dma2 semaphore(%run_scoped3A : memref<!tpu.dma_semaphore, #tpu.memory_space<semaphore_mem>>) src(%arg17 : memref<64x128xf32, #tpu.memory_space<vmem>>) dst(%dma_wait3A_220 : memref<64x128xf32, #tpu.memory_space<vmem_shared>>)
      tpu.yield
    }) : () -> ()
    %mul3A_40 = arith.constant 632 : i32
    %mul3A_41 = arith.muli %arg1, %mul3A_40 : i32
    %add3A_42 = arith.constant 512 : i32
    %add3A_43 = arith.addi %mul3A_41, %add3A_42 : i32
    "tpu.region"() ({
      %run_scoped3A = tpu.sem_alloc : memref<!tpu.dma_semaphore, #tpu.memory_space<semaphore_mem>>
      %dma_start3A_213 = arith.constant 0 : i32
      %dma_start3A_214 = tpu.memref_slice %arg20[%add3A_43, %dma_start3A_213] : memref<10112x128xf32, #tpu.memory_space<vmem_shared>> -> memref<64x128xf32, #tpu.memory_space<vmem_shared>>
      %dma_start3A_215 = arith.constant 0 : i32
      %dma_start3A_216 = tpu.memref_slice %arg20[%add3A_43, %dma_start3A_215] : memref<10112x128xf32, #tpu.memory_space<vmem_shared>> -> memref<64x128xf32, #tpu.memory_space<vmem_shared>>
      tpu.enqueue_dma source(%arg17 : memref<64x128xf32, #tpu.memory_space<vmem>>) target(%dma_start3A_216 : memref<64x128xf32, #tpu.memory_space<vmem_shared>>) target_semaphore(%run_scoped3A : memref<!tpu.dma_semaphore, #tpu.memory_space<semaphore_mem>>)
      %dma_wait3A_217 = arith.constant 0 : i32
      %dma_wait3A_218 = tpu.memref_slice %arg20[%add3A_43, %dma_wait3A_217] : memref<10112x128xf32, #tpu.memory_space<vmem_shared>> -> memref<64x128xf32, #tpu.memory_space<vmem_shared>>
      %dma_wait3A_219 = arith.constant 0 : i32
      %dma_wait3A_220 = tpu.memref_slice %arg20[%add3A_43, %dma_wait3A_219] : memref<10112x128xf32, #tpu.memory_space<vmem_shared>> -> memref<64x128xf32, #tpu.memory_space<vmem_shared>>
      tpu.wait_dma2 semaphore(%run_scoped3A : memref<!tpu.dma_semaphore, #tpu.memory_space<semaphore_mem>>) src(%arg17 : memref<64x128xf32, #tpu.memory_space<vmem>>) dst(%dma_wait3A_220 : memref<64x128xf32, #tpu.memory_space<vmem_shared>>)
      tpu.yield
    }) : () -> ()
    %mul3A_44 = arith.constant 632 : i32
    %mul3A_45 = arith.muli %arg1, %mul3A_44 : i32
    %add3A_46 = arith.constant 576 : i32
    %add3A_47 = arith.addi %mul3A_45, %add3A_46 : i32
    "tpu.region"() ({
      %run_scoped3A = tpu.sem_alloc : memref<!tpu.dma_semaphore, #tpu.memory_space<semaphore_mem>>
      %dma_start3A_213 = arith.constant 0 : i32
      %dma_start3A_214 = arith.constant 0 : i32
      %dma_start3A_215 = tpu.memref_slice %arg17[%dma_start3A_213, %dma_start3A_214] : memref<64x128xf32, #tpu.memory_space<vmem>> -> memref<56x128xf32, #tpu.memory_space<vmem>>
      %dma_start3A_216 = arith.constant 0 : i32
      %dma_start3A_217 = tpu.memref_slice %arg20[%add3A_47, %dma_start3A_216] : memref<10112x128xf32, #tpu.memory_space<vmem_shared>> -> memref<56x128xf32, #tpu.memory_space<vmem_shared>>
      %dma_start3A_218 = arith.constant 0 : i32
      %dma_start3A_219 = tpu.memref_slice %arg20[%add3A_47, %dma_start3A_218] : memref<10112x128xf32, #tpu.memory_space<vmem_shared>> -> memref<56x128xf32, #tpu.memory_space<vmem_shared>>
      %dma_start3A_220 = arith.constant 0 : i32
      %dma_start3A_221 = arith.constant 0 : i32
      %dma_start3A_222 = tpu.memref_slice %arg17[%dma_start3A_220, %dma_start3A_221] : memref<64x128xf32, #tpu.memory_space<vmem>> -> memref<56x128xf32, #tpu.memory_space<vmem>>
      tpu.enqueue_dma source(%dma_start3A_222 : memref<56x128xf32, #tpu.memory_space<vmem>>) target(%dma_start3A_219 : memref<56x128xf32, #tpu.memory_space<vmem_shared>>) target_semaphore(%run_scoped3A : memref<!tpu.dma_semaphore, #tpu.memory_space<semaphore_mem>>)
      %dma_wait3A_223 = arith.constant 0 : i32
      %dma_wait3A_224 = arith.constant 0 : i32
      %dma_wait3A_225 = tpu.memref_slice %arg17[%dma_wait3A_223, %dma_wait3A_224] : memref<64x128xf32, #tpu.memory_space<vmem>> -> memref<56x128xf32, #tpu.memory_space<vmem>>
      %dma_wait3A_226 = arith.constant 0 : i32
      %dma_wait3A_227 = tpu.memref_slice %arg20[%add3A_47, %dma_wait3A_226] : memref<10112x128xf32, #tpu.memory_space<vmem_shared>> -> memref<56x128xf32, #tpu.memory_space<vmem_shared>>
      %dma_wait3A_228 = arith.constant 0 : i32
      %dma_wait3A_229 = tpu.memref_slice %arg20[%add3A_47, %dma_wait3A_228] : memref<10112x128xf32, #tpu.memory_space<vmem_shared>> -> memref<56x128xf32, #tpu.memory_space<vmem_shared>>
      %dma_wait3A_230 = arith.constant 0 : i32
      %dma_wait3A_231 = arith.constant 0 : i32
      %dma_wait3A_232 = tpu.memref_slice %arg17[%dma_wait3A_230, %dma_wait3A_231] : memref<64x128xf32, #tpu.memory_space<vmem>> -> memref<56x128xf32, #tpu.memory_space<vmem>>
      tpu.wait_dma2 semaphore(%run_scoped3A : memref<!tpu.dma_semaphore, #tpu.memory_space<semaphore_mem>>) src(%dma_wait3A_232 : memref<56x128xf32, #tpu.memory_space<vmem>>) dst(%dma_wait3A_229 : memref<56x128xf32, #tpu.memory_space<vmem_shared>>)
      tpu.yield
    }) : () -> ()
    "tpu.region"() ({
      %run_scoped3A = tpu.sem_alloc : memref<!tpu.dma_semaphore, #tpu.memory_space<semaphore_mem>>
      tpu.enqueue_dma source(%arg4 : memref<64xf32, #tpu.memory_space<hbm>>) target(%arg19 : memref<64xf32, #tpu.memory_space<vmem>>) target_semaphore(%run_scoped3A : memref<!tpu.dma_semaphore, #tpu.memory_space<semaphore_mem>>)
      tpu.wait_dma2 semaphore(%run_scoped3A : memref<!tpu.dma_semaphore, #tpu.memory_space<semaphore_mem>>) src(%arg4 : memref<64xf32, #tpu.memory_space<hbm>>) dst(%arg19 : memref<64xf32, #tpu.memory_space<vmem>>)
      tpu.yield
    }) : () -> ()
    %barrier3A = arith.constant 0 : index
    tpu.barrier barrier_id(%barrier3A)
    %mul3A_48 = arith.constant 10496 : i32
    %mul3A_49 = arith.muli %add3A, %mul3A_48 : i32
    "tpu.region"() ({
      %run_scoped3A = tpu.sem_alloc : memref<!tpu.dma_semaphore, #tpu.memory_space<semaphore_mem>>
      %dma_start3A_213 = tpu.memref_slice %arg5[%mul3A_49] : memref<335872xi32, #tpu.memory_space<hbm>> -> memref<64xi32, #tpu.memory_space<hbm>>
      %dma_start3A_214 = tpu.memref_slice %arg5[%mul3A_49] : memref<335872xi32, #tpu.memory_space<hbm>> -> memref<64xi32, #tpu.memory_space<hbm>>
      tpu.enqueue_dma source(%dma_start3A_214 : memref<64xi32, #tpu.memory_space<hbm>>) target(%arg7 : memref<64xi32, #tpu.memory_space<vmem>>) target_semaphore(%run_scoped3A : memref<!tpu.dma_semaphore, #tpu.memory_space<semaphore_mem>>)
      %dma_wait3A_215 = tpu.memref_slice %arg5[%mul3A_49] : memref<335872xi32, #tpu.memory_space<hbm>> -> memref<64xi32, #tpu.memory_space<hbm>>
      %dma_wait3A_216 = tpu.memref_slice %arg5[%mul3A_49] : memref<335872xi32, #tpu.memory_space<hbm>> -> memref<64xi32, #tpu.memory_space<hbm>>
      tpu.wait_dma2 semaphore(%run_scoped3A : memref<!tpu.dma_semaphore, #tpu.memory_space<semaphore_mem>>) src(%dma_wait3A_216 : memref<64xi32, #tpu.memory_space<hbm>>) dst(%arg7 : memref<64xi32, #tpu.memory_space<vmem>>)
      tpu.yield
    }) : () -> ()
    %get3A = arith.constant 0 : index
    %get3A_50 = tpu.vector_load %arg7[%get3A] {strides = array<i32>} : memref<64xi32, #tpu.memory_space<vmem>>, vector<16xi32>,
    %get3A_51 = vector.shape_cast %get3A_50 : vector<16xi32> to vector<16xi32>
    %and3A = arith.constant 16383 : i32
    %and3A_52 = vector.broadcast %and3A : i32 to vector<16xi32>
    %and3A_53 = arith.andi %get3A_51, %and3A_52 : vector<16xi32>
    %swap3A = arith.constant 0 : index
    %swap3A_54 = tpu.vector_load %arg9[%swap3A] {strides = array<i32>} : memref<64xi32, #tpu.memory_space<vmem>>, vector<16xi32>,
    %swap3A_55 = vector.shape_cast %swap3A_54 : vector<16xi32> to vector<16xi32>
    %swap3A_56 = vector.shape_cast %and3A_53 : vector<16xi32> to vector<16xi32>
    tpu.vector_store %arg9[%swap3A], %swap3A_56 {strides = array<i32>} : memref<64xi32, #tpu.memory_space<vmem>>, vector<16xi32>,
    %shift_right_arithmetic3A = arith.constant 14 : i32
    %shift_right_arithmetic3A_57 = vector.broadcast %shift_right_arithmetic3A : i32 to vector<16xi32>
    %shift_right_arithmetic3A_58 = arith.shrsi %get3A_51, %shift_right_arithmetic3A_57 : vector<16xi32>
    %swap3A_59 = arith.constant 0 : index
    %swap3A_60 = tpu.vector_load %arg10[%swap3A_59] {strides = array<i32>} : memref<64xi32, #tpu.memory_space<vmem>>, vector<16xi32>,
    %swap3A_61 = vector.shape_cast %swap3A_60 : vector<16xi32> to vector<16xi32>
    %swap3A_62 = vector.shape_cast %shift_right_arithmetic3A_58 : vector<16xi32> to vector<16xi32>
    tpu.vector_store %arg10[%swap3A_59], %swap3A_62 {strides = array<i32>} : memref<64xi32, #tpu.memory_space<vmem>>, vector<16xi32>,
    %get3A_63 = arith.constant 16 : index
    %get3A_64 = tpu.vector_load %arg7[%get3A_63] {strides = array<i32>} : memref<64xi32, #tpu.memory_space<vmem>>, vector<16xi32>,
    %get3A_65 = vector.shape_cast %get3A_64 : vector<16xi32> to vector<16xi32>
    %and3A_66 = arith.constant 16383 : i32
    %and3A_67 = vector.broadcast %and3A_66 : i32 to vector<16xi32>
    %and3A_68 = arith.andi %get3A_65, %and3A_67 : vector<16xi32>
    %swap3A_69 = arith.constant 16 : index
    %swap3A_70 = tpu.vector_load %arg9[%swap3A_69] {strides = array<i32>} : memref<64xi32, #tpu.memory_space<vmem>>, vector<16xi32>,
    %swap3A_71 = vector.shape_cast %swap3A_70 : vector<16xi32> to vector<16xi32>
    %swap3A_72 = vector.shape_cast %and3A_68 : vector<16xi32> to vector<16xi32>
    tpu.vector_store %arg9[%swap3A_69], %swap3A_72 {strides = array<i32>} : memref<64xi32, #tpu.memory_space<vmem>>, vector<16xi32>,
    %shift_right_arithmetic3A_73 = arith.constant 14 : i32
    %shift_right_arithmetic3A_74 = vector.broadcast %shift_right_arithmetic3A_73 : i32 to vector<16xi32>
    %shift_right_arithmetic3A_75 = arith.shrsi %get3A_65, %shift_right_arithmetic3A_74 : vector<16xi32>
    %swap3A_76 = arith.constant 16 : index
    %swap3A_77 = tpu.vector_load %arg10[%swap3A_76] {strides = array<i32>} : memref<64xi32, #tpu.memory_space<vmem>>, vector<16xi32>,
    %swap3A_78 = vector.shape_cast %swap3A_77 : vector<16xi32> to vector<16xi32>
    %swap3A_79 = vector.shape_cast %shift_right_arithmetic3A_75 : vector<16xi32> to vector<16xi32>
    tpu.vector_store %arg10[%swap3A_76], %swap3A_79 {strides = array<i32>} : memref<64xi32, #tpu.memory_space<vmem>>, vector<16xi32>,
    %get3A_80 = arith.constant 32 : index
    %get3A_81 = tpu.vector_load %arg7[%get3A_80] {strides = array<i32>} : memref<64xi32, #tpu.memory_space<vmem>>, vector<16xi32>,
    %get3A_82 = vector.shape_cast %get3A_81 : vector<16xi32> to vector<16xi32>
    %and3A_83 = arith.constant 16383 : i32
    %and3A_84 = vector.broadcast %and3A_83 : i32 to vector<16xi32>
    %and3A_85 = arith.andi %get3A_82, %and3A_84 : vector<16xi32>
    %swap3A_86 = arith.constant 32 : index
    %swap3A_87 = tpu.vector_load %arg9[%swap3A_86] {strides = array<i32>} : memref<64xi32, #tpu.memory_space<vmem>>, vector<16xi32>,
    %swap3A_88 = vector.shape_cast %swap3A_87 : vector<16xi32> to vector<16xi32>
    %swap3A_89 = vector.shape_cast %and3A_85 : vector<16xi32> to vector<16xi32>
    tpu.vector_store %arg9[%swap3A_86], %swap3A_89 {strides = array<i32>} : memref<64xi32, #tpu.memory_space<vmem>>, vector<16xi32>,
    %shift_right_arithmetic3A_90 = arith.constant 14 : i32
    %shift_right_arithmetic3A_91 = vector.broadcast %shift_right_arithmetic3A_90 : i32 to vector<16xi32>
    %shift_right_arithmetic3A_92 = arith.shrsi %get3A_82, %shift_right_arithmetic3A_91 : vector<16xi32>
    %swap3A_93 = arith.constant 32 : index
    %swap3A_94 = tpu.vector_load %arg10[%swap3A_93] {strides = array<i32>} : memref<64xi32, #tpu.memory_space<vmem>>, vector<16xi32>,
    %swap3A_95 = vector.shape_cast %swap3A_94 : vector<16xi32> to vector<16xi32>
    %swap3A_96 = vector.shape_cast %shift_right_arithmetic3A_92 : vector<16xi32> to vector<16xi32>
    tpu.vector_store %arg10[%swap3A_93], %swap3A_96 {strides = array<i32>} : memref<64xi32, #tpu.memory_space<vmem>>, vector<16xi32>,
    %get3A_97 = arith.constant 48 : index
    %get3A_98 = tpu.vector_load %arg7[%get3A_97] {strides = array<i32>} : memref<64xi32, #tpu.memory_space<vmem>>, vector<16xi32>,
    %get3A_99 = vector.shape_cast %get3A_98 : vector<16xi32> to vector<16xi32>
    %and3A_100 = arith.constant 16383 : i32
    %and3A_101 = vector.broadcast %and3A_100 : i32 to vector<16xi32>
    %and3A_102 = arith.andi %get3A_99, %and3A_101 : vector<16xi32>
    %swap3A_103 = arith.constant 48 : index
    %swap3A_104 = tpu.vector_load %arg9[%swap3A_103] {strides = array<i32>} : memref<64xi32, #tpu.memory_space<vmem>>, vector<16xi32>,
    %swap3A_105 = vector.shape_cast %swap3A_104 : vector<16xi32> to vector<16xi32>
    %swap3A_106 = vector.shape_cast %and3A_102 : vector<16xi32> to vector<16xi32>
    tpu.vector_store %arg9[%swap3A_103], %swap3A_106 {strides = array<i32>} : memref<64xi32, #tpu.memory_space<vmem>>, vector<16xi32>,
    %shift_right_arithmetic3A_107 = arith.constant 14 : i32
    %shift_right_arithmetic3A_108 = vector.broadcast %shift_right_arithmetic3A_107 : i32 to vector<16xi32>
    %shift_right_arithmetic3A_109 = arith.shrsi %get3A_99, %shift_right_arithmetic3A_108 : vector<16xi32>
    %swap3A_110 = arith.constant 48 : index
    %swap3A_111 = tpu.vector_load %arg10[%swap3A_110] {strides = array<i32>} : memref<64xi32, #tpu.memory_space<vmem>>, vector<16xi32>,
    %swap3A_112 = vector.shape_cast %swap3A_111 : vector<16xi32> to vector<16xi32>
    %swap3A_113 = vector.shape_cast %shift_right_arithmetic3A_109 : vector<16xi32> to vector<16xi32>
    tpu.vector_store %arg10[%swap3A_110], %swap3A_113 {strides = array<i32>} : memref<64xi32, #tpu.memory_space<vmem>>, vector<16xi32>,
    %dma_start3A = arith.constant 0 : i32
    %dma_start3A_114 = arith.constant 0 : i32
    %dma_start3A_115 = tpu.memref_slice %arg2[%dma_start3A, %dma_start3A_114] : memref<10112x128xf32, #tpu.memory_space<hbm>> -> memref<10112x128xf32, #tpu.memory_space<hbm>>
    tpu.enqueue_indirect_dma source(%dma_start3A_115 : memref<10112x128xf32, #tpu.memory_space<hbm>>) target(%arg13 : memref<64x128xf32, #tpu.memory_space<vmem>>) offsets(%arg9 : memref<64xi32, #tpu.memory_space<vmem>>) semaphore(%arg21 : memref<!tpu.dma_semaphore, #tpu.memory_space<semaphore_mem>>)
    %dma_start3A_116 = arith.constant 0 : i32
    %dma_start3A_117 = arith.constant 0 : i32
    %dma_start3A_118 = tpu.memref_slice %arg3[%dma_start3A_116, %dma_start3A_117] : memref<10112x128xf32, #tpu.memory_space<hbm>> -> memref<10112x128xf32, #tpu.memory_space<hbm>>
    tpu.enqueue_indirect_dma source(%dma_start3A_118 : memref<10112x128xf32, #tpu.memory_space<hbm>>) target(%arg14 : memref<64x128xf32, #tpu.memory_space<vmem>>) offsets(%arg10 : memref<64xi32, #tpu.memory_space<vmem>>) semaphore(%arg21 : memref<!tpu.dma_semaphore, #tpu.memory_space<semaphore_mem>>)
    %add3A_119 = arith.constant 64 : i32
    %add3A_120 = arith.addi %mul3A_49, %add3A_119 : i32
    %dma_start3A_121 = tpu.memref_slice %arg5[%add3A_120] : memref<335872xi32, #tpu.memory_space<hbm>> -> memref<64xi32, #tpu.memory_space<hbm>>
    %dma_start3A_122 = tpu.memref_slice %arg5[%add3A_120] : memref<335872xi32, #tpu.memory_space<hbm>> -> memref<64xi32, #tpu.memory_space<hbm>>
    tpu.enqueue_dma source(%dma_start3A_122 : memref<64xi32, #tpu.memory_space<hbm>>) target(%arg8 : memref<64xi32, #tpu.memory_space<vmem>>) target_semaphore(%arg26 : memref<!tpu.dma_semaphore, #tpu.memory_space<semaphore_mem>>)
    %scan3A_123 = arith.constant 0 : i32
    %scan3A_124 = arith.constant 0 : i32
    %scan3A_125 = arith.constant 82 : i32
    %scan3A_126 = arith.addi %scan3A_124, %scan3A_125 : i32
    %scan3A_127 = arith.constant 1 : i32
    %scan3A_128 = scf.for %scan3A_213 = %scan3A_124 to %scan3A_126 step %scan3A_127 iter_args(%scan3A_214 = %scan3A_123) -> (i32)  : i32 {
      %mul3A_215 = arith.constant 2 : i32
      %mul3A_216 = arith.muli %mul3A_215, %scan3A_213 : i32
      %ge3A = arith.constant 1 : i32
      %ge3A_217 = arith.cmpi sge, %mul3A_216, %ge3A : i32
      %convert_element_type3A = arith.extui %ge3A_217 : i1 to i32
      %cond3A = arith.constant 0 : i32
      %cond3A_218 = arith.cmpi ne, %convert_element_type3A, %cond3A : i32
      scf.if %cond3A_218 {
        %dma_wait3A_288 = arith.constant 0 : i32
        %dma_wait3A_289 = arith.constant 0 : i32
        %dma_wait3A_290 = tpu.memref_slice %arg20[%dma_wait3A_288, %dma_wait3A_289] : memref<10112x128xf32, #tpu.memory_space<vmem_shared>> -> memref<10112x128xf32, #tpu.memory_space<vmem_shared>>
        tpu.wait_indirect_dma semaphore(%arg24 : memref<!tpu.dma_semaphore, #tpu.memory_space<semaphore_mem>>) src(%arg18 : memref<64x128xf32, #tpu.memory_space<vmem>>) dst(%dma_wait3A_290 : memref<10112x128xf32, #tpu.memory_space<vmem_shared>>)
      } else {
      }
      %add3A_219 = arith.constant 1 : i32
      %add3A_220 = arith.addi %mul3A_216, %add3A_219 : i32
      %lt3A = arith.constant 164 : i32
      %lt3A_221 = arith.cmpi slt, %add3A_220, %lt3A : i32
      %convert_element_type3A_222 = arith.extui %lt3A_221 : i1 to i32
      %cond3A_223 = arith.constant 0 : i32
      %cond3A_224 = arith.cmpi ne, %convert_element_type3A_222, %cond3A_223 : i32
      scf.if %cond3A_224 {
        %add3A_288 = arith.constant 1 : i32
        %add3A_289 = arith.addi %mul3A_216, %add3A_288 : i32
        %mul3A_290 = arith.constant 64 : i32
        %mul3A_291 = arith.muli %add3A_289, %mul3A_290 : i32
        %add3A_292 = arith.addi %mul3A_49, %mul3A_291 : i32
        %dma_wait3A_293 = tpu.memref_slice %arg5[%add3A_292] : memref<335872xi32, #tpu.memory_space<hbm>> -> memref<64xi32, #tpu.memory_space<hbm>>
        %dma_wait3A_294 = tpu.memref_slice %arg5[%add3A_292] : memref<335872xi32, #tpu.memory_space<hbm>> -> memref<64xi32, #tpu.memory_space<hbm>>
        tpu.wait_dma2 semaphore(%arg26 : memref<!tpu.dma_semaphore, #tpu.memory_space<semaphore_mem>>) src(%dma_wait3A_294 : memref<64xi32, #tpu.memory_space<hbm>>) dst(%arg8 : memref<64xi32, #tpu.memory_space<vmem>>)
        %get3A_295 = arith.constant 0 : index
        %get3A_296 = tpu.vector_load %arg8[%get3A_295] {strides = array<i32>} : memref<64xi32, #tpu.memory_space<vmem>>, vector<16xi32>,
        %get3A_297 = vector.shape_cast %get3A_296 : vector<16xi32> to vector<16xi32>
        %and3A_298 = arith.constant 16383 : i32
        %and3A_299 = vector.broadcast %and3A_298 : i32 to vector<16xi32>
        %and3A_300 = arith.andi %get3A_297, %and3A_299 : vector<16xi32>
        %swap3A_301 = arith.constant 0 : index
        %swap3A_302 = tpu.vector_load %arg11[%swap3A_301] {strides = array<i32>} : memref<64xi32, #tpu.memory_space<vmem>>, vector<16xi32>,
        %swap3A_303 = vector.shape_cast %swap3A_302 : vector<16xi32> to vector<16xi32>
        %swap3A_304 = vector.shape_cast %and3A_300 : vector<16xi32> to vector<16xi32>
        tpu.vector_store %arg11[%swap3A_301], %swap3A_304 {strides = array<i32>} : memref<64xi32, #tpu.memory_space<vmem>>, vector<16xi32>,
        %shift_right_arithmetic3A_305 = arith.constant 14 : i32
        %shift_right_arithmetic3A_306 = vector.broadcast %shift_right_arithmetic3A_305 : i32 to vector<16xi32>
        %shift_right_arithmetic3A_307 = arith.shrsi %get3A_297, %shift_right_arithmetic3A_306 : vector<16xi32>
        %swap3A_308 = arith.constant 0 : index
        %swap3A_309 = tpu.vector_load %arg12[%swap3A_308] {strides = array<i32>} : memref<64xi32, #tpu.memory_space<vmem>>, vector<16xi32>,
        %swap3A_310 = vector.shape_cast %swap3A_309 : vector<16xi32> to vector<16xi32>
        %swap3A_311 = vector.shape_cast %shift_right_arithmetic3A_307 : vector<16xi32> to vector<16xi32>
        tpu.vector_store %arg12[%swap3A_308], %swap3A_311 {strides = array<i32>} : memref<64xi32, #tpu.memory_space<vmem>>, vector<16xi32>,
        %get3A_312 = arith.constant 16 : index
        %get3A_313 = tpu.vector_load %arg8[%get3A_312] {strides = array<i32>} : memref<64xi32, #tpu.memory_space<vmem>>, vector<16xi32>,
        %get3A_314 = vector.shape_cast %get3A_313 : vector<16xi32> to vector<16xi32>
        %and3A_315 = arith.constant 16383 : i32
        %and3A_316 = vector.broadcast %and3A_315 : i32 to vector<16xi32>
        %and3A_317 = arith.andi %get3A_314, %and3A_316 : vector<16xi32>
        %swap3A_318 = arith.constant 16 : index
        %swap3A_319 = tpu.vector_load %arg11[%swap3A_318] {strides = array<i32>} : memref<64xi32, #tpu.memory_space<vmem>>, vector<16xi32>,
        %swap3A_320 = vector.shape_cast %swap3A_319 : vector<16xi32> to vector<16xi32>
        %swap3A_321 = vector.shape_cast %and3A_317 : vector<16xi32> to vector<16xi32>
        tpu.vector_store %arg11[%swap3A_318], %swap3A_321 {strides = array<i32>} : memref<64xi32, #tpu.memory_space<vmem>>, vector<16xi32>,
        %shift_right_arithmetic3A_322 = arith.constant 14 : i32
        %shift_right_arithmetic3A_323 = vector.broadcast %shift_right_arithmetic3A_322 : i32 to vector<16xi32>
        %shift_right_arithmetic3A_324 = arith.shrsi %get3A_314, %shift_right_arithmetic3A_323 : vector<16xi32>
        %swap3A_325 = arith.constant 16 : index
        %swap3A_326 = tpu.vector_load %arg12[%swap3A_325] {strides = array<i32>} : memref<64xi32, #tpu.memory_space<vmem>>, vector<16xi32>,
        %swap3A_327 = vector.shape_cast %swap3A_326 : vector<16xi32> to vector<16xi32>
        %swap3A_328 = vector.shape_cast %shift_right_arithmetic3A_324 : vector<16xi32> to vector<16xi32>
        tpu.vector_store %arg12[%swap3A_325], %swap3A_328 {strides = array<i32>} : memref<64xi32, #tpu.memory_space<vmem>>, vector<16xi32>,
        %get3A_329 = arith.constant 32 : index
        %get3A_330 = tpu.vector_load %arg8[%get3A_329] {strides = array<i32>} : memref<64xi32, #tpu.memory_space<vmem>>, vector<16xi32>,
        %get3A_331 = vector.shape_cast %get3A_330 : vector<16xi32> to vector<16xi32>
        %and3A_332 = arith.constant 16383 : i32
        %and3A_333 = vector.broadcast %and3A_332 : i32 to vector<16xi32>
        %and3A_334 = arith.andi %get3A_331, %and3A_333 : vector<16xi32>
        %swap3A_335 = arith.constant 32 : index
        %swap3A_336 = tpu.vector_load %arg11[%swap3A_335] {strides = array<i32>} : memref<64xi32, #tpu.memory_space<vmem>>, vector<16xi32>,
        %swap3A_337 = vector.shape_cast %swap3A_336 : vector<16xi32> to vector<16xi32>
        %swap3A_338 = vector.shape_cast %and3A_334 : vector<16xi32> to vector<16xi32>
        tpu.vector_store %arg11[%swap3A_335], %swap3A_338 {strides = array<i32>} : memref<64xi32, #tpu.memory_space<vmem>>, vector<16xi32>,
        %shift_right_arithmetic3A_339 = arith.constant 14 : i32
        %shift_right_arithmetic3A_340 = vector.broadcast %shift_right_arithmetic3A_339 : i32 to vector<16xi32>
        %shift_right_arithmetic3A_341 = arith.shrsi %get3A_331, %shift_right_arithmetic3A_340 : vector<16xi32>
        %swap3A_342 = arith.constant 32 : index
        %swap3A_343 = tpu.vector_load %arg12[%swap3A_342] {strides = array<i32>} : memref<64xi32, #tpu.memory_space<vmem>>, vector<16xi32>,
        %swap3A_344 = vector.shape_cast %swap3A_343 : vector<16xi32> to vector<16xi32>
        %swap3A_345 = vector.shape_cast %shift_right_arithmetic3A_341 : vector<16xi32> to vector<16xi32>
        tpu.vector_store %arg12[%swap3A_342], %swap3A_345 {strides = array<i32>} : memref<64xi32, #tpu.memory_space<vmem>>, vector<16xi32>,
        %get3A_346 = arith.constant 48 : index
        %get3A_347 = tpu.vector_load %arg8[%get3A_346] {strides = array<i32>} : memref<64xi32, #tpu.memory_space<vmem>>, vector<16xi32>,
        %get3A_348 = vector.shape_cast %get3A_347 : vector<16xi32> to vector<16xi32>
        %and3A_349 = arith.constant 16383 : i32
        %and3A_350 = vector.broadcast %and3A_349 : i32 to vector<16xi32>
        %and3A_351 = arith.andi %get3A_348, %and3A_350 : vector<16xi32>
        %swap3A_352 = arith.constant 48 : index
        %swap3A_353 = tpu.vector_load %arg11[%swap3A_352] {strides = array<i32>} : memref<64xi32, #tpu.memory_space<vmem>>, vector<16xi32>,
        %swap3A_354 = vector.shape_cast %swap3A_353 : vector<16xi32> to vector<16xi32>
        %swap3A_355 = vector.shape_cast %and3A_351 : vector<16xi32> to vector<16xi32>
        tpu.vector_store %arg11[%swap3A_352], %swap3A_355 {strides = array<i32>} : memref<64xi32, #tpu.memory_space<vmem>>, vector<16xi32>,
        %shift_right_arithmetic3A_356 = arith.constant 14 : i32
        %shift_right_arithmetic3A_357 = vector.broadcast %shift_right_arithmetic3A_356 : i32 to vector<16xi32>
        %shift_right_arithmetic3A_358 = arith.shrsi %get3A_348, %shift_right_arithmetic3A_357 : vector<16xi32>
        %swap3A_359 = arith.constant 48 : index
        %swap3A_360 = tpu.vector_load %arg12[%swap3A_359] {strides = array<i32>} : memref<64xi32, #tpu.memory_space<vmem>>, vector<16xi32>,
        %swap3A_361 = vector.shape_cast %swap3A_360 : vector<16xi32> to vector<16xi32>
        %swap3A_362 = vector.shape_cast %shift_right_arithmetic3A_358 : vector<16xi32> to vector<16xi32>
        tpu.vector_store %arg12[%swap3A_359], %swap3A_362 {strides = array<i32>} : memref<64xi32, #tpu.memory_space<vmem>>, vector<16xi32>,
        %dma_start3A_363 = arith.constant 0 : i32
        %dma_start3A_364 = arith.constant 0 : i32
        %dma_start3A_365 = tpu.memref_slice %arg2[%dma_start3A_363, %dma_start3A_364] : memref<10112x128xf32, #tpu.memory_space<hbm>> -> memref<10112x128xf32, #tpu.memory_space<hbm>>
        tpu.enqueue_indirect_dma source(%dma_start3A_365 : memref<10112x128xf32, #tpu.memory_space<hbm>>) target(%arg15 : memref<64x128xf32, #tpu.memory_space<vmem>>) offsets(%arg11 : memref<64xi32, #tpu.memory_space<vmem>>) semaphore(%arg22 : memref<!tpu.dma_semaphore, #tpu.memory_space<semaphore_mem>>)
        %dma_start3A_366 = arith.constant 0 : i32
        %dma_start3A_367 = arith.constant 0 : i32
        %dma_start3A_368 = tpu.memref_slice %arg3[%dma_start3A_366, %dma_start3A_367] : memref<10112x128xf32, #tpu.memory_space<hbm>> -> memref<10112x128xf32, #tpu.memory_space<hbm>>
        tpu.enqueue_indirect_dma source(%dma_start3A_368 : memref<10112x128xf32, #tpu.memory_space<hbm>>) target(%arg16 : memref<64x128xf32, #tpu.memory_space<vmem>>) offsets(%arg12 : memref<64xi32, #tpu.memory_space<vmem>>) semaphore(%arg22 : memref<!tpu.dma_semaphore, #tpu.memory_space<semaphore_mem>>)
      } else {
      }
      %add3A_225 = arith.constant 2 : i32
      %add3A_226 = arith.addi %mul3A_216, %add3A_225 : i32
      %lt3A_227 = arith.constant 164 : i32
      %lt3A_228 = arith.cmpi slt, %add3A_226, %lt3A_227 : i32
      %convert_element_type3A_229 = arith.extui %lt3A_228 : i1 to i32
      %cond3A_230 = arith.constant 0 : i32
      %cond3A_231 = arith.cmpi ne, %convert_element_type3A_229, %cond3A_230 : i32
      scf.if %cond3A_231 {
        %add3A_288 = arith.constant 2 : i32
        %add3A_289 = arith.addi %mul3A_216, %add3A_288 : i32
        %mul3A_290 = arith.constant 64 : i32
        %mul3A_291 = arith.muli %add3A_289, %mul3A_290 : i32
        %add3A_292 = arith.addi %mul3A_49, %mul3A_291 : i32
        %dma_start3A_293 = tpu.memref_slice %arg5[%add3A_292] : memref<335872xi32, #tpu.memory_space<hbm>> -> memref<64xi32, #tpu.memory_space<hbm>>
        %dma_start3A_294 = tpu.memref_slice %arg5[%add3A_292] : memref<335872xi32, #tpu.memory_space<hbm>> -> memref<64xi32, #tpu.memory_space<hbm>>
        tpu.enqueue_dma source(%dma_start3A_294 : memref<64xi32, #tpu.memory_space<hbm>>) target(%arg7 : memref<64xi32, #tpu.memory_space<vmem>>) target_semaphore(%arg25 : memref<!tpu.dma_semaphore, #tpu.memory_space<semaphore_mem>>)
      } else {
      }
      %dma_wait3A_232 = arith.constant 0 : i32
      %dma_wait3A_233 = arith.constant 0 : i32
      %dma_wait3A_234 = tpu.memref_slice %arg2[%dma_wait3A_232, %dma_wait3A_233] : memref<10112x128xf32, #tpu.memory_space<hbm>> -> memref<10112x128xf32, #tpu.memory_space<hbm>>
      tpu.wait_indirect_dma semaphore(%arg21 : memref<!tpu.dma_semaphore, #tpu.memory_space<semaphore_mem>>) src(%dma_wait3A_234 : memref<10112x128xf32, #tpu.memory_space<hbm>>) dst(%arg13 : memref<64x128xf32, #tpu.memory_space<vmem>>)
      %dma_wait3A_235 = arith.constant 0 : i32
      %dma_wait3A_236 = arith.constant 0 : i32
      %dma_wait3A_237 = tpu.memref_slice %arg3[%dma_wait3A_235, %dma_wait3A_236] : memref<10112x128xf32, #tpu.memory_space<hbm>> -> memref<10112x128xf32, #tpu.memory_space<hbm>>
      tpu.wait_indirect_dma semaphore(%arg21 : memref<!tpu.dma_semaphore, #tpu.memory_space<semaphore_mem>>) src(%dma_wait3A_237 : memref<10112x128xf32, #tpu.memory_space<hbm>>) dst(%arg14 : memref<64x128xf32, #tpu.memory_space<vmem>>)
      %scan3A_238 = arith.constant 0 : i32
      %scan3A_239 = arith.constant 0 : i32
      %scan3A_240 = arith.constant 64 : i32
      %scan3A_241 = arith.addi %scan3A_239, %scan3A_240 : i32
      %scan3A_242 = arith.constant 1 : i32
      %scan3A_243 = scf.for %scan3A_288 = %scan3A_239 to %scan3A_241 step %scan3A_242 iter_args(%scan3A_289 = %scan3A_238) -> (i32)  : i32 {
        %iota3A = tpu.iota {dimensions = array<i32: 0>} : vector<16xi32>
        %xor3A = arith.constant 4 : i32
        %xor3A_290 = vector.broadcast %xor3A : i32 to vector<16xi32>
        %xor3A_291 = arith.xori %iota3A, %xor3A_290 : vector<16xi32>
        %xor3A_292 = arith.constant 2 : i32
        %xor3A_293 = vector.broadcast %xor3A_292 : i32 to vector<16xi32>
        %xor3A_294 = arith.xori %iota3A, %xor3A_293 : vector<16xi32>
        %xor3A_295 = arith.constant 1 : i32
        %xor3A_296 = vector.broadcast %xor3A_295 : i32 to vector<16xi32>
        %xor3A_297 = arith.xori %iota3A, %xor3A_296 : vector<16xi32>
        %get3A_298 = arith.index_cast %scan3A_288 : i32 to index
        %get3A_299 = arith.constant 0 : index
        %get3A_300 = tpu.vector_load %arg13[%get3A_298, %get3A_299] {strides = array<i32>} : memref<64x128xf32, #tpu.memory_space<vmem>>, vector<1x16xf32>,
        %get3A_301 = vector.shape_cast %get3A_300 : vector<1x16xf32> to vector<16xf32>
        %get3A_302 = arith.index_cast %scan3A_288 : i32 to index
        %get3A_303 = arith.constant 0 : index
        %get3A_304 = tpu.vector_load %arg14[%get3A_302, %get3A_303] {strides = array<i32>} : memref<64x128xf32, #tpu.memory_space<vmem>>, vector<1x16xf32>,
        %get3A_305 = vector.shape_cast %get3A_304 : vector<1x16xf32> to vector<16xf32>
        %add3A_306 = arith.addf %get3A_301, %get3A_305 : vector<16xf32>
        %mul3A_307 = arith.constant 2.000000e-01 : f32
        %mul3A_308 = vector.broadcast %mul3A_307 : f32 to vector<16xf32>
        %mul3A_309 = arith.mulf %mul3A_308, %add3A_306 : vector<16xf32>
        %max3A = arith.maximumf %add3A_306, %mul3A_309 : vector<16xf32>
        %get3A_310 = arith.constant 0 : index
        %get3A_311 = tpu.vector_load %arg19[%get3A_310] {strides = array<i32>} : memref<64xf32, #tpu.memory_space<vmem>>, vector<16xf32>,
        %get3A_312 = vector.shape_cast %get3A_311 : vector<16xf32> to vector<16xf32>
        %mul3A_313 = arith.mulf %max3A, %get3A_312 : vector<16xf32>
        %reshape3A = vector.shape_cast %xor3A_291 : vector<16xi32> to vector<16x1xi32>
        %gather3A = vector.shape_cast %reshape3A : vector<16x1xi32> to vector<16xi32>
        %gather3A_314 = tpu.dynamic_gather %mul3A_313[%gather3A] in [0] : vector<16xf32>, vector<16xi32> -> vector<16xf32>
        %add3A_315 = arith.addf %mul3A_313, %gather3A_314 : vector<16xf32>
        %reshape3A_316 = vector.shape_cast %xor3A_294 : vector<16xi32> to vector<16x1xi32>
        %gather3A_317 = vector.shape_cast %reshape3A_316 : vector<16x1xi32> to vector<16xi32>
        %gather3A_318 = tpu.dynamic_gather %add3A_315[%gather3A_317] in [0] : vector<16xf32>, vector<16xi32> -> vector<16xf32>
        %add3A_319 = arith.addf %add3A_315, %gather3A_318 : vector<16xf32>
        %reshape3A_320 = vector.shape_cast %xor3A_297 : vector<16xi32> to vector<16x1xi32>
        %gather3A_321 = vector.shape_cast %reshape3A_320 : vector<16x1xi32> to vector<16xi32>
        %gather3A_322 = tpu.dynamic_gather %add3A_319[%gather3A_321] in [0] : vector<16xf32>, vector<16xi32> -> vector<16xf32>
        %add3A_323 = arith.addf %add3A_319, %gather3A_322 : vector<16xf32>
        %exp3A = math.exp %add3A_323 : vector<16xf32>
        %mul3A_324 = arith.mulf %exp3A, %get3A_301 : vector<16xf32>
        %swap3A_325 = arith.index_cast %scan3A_288 : i32 to index
        %swap3A_326 = arith.constant 0 : index
        %swap3A_327 = tpu.vector_load %arg17[%swap3A_325, %swap3A_326] {strides = array<i32>} : memref<64x128xf32, #tpu.memory_space<vmem>>, vector<1x16xf32>,
        %swap3A_328 = vector.shape_cast %swap3A_327 : vector<1x16xf32> to vector<16xf32>
        %swap3A_329 = vector.shape_cast %mul3A_324 : vector<16xf32> to vector<1x16xf32>
        tpu.vector_store %arg17[%swap3A_325, %swap3A_326], %swap3A_329 {strides = array<i32>} : memref<64x128xf32, #tpu.memory_space<vmem>>, vector<1x16xf32>,
        %swap3A_330 = arith.index_cast %scan3A_288 : i32 to index
        %swap3A_331 = arith.constant 64 : index
        %swap3A_332 = tpu.vector_load %arg17[%swap3A_330, %swap3A_331] {strides = array<i32>} : memref<64x128xf32, #tpu.memory_space<vmem>>, vector<1x16xf32>,
        %swap3A_333 = vector.shape_cast %swap3A_332 : vector<1x16xf32> to vector<16xf32>
        %swap3A_334 = vector.shape_cast %exp3A : vector<16xf32> to vector<1x16xf32>
        tpu.vector_store %arg17[%swap3A_330, %swap3A_331], %swap3A_334 {strides = array<i32>} : memref<64x128xf32, #tpu.memory_space<vmem>>, vector<1x16xf32>,
        %get3A_335 = arith.index_cast %scan3A_288 : i32 to index
        %get3A_336 = arith.constant 16 : index
        %get3A_337 = tpu.vector_load %arg13[%get3A_335, %get3A_336] {strides = array<i32>} : memref<64x128xf32, #tpu.memory_space<vmem>>, vector<1x16xf32>,
        %get3A_338 = vector.shape_cast %get3A_337 : vector<1x16xf32> to vector<16xf32>
        %get3A_339 = arith.index_cast %scan3A_288 : i32 to index
        %get3A_340 = arith.constant 16 : index
        %get3A_341 = tpu.vector_load %arg14[%get3A_339, %get3A_340] {strides = array<i32>} : memref<64x128xf32, #tpu.memory_space<vmem>>, vector<1x16xf32>,
        %get3A_342 = vector.shape_cast %get3A_341 : vector<1x16xf32> to vector<16xf32>
        %add3A_343 = arith.addf %get3A_338, %get3A_342 : vector<16xf32>
        %mul3A_344 = arith.constant 2.000000e-01 : f32
        %mul3A_345 = vector.broadcast %mul3A_344 : f32 to vector<16xf32>
        %mul3A_346 = arith.mulf %mul3A_345, %add3A_343 : vector<16xf32>
        %max3A_347 = arith.maximumf %add3A_343, %mul3A_346 : vector<16xf32>
        %get3A_348 = arith.constant 16 : index
        %get3A_349 = tpu.vector_load %arg19[%get3A_348] {strides = array<i32>} : memref<64xf32, #tpu.memory_space<vmem>>, vector<16xf32>,
        %get3A_350 = vector.shape_cast %get3A_349 : vector<16xf32> to vector<16xf32>
        %mul3A_351 = arith.mulf %max3A_347, %get3A_350 : vector<16xf32>
        %reshape3A_352 = vector.shape_cast %xor3A_291 : vector<16xi32> to vector<16x1xi32>
        %gather3A_353 = vector.shape_cast %reshape3A_352 : vector<16x1xi32> to vector<16xi32>
        %gather3A_354 = tpu.dynamic_gather %mul3A_351[%gather3A_353] in [0] : vector<16xf32>, vector<16xi32> -> vector<16xf32>
        %add3A_355 = arith.addf %mul3A_351, %gather3A_354 : vector<16xf32>
        %reshape3A_356 = vector.shape_cast %xor3A_294 : vector<16xi32> to vector<16x1xi32>
        %gather3A_357 = vector.shape_cast %reshape3A_356 : vector<16x1xi32> to vector<16xi32>
        %gather3A_358 = tpu.dynamic_gather %add3A_355[%gather3A_357] in [0] : vector<16xf32>, vector<16xi32> -> vector<16xf32>
        %add3A_359 = arith.addf %add3A_355, %gather3A_358 : vector<16xf32>
        %reshape3A_360 = vector.shape_cast %xor3A_297 : vector<16xi32> to vector<16x1xi32>
        %gather3A_361 = vector.shape_cast %reshape3A_360 : vector<16x1xi32> to vector<16xi32>
        %gather3A_362 = tpu.dynamic_gather %add3A_359[%gather3A_361] in [0] : vector<16xf32>, vector<16xi32> -> vector<16xf32>
        %add3A_363 = arith.addf %add3A_359, %gather3A_362 : vector<16xf32>
        %exp3A_364 = math.exp %add3A_363 : vector<16xf32>
        %mul3A_365 = arith.mulf %exp3A_364, %get3A_338 : vector<16xf32>
        %swap3A_366 = arith.index_cast %scan3A_288 : i32 to index
        %swap3A_367 = arith.constant 16 : index
        %swap3A_368 = tpu.vector_load %arg17[%swap3A_366, %swap3A_367] {strides = array<i32>} : memref<64x128xf32, #tpu.memory_space<vmem>>, vector<1x16xf32>,
        %swap3A_369 = vector.shape_cast %swap3A_368 : vector<1x16xf32> to vector<16xf32>
        %swap3A_370 = vector.shape_cast %mul3A_365 : vector<16xf32> to vector<1x16xf32>
        tpu.vector_store %arg17[%swap3A_366, %swap3A_367], %swap3A_370 {strides = array<i32>} : memref<64x128xf32, #tpu.memory_space<vmem>>, vector<1x16xf32>,
        %swap3A_371 = arith.index_cast %scan3A_288 : i32 to index
        %swap3A_372 = arith.constant 80 : index
        %swap3A_373 = tpu.vector_load %arg17[%swap3A_371, %swap3A_372] {strides = array<i32>} : memref<64x128xf32, #tpu.memory_space<vmem>>, vector<1x16xf32>,
        %swap3A_374 = vector.shape_cast %swap3A_373 : vector<1x16xf32> to vector<16xf32>
        %swap3A_375 = vector.shape_cast %exp3A_364 : vector<16xf32> to vector<1x16xf32>
        tpu.vector_store %arg17[%swap3A_371, %swap3A_372], %swap3A_375 {strides = array<i32>} : memref<64x128xf32, #tpu.memory_space<vmem>>, vector<1x16xf32>,
        %get3A_376 = arith.index_cast %scan3A_288 : i32 to index
        %get3A_377 = arith.constant 32 : index
        %get3A_378 = tpu.vector_load %arg13[%get3A_376, %get3A_377] {strides = array<i32>} : memref<64x128xf32, #tpu.memory_space<vmem>>, vector<1x16xf32>,
        %get3A_379 = vector.shape_cast %get3A_378 : vector<1x16xf32> to vector<16xf32>
        %get3A_380 = arith.index_cast %scan3A_288 : i32 to index
        %get3A_381 = arith.constant 32 : index
        %get3A_382 = tpu.vector_load %arg14[%get3A_380, %get3A_381] {strides = array<i32>} : memref<64x128xf32, #tpu.memory_space<vmem>>, vector<1x16xf32>,
        %get3A_383 = vector.shape_cast %get3A_382 : vector<1x16xf32> to vector<16xf32>
        %add3A_384 = arith.addf %get3A_379, %get3A_383 : vector<16xf32>
        %mul3A_385 = arith.constant 2.000000e-01 : f32
        %mul3A_386 = vector.broadcast %mul3A_385 : f32 to vector<16xf32>
        %mul3A_387 = arith.mulf %mul3A_386, %add3A_384 : vector<16xf32>
        %max3A_388 = arith.maximumf %add3A_384, %mul3A_387 : vector<16xf32>
        %get3A_389 = arith.constant 32 : index
        %get3A_390 = tpu.vector_load %arg19[%get3A_389] {strides = array<i32>} : memref<64xf32, #tpu.memory_space<vmem>>, vector<16xf32>,
        %get3A_391 = vector.shape_cast %get3A_390 : vector<16xf32> to vector<16xf32>
        %mul3A_392 = arith.mulf %max3A_388, %get3A_391 : vector<16xf32>
        %reshape3A_393 = vector.shape_cast %xor3A_291 : vector<16xi32> to vector<16x1xi32>
        %gather3A_394 = vector.shape_cast %reshape3A_393 : vector<16x1xi32> to vector<16xi32>
        %gather3A_395 = tpu.dynamic_gather %mul3A_392[%gather3A_394] in [0] : vector<16xf32>, vector<16xi32> -> vector<16xf32>
        %add3A_396 = arith.addf %mul3A_392, %gather3A_395 : vector<16xf32>
        %reshape3A_397 = vector.shape_cast %xor3A_294 : vector<16xi32> to vector<16x1xi32>
        %gather3A_398 = vector.shape_cast %reshape3A_397 : vector<16x1xi32> to vector<16xi32>
        %gather3A_399 = tpu.dynamic_gather %add3A_396[%gather3A_398] in [0] : vector<16xf32>, vector<16xi32> -> vector<16xf32>
        %add3A_400 = arith.addf %add3A_396, %gather3A_399 : vector<16xf32>
        %reshape3A_401 = vector.shape_cast %xor3A_297 : vector<16xi32> to vector<16x1xi32>
        %gather3A_402 = vector.shape_cast %reshape3A_401 : vector<16x1xi32> to vector<16xi32>
        %gather3A_403 = tpu.dynamic_gather %add3A_400[%gather3A_402] in [0] : vector<16xf32>, vector<16xi32> -> vector<16xf32>
        %add3A_404 = arith.addf %add3A_400, %gather3A_403 : vector<16xf32>
        %exp3A_405 = math.exp %add3A_404 : vector<16xf32>
        %mul3A_406 = arith.mulf %exp3A_405, %get3A_379 : vector<16xf32>
        %swap3A_407 = arith.index_cast %scan3A_288 : i32 to index
        %swap3A_408 = arith.constant 32 : index
        %swap3A_409 = tpu.vector_load %arg17[%swap3A_407, %swap3A_408] {strides = array<i32>} : memref<64x128xf32, #tpu.memory_space<vmem>>, vector<1x16xf32>,
        %swap3A_410 = vector.shape_cast %swap3A_409 : vector<1x16xf32> to vector<16xf32>
        %swap3A_411 = vector.shape_cast %mul3A_406 : vector<16xf32> to vector<1x16xf32>
        tpu.vector_store %arg17[%swap3A_407, %swap3A_408], %swap3A_411 {strides = array<i32>} : memref<64x128xf32, #tpu.memory_space<vmem>>, vector<1x16xf32>,
        %swap3A_412 = arith.index_cast %scan3A_288 : i32 to index
        %swap3A_413 = arith.constant 96 : index
        %swap3A_414 = tpu.vector_load %arg17[%swap3A_412, %swap3A_413] {strides = array<i32>} : memref<64x128xf32, #tpu.memory_space<vmem>>, vector<1x16xf32>,
        %swap3A_415 = vector.shape_cast %swap3A_414 : vector<1x16xf32> to vector<16xf32>
        %swap3A_416 = vector.shape_cast %exp3A_405 : vector<16xf32> to vector<1x16xf32>
        tpu.vector_store %arg17[%swap3A_412, %swap3A_413], %swap3A_416 {strides = array<i32>} : memref<64x128xf32, #tpu.memory_space<vmem>>, vector<1x16xf32>,
        %get3A_417 = arith.index_cast %scan3A_288 : i32 to index
        %get3A_418 = arith.constant 48 : index
        %get3A_419 = tpu.vector_load %arg13[%get3A_417, %get3A_418] {strides = array<i32>} : memref<64x128xf32, #tpu.memory_space<vmem>>, vector<1x16xf32>,
        %get3A_420 = vector.shape_cast %get3A_419 : vector<1x16xf32> to vector<16xf32>
        %get3A_421 = arith.index_cast %scan3A_288 : i32 to index
        %get3A_422 = arith.constant 48 : index
        %get3A_423 = tpu.vector_load %arg14[%get3A_421, %get3A_422] {strides = array<i32>} : memref<64x128xf32, #tpu.memory_space<vmem>>, vector<1x16xf32>,
        %get3A_424 = vector.shape_cast %get3A_423 : vector<1x16xf32> to vector<16xf32>
        %add3A_425 = arith.addf %get3A_420, %get3A_424 : vector<16xf32>
        %mul3A_426 = arith.constant 2.000000e-01 : f32
        %mul3A_427 = vector.broadcast %mul3A_426 : f32 to vector<16xf32>
        %mul3A_428 = arith.mulf %mul3A_427, %add3A_425 : vector<16xf32>
        %max3A_429 = arith.maximumf %add3A_425, %mul3A_428 : vector<16xf32>
        %get3A_430 = arith.constant 48 : index
        %get3A_431 = tpu.vector_load %arg19[%get3A_430] {strides = array<i32>} : memref<64xf32, #tpu.memory_space<vmem>>, vector<16xf32>,
        %get3A_432 = vector.shape_cast %get3A_431 : vector<16xf32> to vector<16xf32>
        %mul3A_433 = arith.mulf %max3A_429, %get3A_432 : vector<16xf32>
        %reshape3A_434 = vector.shape_cast %xor3A_291 : vector<16xi32> to vector<16x1xi32>
        %gather3A_435 = vector.shape_cast %reshape3A_434 : vector<16x1xi32> to vector<16xi32>
        %gather3A_436 = tpu.dynamic_gather %mul3A_433[%gather3A_435] in [0] : vector<16xf32>, vector<16xi32> -> vector<16xf32>
        %add3A_437 = arith.addf %mul3A_433, %gather3A_436 : vector<16xf32>
        %reshape3A_438 = vector.shape_cast %xor3A_294 : vector<16xi32> to vector<16x1xi32>
        %gather3A_439 = vector.shape_cast %reshape3A_438 : vector<16x1xi32> to vector<16xi32>
        %gather3A_440 = tpu.dynamic_gather %add3A_437[%gather3A_439] in [0] : vector<16xf32>, vector<16xi32> -> vector<16xf32>
        %add3A_441 = arith.addf %add3A_437, %gather3A_440 : vector<16xf32>
        %reshape3A_442 = vector.shape_cast %xor3A_297 : vector<16xi32> to vector<16x1xi32>
        %gather3A_443 = vector.shape_cast %reshape3A_442 : vector<16x1xi32> to vector<16xi32>
        %gather3A_444 = tpu.dynamic_gather %add3A_441[%gather3A_443] in [0] : vector<16xf32>, vector<16xi32> -> vector<16xf32>
        %add3A_445 = arith.addf %add3A_441, %gather3A_444 : vector<16xf32>
        %exp3A_446 = math.exp %add3A_445 : vector<16xf32>
        %mul3A_447 = arith.mulf %exp3A_446, %get3A_420 : vector<16xf32>
        %swap3A_448 = arith.index_cast %scan3A_288 : i32 to index
        %swap3A_449 = arith.constant 48 : index
        %swap3A_450 = tpu.vector_load %arg17[%swap3A_448, %swap3A_449] {strides = array<i32>} : memref<64x128xf32, #tpu.memory_space<vmem>>, vector<1x16xf32>,
        %swap3A_451 = vector.shape_cast %swap3A_450 : vector<1x16xf32> to vector<16xf32>
        %swap3A_452 = vector.shape_cast %mul3A_447 : vector<16xf32> to vector<1x16xf32>
        tpu.vector_store %arg17[%swap3A_448, %swap3A_449], %swap3A_452 {strides = array<i32>} : memref<64x128xf32, #tpu.memory_space<vmem>>, vector<1x16xf32>,
        %swap3A_453 = arith.index_cast %scan3A_288 : i32 to index
        %swap3A_454 = arith.constant 112 : index
        %swap3A_455 = tpu.vector_load %arg17[%swap3A_453, %swap3A_454] {strides = array<i32>} : memref<64x128xf32, #tpu.memory_space<vmem>>, vector<1x16xf32>,
        %swap3A_456 = vector.shape_cast %swap3A_455 : vector<1x16xf32> to vector<16xf32>
        %swap3A_457 = vector.shape_cast %exp3A_446 : vector<16xf32> to vector<1x16xf32>
        tpu.vector_store %arg17[%swap3A_453, %swap3A_454], %swap3A_457 {strides = array<i32>} : memref<64x128xf32, #tpu.memory_space<vmem>>, vector<1x16xf32>,
        %scan3A_458 = arith.constant 0 : i32
        scf.yield %scan3A_458 : i32
      }
      %scan3A_244 = arith.constant 64 : i32
      %dma_start3A_245 = arith.constant 0 : i32
      %dma_start3A_246 = arith.constant 0 : i32
      %dma_start3A_247 = tpu.memref_slice %arg20[%dma_start3A_245, %dma_start3A_246] : memref<10112x128xf32, #tpu.memory_space<vmem_shared>> -> memref<10112x128xf32, #tpu.memory_space<vmem_shared>>
      tpu.enqueue_indirect_dma source(%arg17 : memref<64x128xf32, #tpu.memory_space<vmem>>) target(%dma_start3A_247 : memref<10112x128xf32, #tpu.memory_space<vmem_shared>>) offsets(%arg10 : memref<64xi32, #tpu.memory_space<vmem>>) semaphore(%arg23 : memref<!tpu.dma_semaphore, #tpu.memory_space<semaphore_mem>>) {add = true}
      %mul3A_248 = arith.constant 2 : i32
      %mul3A_249 = arith.muli %mul3A_248, %scan3A_213 : i32
      %add3A_250 = arith.constant 1 : i32
      %add3A_251 = arith.addi %mul3A_249, %add3A_250 : i32
      %ge3A_252 = arith.constant 1 : i32
      %ge3A_253 = arith.cmpi sge, %add3A_251, %ge3A_252 : i32
      %convert_element_type3A_254 = arith.extui %ge3A_253 : i1 to i32
      %cond3A_255 = arith.constant 0 : i32
      %cond3A_256 = arith.cmpi ne, %convert_element_type3A_254, %cond3A_255 : i32
      scf.if %cond3A_256 {
        %dma_wait3A_288 = arith.constant 0 : i32
        %dma_wait3A_289 = arith.constant 0 : i32
        %dma_wait3A_290 = tpu.memref_slice %arg20[%dma_wait3A_288, %dma_wait3A_289] : memref<10112x128xf32, #tpu.memory_space<vmem_shared>> -> memref<10112x128xf32, #tpu.memory_space<vmem_shared>>
        tpu.wait_indirect_dma semaphore(%arg23 : memref<!tpu.dma_semaphore, #tpu.memory_space<semaphore_mem>>) src(%arg17 : memref<64x128xf32, #tpu.memory_space<vmem>>) dst(%dma_wait3A_290 : memref<10112x128xf32, #tpu.memory_space<vmem_shared>>)
      } else {
      }
      %add3A_257 = arith.constant 1 : i32
      %add3A_258 = arith.addi %add3A_251, %add3A_257 : i32
      %lt3A_259 = arith.constant 164 : i32
      %lt3A_260 = arith.cmpi slt, %add3A_258, %lt3A_259 : i32
      %convert_element_type3A_261 = arith.extui %lt3A_260 : i1 to i32
      %cond3A_262 = arith.constant 0 : i32
      %cond3A_263 = arith.cmpi ne, %convert_element_type3A_261, %cond3A_262 : i32
      scf.if %cond3A_263 {
        %add3A_288 = arith.constant 1 : i32
        %add3A_289 = arith.addi %add3A_251, %add3A_288 : i32
        %mul3A_290 = arith.constant 64 : i32
        %mul3A_291 = arith.muli %add3A_289, %mul3A_290 : i32
        %add3A_292 = arith.addi %mul3A_49, %mul3A_291 : i32
        %dma_wait3A_293 = tpu.memref_slice %arg5[%add3A_292] : memref<335872xi32, #tpu.memory_space<hbm>> -> memref<64xi32, #tpu.memory_space<hbm>>
        %dma_wait3A_294 = tpu.memref_slice %arg5[%add3A_292] : memref<335872xi32, #tpu.memory_space<hbm>> -> memref<64xi32, #tpu.memory_space<hbm>>
        tpu.wait_dma2 semaphore(%arg25 : memref<!tpu.dma_semaphore, #tpu.memory_space<semaphore_mem>>) src(%dma_wait3A_294 : memref<64xi32, #tpu.memory_space<hbm>>) dst(%arg7 : memref<64xi32, #tpu.memory_space<vmem>>)
        %get3A_295 = arith.constant 0 : index
        %get3A_296 = tpu.vector_load %arg7[%get3A_295] {strides = array<i32>} : memref<64xi32, #tpu.memory_space<vmem>>, vector<16xi32>,
        %get3A_297 = vector.shape_cast %get3A_296 : vector<16xi32> to vector<16xi32>
        %and3A_298 = arith.constant 16383 : i32
        %and3A_299 = vector.broadcast %and3A_298 : i32 to vector<16xi32>
        %and3A_300 = arith.andi %get3A_297, %and3A_299 : vector<16xi32>
        %swap3A_301 = arith.constant 0 : index
        %swap3A_302 = tpu.vector_load %arg9[%swap3A_301] {strides = array<i32>} : memref<64xi32, #tpu.memory_space<vmem>>, vector<16xi32>,
        %swap3A_303 = vector.shape_cast %swap3A_302 : vector<16xi32> to vector<16xi32>
        %swap3A_304 = vector.shape_cast %and3A_300 : vector<16xi32> to vector<16xi32>
        tpu.vector_store %arg9[%swap3A_301], %swap3A_304 {strides = array<i32>} : memref<64xi32, #tpu.memory_space<vmem>>, vector<16xi32>,
        %shift_right_arithmetic3A_305 = arith.constant 14 : i32
        %shift_right_arithmetic3A_306 = vector.broadcast %shift_right_arithmetic3A_305 : i32 to vector<16xi32>
        %shift_right_arithmetic3A_307 = arith.shrsi %get3A_297, %shift_right_arithmetic3A_306 : vector<16xi32>
        %swap3A_308 = arith.constant 0 : index
        %swap3A_309 = tpu.vector_load %arg10[%swap3A_308] {strides = array<i32>} : memref<64xi32, #tpu.memory_space<vmem>>, vector<16xi32>,
        %swap3A_310 = vector.shape_cast %swap3A_309 : vector<16xi32> to vector<16xi32>
        %swap3A_311 = vector.shape_cast %shift_right_arithmetic3A_307 : vector<16xi32> to vector<16xi32>
        tpu.vector_store %arg10[%swap3A_308], %swap3A_311 {strides = array<i32>} : memref<64xi32, #tpu.memory_space<vmem>>, vector<16xi32>,
        %get3A_312 = arith.constant 16 : index
        %get3A_313 = tpu.vector_load %arg7[%get3A_312] {strides = array<i32>} : memref<64xi32, #tpu.memory_space<vmem>>, vector<16xi32>,
        %get3A_314 = vector.shape_cast %get3A_313 : vector<16xi32> to vector<16xi32>
        %and3A_315 = arith.constant 16383 : i32
        %and3A_316 = vector.broadcast %and3A_315 : i32 to vector<16xi32>
        %and3A_317 = arith.andi %get3A_314, %and3A_316 : vector<16xi32>
        %swap3A_318 = arith.constant 16 : index
        %swap3A_319 = tpu.vector_load %arg9[%swap3A_318] {strides = array<i32>} : memref<64xi32, #tpu.memory_space<vmem>>, vector<16xi32>,
        %swap3A_320 = vector.shape_cast %swap3A_319 : vector<16xi32> to vector<16xi32>
        %swap3A_321 = vector.shape_cast %and3A_317 : vector<16xi32> to vector<16xi32>
        tpu.vector_store %arg9[%swap3A_318], %swap3A_321 {strides = array<i32>} : memref<64xi32, #tpu.memory_space<vmem>>, vector<16xi32>,
        %shift_right_arithmetic3A_322 = arith.constant 14 : i32
        %shift_right_arithmetic3A_323 = vector.broadcast %shift_right_arithmetic3A_322 : i32 to vector<16xi32>
        %shift_right_arithmetic3A_324 = arith.shrsi %get3A_314, %shift_right_arithmetic3A_323 : vector<16xi32>
        %swap3A_325 = arith.constant 16 : index
        %swap3A_326 = tpu.vector_load %arg10[%swap3A_325] {strides = array<i32>} : memref<64xi32, #tpu.memory_space<vmem>>, vector<16xi32>,
        %swap3A_327 = vector.shape_cast %swap3A_326 : vector<16xi32> to vector<16xi32>
        %swap3A_328 = vector.shape_cast %shift_right_arithmetic3A_324 : vector<16xi32> to vector<16xi32>
        tpu.vector_store %arg10[%swap3A_325], %swap3A_328 {strides = array<i32>} : memref<64xi32, #tpu.memory_space<vmem>>, vector<16xi32>,
        %get3A_329 = arith.constant 32 : index
        %get3A_330 = tpu.vector_load %arg7[%get3A_329] {strides = array<i32>} : memref<64xi32, #tpu.memory_space<vmem>>, vector<16xi32>,
        %get3A_331 = vector.shape_cast %get3A_330 : vector<16xi32> to vector<16xi32>
        %and3A_332 = arith.constant 16383 : i32
        %and3A_333 = vector.broadcast %and3A_332 : i32 to vector<16xi32>
        %and3A_334 = arith.andi %get3A_331, %and3A_333 : vector<16xi32>
        %swap3A_335 = arith.constant 32 : index
        %swap3A_336 = tpu.vector_load %arg9[%swap3A_335] {strides = array<i32>} : memref<64xi32, #tpu.memory_space<vmem>>, vector<16xi32>,
        %swap3A_337 = vector.shape_cast %swap3A_336 : vector<16xi32> to vector<16xi32>
        %swap3A_338 = vector.shape_cast %and3A_334 : vector<16xi32> to vector<16xi32>
        tpu.vector_store %arg9[%swap3A_335], %swap3A_338 {strides = array<i32>} : memref<64xi32, #tpu.memory_space<vmem>>, vector<16xi32>,
        %shift_right_arithmetic3A_339 = arith.constant 14 : i32
        %shift_right_arithmetic3A_340 = vector.broadcast %shift_right_arithmetic3A_339 : i32 to vector<16xi32>
        %shift_right_arithmetic3A_341 = arith.shrsi %get3A_331, %shift_right_arithmetic3A_340 : vector<16xi32>
        %swap3A_342 = arith.constant 32 : index
        %swap3A_343 = tpu.vector_load %arg10[%swap3A_342] {strides = array<i32>} : memref<64xi32, #tpu.memory_space<vmem>>, vector<16xi32>,
        %swap3A_344 = vector.shape_cast %swap3A_343 : vector<16xi32> to vector<16xi32>
        %swap3A_345 = vector.shape_cast %shift_right_arithmetic3A_341 : vector<16xi32> to vector<16xi32>
        tpu.vector_store %arg10[%swap3A_342], %swap3A_345 {strides = array<i32>} : memref<64xi32, #tpu.memory_space<vmem>>, vector<16xi32>,
        %get3A_346 = arith.constant 48 : index
        %get3A_347 = tpu.vector_load %arg7[%get3A_346] {strides = array<i32>} : memref<64xi32, #tpu.memory_space<vmem>>, vector<16xi32>,
        %get3A_348 = vector.shape_cast %get3A_347 : vector<16xi32> to vector<16xi32>
        %and3A_349 = arith.constant 16383 : i32
        %and3A_350 = vector.broadcast %and3A_349 : i32 to vector<16xi32>
        %and3A_351 = arith.andi %get3A_348, %and3A_350 : vector<16xi32>
        %swap3A_352 = arith.constant 48 : index
        %swap3A_353 = tpu.vector_load %arg9[%swap3A_352] {strides = array<i32>} : memref<64xi32, #tpu.memory_space<vmem>>, vector<16xi32>,
        %swap3A_354 = vector.shape_cast %swap3A_353 : vector<16xi32> to vector<16xi32>
        %swap3A_355 = vector.shape_cast %and3A_351 : vector<16xi32> to vector<16xi32>
        tpu.vector_store %arg9[%swap3A_352], %swap3A_355 {strides = array<i32>} : memref<64xi32, #tpu.memory_space<vmem>>, vector<16xi32>,
        %shift_right_arithmetic3A_356 = arith.constant 14 : i32
        %shift_right_arithmetic3A_357 = vector.broadcast %shift_right_arithmetic3A_356 : i32 to vector<16xi32>
        %shift_right_arithmetic3A_358 = arith.shrsi %get3A_348, %shift_right_arithmetic3A_357 : vector<16xi32>
        %swap3A_359 = arith.constant 48 : index
        %swap3A_360 = tpu.vector_load %arg10[%swap3A_359] {strides = array<i32>} : memref<64xi32, #tpu.memory_space<vmem>>, vector<16xi32>,
        %swap3A_361 = vector.shape_cast %swap3A_360 : vector<16xi32> to vector<16xi32>
        %swap3A_362 = vector.shape_cast %shift_right_arithmetic3A_358 : vector<16xi32> to vector<16xi32>
        tpu.vector_store %arg10[%swap3A_359], %swap3A_362 {strides = array<i32>} : memref<64xi32, #tpu.memory_space<vmem>>, vector<16xi32>,
        %dma_start3A_363 = arith.constant 0 : i32
        %dma_start3A_364 = arith.constant 0 : i32
        %dma_start3A_365 = tpu.memref_slice %arg2[%dma_start3A_363, %dma_start3A_364] : memref<10112x128xf32, #tpu.memory_space<hbm>> -> memref<10112x128xf32, #tpu.memory_space<hbm>>
        tpu.enqueue_indirect_dma source(%dma_start3A_365 : memref<10112x128xf32, #tpu.memory_space<hbm>>) target(%arg13 : memref<64x128xf32, #tpu.memory_space<vmem>>) offsets(%arg9 : memref<64xi32, #tpu.memory_space<vmem>>) semaphore(%arg21 : memref<!tpu.dma_semaphore, #tpu.memory_space<semaphore_mem>>)
        %dma_start3A_366 = arith.constant 0 : i32
        %dma_start3A_367 = arith.constant 0 : i32
        %dma_start3A_368 = tpu.memref_slice %arg3[%dma_start3A_366, %dma_start3A_367] : memref<10112x128xf32, #tpu.memory_space<hbm>> -> memref<10112x128xf32, #tpu.memory_space<hbm>>
        tpu.enqueue_indirect_dma source(%dma_start3A_368 : memref<10112x128xf32, #tpu.memory_space<hbm>>) target(%arg14 : memref<64x128xf32, #tpu.memory_space<vmem>>) offsets(%arg10 : memref<64xi32, #tpu.memory_space<vmem>>) semaphore(%arg21 : memref<!tpu.dma_semaphore, #tpu.memory_space<semaphore_mem>>)
      } else {
      }
      %add3A_264 = arith.constant 2 : i32
      %add3A_265 = arith.addi %add3A_251, %add3A_264 : i32
      %lt3A_266 = arith.constant 164 : i32
      %lt3A_267 = arith.cmpi slt, %add3A_265, %lt3A_266 : i32
      %convert_element_type3A_268 = arith.extui %lt3A_267 : i1 to i32
      %cond3A_269 = arith.constant 0 : i32
      %cond3A_270 = arith.cmpi ne, %convert_element_type3A_268, %cond3A_269 : i32
      scf.if %cond3A_270 {
        %add3A_288 = arith.constant 2 : i32
        %add3A_289 = arith.addi %add3A_251, %add3A_288 : i32
        %mul3A_290 = arith.constant 64 : i32
        %mul3A_291 = arith.muli %add3A_289, %mul3A_290 : i32
        %add3A_292 = arith.addi %mul3A_49, %mul3A_291 : i32
        %dma_start3A_293 = tpu.memref_slice %arg5[%add3A_292] : memref<335872xi32, #tpu.memory_space<hbm>> -> memref<64xi32, #tpu.memory_space<hbm>>
        %dma_start3A_294 = tpu.memref_slice %arg5[%add3A_292] : memref<335872xi32, #tpu.memory_space<hbm>> -> memref<64xi32, #tpu.memory_space<hbm>>
        tpu.enqueue_dma source(%dma_start3A_294 : memref<64xi32, #tpu.memory_space<hbm>>) target(%arg8 : memref<64xi32, #tpu.memory_space<vmem>>) target_semaphore(%arg26 : memref<!tpu.dma_semaphore, #tpu.memory_space<semaphore_mem>>)
      } else {
      }
      %dma_wait3A_271 = arith.constant 0 : i32
      %dma_wait3A_272 = arith.constant 0 : i32
      %dma_wait3A_273 = tpu.memref_slice %arg2[%dma_wait3A_271, %dma_wait3A_272] : memref<10112x128xf32, #tpu.memory_space<hbm>> -> memref<10112x128xf32, #tpu.memory_space<hbm>>
      tpu.wait_indirect_dma semaphore(%arg22 : memref<!tpu.dma_semaphore, #tpu.memory_space<semaphore_mem>>) src(%dma_wait3A_273 : memref<10112x128xf32, #tpu.memory_space<hbm>>) dst(%arg15 : memref<64x128xf32, #tpu.memory_space<vmem>>)
      %dma_wait3A_274 = arith.constant 0 : i32
      %dma_wait3A_275 = arith.constant 0 : i32
      %dma_wait3A_276 = tpu.memref_slice %arg3[%dma_wait3A_274, %dma_wait3A_275] : memref<10112x128xf32, #tpu.memory_space<hbm>> -> memref<10112x128xf32, #tpu.memory_space<hbm>>
      tpu.wait_indirect_dma semaphore(%arg22 : memref<!tpu.dma_semaphore, #tpu.memory_space<semaphore_mem>>) src(%dma_wait3A_276 : memref<10112x128xf32, #tpu.memory_space<hbm>>) dst(%arg16 : memref<64x128xf32, #tpu.memory_space<vmem>>)
      %scan3A_277 = arith.constant 0 : i32
      %scan3A_278 = arith.constant 0 : i32
      %scan3A_279 = arith.constant 64 : i32
      %scan3A_280 = arith.addi %scan3A_278, %scan3A_279 : i32
      %scan3A_281 = arith.constant 1 : i32
      %scan3A_282 = scf.for %scan3A_288 = %scan3A_278 to %scan3A_280 step %scan3A_281 iter_args(%scan3A_289 = %scan3A_277) -> (i32)  : i32 {
        %iota3A = tpu.iota {dimensions = array<i32: 0>} : vector<16xi32>
        %xor3A = arith.constant 4 : i32
        %xor3A_290 = vector.broadcast %xor3A : i32 to vector<16xi32>
        %xor3A_291 = arith.xori %iota3A, %xor3A_290 : vector<16xi32>
        %xor3A_292 = arith.constant 2 : i32
        %xor3A_293 = vector.broadcast %xor3A_292 : i32 to vector<16xi32>
        %xor3A_294 = arith.xori %iota3A, %xor3A_293 : vector<16xi32>
        %xor3A_295 = arith.constant 1 : i32
        %xor3A_296 = vector.broadcast %xor3A_295 : i32 to vector<16xi32>
        %xor3A_297 = arith.xori %iota3A, %xor3A_296 : vector<16xi32>
        %get3A_298 = arith.index_cast %scan3A_288 : i32 to index
        %get3A_299 = arith.constant 0 : index
        %get3A_300 = tpu.vector_load %arg15[%get3A_298, %get3A_299] {strides = array<i32>} : memref<64x128xf32, #tpu.memory_space<vmem>>, vector<1x16xf32>,
        %get3A_301 = vector.shape_cast %get3A_300 : vector<1x16xf32> to vector<16xf32>
        %get3A_302 = arith.index_cast %scan3A_288 : i32 to index
        %get3A_303 = arith.constant 0 : index
        %get3A_304 = tpu.vector_load %arg16[%get3A_302, %get3A_303] {strides = array<i32>} : memref<64x128xf32, #tpu.memory_space<vmem>>, vector<1x16xf32>,
        %get3A_305 = vector.shape_cast %get3A_304 : vector<1x16xf32> to vector<16xf32>
        %add3A_306 = arith.addf %get3A_301, %get3A_305 : vector<16xf32>
        %mul3A_307 = arith.constant 2.000000e-01 : f32
        %mul3A_308 = vector.broadcast %mul3A_307 : f32 to vector<16xf32>
        %mul3A_309 = arith.mulf %mul3A_308, %add3A_306 : vector<16xf32>
        %max3A = arith.maximumf %add3A_306, %mul3A_309 : vector<16xf32>
        %get3A_310 = arith.constant 0 : index
        %get3A_311 = tpu.vector_load %arg19[%get3A_310] {strides = array<i32>} : memref<64xf32, #tpu.memory_space<vmem>>, vector<16xf32>,
        %get3A_312 = vector.shape_cast %get3A_311 : vector<16xf32> to vector<16xf32>
        %mul3A_313 = arith.mulf %max3A, %get3A_312 : vector<16xf32>
        %reshape3A = vector.shape_cast %xor3A_291 : vector<16xi32> to vector<16x1xi32>
        %gather3A = vector.shape_cast %reshape3A : vector<16x1xi32> to vector<16xi32>
        %gather3A_314 = tpu.dynamic_gather %mul3A_313[%gather3A] in [0] : vector<16xf32>, vector<16xi32> -> vector<16xf32>
        %add3A_315 = arith.addf %mul3A_313, %gather3A_314 : vector<16xf32>
        %reshape3A_316 = vector.shape_cast %xor3A_294 : vector<16xi32> to vector<16x1xi32>
        %gather3A_317 = vector.shape_cast %reshape3A_316 : vector<16x1xi32> to vector<16xi32>
        %gather3A_318 = tpu.dynamic_gather %add3A_315[%gather3A_317] in [0] : vector<16xf32>, vector<16xi32> -> vector<16xf32>
        %add3A_319 = arith.addf %add3A_315, %gather3A_318 : vector<16xf32>
        %reshape3A_320 = vector.shape_cast %xor3A_297 : vector<16xi32> to vector<16x1xi32>
        %gather3A_321 = vector.shape_cast %reshape3A_320 : vector<16x1xi32> to vector<16xi32>
        %gather3A_322 = tpu.dynamic_gather %add3A_319[%gather3A_321] in [0] : vector<16xf32>, vector<16xi32> -> vector<16xf32>
        %add3A_323 = arith.addf %add3A_319, %gather3A_322 : vector<16xf32>
        %exp3A = math.exp %add3A_323 : vector<16xf32>
        %mul3A_324 = arith.mulf %exp3A, %get3A_301 : vector<16xf32>
        %swap3A_325 = arith.index_cast %scan3A_288 : i32 to index
        %swap3A_326 = arith.constant 0 : index
        %swap3A_327 = tpu.vector_load %arg18[%swap3A_325, %swap3A_326] {strides = array<i32>} : memref<64x128xf32, #tpu.memory_space<vmem>>, vector<1x16xf32>,
        %swap3A_328 = vector.shape_cast %swap3A_327 : vector<1x16xf32> to vector<16xf32>
        %swap3A_329 = vector.shape_cast %mul3A_324 : vector<16xf32> to vector<1x16xf32>
        tpu.vector_store %arg18[%swap3A_325, %swap3A_326], %swap3A_329 {strides = array<i32>} : memref<64x128xf32, #tpu.memory_space<vmem>>, vector<1x16xf32>,
        %swap3A_330 = arith.index_cast %scan3A_288 : i32 to index
        %swap3A_331 = arith.constant 64 : index
        %swap3A_332 = tpu.vector_load %arg18[%swap3A_330, %swap3A_331] {strides = array<i32>} : memref<64x128xf32, #tpu.memory_space<vmem>>, vector<1x16xf32>,
        %swap3A_333 = vector.shape_cast %swap3A_332 : vector<1x16xf32> to vector<16xf32>
        %swap3A_334 = vector.shape_cast %exp3A : vector<16xf32> to vector<1x16xf32>
        tpu.vector_store %arg18[%swap3A_330, %swap3A_331], %swap3A_334 {strides = array<i32>} : memref<64x128xf32, #tpu.memory_space<vmem>>, vector<1x16xf32>,
        %get3A_335 = arith.index_cast %scan3A_288 : i32 to index
        %get3A_336 = arith.constant 16 : index
        %get3A_337 = tpu.vector_load %arg15[%get3A_335, %get3A_336] {strides = array<i32>} : memref<64x128xf32, #tpu.memory_space<vmem>>, vector<1x16xf32>,
        %get3A_338 = vector.shape_cast %get3A_337 : vector<1x16xf32> to vector<16xf32>
        %get3A_339 = arith.index_cast %scan3A_288 : i32 to index
        %get3A_340 = arith.constant 16 : index
        %get3A_341 = tpu.vector_load %arg16[%get3A_339, %get3A_340] {strides = array<i32>} : memref<64x128xf32, #tpu.memory_space<vmem>>, vector<1x16xf32>,
        %get3A_342 = vector.shape_cast %get3A_341 : vector<1x16xf32> to vector<16xf32>
        %add3A_343 = arith.addf %get3A_338, %get3A_342 : vector<16xf32>
        %mul3A_344 = arith.constant 2.000000e-01 : f32
        %mul3A_345 = vector.broadcast %mul3A_344 : f32 to vector<16xf32>
        %mul3A_346 = arith.mulf %mul3A_345, %add3A_343 : vector<16xf32>
        %max3A_347 = arith.maximumf %add3A_343, %mul3A_346 : vector<16xf32>
        %get3A_348 = arith.constant 16 : index
        %get3A_349 = tpu.vector_load %arg19[%get3A_348] {strides = array<i32>} : memref<64xf32, #tpu.memory_space<vmem>>, vector<16xf32>,
        %get3A_350 = vector.shape_cast %get3A_349 : vector<16xf32> to vector<16xf32>
        %mul3A_351 = arith.mulf %max3A_347, %get3A_350 : vector<16xf32>
        %reshape3A_352 = vector.shape_cast %xor3A_291 : vector<16xi32> to vector<16x1xi32>
        %gather3A_353 = vector.shape_cast %reshape3A_352 : vector<16x1xi32> to vector<16xi32>
        %gather3A_354 = tpu.dynamic_gather %mul3A_351[%gather3A_353] in [0] : vector<16xf32>, vector<16xi32> -> vector<16xf32>
        %add3A_355 = arith.addf %mul3A_351, %gather3A_354 : vector<16xf32>
        %reshape3A_356 = vector.shape_cast %xor3A_294 : vector<16xi32> to vector<16x1xi32>
        %gather3A_357 = vector.shape_cast %reshape3A_356 : vector<16x1xi32> to vector<16xi32>
        %gather3A_358 = tpu.dynamic_gather %add3A_355[%gather3A_357] in [0] : vector<16xf32>, vector<16xi32> -> vector<16xf32>
        %add3A_359 = arith.addf %add3A_355, %gather3A_358 : vector<16xf32>
        %reshape3A_360 = vector.shape_cast %xor3A_297 : vector<16xi32> to vector<16x1xi32>
        %gather3A_361 = vector.shape_cast %reshape3A_360 : vector<16x1xi32> to vector<16xi32>
        %gather3A_362 = tpu.dynamic_gather %add3A_359[%gather3A_361] in [0] : vector<16xf32>, vector<16xi32> -> vector<16xf32>
        %add3A_363 = arith.addf %add3A_359, %gather3A_362 : vector<16xf32>
        %exp3A_364 = math.exp %add3A_363 : vector<16xf32>
        %mul3A_365 = arith.mulf %exp3A_364, %get3A_338 : vector<16xf32>
        %swap3A_366 = arith.index_cast %scan3A_288 : i32 to index
        %swap3A_367 = arith.constant 16 : index
        %swap3A_368 = tpu.vector_load %arg18[%swap3A_366, %swap3A_367] {strides = array<i32>} : memref<64x128xf32, #tpu.memory_space<vmem>>, vector<1x16xf32>,
        %swap3A_369 = vector.shape_cast %swap3A_368 : vector<1x16xf32> to vector<16xf32>
        %swap3A_370 = vector.shape_cast %mul3A_365 : vector<16xf32> to vector<1x16xf32>
        tpu.vector_store %arg18[%swap3A_366, %swap3A_367], %swap3A_370 {strides = array<i32>} : memref<64x128xf32, #tpu.memory_space<vmem>>, vector<1x16xf32>,
        %swap3A_371 = arith.index_cast %scan3A_288 : i32 to index
        %swap3A_372 = arith.constant 80 : index
        %swap3A_373 = tpu.vector_load %arg18[%swap3A_371, %swap3A_372] {strides = array<i32>} : memref<64x128xf32, #tpu.memory_space<vmem>>, vector<1x16xf32>,
        %swap3A_374 = vector.shape_cast %swap3A_373 : vector<1x16xf32> to vector<16xf32>
        %swap3A_375 = vector.shape_cast %exp3A_364 : vector<16xf32> to vector<1x16xf32>
        tpu.vector_store %arg18[%swap3A_371, %swap3A_372], %swap3A_375 {strides = array<i32>} : memref<64x128xf32, #tpu.memory_space<vmem>>, vector<1x16xf32>,
        %get3A_376 = arith.index_cast %scan3A_288 : i32 to index
        %get3A_377 = arith.constant 32 : index
        %get3A_378 = tpu.vector_load %arg15[%get3A_376, %get3A_377] {strides = array<i32>} : memref<64x128xf32, #tpu.memory_space<vmem>>, vector<1x16xf32>,
        %get3A_379 = vector.shape_cast %get3A_378 : vector<1x16xf32> to vector<16xf32>
        %get3A_380 = arith.index_cast %scan3A_288 : i32 to index
        %get3A_381 = arith.constant 32 : index
        %get3A_382 = tpu.vector_load %arg16[%get3A_380, %get3A_381] {strides = array<i32>} : memref<64x128xf32, #tpu.memory_space<vmem>>, vector<1x16xf32>,
        %get3A_383 = vector.shape_cast %get3A_382 : vector<1x16xf32> to vector<16xf32>
        %add3A_384 = arith.addf %get3A_379, %get3A_383 : vector<16xf32>
        %mul3A_385 = arith.constant 2.000000e-01 : f32
        %mul3A_386 = vector.broadcast %mul3A_385 : f32 to vector<16xf32>
        %mul3A_387 = arith.mulf %mul3A_386, %add3A_384 : vector<16xf32>
        %max3A_388 = arith.maximumf %add3A_384, %mul3A_387 : vector<16xf32>
        %get3A_389 = arith.constant 32 : index
        %get3A_390 = tpu.vector_load %arg19[%get3A_389] {strides = array<i32>} : memref<64xf32, #tpu.memory_space<vmem>>, vector<16xf32>,
        %get3A_391 = vector.shape_cast %get3A_390 : vector<16xf32> to vector<16xf32>
        %mul3A_392 = arith.mulf %max3A_388, %get3A_391 : vector<16xf32>
        %reshape3A_393 = vector.shape_cast %xor3A_291 : vector<16xi32> to vector<16x1xi32>
        %gather3A_394 = vector.shape_cast %reshape3A_393 : vector<16x1xi32> to vector<16xi32>
        %gather3A_395 = tpu.dynamic_gather %mul3A_392[%gather3A_394] in [0] : vector<16xf32>, vector<16xi32> -> vector<16xf32>
        %add3A_396 = arith.addf %mul3A_392, %gather3A_395 : vector<16xf32>
        %reshape3A_397 = vector.shape_cast %xor3A_294 : vector<16xi32> to vector<16x1xi32>
        %gather3A_398 = vector.shape_cast %reshape3A_397 : vector<16x1xi32> to vector<16xi32>
        %gather3A_399 = tpu.dynamic_gather %add3A_396[%gather3A_398] in [0] : vector<16xf32>, vector<16xi32> -> vector<16xf32>
        %add3A_400 = arith.addf %add3A_396, %gather3A_399 : vector<16xf32>
        %reshape3A_401 = vector.shape_cast %xor3A_297 : vector<16xi32> to vector<16x1xi32>
        %gather3A_402 = vector.shape_cast %reshape3A_401 : vector<16x1xi32> to vector<16xi32>
        %gather3A_403 = tpu.dynamic_gather %add3A_400[%gather3A_402] in [0] : vector<16xf32>, vector<16xi32> -> vector<16xf32>
        %add3A_404 = arith.addf %add3A_400, %gather3A_403 : vector<16xf32>
        %exp3A_405 = math.exp %add3A_404 : vector<16xf32>
        %mul3A_406 = arith.mulf %exp3A_405, %get3A_379 : vector<16xf32>
        %swap3A_407 = arith.index_cast %scan3A_288 : i32 to index
        %swap3A_408 = arith.constant 32 : index
        %swap3A_409 = tpu.vector_load %arg18[%swap3A_407, %swap3A_408] {strides = array<i32>} : memref<64x128xf32, #tpu.memory_space<vmem>>, vector<1x16xf32>,
        %swap3A_410 = vector.shape_cast %swap3A_409 : vector<1x16xf32> to vector<16xf32>
        %swap3A_411 = vector.shape_cast %mul3A_406 : vector<16xf32> to vector<1x16xf32>
        tpu.vector_store %arg18[%swap3A_407, %swap3A_408], %swap3A_411 {strides = array<i32>} : memref<64x128xf32, #tpu.memory_space<vmem>>, vector<1x16xf32>,
        %swap3A_412 = arith.index_cast %scan3A_288 : i32 to index
        %swap3A_413 = arith.constant 96 : index
        %swap3A_414 = tpu.vector_load %arg18[%swap3A_412, %swap3A_413] {strides = array<i32>} : memref<64x128xf32, #tpu.memory_space<vmem>>, vector<1x16xf32>,
        %swap3A_415 = vector.shape_cast %swap3A_414 : vector<1x16xf32> to vector<16xf32>
        %swap3A_416 = vector.shape_cast %exp3A_405 : vector<16xf32> to vector<1x16xf32>
        tpu.vector_store %arg18[%swap3A_412, %swap3A_413], %swap3A_416 {strides = array<i32>} : memref<64x128xf32, #tpu.memory_space<vmem>>, vector<1x16xf32>,
        %get3A_417 = arith.index_cast %scan3A_288 : i32 to index
        %get3A_418 = arith.constant 48 : index
        %get3A_419 = tpu.vector_load %arg15[%get3A_417, %get3A_418] {strides = array<i32>} : memref<64x128xf32, #tpu.memory_space<vmem>>, vector<1x16xf32>,
        %get3A_420 = vector.shape_cast %get3A_419 : vector<1x16xf32> to vector<16xf32>
        %get3A_421 = arith.index_cast %scan3A_288 : i32 to index
        %get3A_422 = arith.constant 48 : index
        %get3A_423 = tpu.vector_load %arg16[%get3A_421, %get3A_422] {strides = array<i32>} : memref<64x128xf32, #tpu.memory_space<vmem>>, vector<1x16xf32>,
        %get3A_424 = vector.shape_cast %get3A_423 : vector<1x16xf32> to vector<16xf32>
        %add3A_425 = arith.addf %get3A_420, %get3A_424 : vector<16xf32>
        %mul3A_426 = arith.constant 2.000000e-01 : f32
        %mul3A_427 = vector.broadcast %mul3A_426 : f32 to vector<16xf32>
        %mul3A_428 = arith.mulf %mul3A_427, %add3A_425 : vector<16xf32>
        %max3A_429 = arith.maximumf %add3A_425, %mul3A_428 : vector<16xf32>
        %get3A_430 = arith.constant 48 : index
        %get3A_431 = tpu.vector_load %arg19[%get3A_430] {strides = array<i32>} : memref<64xf32, #tpu.memory_space<vmem>>, vector<16xf32>,
        %get3A_432 = vector.shape_cast %get3A_431 : vector<16xf32> to vector<16xf32>
        %mul3A_433 = arith.mulf %max3A_429, %get3A_432 : vector<16xf32>
        %reshape3A_434 = vector.shape_cast %xor3A_291 : vector<16xi32> to vector<16x1xi32>
        %gather3A_435 = vector.shape_cast %reshape3A_434 : vector<16x1xi32> to vector<16xi32>
        %gather3A_436 = tpu.dynamic_gather %mul3A_433[%gather3A_435] in [0] : vector<16xf32>, vector<16xi32> -> vector<16xf32>
        %add3A_437 = arith.addf %mul3A_433, %gather3A_436 : vector<16xf32>
        %reshape3A_438 = vector.shape_cast %xor3A_294 : vector<16xi32> to vector<16x1xi32>
        %gather3A_439 = vector.shape_cast %reshape3A_438 : vector<16x1xi32> to vector<16xi32>
        %gather3A_440 = tpu.dynamic_gather %add3A_437[%gather3A_439] in [0] : vector<16xf32>, vector<16xi32> -> vector<16xf32>
        %add3A_441 = arith.addf %add3A_437, %gather3A_440 : vector<16xf32>
        %reshape3A_442 = vector.shape_cast %xor3A_297 : vector<16xi32> to vector<16x1xi32>
        %gather3A_443 = vector.shape_cast %reshape3A_442 : vector<16x1xi32> to vector<16xi32>
        %gather3A_444 = tpu.dynamic_gather %add3A_441[%gather3A_443] in [0] : vector<16xf32>, vector<16xi32> -> vector<16xf32>
        %add3A_445 = arith.addf %add3A_441, %gather3A_444 : vector<16xf32>
        %exp3A_446 = math.exp %add3A_445 : vector<16xf32>
        %mul3A_447 = arith.mulf %exp3A_446, %get3A_420 : vector<16xf32>
        %swap3A_448 = arith.index_cast %scan3A_288 : i32 to index
        %swap3A_449 = arith.constant 48 : index
        %swap3A_450 = tpu.vector_load %arg18[%swap3A_448, %swap3A_449] {strides = array<i32>} : memref<64x128xf32, #tpu.memory_space<vmem>>, vector<1x16xf32>,
        %swap3A_451 = vector.shape_cast %swap3A_450 : vector<1x16xf32> to vector<16xf32>
        %swap3A_452 = vector.shape_cast %mul3A_447 : vector<16xf32> to vector<1x16xf32>
        tpu.vector_store %arg18[%swap3A_448, %swap3A_449], %swap3A_452 {strides = array<i32>} : memref<64x128xf32, #tpu.memory_space<vmem>>, vector<1x16xf32>,
        %swap3A_453 = arith.index_cast %scan3A_288 : i32 to index
        %swap3A_454 = arith.constant 112 : index
        %swap3A_455 = tpu.vector_load %arg18[%swap3A_453, %swap3A_454] {strides = array<i32>} : memref<64x128xf32, #tpu.memory_space<vmem>>, vector<1x16xf32>,
        %swap3A_456 = vector.shape_cast %swap3A_455 : vector<1x16xf32> to vector<16xf32>
        %swap3A_457 = vector.shape_cast %exp3A_446 : vector<16xf32> to vector<1x16xf32>
        tpu.vector_store %arg18[%swap3A_453, %swap3A_454], %swap3A_457 {strides = array<i32>} : memref<64x128xf32, #tpu.memory_space<vmem>>, vector<1x16xf32>,
        %scan3A_458 = arith.constant 0 : i32
        scf.yield %scan3A_458 : i32
      }
      %scan3A_283 = arith.constant 64 : i32
      %dma_start3A_284 = arith.constant 0 : i32
      %dma_start3A_285 = arith.constant 0 : i32
      %dma_start3A_286 = tpu.memref_slice %arg20[%dma_start3A_284, %dma_start3A_285] : memref<10112x128xf32, #tpu.memory_space<vmem_shared>> -> memref<10112x128xf32, #tpu.memory_space<vmem_shared>>
      tpu.enqueue_indirect_dma source(%arg18 : memref<64x128xf32, #tpu.memory_space<vmem>>) target(%dma_start3A_286 : memref<10112x128xf32, #tpu.memory_space<vmem_shared>>) offsets(%arg12 : memref<64xi32, #tpu.memory_space<vmem>>) semaphore(%arg24 : memref<!tpu.dma_semaphore, #tpu.memory_space<semaphore_mem>>) {add = true}
      %scan3A_287 = arith.constant 0 : i32
      scf.yield %scan3A_287 : i32
    }
    %scan3A_129 = arith.constant 82 : i32
    %dma_wait3A = arith.constant 0 : i32
    %dma_wait3A_130 = arith.constant 0 : i32
    %dma_wait3A_131 = tpu.memref_slice %arg20[%dma_wait3A, %dma_wait3A_130] : memref<10112x128xf32, #tpu.memory_space<vmem_shared>> -> memref<10112x128xf32, #tpu.memory_space<vmem_shared>>
    tpu.wait_indirect_dma semaphore(%arg24 : memref<!tpu.dma_semaphore, #tpu.memory_space<semaphore_mem>>) src(%arg18 : memref<64x128xf32, #tpu.memory_space<vmem>>) dst(%dma_wait3A_131 : memref<10112x128xf32, #tpu.memory_space<vmem_shared>>)
    %barrier3A_132 = arith.constant 0 : index
    tpu.barrier barrier_id(%barrier3A_132)
    %mul3A_133 = arith.constant 632 : i32
    %mul3A_134 = arith.muli %arg1, %mul3A_133 : i32
    %add3A_135 = arith.constant 0 : i32
    %add3A_136 = arith.addi %mul3A_134, %add3A_135 : i32
    %mul3A_137 = arith.constant 632 : i32
    %mul3A_138 = arith.muli %arg1, %mul3A_137 : i32
    %add3A_139 = arith.constant 0 : i32
    %add3A_140 = arith.addi %mul3A_138, %add3A_139 : i32
    "tpu.region"() ({
      %run_scoped3A = tpu.sem_alloc : memref<!tpu.dma_semaphore, #tpu.memory_space<semaphore_mem>>
      %dma_start3A_213 = arith.constant 0 : i32
      %dma_start3A_214 = tpu.memref_slice %arg6[%arg0, %add3A_140, %dma_start3A_213] : memref<2x10112x128xf32, #tpu.memory_space<hbm>> -> memref<1x64x128xf32, #tpu.memory_space<hbm>>
      %dma_start3A_215 = tpu.memref_squeeze %dma_start3A_214 : memref<1x64x128xf32, #tpu.memory_space<hbm>> -> memref<64x128xf32, #tpu.memory_space<hbm>>
      %dma_start3A_216 = arith.constant 0 : i32
      %dma_start3A_217 = tpu.memref_slice %arg20[%add3A_136, %dma_start3A_216] : memref<10112x128xf32, #tpu.memory_space<vmem_shared>> -> memref<64x128xf32, #tpu.memory_space<vmem_shared>>
      tpu.enqueue_dma source(%dma_start3A_217 : memref<64x128xf32, #tpu.memory_space<vmem_shared>>) target(%dma_start3A_215 : memref<64x128xf32, #tpu.memory_space<hbm>>) target_semaphore(%run_scoped3A : memref<!tpu.dma_semaphore, #tpu.memory_space<semaphore_mem>>)
      %dma_wait3A_218 = arith.constant 0 : i32
      %dma_wait3A_219 = tpu.memref_slice %arg6[%arg0, %add3A_140, %dma_wait3A_218] : memref<2x10112x128xf32, #tpu.memory_space<hbm>> -> memref<1x64x128xf32, #tpu.memory_space<hbm>>
      %dma_wait3A_220 = tpu.memref_squeeze %dma_wait3A_219 : memref<1x64x128xf32, #tpu.memory_space<hbm>> -> memref<64x128xf32, #tpu.memory_space<hbm>>
      %dma_wait3A_221 = arith.constant 0 : i32
      %dma_wait3A_222 = tpu.memref_slice %arg20[%add3A_136, %dma_wait3A_221] : memref<10112x128xf32, #tpu.memory_space<vmem_shared>> -> memref<64x128xf32, #tpu.memory_space<vmem_shared>>
      tpu.wait_dma2 semaphore(%run_scoped3A : memref<!tpu.dma_semaphore, #tpu.memory_space<semaphore_mem>>) src(%dma_wait3A_222 : memref<64x128xf32, #tpu.memory_space<vmem_shared>>) dst(%dma_wait3A_220 : memref<64x128xf32, #tpu.memory_space<hbm>>)
      tpu.yield
    }) : () -> ()
    %mul3A_141 = arith.constant 632 : i32
    %mul3A_142 = arith.muli %arg1, %mul3A_141 : i32
    %add3A_143 = arith.constant 64 : i32
    %add3A_144 = arith.addi %mul3A_142, %add3A_143 : i32
    %mul3A_145 = arith.constant 632 : i32
    %mul3A_146 = arith.muli %arg1, %mul3A_145 : i32
    %add3A_147 = arith.constant 64 : i32
    %add3A_148 = arith.addi %mul3A_146, %add3A_147 : i32
    "tpu.region"() ({
      %run_scoped3A = tpu.sem_alloc : memref<!tpu.dma_semaphore, #tpu.memory_space<semaphore_mem>>
      %dma_start3A_213 = arith.constant 0 : i32
      %dma_start3A_214 = tpu.memref_slice %arg6[%arg0, %add3A_148, %dma_start3A_213] : memref<2x10112x128xf32, #tpu.memory_space<hbm>> -> memref<1x64x128xf32, #tpu.memory_space<hbm>>
      %dma_start3A_215 = tpu.memref_squeeze %dma_start3A_214 : memref<1x64x128xf32, #tpu.memory_space<hbm>> -> memref<64x128xf32, #tpu.memory_space<hbm>>
      %dma_start3A_216 = arith.constant 0 : i32
      %dma_start3A_217 = tpu.memref_slice %arg20[%add3A_144, %dma_start3A_216] : memref<10112x128xf32, #tpu.memory_space<vmem_shared>> -> memref<64x128xf32, #tpu.memory_space<vmem_shared>>
      tpu.enqueue_dma source(%dma_start3A_217 : memref<64x128xf32, #tpu.memory_space<vmem_shared>>) target(%dma_start3A_215 : memref<64x128xf32, #tpu.memory_space<hbm>>) target_semaphore(%run_scoped3A : memref<!tpu.dma_semaphore, #tpu.memory_space<semaphore_mem>>)
      %dma_wait3A_218 = arith.constant 0 : i32
      %dma_wait3A_219 = tpu.memref_slice %arg6[%arg0, %add3A_148, %dma_wait3A_218] : memref<2x10112x128xf32, #tpu.memory_space<hbm>> -> memref<1x64x128xf32, #tpu.memory_space<hbm>>
      %dma_wait3A_220 = tpu.memref_squeeze %dma_wait3A_219 : memref<1x64x128xf32, #tpu.memory_space<hbm>> -> memref<64x128xf32, #tpu.memory_space<hbm>>
      %dma_wait3A_221 = arith.constant 0 : i32
      %dma_wait3A_222 = tpu.memref_slice %arg20[%add3A_144, %dma_wait3A_221] : memref<10112x128xf32, #tpu.memory_space<vmem_shared>> -> memref<64x128xf32, #tpu.memory_space<vmem_shared>>
      tpu.wait_dma2 semaphore(%run_scoped3A : memref<!tpu.dma_semaphore, #tpu.memory_space<semaphore_mem>>) src(%dma_wait3A_222 : memref<64x128xf32, #tpu.memory_space<vmem_shared>>) dst(%dma_wait3A_220 : memref<64x128xf32, #tpu.memory_space<hbm>>)
      tpu.yield
    }) : () -> ()
    %mul3A_149 = arith.constant 632 : i32
    %mul3A_150 = arith.muli %arg1, %mul3A_149 : i32
    %add3A_151 = arith.constant 128 : i32
    %add3A_152 = arith.addi %mul3A_150, %add3A_151 : i32
    %mul3A_153 = arith.constant 632 : i32
    %mul3A_154 = arith.muli %arg1, %mul3A_153 : i32
    %add3A_155 = arith.constant 128 : i32
    %add3A_156 = arith.addi %mul3A_154, %add3A_155 : i32
    "tpu.region"() ({
      %run_scoped3A = tpu.sem_alloc : memref<!tpu.dma_semaphore, #tpu.memory_space<semaphore_mem>>
      %dma_start3A_213 = arith.constant 0 : i32
      %dma_start3A_214 = tpu.memref_slice %arg6[%arg0, %add3A_156, %dma_start3A_213] : memref<2x10112x128xf32, #tpu.memory_space<hbm>> -> memref<1x64x128xf32, #tpu.memory_space<hbm>>
      %dma_start3A_215 = tpu.memref_squeeze %dma_start3A_214 : memref<1x64x128xf32, #tpu.memory_space<hbm>> -> memref<64x128xf32, #tpu.memory_space<hbm>>
      %dma_start3A_216 = arith.constant 0 : i32
      %dma_start3A_217 = tpu.memref_slice %arg20[%add3A_152, %dma_start3A_216] : memref<10112x128xf32, #tpu.memory_space<vmem_shared>> -> memref<64x128xf32, #tpu.memory_space<vmem_shared>>
      tpu.enqueue_dma source(%dma_start3A_217 : memref<64x128xf32, #tpu.memory_space<vmem_shared>>) target(%dma_start3A_215 : memref<64x128xf32, #tpu.memory_space<hbm>>) target_semaphore(%run_scoped3A : memref<!tpu.dma_semaphore, #tpu.memory_space<semaphore_mem>>)
      %dma_wait3A_218 = arith.constant 0 : i32
      %dma_wait3A_219 = tpu.memref_slice %arg6[%arg0, %add3A_156, %dma_wait3A_218] : memref<2x10112x128xf32, #tpu.memory_space<hbm>> -> memref<1x64x128xf32, #tpu.memory_space<hbm>>
      %dma_wait3A_220 = tpu.memref_squeeze %dma_wait3A_219 : memref<1x64x128xf32, #tpu.memory_space<hbm>> -> memref<64x128xf32, #tpu.memory_space<hbm>>
      %dma_wait3A_221 = arith.constant 0 : i32
      %dma_wait3A_222 = tpu.memref_slice %arg20[%add3A_152, %dma_wait3A_221] : memref<10112x128xf32, #tpu.memory_space<vmem_shared>> -> memref<64x128xf32, #tpu.memory_space<vmem_shared>>
      tpu.wait_dma2 semaphore(%run_scoped3A : memref<!tpu.dma_semaphore, #tpu.memory_space<semaphore_mem>>) src(%dma_wait3A_222 : memref<64x128xf32, #tpu.memory_space<vmem_shared>>) dst(%dma_wait3A_220 : memref<64x128xf32, #tpu.memory_space<hbm>>)
      tpu.yield
    }) : () -> ()
    %mul3A_157 = arith.constant 632 : i32
    %mul3A_158 = arith.muli %arg1, %mul3A_157 : i32
    %add3A_159 = arith.constant 192 : i32
    %add3A_160 = arith.addi %mul3A_158, %add3A_159 : i32
    %mul3A_161 = arith.constant 632 : i32
    %mul3A_162 = arith.muli %arg1, %mul3A_161 : i32
    %add3A_163 = arith.constant 192 : i32
    %add3A_164 = arith.addi %mul3A_162, %add3A_163 : i32
    "tpu.region"() ({
      %run_scoped3A = tpu.sem_alloc : memref<!tpu.dma_semaphore, #tpu.memory_space<semaphore_mem>>
      %dma_start3A_213 = arith.constant 0 : i32
      %dma_start3A_214 = tpu.memref_slice %arg6[%arg0, %add3A_164, %dma_start3A_213] : memref<2x10112x128xf32, #tpu.memory_space<hbm>> -> memref<1x64x128xf32, #tpu.memory_space<hbm>>
      %dma_start3A_215 = tpu.memref_squeeze %dma_start3A_214 : memref<1x64x128xf32, #tpu.memory_space<hbm>> -> memref<64x128xf32, #tpu.memory_space<hbm>>
      %dma_start3A_216 = arith.constant 0 : i32
      %dma_start3A_217 = tpu.memref_slice %arg20[%add3A_160, %dma_start3A_216] : memref<10112x128xf32, #tpu.memory_space<vmem_shared>> -> memref<64x128xf32, #tpu.memory_space<vmem_shared>>
      tpu.enqueue_dma source(%dma_start3A_217 : memref<64x128xf32, #tpu.memory_space<vmem_shared>>) target(%dma_start3A_215 : memref<64x128xf32, #tpu.memory_space<hbm>>) target_semaphore(%run_scoped3A : memref<!tpu.dma_semaphore, #tpu.memory_space<semaphore_mem>>)
      %dma_wait3A_218 = arith.constant 0 : i32
      %dma_wait3A_219 = tpu.memref_slice %arg6[%arg0, %add3A_164, %dma_wait3A_218] : memref<2x10112x128xf32, #tpu.memory_space<hbm>> -> memref<1x64x128xf32, #tpu.memory_space<hbm>>
      %dma_wait3A_220 = tpu.memref_squeeze %dma_wait3A_219 : memref<1x64x128xf32, #tpu.memory_space<hbm>> -> memref<64x128xf32, #tpu.memory_space<hbm>>
      %dma_wait3A_221 = arith.constant 0 : i32
      %dma_wait3A_222 = tpu.memref_slice %arg20[%add3A_160, %dma_wait3A_221] : memref<10112x128xf32, #tpu.memory_space<vmem_shared>> -> memref<64x128xf32, #tpu.memory_space<vmem_shared>>
      tpu.wait_dma2 semaphore(%run_scoped3A : memref<!tpu.dma_semaphore, #tpu.memory_space<semaphore_mem>>) src(%dma_wait3A_222 : memref<64x128xf32, #tpu.memory_space<vmem_shared>>) dst(%dma_wait3A_220 : memref<64x128xf32, #tpu.memory_space<hbm>>)
      tpu.yield
    }) : () -> ()
    %mul3A_165 = arith.constant 632 : i32
    %mul3A_166 = arith.muli %arg1, %mul3A_165 : i32
    %add3A_167 = arith.constant 256 : i32
    %add3A_168 = arith.addi %mul3A_166, %add3A_167 : i32
    %mul3A_169 = arith.constant 632 : i32
    %mul3A_170 = arith.muli %arg1, %mul3A_169 : i32
    %add3A_171 = arith.constant 256 : i32
    %add3A_172 = arith.addi %mul3A_170, %add3A_171 : i32
    "tpu.region"() ({
      %run_scoped3A = tpu.sem_alloc : memref<!tpu.dma_semaphore, #tpu.memory_space<semaphore_mem>>
      %dma_start3A_213 = arith.constant 0 : i32
      %dma_start3A_214 = tpu.memref_slice %arg6[%arg0, %add3A_172, %dma_start3A_213] : memref<2x10112x128xf32, #tpu.memory_space<hbm>> -> memref<1x64x128xf32, #tpu.memory_space<hbm>>
      %dma_start3A_215 = tpu.memref_squeeze %dma_start3A_214 : memref<1x64x128xf32, #tpu.memory_space<hbm>> -> memref<64x128xf32, #tpu.memory_space<hbm>>
      %dma_start3A_216 = arith.constant 0 : i32
      %dma_start3A_217 = tpu.memref_slice %arg20[%add3A_168, %dma_start3A_216] : memref<10112x128xf32, #tpu.memory_space<vmem_shared>> -> memref<64x128xf32, #tpu.memory_space<vmem_shared>>
      tpu.enqueue_dma source(%dma_start3A_217 : memref<64x128xf32, #tpu.memory_space<vmem_shared>>) target(%dma_start3A_215 : memref<64x128xf32, #tpu.memory_space<hbm>>) target_semaphore(%run_scoped3A : memref<!tpu.dma_semaphore, #tpu.memory_space<semaphore_mem>>)
      %dma_wait3A_218 = arith.constant 0 : i32
      %dma_wait3A_219 = tpu.memref_slice %arg6[%arg0, %add3A_172, %dma_wait3A_218] : memref<2x10112x128xf32, #tpu.memory_space<hbm>> -> memref<1x64x128xf32, #tpu.memory_space<hbm>>
      %dma_wait3A_220 = tpu.memref_squeeze %dma_wait3A_219 : memref<1x64x128xf32, #tpu.memory_space<hbm>> -> memref<64x128xf32, #tpu.memory_space<hbm>>
      %dma_wait3A_221 = arith.constant 0 : i32
      %dma_wait3A_222 = tpu.memref_slice %arg20[%add3A_168, %dma_wait3A_221] : memref<10112x128xf32, #tpu.memory_space<vmem_shared>> -> memref<64x128xf32, #tpu.memory_space<vmem_shared>>
      tpu.wait_dma2 semaphore(%run_scoped3A : memref<!tpu.dma_semaphore, #tpu.memory_space<semaphore_mem>>) src(%dma_wait3A_222 : memref<64x128xf32, #tpu.memory_space<vmem_shared>>) dst(%dma_wait3A_220 : memref<64x128xf32, #tpu.memory_space<hbm>>)
      tpu.yield
    }) : () -> ()
    %mul3A_173 = arith.constant 632 : i32
    %mul3A_174 = arith.muli %arg1, %mul3A_173 : i32
    %add3A_175 = arith.constant 320 : i32
    %add3A_176 = arith.addi %mul3A_174, %add3A_175 : i32
    %mul3A_177 = arith.constant 632 : i32
    %mul3A_178 = arith.muli %arg1, %mul3A_177 : i32
    %add3A_179 = arith.constant 320 : i32
    %add3A_180 = arith.addi %mul3A_178, %add3A_179 : i32
    "tpu.region"() ({
      %run_scoped3A = tpu.sem_alloc : memref<!tpu.dma_semaphore, #tpu.memory_space<semaphore_mem>>
      %dma_start3A_213 = arith.constant 0 : i32
      %dma_start3A_214 = tpu.memref_slice %arg6[%arg0, %add3A_180, %dma_start3A_213] : memref<2x10112x128xf32, #tpu.memory_space<hbm>> -> memref<1x64x128xf32, #tpu.memory_space<hbm>>
      %dma_start3A_215 = tpu.memref_squeeze %dma_start3A_214 : memref<1x64x128xf32, #tpu.memory_space<hbm>> -> memref<64x128xf32, #tpu.memory_space<hbm>>
      %dma_start3A_216 = arith.constant 0 : i32
      %dma_start3A_217 = tpu.memref_slice %arg20[%add3A_176, %dma_start3A_216] : memref<10112x128xf32, #tpu.memory_space<vmem_shared>> -> memref<64x128xf32, #tpu.memory_space<vmem_shared>>
      tpu.enqueue_dma source(%dma_start3A_217 : memref<64x128xf32, #tpu.memory_space<vmem_shared>>) target(%dma_start3A_215 : memref<64x128xf32, #tpu.memory_space<hbm>>) target_semaphore(%run_scoped3A : memref<!tpu.dma_semaphore, #tpu.memory_space<semaphore_mem>>)
      %dma_wait3A_218 = arith.constant 0 : i32
      %dma_wait3A_219 = tpu.memref_slice %arg6[%arg0, %add3A_180, %dma_wait3A_218] : memref<2x10112x128xf32, #tpu.memory_space<hbm>> -> memref<1x64x128xf32, #tpu.memory_space<hbm>>
      %dma_wait3A_220 = tpu.memref_squeeze %dma_wait3A_219 : memref<1x64x128xf32, #tpu.memory_space<hbm>> -> memref<64x128xf32, #tpu.memory_space<hbm>>
      %dma_wait3A_221 = arith.constant 0 : i32
      %dma_wait3A_222 = tpu.memref_slice %arg20[%add3A_176, %dma_wait3A_221] : memref<10112x128xf32, #tpu.memory_space<vmem_shared>> -> memref<64x128xf32, #tpu.memory_space<vmem_shared>>
      tpu.wait_dma2 semaphore(%run_scoped3A : memref<!tpu.dma_semaphore, #tpu.memory_space<semaphore_mem>>) src(%dma_wait3A_222 : memref<64x128xf32, #tpu.memory_space<vmem_shared>>) dst(%dma_wait3A_220 : memref<64x128xf32, #tpu.memory_space<hbm>>)
      tpu.yield
    }) : () -> ()
    %mul3A_181 = arith.constant 632 : i32
    %mul3A_182 = arith.muli %arg1, %mul3A_181 : i32
    %add3A_183 = arith.constant 384 : i32
    %add3A_184 = arith.addi %mul3A_182, %add3A_183 : i32
    %mul3A_185 = arith.constant 632 : i32
    %mul3A_186 = arith.muli %arg1, %mul3A_185 : i32
    %add3A_187 = arith.constant 384 : i32
    %add3A_188 = arith.addi %mul3A_186, %add3A_187 : i32
    "tpu.region"() ({
      %run_scoped3A = tpu.sem_alloc : memref<!tpu.dma_semaphore, #tpu.memory_space<semaphore_mem>>
      %dma_start3A_213 = arith.constant 0 : i32
      %dma_start3A_214 = tpu.memref_slice %arg6[%arg0, %add3A_188, %dma_start3A_213] : memref<2x10112x128xf32, #tpu.memory_space<hbm>> -> memref<1x64x128xf32, #tpu.memory_space<hbm>>
      %dma_start3A_215 = tpu.memref_squeeze %dma_start3A_214 : memref<1x64x128xf32, #tpu.memory_space<hbm>> -> memref<64x128xf32, #tpu.memory_space<hbm>>
      %dma_start3A_216 = arith.constant 0 : i32
      %dma_start3A_217 = tpu.memref_slice %arg20[%add3A_184, %dma_start3A_216] : memref<10112x128xf32, #tpu.memory_space<vmem_shared>> -> memref<64x128xf32, #tpu.memory_space<vmem_shared>>
      tpu.enqueue_dma source(%dma_start3A_217 : memref<64x128xf32, #tpu.memory_space<vmem_shared>>) target(%dma_start3A_215 : memref<64x128xf32, #tpu.memory_space<hbm>>) target_semaphore(%run_scoped3A : memref<!tpu.dma_semaphore, #tpu.memory_space<semaphore_mem>>)
      %dma_wait3A_218 = arith.constant 0 : i32
      %dma_wait3A_219 = tpu.memref_slice %arg6[%arg0, %add3A_188, %dma_wait3A_218] : memref<2x10112x128xf32, #tpu.memory_space<hbm>> -> memref<1x64x128xf32, #tpu.memory_space<hbm>>
      %dma_wait3A_220 = tpu.memref_squeeze %dma_wait3A_219 : memref<1x64x128xf32, #tpu.memory_space<hbm>> -> memref<64x128xf32, #tpu.memory_space<hbm>>
      %dma_wait3A_221 = arith.constant 0 : i32
      %dma_wait3A_222 = tpu.memref_slice %arg20[%add3A_184, %dma_wait3A_221] : memref<10112x128xf32, #tpu.memory_space<vmem_shared>> -> memref<64x128xf32, #tpu.memory_space<vmem_shared>>
      tpu.wait_dma2 semaphore(%run_scoped3A : memref<!tpu.dma_semaphore, #tpu.memory_space<semaphore_mem>>) src(%dma_wait3A_222 : memref<64x128xf32, #tpu.memory_space<vmem_shared>>) dst(%dma_wait3A_220 : memref<64x128xf32, #tpu.memory_space<hbm>>)
      tpu.yield
    }) : () -> ()
    %mul3A_189 = arith.constant 632 : i32
    %mul3A_190 = arith.muli %arg1, %mul3A_189 : i32
    %add3A_191 = arith.constant 448 : i32
    %add3A_192 = arith.addi %mul3A_190, %add3A_191 : i32
    %mul3A_193 = arith.constant 632 : i32
    %mul3A_194 = arith.muli %arg1, %mul3A_193 : i32
    %add3A_195 = arith.constant 448 : i32
    %add3A_196 = arith.addi %mul3A_194, %add3A_195 : i32
    "tpu.region"() ({
      %run_scoped3A = tpu.sem_alloc : memref<!tpu.dma_semaphore, #tpu.memory_space<semaphore_mem>>
      %dma_start3A_213 = arith.constant 0 : i32
      %dma_start3A_214 = tpu.memref_slice %arg6[%arg0, %add3A_196, %dma_start3A_213] : memref<2x10112x128xf32, #tpu.memory_space<hbm>> -> memref<1x64x128xf32, #tpu.memory_space<hbm>>
      %dma_start3A_215 = tpu.memref_squeeze %dma_start3A_214 : memref<1x64x128xf32, #tpu.memory_space<hbm>> -> memref<64x128xf32, #tpu.memory_space<hbm>>
      %dma_start3A_216 = arith.constant 0 : i32
      %dma_start3A_217 = tpu.memref_slice %arg20[%add3A_192, %dma_start3A_216] : memref<10112x128xf32, #tpu.memory_space<vmem_shared>> -> memref<64x128xf32, #tpu.memory_space<vmem_shared>>
      tpu.enqueue_dma source(%dma_start3A_217 : memref<64x128xf32, #tpu.memory_space<vmem_shared>>) target(%dma_start3A_215 : memref<64x128xf32, #tpu.memory_space<hbm>>) target_semaphore(%run_scoped3A : memref<!tpu.dma_semaphore, #tpu.memory_space<semaphore_mem>>)
      %dma_wait3A_218 = arith.constant 0 : i32
      %dma_wait3A_219 = tpu.memref_slice %arg6[%arg0, %add3A_196, %dma_wait3A_218] : memref<2x10112x128xf32, #tpu.memory_space<hbm>> -> memref<1x64x128xf32, #tpu.memory_space<hbm>>
      %dma_wait3A_220 = tpu.memref_squeeze %dma_wait3A_219 : memref<1x64x128xf32, #tpu.memory_space<hbm>> -> memref<64x128xf32, #tpu.memory_space<hbm>>
      %dma_wait3A_221 = arith.constant 0 : i32
      %dma_wait3A_222 = tpu.memref_slice %arg20[%add3A_192, %dma_wait3A_221] : memref<10112x128xf32, #tpu.memory_space<vmem_shared>> -> memref<64x128xf32, #tpu.memory_space<vmem_shared>>
      tpu.wait_dma2 semaphore(%run_scoped3A : memref<!tpu.dma_semaphore, #tpu.memory_space<semaphore_mem>>) src(%dma_wait3A_222 : memref<64x128xf32, #tpu.memory_space<vmem_shared>>) dst(%dma_wait3A_220 : memref<64x128xf32, #tpu.memory_space<hbm>>)
      tpu.yield
    }) : () -> ()
    %mul3A_197 = arith.constant 632 : i32
    %mul3A_198 = arith.muli %arg1, %mul3A_197 : i32
    %add3A_199 = arith.constant 512 : i32
    %add3A_200 = arith.addi %mul3A_198, %add3A_199 : i32
    %mul3A_201 = arith.constant 632 : i32
    %mul3A_202 = arith.muli %arg1, %mul3A_201 : i32
    %add3A_203 = arith.constant 512 : i32
    %add3A_204 = arith.addi %mul3A_202, %add3A_203 : i32
    "tpu.region"() ({
      %run_scoped3A = tpu.sem_alloc : memref<!tpu.dma_semaphore, #tpu.memory_space<semaphore_mem>>
      %dma_start3A_213 = arith.constant 0 : i32
      %dma_start3A_214 = tpu.memref_slice %arg6[%arg0, %add3A_204, %dma_start3A_213] : memref<2x10112x128xf32, #tpu.memory_space<hbm>> -> memref<1x64x128xf32, #tpu.memory_space<hbm>>
      %dma_start3A_215 = tpu.memref_squeeze %dma_start3A_214 : memref<1x64x128xf32, #tpu.memory_space<hbm>> -> memref<64x128xf32, #tpu.memory_space<hbm>>
      %dma_start3A_216 = arith.constant 0 : i32
      %dma_start3A_217 = tpu.memref_slice %arg20[%add3A_200, %dma_start3A_216] : memref<10112x128xf32, #tpu.memory_space<vmem_shared>> -> memref<64x128xf32, #tpu.memory_space<vmem_shared>>
      tpu.enqueue_dma source(%dma_start3A_217 : memref<64x128xf32, #tpu.memory_space<vmem_shared>>) target(%dma_start3A_215 : memref<64x128xf32, #tpu.memory_space<hbm>>) target_semaphore(%run_scoped3A : memref<!tpu.dma_semaphore, #tpu.memory_space<semaphore_mem>>)
      %dma_wait3A_218 = arith.constant 0 : i32
      %dma_wait3A_219 = tpu.memref_slice %arg6[%arg0, %add3A_204, %dma_wait3A_218] : memref<2x10112x128xf32, #tpu.memory_space<hbm>> -> memref<1x64x128xf32, #tpu.memory_space<hbm>>
      %dma_wait3A_220 = tpu.memref_squeeze %dma_wait3A_219 : memref<1x64x128xf32, #tpu.memory_space<hbm>> -> memref<64x128xf32, #tpu.memory_space<hbm>>
      %dma_wait3A_221 = arith.constant 0 : i32
      %dma_wait3A_222 = tpu.memref_slice %arg20[%add3A_200, %dma_wait3A_221] : memref<10112x128xf32, #tpu.memory_space<vmem_shared>> -> memref<64x128xf32, #tpu.memory_space<vmem_shared>>
      tpu.wait_dma2 semaphore(%run_scoped3A : memref<!tpu.dma_semaphore, #tpu.memory_space<semaphore_mem>>) src(%dma_wait3A_222 : memref<64x128xf32, #tpu.memory_space<vmem_shared>>) dst(%dma_wait3A_220 : memref<64x128xf32, #tpu.memory_space<hbm>>)
      tpu.yield
    }) : () -> ()
    %mul3A_205 = arith.constant 632 : i32
    %mul3A_206 = arith.muli %arg1, %mul3A_205 : i32
    %add3A_207 = arith.constant 576 : i32
    %add3A_208 = arith.addi %mul3A_206, %add3A_207 : i32
    %mul3A_209 = arith.constant 632 : i32
    %mul3A_210 = arith.muli %arg1, %mul3A_209 : i32
    %add3A_211 = arith.constant 576 : i32
    %add3A_212 = arith.addi %mul3A_210, %add3A_211 : i32
    "tpu.region"() ({
      %run_scoped3A = tpu.sem_alloc : memref<!tpu.dma_semaphore, #tpu.memory_space<semaphore_mem>>
      %dma_start3A_213 = arith.constant 0 : i32
      %dma_start3A_214 = tpu.memref_slice %arg6[%arg0, %add3A_212, %dma_start3A_213] : memref<2x10112x128xf32, #tpu.memory_space<hbm>> -> memref<1x56x128xf32, #tpu.memory_space<hbm>>
      %dma_start3A_215 = tpu.memref_squeeze %dma_start3A_214 : memref<1x56x128xf32, #tpu.memory_space<hbm>> -> memref<56x128xf32, #tpu.memory_space<hbm>>
      %dma_start3A_216 = arith.constant 0 : i32
      %dma_start3A_217 = tpu.memref_slice %arg20[%add3A_208, %dma_start3A_216] : memref<10112x128xf32, #tpu.memory_space<vmem_shared>> -> memref<56x128xf32, #tpu.memory_space<vmem_shared>>
      tpu.enqueue_dma source(%dma_start3A_217 : memref<56x128xf32, #tpu.memory_space<vmem_shared>>) target(%dma_start3A_215 : memref<56x128xf32, #tpu.memory_space<hbm>>) target_semaphore(%run_scoped3A : memref<!tpu.dma_semaphore, #tpu.memory_space<semaphore_mem>>)
      %dma_wait3A_218 = arith.constant 0 : i32
      %dma_wait3A_219 = tpu.memref_slice %arg6[%arg0, %add3A_212, %dma_wait3A_218] : memref<2x10112x128xf32, #tpu.memory_space<hbm>> -> memref<1x56x128xf32, #tpu.memory_space<hbm>>
      %dma_wait3A_220 = tpu.memref_squeeze %dma_wait3A_219 : memref<1x56x128xf32, #tpu.memory_space<hbm>> -> memref<56x128xf32, #tpu.memory_space<hbm>>
      %dma_wait3A_221 = arith.constant 0 : i32
      %dma_wait3A_222 = tpu.memref_slice %arg20[%add3A_208, %dma_wait3A_221] : memref<10112x128xf32, #tpu.memory_space<vmem_shared>> -> memref<56x128xf32, #tpu.memory_space<vmem_shared>>
      tpu.wait_dma2 semaphore(%run_scoped3A : memref<!tpu.dma_semaphore, #tpu.memory_space<semaphore_mem>>) src(%dma_wait3A_222 : memref<56x128xf32, #tpu.memory_space<vmem_shared>>) dst(%dma_wait3A_220 : memref<56x128xf32, #tpu.memory_space<hbm>>)
      tpu.yield
    }) : () -> ()
    return
  }
}

module attributes {stable_mosaic.version = 14 : i64} {
  func.func @_proj1_body(%arg0: i32, %arg1: memref<632x128xf32, #tpu.memory_space<vmem>>, %arg2: memref<128x128xf32, #tpu.memory_space<vmem>>, %arg3: memref<1x128xf32, #tpu.memory_space<vmem>>, %arg4: memref<128x128xf32, #tpu.memory_space<vmem>>, %arg5: memref<1x128xf32, #tpu.memory_space<vmem>>, %arg6: memref<632x128xf32, #tpu.memory_space<vmem>>, %arg7: memref<632x128xf32, #tpu.memory_space<vmem>>) attributes {dimension_semantics = [#tpu.dimension_semantics<arbitrary>], iteration_bounds = array<i64: 16>, scalar_prefetch = 0 : i64, scratch_operands = 0 : i64, tpu.core_type = #tpu.core_type<tc>, window_params = [{transform_indices = @transform_0, window_bounds = array<i64: 632, 128>}, {pipeline_mode = #tpu.pipeline_mode<synchronous>, transform_indices = @transform_1, window_bounds = array<i64: 128, 128>}, {pipeline_mode = #tpu.pipeline_mode<synchronous>, transform_indices = @transform_2, window_bounds = array<i64: 1, 128>}, {pipeline_mode = #tpu.pipeline_mode<synchronous>, transform_indices = @transform_3, window_bounds = array<i64: 128, 128>}, {pipeline_mode = #tpu.pipeline_mode<synchronous>, transform_indices = @transform_4, window_bounds = array<i64: 1, 128>}, {transform_indices = @transform_5, window_bounds = array<i64: 632, 128>}, {transform_indices = @transform_6, window_bounds = array<i64: 632, 128>}]} {
    %get3A = arith.constant 0 : index
    %get3A_0 = arith.constant 0 : index
    %get3A_1 = vector.load %arg1[%get3A, %get3A_0] : memref<632x128xf32, #tpu.memory_space<vmem>>, vector<632x128xf32>
    %get3A_2 = arith.constant 0 : index
    %get3A_3 = arith.constant 0 : index
    %get3A_4 = vector.load %arg2[%get3A_2, %get3A_3] : memref<128x128xf32, #tpu.memory_space<vmem>>, vector<128x128xf32>
    %transpose3A = tpu.transpose %get3A_4, [1, 0] : vector<128x128xf32> -> vector<128x128xf32>
    %dot_general3A = arith.constant dense<0.000000e+00> : vector<632x128xf32>
    %dot_general3A_5 = tpu.matmul %get3A_1, %transpose3A, %dot_general3A {dimension_numbers = #tpu.dot_dimension_numbers<[1], [0], [0], [1], [0, 0, 1, 1], [], []>, transpose_lhs_hint = false} : vector<632x128xf32>, vector<128x128xf32>, vector<632x128xf32> -> vector<632x128xf32>
    %get3A_6 = arith.constant 0 : index
    %get3A_7 = arith.constant 0 : index
    %get3A_8 = vector.load %arg3[%get3A_6, %get3A_7] : memref<1x128xf32, #tpu.memory_space<vmem>>, vector<1x128xf32>
    %add3A = vector.broadcast %get3A_8 : vector<1x128xf32> to vector<632x128xf32>
    %add3A_9 = arith.addf %dot_general3A_5, %add3A : vector<632x128xf32>
    %swap3A = arith.constant 0 : index
    %swap3A_10 = arith.constant 0 : index
    %swap3A_11 = vector.load %arg6[%swap3A, %swap3A_10] : memref<632x128xf32, #tpu.memory_space<vmem>>, vector<632x128xf32>
    tpu.vector_store %arg6[%swap3A, %swap3A_10], %add3A_9 {strides = array<i32>} : memref<632x128xf32, #tpu.memory_space<vmem>>, vector<632x128xf32>,
    %get3A_12 = arith.constant 0 : index
    %get3A_13 = arith.constant 0 : index
    %get3A_14 = vector.load %arg4[%get3A_12, %get3A_13] : memref<128x128xf32, #tpu.memory_space<vmem>>, vector<128x128xf32>
    %transpose3A_15 = tpu.transpose %get3A_14, [1, 0] : vector<128x128xf32> -> vector<128x128xf32>
    %dot_general3A_16 = arith.constant dense<0.000000e+00> : vector<632x128xf32>
    %dot_general3A_17 = tpu.matmul %get3A_1, %transpose3A_15, %dot_general3A_16 {dimension_numbers = #tpu.dot_dimension_numbers<[1], [0], [0], [1], [0, 0, 1, 1], [], []>, transpose_lhs_hint = false} : vector<632x128xf32>, vector<128x128xf32>, vector<632x128xf32> -> vector<632x128xf32>
    %get3A_18 = arith.constant 0 : index
    %get3A_19 = arith.constant 0 : index
    %get3A_20 = vector.load %arg5[%get3A_18, %get3A_19] : memref<1x128xf32, #tpu.memory_space<vmem>>, vector<1x128xf32>
    %add3A_21 = vector.broadcast %get3A_20 : vector<1x128xf32> to vector<632x128xf32>
    %add3A_22 = arith.addf %dot_general3A_17, %add3A_21 : vector<632x128xf32>
    %swap3A_23 = arith.constant 0 : index
    %swap3A_24 = arith.constant 0 : index
    %swap3A_25 = vector.load %arg7[%swap3A_23, %swap3A_24] : memref<632x128xf32, #tpu.memory_space<vmem>>, vector<632x128xf32>
    tpu.vector_store %arg7[%swap3A_23, %swap3A_24], %add3A_22 {strides = array<i32>} : memref<632x128xf32, #tpu.memory_space<vmem>>, vector<632x128xf32>,
    return
  }
  func.func @transform_0(%arg0: i32) -> (i32, i32) {
    %c0_i32 = arith.constant 0 : i32
    %c0_i32_0 = arith.constant 0 : i32
    return %arg0, %c0_i32 : i32, i32
  }
  func.func @transform_1(%arg0: i32) -> (i32, i32) {
    %c0_i32 = arith.constant 0 : i32
    %c0_i32_0 = arith.constant 0 : i32
    %c0_i32_1 = arith.constant 0 : i32
    return %c0_i32, %c0_i32_0 : i32, i32
  }
  func.func @transform_2(%arg0: i32) -> (i32, i32) {
    %c0_i32 = arith.constant 0 : i32
    %c0_i32_0 = arith.constant 0 : i32
    %c0_i32_1 = arith.constant 0 : i32
    return %c0_i32, %c0_i32_0 : i32, i32
  }
  func.func @transform_3(%arg0: i32) -> (i32, i32) {
    %c0_i32 = arith.constant 0 : i32
    %c0_i32_0 = arith.constant 0 : i32
    %c0_i32_1 = arith.constant 0 : i32
    return %c0_i32, %c0_i32_0 : i32, i32
  }
  func.func @transform_4(%arg0: i32) -> (i32, i32) {
    %c0_i32 = arith.constant 0 : i32
    %c0_i32_0 = arith.constant 0 : i32
    %c0_i32_1 = arith.constant 0 : i32
    return %c0_i32, %c0_i32_0 : i32, i32
  }
  func.func @transform_5(%arg0: i32) -> (i32, i32) {
    %c0_i32 = arith.constant 0 : i32
    %c0_i32_0 = arith.constant 0 : i32
    return %arg0, %c0_i32 : i32, i32
  }
  func.func @transform_6(%arg0: i32) -> (i32, i32) {
    %c0_i32 = arith.constant 0 : i32
    %c0_i32_0 = arith.constant 0 : i32
    return %arg0, %c0_i32 : i32, i32
  }
}

module attributes {stable_mosaic.version = 14 : i64} {
  func.func @_mid_body(%arg0: i32, %arg1: memref<2x632x128xf32, #tpu.memory_space<vmem>>, %arg2: memref<1x64xf32, #tpu.memory_space<vmem>>, %arg3: memref<128x64xf32, #tpu.memory_space<vmem>>, %arg4: memref<1x128xf32, #tpu.memory_space<vmem>>, %arg5: memref<128x64xf32, #tpu.memory_space<vmem>>, %arg6: memref<1x128xf32, #tpu.memory_space<vmem>>, %arg7: memref<632x128xf32, #tpu.memory_space<vmem>>, %arg8: memref<632x128xf32, #tpu.memory_space<vmem>>) attributes {dimension_semantics = [#tpu.dimension_semantics<arbitrary>], iteration_bounds = array<i64: 16>, scalar_prefetch = 0 : i64, scratch_operands = 0 : i64, tpu.core_type = #tpu.core_type<tc>, window_params = [{transform_indices = @transform_0, window_bounds = array<i64: 2, 632, 128>}, {pipeline_mode = #tpu.pipeline_mode<synchronous>, transform_indices = @transform_1, window_bounds = array<i64: 1, 64>}, {pipeline_mode = #tpu.pipeline_mode<synchronous>, transform_indices = @transform_2, window_bounds = array<i64: 128, 64>}, {pipeline_mode = #tpu.pipeline_mode<synchronous>, transform_indices = @transform_3, window_bounds = array<i64: 1, 128>}, {pipeline_mode = #tpu.pipeline_mode<synchronous>, transform_indices = @transform_4, window_bounds = array<i64: 128, 64>}, {pipeline_mode = #tpu.pipeline_mode<synchronous>, transform_indices = @transform_5, window_bounds = array<i64: 1, 128>}, {transform_indices = @transform_6, window_bounds = array<i64: 632, 128>}, {transform_indices = @transform_7, window_bounds = array<i64: 632, 128>}]} {
    %get3A = arith.constant 0 : index
    %get3A_0 = arith.constant 0 : index
    %get3A_1 = arith.constant 0 : index
    %get3A_2 = vector.load %arg1[%get3A, %get3A_0, %get3A_1] : memref<2x632x128xf32, #tpu.memory_space<vmem>>, vector<1x632x128xf32>
    %get3A_3 = vector.shape_cast %get3A_2 : vector<1x632x128xf32> to vector<632x128xf32>
    %get3A_4 = arith.constant 1 : index
    %get3A_5 = arith.constant 0 : index
    %get3A_6 = arith.constant 0 : index
    %get3A_7 = vector.load %arg1[%get3A_4, %get3A_5, %get3A_6] : memref<2x632x128xf32, #tpu.memory_space<vmem>>, vector<1x632x128xf32>
    %get3A_8 = vector.shape_cast %get3A_7 : vector<1x632x128xf32> to vector<632x128xf32>
    %slice3A = vector.extract_strided_slice %get3A_3 {offsets = [0, 0], sizes = [632, 64], strides = [1, 1]} : vector<632x128xf32> to vector<632x64xf32>
    %slice3A_9 = vector.extract_strided_slice %get3A_8 {offsets = [0, 0], sizes = [632, 64], strides = [1, 1]} : vector<632x128xf32> to vector<632x64xf32>
    %add3A = arith.addf %slice3A, %slice3A_9 : vector<632x64xf32>
    %slice3A_10 = vector.extract_strided_slice %get3A_3 {offsets = [0, 64], sizes = [632, 64], strides = [1, 1]} : vector<632x128xf32> to vector<632x64xf32>
    %slice3A_11 = vector.extract_strided_slice %get3A_8 {offsets = [0, 64], sizes = [632, 64], strides = [1, 1]} : vector<632x128xf32> to vector<632x64xf32>
    %add3A_12 = arith.addf %slice3A_10, %slice3A_11 : vector<632x64xf32>
    %add3A_13 = arith.constant 1.000000e-16 : f32
    %add3A_14 = vector.broadcast %add3A_13 : f32 to vector<632x64xf32>
    %add3A_15 = arith.addf %add3A_12, %add3A_14 : vector<632x64xf32>
    %div3A = arith.divf %add3A, %add3A_15 : vector<632x64xf32>
    %get3A_16 = arith.constant 0 : index
    %get3A_17 = arith.constant 0 : index
    %get3A_18 = vector.load %arg2[%get3A_16, %get3A_17] : memref<1x64xf32, #tpu.memory_space<vmem>>, vector<1x64xf32>
    %add3A_19 = vector.broadcast %get3A_18 : vector<1x64xf32> to vector<632x64xf32>
    %add3A_20 = arith.addf %div3A, %add3A_19 : vector<632x64xf32>
    %gt3A = arith.constant 0.000000e+00 : f32
    %gt3A_21 = vector.broadcast %gt3A : f32 to vector<632x64xf32>
    %gt3A_22 = arith.cmpf ogt, %add3A_20, %gt3A_21 : vector<632x64xf32>
    %min3A = arith.constant 0.000000e+00 : f32
    %min3A_23 = vector.broadcast %min3A : f32 to vector<632x64xf32>
    %min3A_24 = arith.minimumf %add3A_20, %min3A_23 : vector<632x64xf32>
    %exp3A = math.exp %min3A_24 : vector<632x64xf32>
    %sub3A = arith.constant 1.000000e+00 : f32
    %sub3A_25 = vector.broadcast %sub3A : f32 to vector<632x64xf32>
    %sub3A_26 = arith.subf %exp3A, %sub3A_25 : vector<632x64xf32>
    %select_n3A = arith.select %gt3A_22, %add3A_20, %sub3A_26 : vector<632x64xi1>, vector<632x64xf32>
    %get3A_27 = arith.constant 0 : index
    %get3A_28 = arith.constant 0 : index
    %get3A_29 = vector.load %arg3[%get3A_27, %get3A_28] : memref<128x64xf32, #tpu.memory_space<vmem>>, vector<128x64xf32>
    %transpose3A = tpu.transpose %get3A_29, [1, 0] : vector<128x64xf32> -> vector<64x128xf32>
    %dot_general3A = arith.constant dense<0.000000e+00> : vector<632x128xf32>
    %dot_general3A_30 = tpu.matmul %select_n3A, %transpose3A, %dot_general3A {dimension_numbers = #tpu.dot_dimension_numbers<[1], [0], [0], [1], [0, 0, 1, 1], [], []>, transpose_lhs_hint = false} : vector<632x64xf32>, vector<64x128xf32>, vector<632x128xf32> -> vector<632x128xf32>
    %get3A_31 = arith.constant 0 : index
    %get3A_32 = arith.constant 0 : index
    %get3A_33 = vector.load %arg4[%get3A_31, %get3A_32] : memref<1x128xf32, #tpu.memory_space<vmem>>, vector<1x128xf32>
    %add3A_34 = vector.broadcast %get3A_33 : vector<1x128xf32> to vector<632x128xf32>
    %add3A_35 = arith.addf %dot_general3A_30, %add3A_34 : vector<632x128xf32>
    %swap3A = arith.constant 0 : index
    %swap3A_36 = arith.constant 0 : index
    %swap3A_37 = vector.load %arg7[%swap3A, %swap3A_36] : memref<632x128xf32, #tpu.memory_space<vmem>>, vector<632x128xf32>
    tpu.vector_store %arg7[%swap3A, %swap3A_36], %add3A_35 {strides = array<i32>} : memref<632x128xf32, #tpu.memory_space<vmem>>, vector<632x128xf32>,
    %get3A_38 = arith.constant 0 : index
    %get3A_39 = arith.constant 0 : index
    %get3A_40 = vector.load %arg5[%get3A_38, %get3A_39] : memref<128x64xf32, #tpu.memory_space<vmem>>, vector<128x64xf32>
    %transpose3A_41 = tpu.transpose %get3A_40, [1, 0] : vector<128x64xf32> -> vector<64x128xf32>
    %dot_general3A_42 = arith.constant dense<0.000000e+00> : vector<632x128xf32>
    %dot_general3A_43 = tpu.matmul %select_n3A, %transpose3A_41, %dot_general3A_42 {dimension_numbers = #tpu.dot_dimension_numbers<[1], [0], [0], [1], [0, 0, 1, 1], [], []>, transpose_lhs_hint = false} : vector<632x64xf32>, vector<64x128xf32>, vector<632x128xf32> -> vector<632x128xf32>
    %get3A_44 = arith.constant 0 : index
    %get3A_45 = arith.constant 0 : index
    %get3A_46 = vector.load %arg6[%get3A_44, %get3A_45] : memref<1x128xf32, #tpu.memory_space<vmem>>, vector<1x128xf32>
    %add3A_47 = vector.broadcast %get3A_46 : vector<1x128xf32> to vector<632x128xf32>
    %add3A_48 = arith.addf %dot_general3A_43, %add3A_47 : vector<632x128xf32>
    %swap3A_49 = arith.constant 0 : index
    %swap3A_50 = arith.constant 0 : index
    %swap3A_51 = vector.load %arg8[%swap3A_49, %swap3A_50] : memref<632x128xf32, #tpu.memory_space<vmem>>, vector<632x128xf32>
    tpu.vector_store %arg8[%swap3A_49, %swap3A_50], %add3A_48 {strides = array<i32>} : memref<632x128xf32, #tpu.memory_space<vmem>>, vector<632x128xf32>,
    return
  }
  func.func @transform_0(%arg0: i32) -> (i32, i32, i32) {
    %c0_i32 = arith.constant 0 : i32
    %c0_i32_0 = arith.constant 0 : i32
    %c0_i32_1 = arith.constant 0 : i32
    return %c0_i32, %arg0, %c0_i32_0 : i32, i32, i32
  }
  func.func @transform_1(%arg0: i32) -> (i32, i32) {
    %c0_i32 = arith.constant 0 : i32
    %c0_i32_0 = arith.constant 0 : i32
    %c0_i32_1 = arith.constant 0 : i32
    return %c0_i32, %c0_i32_0 : i32, i32
  }
  func.func @transform_2(%arg0: i32) -> (i32, i32) {
    %c0_i32 = arith.constant 0 : i32
    %c0_i32_0 = arith.constant 0 : i32
    %c0_i32_1 = arith.constant 0 : i32
    return %c0_i32, %c0_i32_0 : i32, i32
  }
  func.func @transform_3(%arg0: i32) -> (i32, i32) {
    %c0_i32 = arith.constant 0 : i32
    %c0_i32_0 = arith.constant 0 : i32
    %c0_i32_1 = arith.constant 0 : i32
    return %c0_i32, %c0_i32_0 : i32, i32
  }
  func.func @transform_4(%arg0: i32) -> (i32, i32) {
    %c0_i32 = arith.constant 0 : i32
    %c0_i32_0 = arith.constant 0 : i32
    %c0_i32_1 = arith.constant 0 : i32
    return %c0_i32, %c0_i32_0 : i32, i32
  }
  func.func @transform_5(%arg0: i32) -> (i32, i32) {
    %c0_i32 = arith.constant 0 : i32
    %c0_i32_0 = arith.constant 0 : i32
    %c0_i32_1 = arith.constant 0 : i32
    return %c0_i32, %c0_i32_0 : i32, i32
  }
  func.func @transform_6(%arg0: i32) -> (i32, i32) {
    %c0_i32 = arith.constant 0 : i32
    %c0_i32_0 = arith.constant 0 : i32
    return %arg0, %c0_i32 : i32, i32
  }
  func.func @transform_7(%arg0: i32) -> (i32, i32) {
    %c0_i32 = arith.constant 0 : i32
    %c0_i32_0 = arith.constant 0 : i32
    return %arg0, %c0_i32 : i32, i32
  }
}

module attributes {stable_mosaic.version = 14 : i64} {
  func.func @_final_body(%arg0: i32, %arg1: memref<2x632x128xf32, #tpu.memory_space<vmem>>, %arg2: memref<1x7xf32, #tpu.memory_space<vmem>>, %arg3: memref<632x7xf32, #tpu.memory_space<vmem>>) attributes {dimension_semantics = [#tpu.dimension_semantics<arbitrary>], iteration_bounds = array<i64: 16>, scalar_prefetch = 0 : i64, scratch_operands = 0 : i64, tpu.core_type = #tpu.core_type<tc>, window_params = [{transform_indices = @transform_0, window_bounds = array<i64: 2, 632, 128>}, {pipeline_mode = #tpu.pipeline_mode<synchronous>, transform_indices = @transform_1, window_bounds = array<i64: 1, 7>}, {transform_indices = @transform_2, window_bounds = array<i64: 632, 7>}]} {
    %get3A = arith.constant 0 : index
    %get3A_0 = arith.constant 0 : index
    %get3A_1 = arith.constant 0 : index
    %get3A_2 = vector.load %arg1[%get3A, %get3A_0, %get3A_1] : memref<2x632x128xf32, #tpu.memory_space<vmem>>, vector<1x632x128xf32>
    %get3A_3 = vector.shape_cast %get3A_2 : vector<1x632x128xf32> to vector<632x128xf32>
    %get3A_4 = arith.constant 1 : index
    %get3A_5 = arith.constant 0 : index
    %get3A_6 = arith.constant 0 : index
    %get3A_7 = vector.load %arg1[%get3A_4, %get3A_5, %get3A_6] : memref<2x632x128xf32, #tpu.memory_space<vmem>>, vector<1x632x128xf32>
    %get3A_8 = vector.shape_cast %get3A_7 : vector<1x632x128xf32> to vector<632x128xf32>
    %add3A = arith.addf %get3A_3, %get3A_8 : vector<632x128xf32>
    %slice3A = vector.extract_strided_slice %add3A {offsets = [0, 0], sizes = [632, 7], strides = [1, 1]} : vector<632x128xf32> to vector<632x7xf32>
    %slice3A_9 = vector.extract_strided_slice %add3A {offsets = [0, 7], sizes = [632, 1], strides = [1, 1]} : vector<632x128xf32> to vector<632x1xf32>
    %add3A_10 = arith.constant 1.000000e-16 : f32
    %add3A_11 = vector.broadcast %add3A_10 : f32 to vector<632x1xf32>
    %add3A_12 = arith.addf %slice3A_9, %add3A_11 : vector<632x1xf32>
    %div3A = vector.broadcast %add3A_12 : vector<632x1xf32> to vector<632x7xf32>
    %div3A_13 = arith.divf %slice3A, %div3A : vector<632x7xf32>
    %get3A_14 = arith.constant 0 : index
    %get3A_15 = arith.constant 0 : index
    %get3A_16 = vector.load %arg2[%get3A_14, %get3A_15] : memref<1x7xf32, #tpu.memory_space<vmem>>, vector<1x7xf32>
    %add3A_17 = vector.broadcast %get3A_16 : vector<1x7xf32> to vector<632x7xf32>
    %add3A_18 = arith.addf %div3A_13, %add3A_17 : vector<632x7xf32>
    %reduce_max3A = arith.constant dense<0xFF800000> : vector<632xf32>
    %reduce_max3A_19 = vector.multi_reduction <maximumf>, %add3A_18, %reduce_max3A [1] : vector<632x7xf32> to vector<632xf32>
    %broadcast_in_dim3A = vector.shape_cast %reduce_max3A_19 : vector<632xf32> to vector<632x1xf32>
    %sub3A = vector.broadcast %broadcast_in_dim3A : vector<632x1xf32> to vector<632x7xf32>
    %sub3A_20 = arith.subf %add3A_18, %sub3A : vector<632x7xf32>
    %exp3A = math.exp %sub3A_20 : vector<632x7xf32>
    %reduce_sum3A = arith.constant dense<0.000000e+00> : vector<632xf32>
    %reduce_sum3A_21 = vector.multi_reduction <add>, %exp3A, %reduce_sum3A [1] : vector<632x7xf32> to vector<632xf32>
    %broadcast_in_dim3A_22 = vector.shape_cast %reduce_sum3A_21 : vector<632xf32> to vector<632x1xf32>
    %log3A = math.log %broadcast_in_dim3A_22 : vector<632x1xf32>
    %add3A_23 = arith.addf %broadcast_in_dim3A, %log3A : vector<632x1xf32>
    %sub3A_24 = vector.broadcast %add3A_23 : vector<632x1xf32> to vector<632x7xf32>
    %sub3A_25 = arith.subf %add3A_18, %sub3A_24 : vector<632x7xf32>
    %swap3A = arith.constant 0 : index
    %swap3A_26 = arith.constant 0 : index
    %swap3A_27 = vector.load %arg3[%swap3A, %swap3A_26] : memref<632x7xf32, #tpu.memory_space<vmem>>, vector<632x7xf32>
    tpu.vector_store %arg3[%swap3A, %swap3A_26], %sub3A_25 {strides = array<i32>} : memref<632x7xf32, #tpu.memory_space<vmem>>, vector<632x7xf32>,
    return
  }
  func.func @transform_0(%arg0: i32) -> (i32, i32, i32) {
    %c0_i32 = arith.constant 0 : i32
    %c0_i32_0 = arith.constant 0 : i32
    %c0_i32_1 = arith.constant 0 : i32
    return %c0_i32, %arg0, %c0_i32_0 : i32, i32, i32
  }
  func.func @transform_1(%arg0: i32) -> (i32, i32) {
    %c0_i32 = arith.constant 0 : i32
    %c0_i32_0 = arith.constant 0 : i32
    %c0_i32_1 = arith.constant 0 : i32
    return %c0_i32, %c0_i32_0 : i32, i32
  }
  func.func @transform_2(%arg0: i32) -> (i32, i32) {
    %c0_i32 = arith.constant 0 : i32
    %c0_i32_0 = arith.constant 0 : i32
    return %arg0, %c0_i32 : i32, i32
  }
}

</mosaic_0001>

<sc_bundles>
// kernel: kernel.10.cloned.1.call-start
scs
__scs_entry_jumppad:
0x0: {  	(pc) =	sbr.rel $0x88, $3  }
0x1: {  	(tag) =	ssettag $0x0;
	lr =	simm.s32 $0x1  }
0x2: {  	[smem:$0x3F93] =	sst lr;
	_ =	strace $0xD0000000  }
0x3: {  	_ = 	snop  }
0x4: {  	_ = 	snop  }
0x5: {  	_ = 	snop  }
0x6: {  	_ = 	snop  }
0x7: {  	_ = 	snop  }
__scs_overlays_trampoline_lowered:
0x8: {  	[smem:$0x3FA2] =	sst s0  }
0x9: {  	[smem:$0x3FA3] =	sst s1  }
0xa: {  	[smem:$0x3FA4] =	sst s2  }
0xb: {  	[smem:$0x3FA5] =	sst s3  }
0xc: {  	[smem:$0x3FA6] =	sst s4  }
0xd: {  	[smem:$0x3FA7] =	sst s5  }
0xe: {  	[smem:$0x3FA8] =	sst s6  }
0xf: {  	[smem:$0x3FA9] =	sst s7  }
0x10: {  	[smem:$0x3FAA] =	sst s8  }
0x11: {  	[smem:$0x3FAB] =	sst s9;
	s0 =	simm.s32 @!p0 $0x0  }
0x12: {  	s1 =	sld [smem:$0x3F91];
	s0 =	simm.s32 @p0 $0x1  }
0x13: {  	[smem:$0x3FAC] =	sst s0;
	s0 =	simm.s32 @!p1 $0x0  }
0x14: {  	s2 =	sld [smem:$0x3F90];
	s0 =	simm.s32 @p1 $0x1  }
0x15: {  	[smem:$0x3FAD] =	sst s0;
	s0 =	simm.s32 @!p2 $0x0  }
0x16: {  	s3 =	sld [smem:$0x3FDB];
	s0 =	simm.s32 @p2 $0x1  }
0x17: {  	s4 =	simm.s32 $0x1BF5;
	[smem:$0x3FAF] =	sst s0  }
0x18: {  	s0 =	sld [smem:$0x3F92];
	_ =	swait.ge [sflag:s4], $0x0  }
0x19: {  	s7 =	sld [smem:$0x3F93]  }
0x1a: {  	s8 =	sadd.s32 $0xFFFFE003, lr  }
0x1b: {  	s9 =	sadd.s32 $0xFFFFFEF7, lr;
	s5 =	simm.s32 $0xFFFFFFFF;
	p2 =	slt.u32 s8, $0xFFFFF086  }
0x1c: {  	p1 =	slt.u32 s9, $0xF7A;
	s5 =	simm.s32 @!p2 $0x0  }
0x1d: {  	s5 =	simm.s32 @p1 $0x1;
	p0 =	seq.s32 s7, s2  }
0x1e: {  	s7 =	smul.u32 @!p0 $0xF7A, s2;
	p2 =	seq.s32 @!p0 s5, $0x0  }
0x1f: {  	s9 =	smul.u32 $0xF7A, s1;
	s8 =	simm.s32 @!p0 $0x1BF5;
	p2 =	por !p2, p0  }
0x20: {  	[sflag:s8] =	ssyncset.s32 @!p0 $0xFFFFF086;
	s6 =	sadd.s32 @!p0 s3, s7;
	s7 =	simm.s32 @!p0 $0x108  }
0x21: {  	s3 =	sadd.s32 s3, s9;
	s6 =	sadd.s32 @!p0 $0x88, s6;
	s7 =	simm.s32 @p2 $0x1082  }
0x22: {  	[simem:s7], [sflag:s8] =	dma.local @!p0 [hbm:s6], $0xF7A  }
0x23: {  	s9 =	sor.u32 $0xD0000000, s2;
	s6 =	simm.s32 $0x108;
	_ =	swait.ge @!p0 [sflag:s8], $0x0  }
0x24: {  	s3 =	sadd.s32 $0x88, s3;
	s6 =	simm.s32 @!p1 $0x1082;
	[sflag:s4] =	ssyncset.s32 $0xFFFFF086  }
0x25: {  	[simem:s6], [sflag:s4] =	dma.local [hbm:s3], $0xF7A  }
0x26: {  	[smem:$0x3F93] =	sst s1;
	(tag) =	ssettag s2;
	_ =	strace s9  }
0x27: {  	s1 =	sld [smem:$0x3FA3]  }
0x28: {  	s2 =	sld [smem:$0x3FA4]  }
0x29: {  	s4 =	sld [smem:$0x3FA6]  }
0x2a: {  	p0 =	seq.s32 s5, $0x0;
	s5 =	sld [smem:$0x3FA7]  }
0x2b: {  	s6 =	sld [smem:$0x3FA8]  }
0x2c: {  	s7 =	sld [smem:$0x3FA9]  }
0x2d: {  	s3 =	simm.s32 $0x108;
	s8 =	sld [smem:$0x3FAA]  }
0x2e: {  	s3 =	simm.s32 @!p0 $0x1082;
	s9 =	sld [smem:$0x3FAB]  }
0x2f: {  	lr =	sadd.s32 s0, s3;
	s0 =	sld [smem:$0x3FA2]  }
0x30: {  	s3 =	sld [smem:$0x3FA5]  }
0x31: {  	[smem:$0x3FAE] =	sst s10  }
0x32: {  	s10 =	sld [smem:$0x3FAC];
	_ =	sdelay $0x3  }
0x33: {  	p0 =	seq.s32 s10, $0x1;
	s10 =	sld [smem:$0x3FAE];
	_ =	sdelay $0x3  }
0x34: {  	[smem:$0x3FAE] =	sst s10  }
0x35: {  	s10 =	sld [smem:$0x3FAD];
	_ =	sdelay $0x3  }
0x36: {  	p1 =	seq.s32 s10, $0x1;
	s10 =	sld [smem:$0x3FAE];
	_ =	sdelay $0x3  }
0x37: {  	[smem:$0x3FAE] =	sst s10  }
0x38: {  	s10 =	sld [smem:$0x3FAF]  }
0x39: {  	_ = 	snop;
	(pc) =	sbr.ind lr, $3  }
0x3a: {  	_ = 	snop  }
0x3b: {  	_ = 	snop  }
0x3c: {  	p2 =	seq.s32 s10, $0x1;
	s10 =	sld [smem:$0x3FAE]  }
0x3d: {  	_ =	shalt  }
0x3e: {  	_ =	shalt  }
0x3f: {  	_ =	shalt  }
0x40: {  	_ =	shalt  }
0x41: {  	_ =	shalt  }
0x42: {  	_ =	shalt  }
0x43: {  	_ =	shalt  }
0x44: {  	_ =	shalt  }
0x45: {  	_ =	shalt  }
0x46: {  	_ =	shalt  }
0x47: {  	_ =	shalt  }
0x48: {  	_ =	shalt  }
0x49: {  	_ =	shalt  }
0x4a: {  	_ =	shalt  }
0x4b: {  	_ =	shalt  }
0x4c: {  	_ =	shalt  }
0x4d: {  	_ =	shalt  }
0x4e: {  	_ =	shalt  }
0x4f: {  	_ =	shalt  }
0x50: {  	_ =	shalt  }
0x51: {  	_ =	shalt  }
0x52: {  	_ =	shalt  }
0x53: {  	_ =	shalt  }
0x54: {  	_ =	shalt  }
0x55: {  	_ =	shalt  }
0x56: {  	_ =	shalt  }
0x57: {  	_ =	shalt  }
0x58: {  	_ =	shalt  }
0x59: {  	_ =	shalt  }
0x5a: {  	_ =	shalt  }
0x5b: {  	_ =	shalt  }
0x5c: {  	_ =	shalt  }
0x5d: {  	_ =	shalt  }
0x5e: {  	_ =	shalt  }
0x5f: {  	_ =	shalt  }
0x60: {  	_ =	shalt  }
0x61: {  	_ =	shalt  }
0x62: {  	_ =	shalt  }
0x63: {  	_ =	shalt  }
0x64: {  	_ =	shalt  }
0x65: {  	_ =	shalt  }
0x66: {  	_ =	shalt  }
0x67: {  	_ =	shalt  }
0x68: {  	_ =	shalt  }
0x69: {  	_ =	shalt  }
0x6a: {  	_ =	shalt  }
0x6b: {  	_ =	shalt  }
0x6c: {  	_ =	shalt  }
0x6d: {  	_ =	shalt  }
0x6e: {  	_ =	shalt  }
0x6f: {  	_ =	shalt  }
0x70: {  	_ =	shalt  }
0x71: {  	_ =	shalt  }
0x72: {  	_ =	shalt  }
0x73: {  	_ =	shalt  }
0x74: {  	_ =	shalt  }
0x75: {  	_ =	shalt  }
0x76: {  	_ =	shalt  }
0x77: {  	_ =	shalt  }
0x78: {  	_ =	shalt  }
0x79: {  	_ =	shalt  }
0x7a: {  	_ =	shalt  }
0x7b: {  	_ =	shalt  }
0x7c: {  	_ =	shalt  }
0x7d: {  	_ =	shalt  }
0x7e: {  	_ =	shalt  }
0x7f: {  	_ =	shalt  }
0x80: {  	_ =	shalt  }
0x81: {  	_ =	shalt  }
0x82: {  	_ =	shalt  }
0x83: {  	_ =	shalt  }
0x84: {  	_ =	shalt  }
0x85: {  	_ =	shalt  }
0x86: {  	_ =	shalt  }
0x87: {  	_ =	shalt  }
.Lfunc_end0:
.L_simem_size_0:
called_computation.1_lowered:
.L_overlay_start_0:
0x88: {  	s2 =	sld [smem:$0x3FD9]  }
0x89: {  	s3 =	sld [smem:$0x3FFE];
	_ =	sdelay $0x1  }
0x8a: {  	s1 =	srdreg.scid  }
0x8b: {  	s0 =	sand.u32 $0x1, s1  }
0x8c: {  	s16 =	sshll.u32 s0, $0xA;
	s2 =	sadd.s32 s3, s2  }
0x8d: {  	s2 =	sadd.s32 s2, s16  }
0x8e: {  	[smem:$0x3FBA] =	sst s2  }
0x8f: {  	_ = 	snop  }
0x90: {  	(tm) =	ssettm $0x1  }
0x91: {  	s17 =	sld [smem:$0x3FFB];
	_ =	sdelay $0x3  }
0x92: {  	_ =	strace s17  }
0x93: {  	s2 =	sld [smem:$0x3FFC];
	_ =	sdelay $0x3  }
0x94: {  	_ =	strace s2  }
0x95: {  	s2 =	sld [smem:$0x3FFD];
	_ =	sdelay $0x3  }
0x96: {  	_ =	strace s2  }
0x97: {  	_ =	strace $0x8FFFFFFF  }
0x98: {  	s18 =	sld [smem:$0x3FDB];
	_ =	sdelay $0x1  }
0x99: {  	s19 =	simm.s32 $_scs_section_size  }
0x9a: {  	s4 =	simm.s32 $_size__tile_overlayer_lowered;
	s5 =	simm.s32 $_tile_overlayer_lowered  }
0x9b: {  	s22 =	simm.s32 $0x1BFF;
	s21 =	sshll.u32 s5, $0x1;
	s2 =	sadd.s32 s19, s18  }
0x9c: {  	s6 =	simm.s32 $0x0;
	s20 =	sshll.u32 s4, $0x1;
	s4 =	sadd.s32 s21, s2  }
0x9d: {  	[timem:s6], [sflag:s22] =	dma.local [hbm:s4], s20  }
0x9e: {  	_ =	swait.ge [sflag:s22], s20  }
0x9f: {  	s3 =	ssub.s32 $0x0, s20;
	[sflag:s22] =	ssyncset.done $0x0  }
0xa0: {  	[sflag:s22] =	ssyncadd.s32 s3;
	_ =	sdelay $0x1  }
0xa1: {  	s23 =	simm.s32 $0x1B8B  }
0xa2: {  	_ =	swait.ge [sflag:s23], $0x1  }
0xa3: {  	[sflag:s23] =	ssyncset.done $0x0  }
0xa4: {  	s25 =	simm.s32 $0x1B8E;
	s24 =	sld [smem:$0x3FFE];
	[sflag:s23] =	ssyncadd.s32 $0xFFFFFFFF  }
0xa5: {  	s26 =	simm.s32 $execute0_lowered;
	[smem:$0x3FD2] =	sst s25  }
0xa6: {  	s4 =	sshll.u32 s26, $0x1;
	_ =	strace $0x80000049;
	[dreg:$0x1] =	wrdreg $0xFFFFFFFF  }
0xa7: {  	s28 =	simm.s32 $_size_execute0_lowered;
	s2 =	sadd.s32 s2, s4;
	[dreg:$0x0] =	wrdreg $0x0  }
0xa8: {  	s4 =	sshll.u32 s28, $0x1;
	[dreg:$0x2] =	wrdreg s2  }
0xa9: {  	[dreg:$0x3] =	wrdreg s4  }
0xaa: {  	[dreg:$0x4] =	wrdreg $0xC0  }
0xab: {  	_ =	task [dreg:s6], $0x5FFFF  }
0xac: {  	[dreg:$0x1] =	wrdreg $0xFFFFFFFF  }
0xad: {  	[dreg:$0x0] =	wrdreg $0x60  }
0xae: {  	[dreg:$0x2] =	wrdreg s24  }
0xaf: {  	[dreg:$0x3] =	wrdreg $0xC3800  }
0xb0: {  	[dreg:$0x4] =	wrdreg $0x9  }
0xb1: {  	_ =	task.clear_ibuf [dreg:s6], $0x5FFFF;
	_ =	strace $0x90000049  }
0xb2: {  	s29 =	simm.s32 $0x9;
	_ =	strace $0x8000004B  }
0xb3: {  	_ =	swait.ge [sflag:s29], $0x1  }
0xb4: {  	[sflag:s29] =	ssyncadd.s32 $0xFFFFFFFF  }
0xb5: {  	_ =	strace $0x9000004B  }
0xb6: {  	_ =	sfence  }
0xb7: {  	s30 =	sld [smem:$0x0];
	_ =	sdelay $0x2  }
0xb8: {  	s31 =	sshll.u32 s1, $0xD;
	s1 =	sshrl.u32 s1, $0x2  }
0xb9: {  	s3 =	sand.u32 $0x4000, s31;
	s1 =	sadd.s32 s1, s30  }
0xba: {  	s0 =	sor.u32 s3, s0;
	s1 =	sshll.u32 s1, $0x11  }
0xbb: {  	s0 =	sor.u32 s1, s0  }
0xbc: {  	s0 =	sadd.s32 $0x8F2B, s0  }
0xbd: {  	[sflag:s0] =	ssyncadd.remote.s32 $0x1  }
0xbe: {  	_ =	sfence.sel $0xFFFF  }
0xbf: {  	[dreg:$0x0] =	wrdreg $0xFFFFFFFF;
	(pc) =	sbr.abs _section_cstart, $3  }
0xc0: {  	[dreg:$0x1] =	wrdreg $0xFFFFFFFF  }
0xc1: {  	_ =	task.clear_ibuf [dreg:s6], $0x2FFFF;
	_ =	strace $0x9FFFFFFF  }
0xc2: {  	(tm) =	ssettm $0x7FFFFFFF  }
0xc3: {  	_ =	shalt  }
tec
execute0_lowered:
.L_overlay_start_1:
0x0: {  	(tag) =	ssettag $0x1  }
0x1: {  	s0 =	srdreg.scid;
	s3 =	rddreg [dreg:$0x0]  }
0x2: {  	s19 =	stileid.u32;
	s2 =	rddreg [dreg:$0x1]  }
0x3: {  	s1 =	sand.u32 $0x1, s0;
	s5 =	smul.u32 $0x13C00, s19;
	s6 =	sadd.s32 $0x5BE00, s3  }
0x4: {  	s0 =	ssub.s32 $0x2, s1;
	s8 =	smul.u32 $0x13C000, s1;
	s1 =	sshll.u32 s1, $0x4  }
0x5: {  	s4 =	sshrl.u32 s0, $0x1;
	s7 =	sadd.s32 $0x4000, s5;
	s9 =	sadd.s32 $0x6000, s5  }
0x6: {  	s10 =	sadd.s32 $0x8000, s5;
	s12 =	sadd.s32 $0xA000, s5;
	s13 =	sadd.s32 $0xC000, s5  }
0x7: {  	s16 =	sadd.s32 $0xE000, s5;
	s18 =	sadd.s32 $0x10000, s5;
	s1 =	sor.u32 s19, s1  }
0x8: {  	s0 =	ssub.s32 s0, s4;
	s4 =	sadd.s32 $0x2000, s5;
	s11 =	sadd.s32 s5, s8  }
0x9: {  	s5 =	sadd.s32 $0x12000, s5;
	s24 =	sadd.s32 s8, s7;
	s25 =	sadd.s32 s8, s9  }
0xa: {  	s15 =	sadd.s32 s8, s10;
	s17 =	sadd.s32 s8, s13;
	s20 =	sadd.s32 s8, s16  }
0xb: {  	s9 =	sadd.s32 s9, s2;
	s1 =	smul.u32 $0x2900, s1;
	s11 =	sshrl.u32 s11, $0x3  }
0xc: {  	s14 =	sadd.s32 s8, s4;
	s22 =	sshrl.u32 s20, $0x3;
	s29 =	sadd.s32 s4, s2  }
0xd: {  	s20 =	sadd.s32 s12, s2;
	s28 =	sadd.s32 s5, s2;
	s0 =	smax.u32 s0, $0x1  }
0xe: {  	s4 =	simm.s32 $0x7;
	s11 =	sadd.s32 s6, s11;
	s23 =	sshrl.u32 s14, $0x3  }
0xf: {  	s14 =	sshrl.u32 s25, $0x3;
	s25 =	smul.u32 $0x4F000, s19;
	s19 =	sadd.s32 s10, s2  }
0x10: {  	s30 =	sor.u32 $0x80, s1;
	s31 =	sor.u32 $0xC0, s1;
	s10 =	simm.s32 $0x280  }
0x11: {  	[dreg:$0x3] =	wrdreg s11;
	s11 =	sadd.s32 s6, s23;
	s26 =	sadd.s32 s6, s14  }
0x12: {  	s14 =	sshrl.u32 s15, $0x3;
	s15 =	sadd.s32 s8, s12;
	s23 =	sadd.s32 s8, s18  }
0x13: {  	s8 =	sadd.s32 s8, s5;
	[dreg:$0x4] =	wrdreg s11;
	s11 =	sshrl.u32 s24, $0x3  }
0x14: {  	s5 =	simm.s32 $0x40;
	[dreg:$0x6] =	wrdreg s26;
	s11 =	sadd.s32 s6, s11  }
0x15: {  	[dreg:$0x5] =	wrdreg s11;
	s11 =	sadd.s32 s6, s14;
	s14 =	sshrl.u32 s17, $0x3  }
0x16: {  	s24 =	sshrl.u32 s23, $0x3;
	[dreg:$0x7] =	wrdreg s11;
	s21 =	sadd.s32 s6, s14  }
0x17: {  	s11 =	sshrl.u32 s15, $0x3;
	s14 =	sadd.s32 s6, s24;
	[dreg:$0x9] =	wrdreg s21  }
0x18: {  	s12 =	simm.s32 $0x6300;
	s11 =	sadd.s32 s6, s11;
	[dreg:$0xb] =	wrdreg s14  }
0x19: {  	s8 =	sshrl.u32 s8, $0x3;
	[dreg:$0x8] =	wrdreg s11;
	s11 =	sadd.s32 s6, s22  }
0x1a: {  	v0 =	vimm.s32 $0xFEDCBA98;
	s26 =	sadd.s32 $0xAAE00, s3;
	s6 =	sadd.s32 s6, s8;
	[dreg:$0xa] =	wrdreg s11  }
0x1b: {  	v1 =	vimm.s32 $0x76543210;
	v2 =	vimm.s32 $0xBA98FEDC;
	s17 =	sadd.s32 $0x2A00, s3;
	s11 =	simm.s32 $0x0;
	[dreg:$0xc] =	wrdreg s6  }
0x1c: {  	v3 =	vimm.s32 $0x32107654;
	v4 =	vimm.s32 $0xDCFE98BA;
	s15 =	sadd.s32 $0x34600, s3;
	s24 =	sadd.s32 s13, s2;
	[smem:$0x7FF] =	sst s11  }
0x1d: {  	v5 =	vimm.s32 $0x54761032;
	v6 =	vimm.s32 $0xEFCDAB89;
	s8 =	sadd.s32 s7, s2;
	_ =	strace $0x8000004A;
	[dreg:$0xd] =	wrdreg s26  }
0x1e: {  	v7 =	vimm.s32 $0x67452301;
	v0 =	vunpack.c.l.s4.s8 v0;
	v1 =	vunpack.c.l.s4.s8 v1;
	s13 =	simm.s32 $0x1;
	s14 =	sadd.s32 $0xCE00, s3;
	[dreg:$0xe] =	wrdreg s8  }
0x1f: {  	v2 =	vunpack.c.l.s4.s8 v2;
	v3 =	vunpack.c.l.s4.s8 v3;
	v4 =	vunpack.c.l.s4.s8 v4;
	s22 =	sshrl.u32 s1, $0x3;
	s7 =	simm.s32 $0x6;
	[dreg:$0xf] =	wrdreg s9  }
0x20: {  	v5 =	vunpack.c.l.s4.s8 v5;
	v6 =	vunpack.c.l.s4.s8 v6;
	v7 =	vunpack.c.l.s4.s8 v7;
	s1 =	simm.s32 $0x2;
	s6 =	sshrl.u32 s25, $0x2;
	[dreg:$0x10] =	wrdreg s19  }
0x21: {  	v0 =	vunpack.c.0.s8.s32 v0;
	v1 =	vunpack.c.0.s8.s32 v1;
	v2 =	vunpack.c.0.s8.s32 v2;
	s25 =	sadd.s32 s16, s2;
	s3 =	sadd.s32 s17, s22;
	[dreg:$0x11] =	wrdreg s20  }
0x22: {  	v3 =	vunpack.c.0.s8.s32 v3;
	v4 =	vunpack.c.0.s8.s32 v4;
	v5 =	vunpack.c.0.s8.s32 v5;
	s16 =	simm.s32 $0x3;
	s21 =	sadd.s32 s6, s2;
	[dreg:$0x13] =	wrdreg s0  }
0x23: {  	v6 =	vunpack.c.0.s8.s32 v6;
	v7 =	vunpack.c.0.s8.s32 v7;
	v0 =	vand.u32 $0xF, v0;
	s23 =	sadd.s32 $0x8, s3;
	s6 =	simm.s32 $0x180;
	[dreg:$0x12] =	wrdreg s3  }
0x24: {  	v0 =	vcombine.low v0, v1;
	v1 =	vcombine.low v3, v2;
	s26 =	sadd.s32 s18, s2;
	[dreg:$0x14] =	wrdreg s23;
	s3 =	simm.s32 $0x8300  }
0x25: {  	v2 =	vcombine.low v5, v4;
	v3 =	vimm.f32 $0.0e+00;
	v4 =	vcombine.low v7, v6;
	s8 =	simm.s32 $0x200;
	s9 =	simm.s32 $0x4300;
	s0 =	simm.s32 $0xA300  }
.LBB2_1:
0x26: {  	s18 =	simm.s32 $0x0;
	s19 =	simm.s32 $0x200  }
.LBB2_2:
0x27: {  	p0 =	sne.s32 s19, $0x7E00;
	[tilespmem:s18+$0xA370] =	vst v3  }
0x28: {  	[tilespmem:s18+$0x8300] =	vst v3  }
0x29: {  	[tilespmem:s18+$0xA300] =	vst v3  }
0x2a: {  	[tilespmem:s18+$0x8310] =	vst v3  }
0x2b: {  	[tilespmem:s18+$0xA310] =	vst v3  }
0x2c: {  	[tilespmem:s18+$0x8320] =	vst v3  }
0x2d: {  	[tilespmem:s18+$0xA320] =	vst v3  }
0x2e: {  	[tilespmem:s18+$0x8330] =	vst v3  }
0x2f: {  	[tilespmem:s18+$0xA330] =	vst v3  }
0x30: {  	[tilespmem:s18+$0x8340] =	vst v3  }
0x31: {  	[tilespmem:s18+$0xA340] =	vst v3  }
.Ltmp0:
0x32: {  	[tilespmem:s18+$0x8350] =	vst v3;
	(pc) =	sbr.rel @p0 .LBB2_2-.Ltmp0, $4  }
0x33: {  	[tilespmem:s18+$0xA350] =	vst v3  }
0x34: {  	[tilespmem:s18+$0x8360] =	vst v3  }
0x35: {  	[tilespmem:s18+$0xA360] =	vst v3  }
0x36: {  	[tilespmem:s18+$0x8370] =	vst v3;
	s18 =	sshra.s32 s19, $0x2;
	s19 =	sadd.s32 $0x200, s19  }
0x37: {  	[tilespmem:s18+$0xA370] =	vst v3  }
0x38: {  	[tilespmem:s18+$0x8300] =	vst v3  }
0x39: {  	[tilespmem:s18+$0xA300] =	vst v3  }
0x3a: {  	[tilespmem:s18+$0x8310] =	vst v3  }
0x3b: {  	[tilespmem:s18+$0xA310] =	vst v3  }
0x3c: {  	[tilespmem:s18+$0x8320] =	vst v3  }
0x3d: {  	[tilespmem:s18+$0xA320] =	vst v3  }
0x3e: {  	[tilespmem:s18+$0x8330] =	vst v3  }
0x3f: {  	[tilespmem:s18+$0xA330] =	vst v3  }
0x40: {  	[tilespmem:s18+$0x8340] =	vst v3  }
0x41: {  	[tilespmem:s18+$0xA340] =	vst v3  }
0x42: {  	[tilespmem:s18+$0x8350] =	vst v3  }
0x43: {  	[tilespmem:s18+$0xA350] =	vst v3  }
0x44: {  	[tilespmem:s18+$0x8360] =	vst v3  }
0x45: {  	[tilespmem:s18+$0xA360] =	vst v3  }
0x46: {  	[tilespmem:s18+$0x8370] =	vst v3  }
0x47: {  	[spmem:s21] =	stream.linear.scatter [tilespmem:s3], [sflag:$0x7], $0x2000, $0x38;
	[tilespmem:$0x1FF80] =	vst v63  }
0x48: {  	_ =	swait.ge [sflag:s4], $0x2000  }
0x49: {  	[sflag:s4] =	ssyncset.done $0x0  }
0x4a: {  	[sflag:s4] =	ssyncadd.s32 $0xFFFFE000  }
0x4b: {  	[spmem:s29] =	stream.linear.scatter [tilespmem:s3], [sflag:$0x7], $0x2000, $0x38;
	[tilespmem:$0x1FF80] =	vst v63  }
0x4c: {  	_ =	swait.ge [sflag:s4], $0x2000  }
0x4d: {  	[sflag:s4] =	ssyncset.done $0x0  }
0x4e: {  	s20 =	rddreg [dreg:$0xe];
	[sflag:s4] =	ssyncadd.s32 $0xFFFFE000  }
0x4f: {  	[spmem:s20] =	stream.linear.scatter [tilespmem:s3], [sflag:$0x7], $0x2000, $0x38;
	[tilespmem:$0x1FF80] =	vst v63  }
0x50: {  	_ =	swait.ge [sflag:s4], $0x2000  }
0x51: {  	[sflag:s4] =	ssyncset.done $0x0  }
0x52: {  	s22 =	smov.u32 s21;
	s21 =	rddreg [dreg:$0xf];
	[sflag:s4] =	ssyncadd.s32 $0xFFFFE000  }
0x53: {  	[spmem:s21] =	stream.linear.scatter [tilespmem:s3], [sflag:$0x7], $0x2000, $0x38;
	[tilespmem:$0x1FF80] =	vst v63  }
0x54: {  	_ =	swait.ge [sflag:s4], $0x2000  }
0x55: {  	[sflag:s4] =	ssyncset.done $0x0  }
0x56: {  	s19 =	rddreg [dreg:$0x10];
	[sflag:s4] =	ssyncadd.s32 $0xFFFFE000  }
0x57: {  	[spmem:s19] =	stream.linear.scatter [tilespmem:s3], [sflag:$0x7], $0x2000, $0x38;
	[tilespmem:$0x1FF80] =	vst v63  }
0x58: {  	_ =	swait.ge [sflag:s4], $0x2000  }
0x59: {  	[sflag:s4] =	ssyncset.done $0x0  }
0x5a: {  	s20 =	rddreg [dreg:$0x11];
	[sflag:s4] =	ssyncadd.s32 $0xFFFFE000  }
0x5b: {  	[spmem:s20] =	stream.linear.scatter [tilespmem:s3], [sflag:$0x7], $0x2000, $0x38;
	[tilespmem:$0x1FF80] =	vst v63  }
0x5c: {  	_ =	swait.ge [sflag:s4], $0x2000  }
0x5d: {  	[sflag:s4] =	ssyncset.done $0x0  }
0x5e: {  	[sflag:s4] =	ssyncadd.s32 $0xFFFFE000  }
0x5f: {  	[spmem:s24] =	stream.linear.scatter [tilespmem:s3], [sflag:$0x7], $0x2000, $0x38;
	[tilespmem:$0x1FF80] =	vst v63  }
0x60: {  	_ =	swait.ge [sflag:s4], $0x2000  }
0x61: {  	[sflag:s4] =	ssyncset.done $0x0  }
0x62: {  	[sflag:s4] =	ssyncadd.s32 $0xFFFFE000  }
0x63: {  	[spmem:s25] =	stream.linear.scatter [tilespmem:s3], [sflag:$0x7], $0x2000, $0x38;
	[tilespmem:$0x1FF80] =	vst v63  }
0x64: {  	_ =	swait.ge [sflag:s4], $0x2000  }
0x65: {  	[sflag:s4] =	ssyncset.done $0x0  }
0x66: {  	[sflag:s4] =	ssyncadd.s32 $0xFFFFE000  }
0x67: {  	[spmem:s26] =	stream.linear.scatter [tilespmem:s3], [sflag:$0x7], $0x2000, $0x38;
	[tilespmem:$0x1FF80] =	vst v63  }
0x68: {  	_ =	swait.ge [sflag:s4], $0x2000  }
0x69: {  	[sflag:s4] =	ssyncset.done $0x0  }
0x6a: {  	[sflag:s4] =	ssyncadd.s32 $0xFFFFE000  }
0x6b: {  	[spmem:s28] =	stream.linear.scatter [tilespmem:s3], [sflag:$0x7], $0x1C00, $0x38;
	[tilespmem:$0x1FF80] =	vst v63  }
0x6c: {  	_ =	swait.ge [sflag:s4], $0x1C00  }
0x6d: {  	s23 =	smov.u32 s29;
	s29 =	simm.s32 $0x0;
	[sflag:s4] =	ssyncset.done $0x0  }
0x6e: {  	s19 =	simm.s32 $0xC300;
	s21 =	rddreg [dreg:$0xd];
	[sflag:s4] =	ssyncadd.s32 $0xFFFFE400  }
0x6f: {  	[tilespmem:s19], [sflag:$0x7] =	stream.linear.gather [hbm4b:s21+s29], $0x80, $0x38;
	[tilespmem:$0x1FF80] =	vst v63  }
0x70: {  	_ =	swait.ge [sflag:s4], $0x80  }
0x71: {  	[sflag:s4] =	ssyncset.done $0x0  }
0x72: {  	[sflag:s4] =	ssyncadd.s32 $0xFFFFFF80  }
0x73: {  	[bflag:$0x0] =	sbarrier.arrive $0xFFFF  }
0x74: {  	s19 =	rddreg [dreg:$0x12]  }
0x75: {  	[tilespmem:s29], [sflag:$0x7] =	stream.linear.gather [hbm4b:s19+s29], $0x40, $0x38;
	[tilespmem:$0x1FF80] =	vst v63  }
0x76: {  	_ =	swait.ge [sflag:s4], $0x40  }
0x77: {  	[sflag:s4] =	ssyncset.done $0x0  }
0x78: {  	[sflag:s4] =	ssyncadd.s32 $0xFFFFFFC0  }
0x79: {  	v5 =	vld [tilespmem:$0x0];
	_ =	sdelay $0x1  }
0x7a: {  	v6 =	vld [tilespmem:$0x10];
	_ =	sdelay $0x1  }
0x7b: {  	v7 =	vld [tilespmem:$0x20]  }
0x7c: {  	v8 =	vand.u32 $0x3FFF, v5  }
0x7d: {  	v63 =	vld [tilespmem:$0x30];
	v5 =	vshra.s32 v5, $0xE;
	[tilespmem:$0x100] =	vst v8  }
0x7e: {  	[tilespmem:$0x180] =	vst v5;
	v5 =	vand.u32 $0x3FFF, v6  }
0x7f: {  	[tilespmem:$0x110] =	vst v5;
	v5 =	vshra.s32 v6, $0xE  }
0x80: {  	[tilespmem:$0x190] =	vst v5;
	v5 =	vand.u32 $0x3FFF, v7  }
0x81: {  	[tilespmem:$0x120] =	vst v5;
	v5 =	vshra.s32 v7, $0xE  }
0x82: {  	[tilespmem:$0x1A0] =	vst v5;
	v5 =	vand.u32 $0x3FFF, v63  }
0x83: {  	[tilespmem:$0x130] =	vst v5;
	v5 =	vshra.s32 v63, $0xE  }
0x84: {  	s20 =	simm.s32 $0x100;
	s21 =	simm.s32 $0x300;
	[tilespmem:$0x1B0] =	vst v5  }
0x85: {  	[tilespmem:s21], [sflag:$0x1] =	stream.indirect.gather [hbm4b:s14+s5], $0x80, s20, s5, $0xb8;
	[tilespmem:$0x1FF80] =	vst v63  }
0x86: {  	s19 =	simm.s32 $0x2300  }
0x87: {  	[tilespmem:s19], [sflag:$0x1] =	stream.indirect.gather [hbm4b:s15+s5], $0x80, s6, s5, $0xb8;
	[tilespmem:$0x1FF80] =	vst v63  }
0x88: {  	s20 =	rddreg [dreg:$0x14];
	s21 =	simm.s32 $0x80  }
0x89: {  	[tilespmem:s21], [sflag:$0x6] =	stream.linear.gather [hbm4b:s20+s29], $0x40, $0x38;
	[tilespmem:$0x1FF80] =	vst v63  }
.LBB2_4:
0x8a: {  	p0 =	seq.s32 s29, $0x0  }
0x8b: {  	s18 =	simm.s32 @!p0 $0x4  }
0x8c: {  	_ =	swait.ge @!p0 [sflag:s18], $0x2000  }
0x8d: {  	[sflag:s18] =	ssyncset.done @!p0 $0x0  }
0x8e: {  	[sflag:s18] =	ssyncadd.s32 @!p0 $0xFFFFE000  }
0x8f: {  	_ =	swait.ge [sflag:s7], $0x40  }
0x90: {  	[sflag:s7] =	ssyncset.done $0x0  }
0x91: {  	[sflag:s7] =	ssyncadd.s32 $0xFFFFFFC0  }
0x92: {  	v5 =	vld [tilespmem:$0x80];
	_ =	sdelay $0x1  }
0x93: {  	v6 =	vld [tilespmem:$0x90];
	_ =	sdelay $0x1  }
0x94: {  	v7 =	vld [tilespmem:$0xA0]  }
0x95: {  	v8 =	vand.u32 $0x3FFF, v5  }
0x96: {  	v5 =	vshra.s32 v5, $0xE;
	[tilespmem:$0x200] =	vst v8;
	v8 =	vld [tilespmem:$0xB0]  }
0x97: {  	[tilespmem:$0x280] =	vst v5;
	v5 =	vand.u32 $0x3FFF, v6  }
0x98: {  	[tilespmem:$0x210] =	vst v5;
	v5 =	vshra.s32 v6, $0xE  }
0x99: {  	[tilespmem:$0x290] =	vst v5;
	v5 =	vand.u32 $0x3FFF, v7  }
0x9a: {  	[tilespmem:$0x220] =	vst v5;
	v5 =	vshra.s32 v7, $0xE  }
0x9b: {  	[tilespmem:$0x2A0] =	vst v5;
	v5 =	vand.u32 $0x3FFF, v8  }
0x9c: {  	s18 =	sshll.u32 s29, $0x7;
	p0 =	seq.s32 s29, $0x51;
	[tilespmem:$0x230] =	vst v5;
	v5 =	vshra.s32 v8, $0xE  }
0x9d: {  	s19 =	sadd.s32 @!p0 s18, s30;
	[tilespmem:$0x2B0] =	vst v5  }
0x9e: {  	[tilespmem:s9], [sflag:$0x2] =	stream.indirect.gather [hbm4b:s14+s5], $0x80, s8, s5, $0xb8;
	[tilespmem:$0x1FF80] =	vst v63  }
0x9f: {  	s19 =	sshrl.u32 @!p0 s19, $0x3  }
0xa0: {  	[tilespmem:s12], [sflag:$0x2] =	stream.indirect.gather [hbm4b:s15+s5], $0x80, s10, s5, $0xb8;
	[tilespmem:$0x1FF80] =	vst v63  }
0xa1: {  	s20 =	simm.s32 @!p0 $0x0;
	s19 =	sadd.s32 @!p0 s17, s19  }
0xa2: {  	[tilespmem:s20], [sflag:$0x5] =	stream.linear.gather @!p0 [hbm4b:s19+s20], $0x40, $0x38;
	[tilespmem:$0x1FF80] =	vst v63  }
0xa3: {  	_ =	swait.ge [sflag:s13], $0x2000  }
0xa4: {  	[sflag:s13] =	ssyncset.done $0x0  }
0xa5: {  	[sflag:s13] =	ssyncadd.s32 $0xFFFFE000  }
0xa6: {  	_ =	swait.ge [sflag:s13], $0x2000  }
0xa7: {  	[sflag:s13] =	ssyncset.done $0x0  }
0xa8: {  	s19 =	simm.s32 $0x0;
	[sflag:s13] =	ssyncadd.s32 $0xFFFFE000  }
0xa9: {  	v5 =	vld [tilespmem:s19+$0x300]  }
0xaa: {  	v6 =	vld [tilespmem:s19+$0x2300];
	_ =	sdelay $0x4  }
0xab: {  	v7 =	vld [tilespmem:$0xC300];
	v6 =	vadd.f32 v6, v5;
	_ =	sdelay $0x1  }
0xac: {  	v8 =	vmul.f32 $2.000000030e-01, v6;
	_ =	sdelay $0x1  }
0xad: {  	v6 =	vmax.f32 v6, v8  }
0xae: {  	v6 =	vmul.f32 v6, v7;
	_ =	sdelay $0x1  }
0xaf: {  	v7 =	vperm.xlane v6, v0;
	_ =	sdelay $0x1  }
0xb0: {  	v6 =	vadd.f32 v6, v7;
	_ =	sdelay $0x1  }
0xb1: {  	v7 =	vperm.xlane v6, v1;
	_ =	sdelay $0x1  }
0xb2: {  	v6 =	vadd.f32 v6, v7;
	_ =	sdelay $0x1  }
0xb3: {  	v7 =	vperm.xlane v6, v2;
	_ =	sdelay $0x1  }
0xb4: {  	v6 =	vadd.f32 v6, v7;
	_ =	sdelay $0x1  }
0xb5: {  	v7 =	vperm.xlane v6, v4;
	_ =	sdelay $0x1  }
0xb6: {  	v6 =	vadd.f32 v6, v7;
	_ =	sdelay $0x1  }
0xb7: {  	v6 =	vmul.f32 $1.442695020e+00, v6;
	_ =	sdelay $0x1  }
0xb8: {  	(erf) = vpow2.f32 v6;
	_ =	sdelay $0x5  }
0xb9: {  	s21 =	simm.s32 $0x80  }
0xba: {  	s20 =	simm.s32 $0x400;
	v6 =	vld [tilespmem:s21+$0x300]  }
.LBB2_5:
0xbb: {  	p1 =	sne.s32 s20, $0x7E00;
	v7 =	vld [tilespmem:s21+$0x2300]  }
0xbc: {  	v8 =	vpop (erf)  }
0xbd: {  	v8 =	vmul.f32 v8, v5;
	_ =	sdelay $0x1  }
0xbe: {  	[tilespmem:s19+$0x8300] =	vst v8;
	v5 =	vmov v6;
	s19 =	smov.u32 s21  }
0xbf: {  	v6 =	vadd.f32 v7, v5;
	v7 =	vld [tilespmem:$0xC300];
	_ =	sdelay $0x1  }
0xc0: {  	v8 =	vmul.f32 $2.000000030e-01, v6;
	_ =	sdelay $0x1  }
0xc1: {  	v6 =	vmax.f32 v6, v8  }
0xc2: {  	v6 =	vmul.f32 v6, v7;
	_ =	sdelay $0x1  }
0xc3: {  	v7 =	vperm.xlane v6, v0;
	_ =	sdelay $0x1  }
0xc4: {  	v6 =	vadd.f32 v6, v7;
	_ =	sdelay $0x1  }
0xc5: {  	v7 =	vperm.xlane v6, v1;
	_ =	sdelay $0x1  }
0xc6: {  	v6 =	vadd.f32 v6, v7;
	_ =	sdelay $0x1  }
0xc7: {  	v7 =	vperm.xlane v6, v2;
	_ =	sdelay $0x1  }
0xc8: {  	v6 =	vadd.f32 v6, v7;
	_ =	sdelay $0x1  }
0xc9: {  	v7 =	vperm.xlane v6, v4;
	_ =	sdelay $0x1  }
0xca: {  	v6 =	vadd.f32 v6, v7;
	_ =	sdelay $0x1  }
0xcb: {  	v6 =	vmul.f32 $1.442695020e+00, v6;
	_ =	sdelay $0x1  }
0xcc: {  	(erf) = vpow2.f32 v6;
	_ =	sdelay $0x2  }
.Ltmp1:
0xcd: {  	(pc) =	sbr.rel @p1 .LBB2_5-.Ltmp1, $3  }
0xce: {  	_ =	sdelay $0x1  }
0xcf: {  	s21 =	sshra.s32 s20, $0x2  }
0xd0: {  	s20 =	sadd.s32 $0x200, s20;
	v6 =	vld [tilespmem:s21+$0x300]  }
0xd1: {  	v7 =	vld [tilespmem:s21+$0x2300]  }
0xd2: {  	v8 =	vpop (erf)  }
0xd3: {  	v5 =	vmul.f32 v8, v5;
	_ =	sdelay $0x1  }
0xd4: {  	[tilespmem:s19+$0x8300] =	vst v5  }
0xd5: {  	v5 =	vadd.f32 v7, v6;
	v7 =	vld [tilespmem:$0xC300];
	_ =	sdelay $0x1  }
0xd6: {  	v8 =	vmul.f32 $2.000000030e-01, v5;
	_ =	sdelay $0x1  }
0xd7: {  	v5 =	vmax.f32 v5, v8  }
0xd8: {  	v5 =	vmul.f32 v5, v7;
	_ =	sdelay $0x1  }
0xd9: {  	v7 =	vperm.xlane v5, v0;
	_ =	sdelay $0x1  }
0xda: {  	v5 =	vadd.f32 v5, v7;
	_ =	sdelay $0x1  }
0xdb: {  	v7 =	vperm.xlane v5, v1;
	_ =	sdelay $0x1  }
0xdc: {  	v5 =	vadd.f32 v5, v7;
	_ =	sdelay $0x1  }
0xdd: {  	v7 =	vperm.xlane v5, v2;
	_ =	sdelay $0x1  }
0xde: {  	v5 =	vadd.f32 v5, v7;
	_ =	sdelay $0x1  }
0xdf: {  	v7 =	vperm.xlane v5, v4;
	_ =	sdelay $0x1  }
0xe0: {  	v5 =	vadd.f32 v5, v7;
	_ =	sdelay $0x1  }
0xe1: {  	v5 =	vmul.f32 $1.442695020e+00, v5;
	_ =	sdelay $0x1  }
0xe2: {  	(erf) = vpow2.f32 v5;
	_ =	sdelay $0x8  }
0xe3: {  	v5 =	vpop (erf)  }
0xe4: {  	v5 =	vmul.f32 v5, v6;
	_ =	sdelay $0x1  }
0xe5: {  	[tilespmem:s21+$0x8300] =	vst v5  }
0xe6: {  	[spmem:s2] =	stream.indirect.scatter.add.f32 [tilespmem:s3], [sflag:$0x3], $0x80, s6, s5, $0xb8;
	[tilespmem:$0x1FF80] =	vst v63  }
0xe7: {  	_ =	swait.ge [sflag:s16], $0x2000  }
0xe8: {  	[sflag:s16] =	ssyncset.done $0x0  }
0xe9: {  	s19 =	simm.s32 @!p0 $0x5;
	[sflag:s16] =	ssyncadd.s32 $0xFFFFE000  }
0xea: {  	_ =	swait.ge @!p0 [sflag:s19], $0x40  }
0xeb: {  	[sflag:s19] =	ssyncset.done @!p0 $0x0  }
0xec: {  	[sflag:s19] =	ssyncadd.s32 @!p0 $0xFFFFFFC0  }
0xed: {  	v5 =	vld @!p0 [tilespmem:$0x0];
	_ =	sdelay $0x1  }
0xee: {  	v6 =	vld @!p0 [tilespmem:$0x10];
	_ =	sdelay $0x1  }
0xef: {  	v7 =	vld @!p0 [tilespmem:$0x20]  }
0xf0: {  	v8 =	vand.u32 @!p0 $0x3FFF, v5  }
0xf1: {  	v5 =	vshra.s32 @!p0 v5, $0xE;
	[tilespmem:$0x100] =	vst @!p0 v8;
	v8 =	vld @!p0 [tilespmem:$0x30]  }
0xf2: {  	[tilespmem:$0x180] =	vst @!p0 v5;
	v5 =	vand.u32 @!p0 $0x3FFF, v6  }
0xf3: {  	[tilespmem:$0x110] =	vst @!p0 v5;
	v5 =	vshra.s32 @!p0 v6, $0xE  }
0xf4: {  	[tilespmem:$0x190] =	vst @!p0 v5;
	v5 =	vand.u32 @!p0 $0x3FFF, v7  }
0xf5: {  	[tilespmem:$0x120] =	vst @!p0 v5;
	v5 =	vshra.s32 @!p0 v7, $0xE  }
0xf6: {  	[tilespmem:$0x1A0] =	vst @!p0 v5;
	v5 =	vand.u32 @!p0 $0x3FFF, v8  }
0xf7: {  	s20 =	simm.s32 @!p0 $0x100;
	[tilespmem:$0x130] =	vst @!p0 v5;
	v5 =	vshra.s32 @!p0 v8, $0xE  }
0xf8: {  	s18 =	sadd.s32 @!p0 s18, s31;
	s21 =	simm.s32 @!p0 $0x300;
	s19 =	simm.s32 @!p0 $0x40;
	[tilespmem:$0x1B0] =	vst @!p0 v5  }
0xf9: {  	[tilespmem:s21], [sflag:$0x1] =	stream.indirect.gather @!p0 [hbm4b:s14+s19], $0x80, s20, s19, $0xb8;
	[tilespmem:$0x1FF80] =	vst v63  }
0xfa: {  	s18 =	sshrl.u32 @!p0 s18, $0x3;
	s20 =	simm.s32 @!p0 $0x180;
	s21 =	simm.s32 @!p0 $0x2300  }
0xfb: {  	[tilespmem:s21], [sflag:$0x1] =	stream.indirect.gather @!p0 [hbm4b:s15+s19], $0x80, s20, s19, $0xb8;
	[tilespmem:$0x1FF80] =	vst v63  }
0xfc: {  	s18 =	sadd.s32 @!p0 s17, s18;
	s19 =	simm.s32 @!p0 $0x0;
	s20 =	simm.s32 @!p0 $0x80  }
0xfd: {  	[tilespmem:s20], [sflag:$0x6] =	stream.linear.gather @!p0 [hbm4b:s18+s19], $0x40, $0x38;
	[tilespmem:$0x1FF80] =	vst v63  }
0xfe: {  	_ =	swait.ge [sflag:s1], $0x2000  }
0xff: {  	[sflag:s1] =	ssyncset.done $0x0  }
0x100: {  	[sflag:s1] =	ssyncadd.s32 $0xFFFFE000  }
0x101: {  	_ =	swait.ge [sflag:s1], $0x2000  }
0x102: {  	[sflag:s1] =	ssyncset.done $0x0  }
0x103: {  	s18 =	simm.s32 $0x0;
	[sflag:s1] =	ssyncadd.s32 $0xFFFFE000  }
0x104: {  	v5 =	vld [tilespmem:s18+$0x4300]  }
0x105: {  	v6 =	vld [tilespmem:s18+$0x6300];
	_ =	sdelay $0x4  }
0x106: {  	v7 =	vld [tilespmem:$0xC300];
	v6 =	vadd.f32 v6, v5;
	_ =	sdelay $0x1  }
0x107: {  	v8 =	vmul.f32 $2.000000030e-01, v6;
	_ =	sdelay $0x1  }
0x108: {  	v6 =	vmax.f32 v6, v8  }
0x109: {  	v6 =	vmul.f32 v6, v7;
	_ =	sdelay $0x1  }
0x10a: {  	v7 =	vperm.xlane v6, v0;
	_ =	sdelay $0x1  }
0x10b: {  	v6 =	vadd.f32 v6, v7;
	_ =	sdelay $0x1  }
0x10c: {  	v7 =	vperm.xlane v6, v1;
	_ =	sdelay $0x1  }
0x10d: {  	v6 =	vadd.f32 v6, v7;
	_ =	sdelay $0x1  }
0x10e: {  	v7 =	vperm.xlane v6, v2;
	_ =	sdelay $0x1  }
0x10f: {  	v6 =	vadd.f32 v6, v7;
	_ =	sdelay $0x1  }
0x110: {  	v7 =	vperm.xlane v6, v4;
	_ =	sdelay $0x1  }
0x111: {  	v6 =	vadd.f32 v6, v7;
	_ =	sdelay $0x1  }
0x112: {  	v6 =	vmul.f32 $1.442695020e+00, v6;
	_ =	sdelay $0x1  }
0x113: {  	(erf) = vpow2.f32 v6;
	_ =	sdelay $0x5  }
0x114: {  	s20 =	simm.s32 $0x80  }
0x115: {  	s19 =	simm.s32 $0x400;
	v6 =	vld [tilespmem:s20+$0x4300]  }
.LBB2_7:
0x116: {  	p0 =	sne.s32 s19, $0x7E00;
	v7 =	vld [tilespmem:s20+$0x6300]  }
0x117: {  	v8 =	vpop (erf)  }
0x118: {  	v8 =	vmul.f32 v8, v5;
	_ =	sdelay $0x1  }
0x119: {  	[tilespmem:s18+$0xA300] =	vst v8;
	v5 =	vmov v6;
	s18 =	smov.u32 s20  }
0x11a: {  	v6 =	vadd.f32 v7, v5;
	v7 =	vld [tilespmem:$0xC300];
	_ =	sdelay $0x1  }
0x11b: {  	v8 =	vmul.f32 $2.000000030e-01, v6;
	_ =	sdelay $0x1  }
0x11c: {  	v6 =	vmax.f32 v6, v8  }
0x11d: {  	v6 =	vmul.f32 v6, v7;
	_ =	sdelay $0x1  }
0x11e: {  	v7 =	vperm.xlane v6, v0;
	_ =	sdelay $0x1  }
0x11f: {  	v6 =	vadd.f32 v6, v7;
	_ =	sdelay $0x1  }
0x120: {  	v7 =	vperm.xlane v6, v1;
	_ =	sdelay $0x1  }
0x121: {  	v6 =	vadd.f32 v6, v7;
	_ =	sdelay $0x1  }
0x122: {  	v7 =	vperm.xlane v6, v2;
	_ =	sdelay $0x1  }
0x123: {  	v6 =	vadd.f32 v6, v7;
	_ =	sdelay $0x1  }
0x124: {  	v7 =	vperm.xlane v6, v4;
	_ =	sdelay $0x1  }
0x125: {  	v6 =	vadd.f32 v6, v7;
	_ =	sdelay $0x1  }
0x126: {  	v6 =	vmul.f32 $1.442695020e+00, v6;
	_ =	sdelay $0x1  }
0x127: {  	(erf) = vpow2.f32 v6;
	_ =	sdelay $0x2  }
.Ltmp2:
0x128: {  	(pc) =	sbr.rel @p0 .LBB2_7-.Ltmp2, $3  }
0x129: {  	_ =	sdelay $0x1  }
0x12a: {  	s20 =	sshra.s32 s19, $0x2  }
0x12b: {  	s19 =	sadd.s32 $0x200, s19;
	v6 =	vld [tilespmem:s20+$0x4300]  }
0x12c: {  	v7 =	vld [tilespmem:s20+$0x6300]  }
0x12d: {  	v8 =	vpop (erf)  }
0x12e: {  	v5 =	vmul.f32 v8, v5;
	_ =	sdelay $0x1  }
0x12f: {  	[tilespmem:s18+$0xA300] =	vst v5  }
0x130: {  	v5 =	vadd.f32 v7, v6;
	v7 =	vld [tilespmem:$0xC300];
	_ =	sdelay $0x1  }
0x131: {  	v63 =	vmul.f32 $2.000000030e-01, v5;
	_ =	sdelay $0x1  }
0x132: {  	v5 =	vmax.f32 v5, v63  }
0x133: {  	v5 =	vmul.f32 v5, v7;
	_ =	sdelay $0x1  }
0x134: {  	v7 =	vperm.xlane v5, v0;
	_ =	sdelay $0x1  }
0x135: {  	v5 =	vadd.f32 v5, v7;
	_ =	sdelay $0x1  }
0x136: {  	v7 =	vperm.xlane v5, v1;
	_ =	sdelay $0x1  }
0x137: {  	v5 =	vadd.f32 v5, v7;
	_ =	sdelay $0x1  }
0x138: {  	v7 =	vperm.xlane v5, v2;
	_ =	sdelay $0x1  }
0x139: {  	v5 =	vadd.f32 v5, v7;
	_ =	sdelay $0x1  }
0x13a: {  	v7 =	vperm.xlane v5, v4;
	_ =	sdelay $0x1  }
0x13b: {  	v5 =	vadd.f32 v5, v7;
	_ =	sdelay $0x1  }
0x13c: {  	v5 =	vmul.f32 $1.442695020e+00, v5;
	_ =	sdelay $0x1  }
0x13d: {  	(erf) = vpow2.f32 v5;
	_ =	sdelay $0x6  }
0x13e: {  	s29 =	sadd.s32 $0x1, s29  }
0x13f: {  	p0 =	sne.s32 s29, $0x52  }
.Ltmp3:
0x140: {  	v5 =	vpop (erf);
	(pc) =	sbr.rel @p0 .LBB2_4-.Ltmp3, $3  }
0x141: {  	v5 =	vmul.f32 v5, v6;
	_ =	sdelay $0x1  }
0x142: {  	[tilespmem:s20+$0xA300] =	vst v5  }
0x143: {  	[spmem:s2] =	stream.indirect.scatter.add.f32 [tilespmem:s0], [sflag:$0x4], $0x80, s10, s5, $0xb8;
	[tilespmem:$0x1FF80] =	vst v63  }
0x144: {  	s18 =	simm.s32 $0x4  }
0x145: {  	_ =	swait.ge [sflag:s18], $0x2000  }
0x146: {  	[sflag:s18] =	ssyncset.done $0x0  }
0x147: {  	s21 =	stileid.u32;
	[sflag:s18] =	ssyncadd.s32 $0xFFFFE000  }
0x148: {  	s18 =	sshll.u32 s21, $0x6;
	[bflag:$0x0] =	sbarrier.arrive $0xFFFF  }
0x149: {  	s19 =	sshrl.u32 s22, $0x3;
	s18 =	sor.u32 $0x1C07, s18;
	s20 =	rddreg [dreg:$0x3]  }
0x14a: {  	[hbm:s20], [sflag:s18] =	dma.local [spmem:s19], $0x400  }
0x14b: {  	_ =	swait.ge [sflag:s4], $0x400  }
0x14c: {  	s29 =	smov.u32 s23;
	s21 =	smov.u32 s22;
	[sflag:s4] =	ssyncset.done $0x0  }
0x14d: {  	s22 =	sshrl.u32 s23, $0x3;
	s23 =	rddreg [dreg:$0x4];
	[sflag:s4] =	ssyncadd.s32 $0xFFFFFC00  }
0x14e: {  	[hbm:s23], [sflag:s18] =	dma.local [spmem:s22], $0x400  }
0x14f: {  	_ =	swait.ge [sflag:s4], $0x400  }
0x150: {  	[sflag:s4] =	ssyncset.done $0x0;
	s22 =	rddreg [dreg:$0xe]  }
0x151: {  	s23 =	rddreg [dreg:$0x5];
	[sflag:s4] =	ssyncadd.s32 $0xFFFFFC00;
	s19 =	sshrl.u32 s22, $0x3  }
0x152: {  	[hbm:s23], [sflag:s18] =	dma.local [spmem:s19], $0x400  }
0x153: {  	_ =	swait.ge [sflag:s4], $0x400  }
0x154: {  	[sflag:s4] =	ssyncset.done $0x0;
	s22 =	rddreg [dreg:$0xf]  }
0x155: {  	s23 =	rddreg [dreg:$0x6];
	[sflag:s4] =	ssyncadd.s32 $0xFFFFFC00;
	s19 =	sshrl.u32 s22, $0x3  }
0x156: {  	[hbm:s23], [sflag:s18] =	dma.local [spmem:s19], $0x400  }
0x157: {  	_ =	swait.ge [sflag:s4], $0x400  }
0x158: {  	[sflag:s4] =	ssyncset.done $0x0;
	s22 =	rddreg [dreg:$0x10]  }
0x159: {  	s23 =	rddreg [dreg:$0x7];
	[sflag:s4] =	ssyncadd.s32 $0xFFFFFC00;
	s19 =	sshrl.u32 s22, $0x3  }
0x15a: {  	[hbm:s23], [sflag:s18] =	dma.local [spmem:s19], $0x400  }
0x15b: {  	_ =	swait.ge [sflag:s4], $0x400  }
0x15c: {  	[sflag:s4] =	ssyncset.done $0x0;
	s22 =	rddreg [dreg:$0x11]  }
0x15d: {  	s23 =	rddreg [dreg:$0x8];
	[sflag:s4] =	ssyncadd.s32 $0xFFFFFC00;
	s19 =	sshrl.u32 s22, $0x3  }
0x15e: {  	[hbm:s23], [sflag:s18] =	dma.local [spmem:s19], $0x400  }
0x15f: {  	_ =	swait.ge [sflag:s4], $0x400  }
0x160: {  	[sflag:s4] =	ssyncset.done $0x0  }
0x161: {  	s22 =	sshrl.u32 s24, $0x3;
	s23 =	rddreg [dreg:$0x9];
	[sflag:s4] =	ssyncadd.s32 $0xFFFFFC00  }
0x162: {  	[hbm:s23], [sflag:s18] =	dma.local [spmem:s22], $0x400  }
0x163: {  	_ =	swait.ge [sflag:s4], $0x400  }
0x164: {  	[sflag:s4] =	ssyncset.done $0x0  }
0x165: {  	s22 =	sshrl.u32 s25, $0x3;
	s23 =	rddreg [dreg:$0xa];
	[sflag:s4] =	ssyncadd.s32 $0xFFFFFC00  }
0x166: {  	[hbm:s23], [sflag:s18] =	dma.local [spmem:s22], $0x400  }
0x167: {  	_ =	swait.ge [sflag:s4], $0x400  }
0x168: {  	[sflag:s4] =	ssyncset.done $0x0  }
0x169: {  	s22 =	sshrl.u32 s26, $0x3;
	s23 =	rddreg [dreg:$0xb];
	[sflag:s4] =	ssyncadd.s32 $0xFFFFFC00  }
0x16a: {  	[hbm:s23], [sflag:s18] =	dma.local [spmem:s22], $0x400  }
0x16b: {  	_ =	swait.ge [sflag:s4], $0x400  }
0x16c: {  	[sflag:s4] =	ssyncset.done $0x0  }
0x16d: {  	s20 =	sshrl.u32 s28, $0x3;
	s22 =	rddreg [dreg:$0xc];
	[sflag:s4] =	ssyncadd.s32 $0xFFFFFC00  }
0x16e: {  	[hbm:s22], [sflag:s18] =	dma.local [spmem:s20], $0x380  }
0x16f: {  	_ =	swait.ge [sflag:s4], $0x380  }
0x170: {  	s11 =	sadd.s32 $0x1, s11;
	s23 =	rddreg [dreg:$0x13]  }
0x171: {  	p0 =	sne.s32 s11, s23  }
.Ltmp4:
0x172: {  	_ = 	snop;
	(pc) =	sbr.rel @p0 .LBB2_1-.Ltmp4, $3  }
0x173: {  	_ =	sdelay $0x1  }
0x174: {  	[sflag:s4] =	ssyncset.done $0x0  }
0x175: {  	[sflag:s4] =	ssyncadd.s32 $0xFFFFFC80  }
0x176: {  	_ =	sfence.sel $0x180000  }
0x177: {  	[bflag:$0x0] =	sbarrier.arrive $0xFFFF  }
0x178: {  	_ =	strace $0x9000004A  }
0x179: {  	s0 =	stileid.u32;
	[bflag:$0x2] =	sbarrier.arrive $0xFFFF  }
0x17a: {  	p0 =	sne.s32 s0, $0x0;
	s0 =	rddreg [dreg:$0x2]  }
0x17b: {  	s0 =	sadd.s32 @!p0 $0x100000, s0  }
0x17c: {  	[sflag:s0] =	ssyncadd.tile.s32 @!p0 $0x1;
	_ =	shalt  }
.Lfunc_end2:
_tile_overlayer_lowered:
.L_overlay_start_2:
0x17d: {  	(tag) =	ssettag $0x2  }
0x17e: {  	s0 =	rddreg [dreg:$0x0];
	s2 =	stileid.u32  }
0x17f: {  	s1 =	rddreg [dreg:$0x1];
	p0 =	sne.s32 s2, $0x0  }
0x180: {  	s3 =	rddreg [dreg:$0x2];
	[bflag:$0x3] =	sbarrier.arrive $0xFFFF;
	s2 =	simm.s32 @!p0 $0x1C07  }
0x181: {  	[timem:s3], [sflag:s2] =	dma.local @!p0 [hbm:s0], s1  }
0x182: {  	s0 =	simm.s32 @!p0 $0x7  }
0x183: {  	_ =	swait.ge @!p0 [sflag:s0], s1  }
0x184: {  	s1 =	ssub.s32 @!p0 $0x0, s1;
	[sflag:s0] =	ssyncset.done @!p0 $0x0  }
0x185: {  	[sflag:s0] =	ssyncadd.s32 @!p0 s1  }
0x186: {  	[bflag:$0x3] =	sbarrier.arrive $0xFFFF  }
0x187: {  	_ =	shalt  }

// kernel: kernel.7.cloned.1.call-start
scs
__scs_entry_jumppad:
0x0: {  	(pc) =	sbr.rel $0x88, $3  }
0x1: {  	(tag) =	ssettag $0x0;
	lr =	simm.s32 $0x1  }
0x2: {  	[smem:$0x3F93] =	sst lr;
	_ =	strace $0xD0000000  }
0x3: {  	_ = 	snop  }
0x4: {  	_ = 	snop  }
0x5: {  	_ = 	snop  }
0x6: {  	_ = 	snop  }
0x7: {  	_ = 	snop  }
__scs_overlays_trampoline_lowered:
0x8: {  	[smem:$0x3FA2] =	sst s0  }
0x9: {  	[smem:$0x3FA3] =	sst s1  }
0xa: {  	[smem:$0x3FA4] =	sst s2  }
0xb: {  	[smem:$0x3FA5] =	sst s3  }
0xc: {  	[smem:$0x3FA6] =	sst s4  }
0xd: {  	[smem:$0x3FA7] =	sst s5  }
0xe: {  	[smem:$0x3FA8] =	sst s6  }
0xf: {  	[smem:$0x3FA9] =	sst s7  }
0x10: {  	[smem:$0x3FAA] =	sst s8  }
0x11: {  	[smem:$0x3FAB] =	sst s9;
	s0 =	simm.s32 @!p0 $0x0  }
0x12: {  	s1 =	sld [smem:$0x3F91];
	s0 =	simm.s32 @p0 $0x1  }
0x13: {  	[smem:$0x3FAC] =	sst s0;
	s0 =	simm.s32 @!p1 $0x0  }
0x14: {  	s2 =	sld [smem:$0x3F90];
	s0 =	simm.s32 @p1 $0x1  }
0x15: {  	[smem:$0x3FAD] =	sst s0;
	s0 =	simm.s32 @!p2 $0x0  }
0x16: {  	s3 =	sld [smem:$0x3FDB];
	s0 =	simm.s32 @p2 $0x1  }
0x17: {  	s4 =	simm.s32 $0x1BF5;
	[smem:$0x3FAF] =	sst s0  }
0x18: {  	s0 =	sld [smem:$0x3F92];
	_ =	swait.ge [sflag:s4], $0x0  }
0x19: {  	s7 =	sld [smem:$0x3F93]  }
0x1a: {  	s8 =	sadd.s32 $0xFFFFE003, lr  }
0x1b: {  	s9 =	sadd.s32 $0xFFFFFEF7, lr;
	s5 =	simm.s32 $0xFFFFFFFF;
	p2 =	slt.u32 s8, $0xFFFFF086  }
0x1c: {  	p1 =	slt.u32 s9, $0xF7A;
	s5 =	simm.s32 @!p2 $0x0  }
0x1d: {  	s5 =	simm.s32 @p1 $0x1;
	p0 =	seq.s32 s7, s2  }
0x1e: {  	s7 =	smul.u32 @!p0 $0xF7A, s2;
	p2 =	seq.s32 @!p0 s5, $0x0  }
0x1f: {  	s9 =	smul.u32 $0xF7A, s1;
	s8 =	simm.s32 @!p0 $0x1BF5;
	p2 =	por !p2, p0  }
0x20: {  	[sflag:s8] =	ssyncset.s32 @!p0 $0xFFFFF086;
	s6 =	sadd.s32 @!p0 s3, s7;
	s7 =	simm.s32 @!p0 $0x108  }
0x21: {  	s3 =	sadd.s32 s3, s9;
	s6 =	sadd.s32 @!p0 $0x88, s6;
	s7 =	simm.s32 @p2 $0x1082  }
0x22: {  	[simem:s7], [sflag:s8] =	dma.local @!p0 [hbm:s6], $0xF7A  }
0x23: {  	s9 =	sor.u32 $0xD0000000, s2;
	s6 =	simm.s32 $0x108;
	_ =	swait.ge @!p0 [sflag:s8], $0x0  }
0x24: {  	s3 =	sadd.s32 $0x88, s3;
	s6 =	simm.s32 @!p1 $0x1082;
	[sflag:s4] =	ssyncset.s32 $0xFFFFF086  }
0x25: {  	[simem:s6], [sflag:s4] =	dma.local [hbm:s3], $0xF7A  }
0x26: {  	[smem:$0x3F93] =	sst s1;
	(tag) =	ssettag s2;
	_ =	strace s9  }
0x27: {  	s1 =	sld [smem:$0x3FA3]  }
0x28: {  	s2 =	sld [smem:$0x3FA4]  }
0x29: {  	s4 =	sld [smem:$0x3FA6]  }
0x2a: {  	p0 =	seq.s32 s5, $0x0;
	s5 =	sld [smem:$0x3FA7]  }
0x2b: {  	s6 =	sld [smem:$0x3FA8]  }
0x2c: {  	s7 =	sld [smem:$0x3FA9]  }
0x2d: {  	s3 =	simm.s32 $0x108;
	s8 =	sld [smem:$0x3FAA]  }
0x2e: {  	s3 =	simm.s32 @!p0 $0x1082;
	s9 =	sld [smem:$0x3FAB]  }
0x2f: {  	lr =	sadd.s32 s0, s3;
	s0 =	sld [smem:$0x3FA2]  }
0x30: {  	s3 =	sld [smem:$0x3FA5]  }
0x31: {  	[smem:$0x3FAE] =	sst s10  }
0x32: {  	s10 =	sld [smem:$0x3FAC];
	_ =	sdelay $0x3  }
0x33: {  	p0 =	seq.s32 s10, $0x1;
	s10 =	sld [smem:$0x3FAE];
	_ =	sdelay $0x3  }
0x34: {  	[smem:$0x3FAE] =	sst s10  }
0x35: {  	s10 =	sld [smem:$0x3FAD];
	_ =	sdelay $0x3  }
0x36: {  	p1 =	seq.s32 s10, $0x1;
	s10 =	sld [smem:$0x3FAE];
	_ =	sdelay $0x3  }
0x37: {  	[smem:$0x3FAE] =	sst s10  }
0x38: {  	s10 =	sld [smem:$0x3FAF]  }
0x39: {  	_ = 	snop;
	(pc) =	sbr.ind lr, $3  }
0x3a: {  	_ = 	snop  }
0x3b: {  	_ = 	snop  }
0x3c: {  	p2 =	seq.s32 s10, $0x1;
	s10 =	sld [smem:$0x3FAE]  }
0x3d: {  	_ =	shalt  }
0x3e: {  	_ =	shalt  }
0x3f: {  	_ =	shalt  }
0x40: {  	_ =	shalt  }
0x41: {  	_ =	shalt  }
0x42: {  	_ =	shalt  }
0x43: {  	_ =	shalt  }
0x44: {  	_ =	shalt  }
0x45: {  	_ =	shalt  }
0x46: {  	_ =	shalt  }
0x47: {  	_ =	shalt  }
0x48: {  	_ =	shalt  }
0x49: {  	_ =	shalt  }
0x4a: {  	_ =	shalt  }
0x4b: {  	_ =	shalt  }
0x4c: {  	_ =	shalt  }
0x4d: {  	_ =	shalt  }
0x4e: {  	_ =	shalt  }
0x4f: {  	_ =	shalt  }
0x50: {  	_ =	shalt  }
0x51: {  	_ =	shalt  }
0x52: {  	_ =	shalt  }
0x53: {  	_ =	shalt  }
0x54: {  	_ =	shalt  }
0x55: {  	_ =	shalt  }
0x56: {  	_ =	shalt  }
0x57: {  	_ =	shalt  }
0x58: {  	_ =	shalt  }
0x59: {  	_ =	shalt  }
0x5a: {  	_ =	shalt  }
0x5b: {  	_ =	shalt  }
0x5c: {  	_ =	shalt  }
0x5d: {  	_ =	shalt  }
0x5e: {  	_ =	shalt  }
0x5f: {  	_ =	shalt  }
0x60: {  	_ =	shalt  }
0x61: {  	_ =	shalt  }
0x62: {  	_ =	shalt  }
0x63: {  	_ =	shalt  }
0x64: {  	_ =	shalt  }
0x65: {  	_ =	shalt  }
0x66: {  	_ =	shalt  }
0x67: {  	_ =	shalt  }
0x68: {  	_ =	shalt  }
0x69: {  	_ =	shalt  }
0x6a: {  	_ =	shalt  }
0x6b: {  	_ =	shalt  }
0x6c: {  	_ =	shalt  }
0x6d: {  	_ =	shalt  }
0x6e: {  	_ =	shalt  }
0x6f: {  	_ =	shalt  }
0x70: {  	_ =	shalt  }
0x71: {  	_ =	shalt  }
0x72: {  	_ =	shalt  }
0x73: {  	_ =	shalt  }
0x74: {  	_ =	shalt  }
0x75: {  	_ =	shalt  }
0x76: {  	_ =	shalt  }
0x77: {  	_ =	shalt  }
0x78: {  	_ =	shalt  }
0x79: {  	_ =	shalt  }
0x7a: {  	_ =	shalt  }
0x7b: {  	_ =	shalt  }
0x7c: {  	_ =	shalt  }
0x7d: {  	_ =	shalt  }
0x7e: {  	_ =	shalt  }
0x7f: {  	_ =	shalt  }
0x80: {  	_ =	shalt  }
0x81: {  	_ =	shalt  }
0x82: {  	_ =	shalt  }
0x83: {  	_ =	shalt  }
0x84: {  	_ =	shalt  }
0x85: {  	_ =	shalt  }
0x86: {  	_ =	shalt  }
0x87: {  	_ =	shalt  }
.Lfunc_end0:
.L_simem_size_0:
called_computation_lowered:
.L_overlay_start_0:
0x88: {  	s2 =	sld [smem:$0x3FD9]  }
0x89: {  	s3 =	sld [smem:$0x3FFE];
	_ =	sdelay $0x1  }
0x8a: {  	s1 =	srdreg.scid  }
0x8b: {  	s0 =	sand.u32 $0x1, s1  }
0x8c: {  	s17 =	sshll.u32 s0, $0xA;
	s2 =	sadd.s32 s3, s2  }
0x8d: {  	s2 =	sadd.s32 s2, s17  }
0x8e: {  	[smem:$0x3FBA] =	sst s2  }
0x8f: {  	_ = 	snop  }
0x90: {  	s2 =	sld [smem:$0x3FD0];
	(tm) =	ssettm $0x1  }
0x91: {  	s18 =	sld [smem:$0x3FFB];
	_ =	sdelay $0x3  }
0x92: {  	_ =	strace s18  }
0x93: {  	s3 =	sld [smem:$0x3FFC];
	_ =	sdelay $0x3  }
0x94: {  	_ =	strace s3  }
0x95: {  	s3 =	sld [smem:$0x3FFD];
	_ =	sdelay $0x3  }
0x96: {  	_ =	strace s3  }
0x97: {  	_ =	strace $0x8FFFFFFF  }
0x98: {  	s19 =	sld [smem:$0x3FDB];
	_ =	sdelay $0x1  }
0x99: {  	s4 =	simm.s32 $_scs_section_size  }
0x9a: {  	s5 =	simm.s32 $_size__tile_overlayer_lowered;
	s6 =	simm.s32 $_tile_overlayer_lowered  }
0x9b: {  	s22 =	simm.s32 $0x1BFF;
	s21 =	sshll.u32 s6, $0x1;
	s3 =	sadd.s32 s4, s19  }
0x9c: {  	s7 =	simm.s32 $0x0;
	s20 =	sshll.u32 s5, $0x1;
	s5 =	sadd.s32 s21, s3  }
0x9d: {  	[timem:s7], [sflag:s22] =	dma.local [hbm:s5], s20  }
0x9e: {  	_ =	swait.ge [sflag:s22], s20  }
0x9f: {  	s4 =	ssub.s32 $0x0, s20;
	[sflag:s22] =	ssyncset.done $0x0  }
0xa0: {  	[sflag:s22] =	ssyncadd.s32 s4;
	_ =	sdelay $0x1  }
0xa1: {  	s23 =	simm.s32 $0x1B8B  }
0xa2: {  	_ =	swait.ge [sflag:s23], $0x1  }
0xa3: {  	[sflag:s23] =	ssyncset.done $0x0  }
0xa4: {  	s25 =	simm.s32 $0x1B8E;
	s24 =	sld [smem:$0x3FFE];
	[sflag:s23] =	ssyncadd.s32 $0xFFFFFFFF  }
0xa5: {  	s26 =	simm.s32 $execute0_lowered;
	[smem:$0x3FD2] =	sst s25  }
0xa6: {  	s5 =	sshll.u32 s26, $0x1;
	_ =	strace $0x80000046;
	[dreg:$0x1] =	wrdreg $0xFFFFFFFF  }
0xa7: {  	s28 =	simm.s32 $_size_execute0_lowered;
	s3 =	sadd.s32 s3, s5;
	[dreg:$0x0] =	wrdreg $0x0  }
0xa8: {  	s5 =	sshll.u32 s28, $0x1;
	[dreg:$0x2] =	wrdreg s3  }
0xa9: {  	[dreg:$0x3] =	wrdreg s5  }
0xaa: {  	[dreg:$0x4] =	wrdreg $0xC0  }
0xab: {  	_ =	task [dreg:s7], $0x5FFFF  }
0xac: {  	[dreg:$0x1] =	wrdreg $0xFFFFFFFF  }
0xad: {  	[dreg:$0x0] =	wrdreg $0x60  }
0xae: {  	[dreg:$0x2] =	wrdreg s24  }
0xaf: {  	[dreg:$0x3] =	wrdreg s2  }
0xb0: {  	[dreg:$0x4] =	wrdreg $0xC3800  }
0xb1: {  	[dreg:$0x5] =	wrdreg $0x9  }
0xb2: {  	_ =	task.clear_ibuf [dreg:s7], $0x6FFFF;
	_ =	strace $0x90000046  }
0xb3: {  	s29 =	simm.s32 $0x9;
	_ =	strace $0x80000048  }
0xb4: {  	_ =	swait.ge [sflag:s29], $0x1  }
0xb5: {  	[sflag:s29] =	ssyncadd.s32 $0xFFFFFFFF  }
0xb6: {  	_ =	strace $0x90000048  }
0xb7: {  	_ =	sfence  }
0xb8: {  	s30 =	sld [smem:$0x0];
	_ =	sdelay $0x2  }
0xb9: {  	s31 =	sshll.u32 s1, $0xD;
	s1 =	sshrl.u32 s1, $0x2  }
0xba: {  	s3 =	sand.u32 $0x4000, s31;
	s1 =	sadd.s32 s1, s30  }
0xbb: {  	s0 =	sor.u32 s3, s0;
	s1 =	sshll.u32 s1, $0x11  }
0xbc: {  	s0 =	sor.u32 s1, s0  }
0xbd: {  	s0 =	sadd.s32 $0x8F2B, s0  }
0xbe: {  	[sflag:s0] =	ssyncadd.remote.s32 $0x1  }
0xbf: {  	_ =	sfence.sel $0xFFFF  }
0xc0: {  	[dreg:$0x0] =	wrdreg $0xFFFFFFFF;
	(pc) =	sbr.abs _section_cstart, $3  }
0xc1: {  	[dreg:$0x1] =	wrdreg $0xFFFFFFFF  }
0xc2: {  	_ =	task.clear_ibuf [dreg:s7], $0x2FFFF;
	_ =	strace $0x9FFFFFFF  }
0xc3: {  	(tm) =	ssettm $0x7FFFFFFF  }
tec
execute0_lowered:
.L_overlay_start_1:
0x0: {  	(tag) =	ssettag $0x1  }
0x1: {  	s1 =	rddreg [dreg:$0x0];
	s0 =	srdreg.scid  }
0x2: {  	s19 =	stileid.u32;
	s2 =	simm.s32 $0x0;
	s3 =	sand.u32 $0x1, s0  }
0x3: {  	s4 =	smul.u32 $0x13C00, s19;
	[smem:$0x7FF] =	sst s2;
	s5 =	sadd.s32 $0x5BE00, s1  }
0x4: {  	s0 =	ssub.s32 $0x2, s3;
	s10 =	smul.u32 $0x13C000, s3;
	s3 =	sshll.u32 s3, $0x4  }
0x5: {  	s6 =	sshrl.u32 s0, $0x1;
	s7 =	sadd.s32 $0x4000, s4;
	s8 =	sadd.s32 $0x6000, s4  }
0x6: {  	s9 =	sadd.s32 $0x8000, s4;
	s11 =	sadd.s32 $0xA000, s4;
	s13 =	sadd.s32 $0xC000, s4  }
0x7: {  	s14 =	sadd.s32 $0xE000, s4;
	s18 =	sadd.s32 $0x10000, s4;
	s0 =	ssub.s32 s0, s6  }
0x8: {  	s6 =	sadd.s32 $0x2000, s4;
	s12 =	sadd.s32 s4, s10;
	s4 =	sadd.s32 $0x12000, s4  }
0x9: {  	s22 =	sadd.s32 s10, s7;
	s23 =	sadd.s32 s10, s8;
	s16 =	sadd.s32 s10, s9  }
0xa: {  	s17 =	sadd.s32 s10, s14;
	s15 =	sadd.s32 s10, s6;
	s12 =	sshrl.u32 s12, $0x3  }
0xb: {  	s24 =	sshrl.u32 s23, $0x3;
	s25 =	sshrl.u32 s16, $0x3;
	s16 =	sadd.s32 s10, s13  }
0xc: {  	s23 =	sadd.s32 s10, s18;
	s15 =	sshrl.u32 s15, $0x3;
	s12 =	sadd.s32 s5, s12  }
0xd: {  	s26 =	sadd.s32 s5, s25;
	s20 =	sshrl.u32 s16, $0x3;
	s25 =	smul.u32 $0x4F000, s19  }
0xe: {  	s16 =	sadd.s32 $0x34600, s1;
	[dreg:$0x4] =	wrdreg s12;
	s21 =	sadd.s32 s5, s15  }
0xf: {  	s12 =	sshrl.u32 s22, $0x3;
	[dreg:$0x8] =	wrdreg s26;
	s15 =	sadd.s32 s10, s11  }
0x10: {  	s10 =	sadd.s32 s10, s4;
	[dreg:$0x5] =	wrdreg s21;
	s12 =	sadd.s32 s5, s12  }
0x11: {  	s21 =	sshrl.u32 s17, $0x3;
	[dreg:$0x6] =	wrdreg s12;
	s12 =	sadd.s32 s5, s24  }
0x12: {  	s22 =	sadd.s32 s5, s21;
	s24 =	sshrl.u32 s23, $0x3;
	[dreg:$0x7] =	wrdreg s12  }
0x13: {  	s12 =	sshrl.u32 s15, $0x3;
	[dreg:$0xb] =	wrdreg s22;
	s15 =	sadd.s32 s5, s24  }
0x14: {  	s26 =	sor.u32 s19, s3;
	s12 =	sadd.s32 s5, s12;
	[dreg:$0xc] =	wrdreg s15  }
0x15: {  	s10 =	sshrl.u32 s10, $0x3;
	[dreg:$0x9] =	wrdreg s12;
	s12 =	sadd.s32 s5, s20  }
0x16: {  	s17 =	sadd.s32 $0x2A00, s1;
	s15 =	sadd.s32 $0xCE00, s1;
	[dreg:$0xa] =	wrdreg s12  }
0x17: {  	s1 =	smul.u32 $0x2900, s26;
	s5 =	sadd.s32 s5, s10;
	s12 =	rddreg [dreg:$0x2]  }
0x18: {  	s0 =	smax.u32 s0, $0x1;
	[dreg:$0xd] =	wrdreg s5;
	s5 =	sshrl.u32 s25, $0x2  }
0x19: {  	s22 =	sshrl.u32 s1, $0x3;
	s28 =	sor.u32 $0xC0, s1;
	s31 =	sor.u32 $0x80, s1  }
0x1a: {  	s1 =	simm.s32 $0xA300;
	_ =	strace $0x80000047;
	s21 =	sadd.s32 s5, s12  }
0x1b: {  	v0 =	vimm.s32 $0xBA98FEDC;
	v1 =	vimm.s32 $0x32107654;
	v2 =	vimm.s32 $0xDCFE98BA;
	s30 =	sadd.s32 s6, s12;
	s7 =	sadd.s32 s7, s12;
	s10 =	sadd.s32 s8, s12  }
0x1c: {  	v3 =	vimm.s32 $0x54761032;
	v4 =	vimm.s32 $0xEFCDAB89;
	v5 =	vimm.s32 $0x67452301;
	s19 =	sadd.s32 s9, s12;
	s20 =	sadd.s32 s11, s12;
	s24 =	sadd.s32 s13, s12  }
0x1d: {  	v0 =	vunpack.c.l.s4.s8 v0;
	v1 =	vunpack.c.l.s4.s8 v1;
	v2 =	vunpack.c.l.s4.s8 v2;
	s25 =	sadd.s32 s14, s12;
	s26 =	sadd.s32 s18, s12;
	s29 =	sadd.s32 s4, s12  }
0x1e: {  	v3 =	vunpack.c.l.s4.s8 v3;
	v4 =	vunpack.c.l.s4.s8 v4;
	v5 =	vunpack.c.l.s4.s8 v5;
	s3 =	sadd.s32 s17, s22;
	[dreg:$0x13] =	wrdreg s0;
	s0 =	simm.s32 $0x8300  }
0x1f: {  	v0 =	vunpack.c.0.s8.s32 v0;
	v1 =	vunpack.c.0.s8.s32 v1;
	v2 =	vunpack.c.0.s8.s32 v2;
	s4 =	simm.s32 $0x40;
	s5 =	simm.s32 $0x180;
	[dreg:$0xe] =	wrdreg s7  }
0x20: {  	v3 =	vunpack.c.0.s8.s32 v3;
	v4 =	vunpack.c.0.s8.s32 v4;
	v5 =	vunpack.c.0.s8.s32 v5;
	s6 =	simm.s32 $0x6;
	s8 =	simm.s32 $0x4300;
	[dreg:$0xf] =	wrdreg s10  }
0x21: {  	v1 =	vcombine.low v1, v0;
	s9 =	simm.s32 $0x280;
	s13 =	simm.s32 $0x1;
	[dreg:$0x10] =	wrdreg s19  }
0x22: {  	v2 =	vcombine.low v3, v2;
	v3 =	vcombine.low v5, v4;
	s14 =	simm.s32 $0x3;
	s11 =	simm.s32 $0x2;
	[dreg:$0x11] =	wrdreg s20  }
0x23: {  	v0 =	vimm.f32 $0.0e+00;
	[dreg:$0x12] =	wrdreg s3;
	s23 =	sadd.s32 $0x8, s3;
	s3 =	simm.s32 $0x7  }
0x24: {  	v1 =	vand.u32 $0xF, v1;
	v2 =	vand.u32 $0xF, v2;
	v3 =	vand.u32 $0xF, v3;
	s7 =	simm.s32 $0x200;
	s10 =	simm.s32 $0x6300;
	[dreg:$0x14] =	wrdreg s23  }
.LBB2_1:
0x25: {  	s18 =	simm.s32 $0x0;
	s19 =	simm.s32 $0x200  }
.LBB2_2:
0x26: {  	p0 =	sne.s32 s19, $0x7E00;
	[tilespmem:s18+$0xA370] =	vst v0  }
0x27: {  	[tilespmem:s18+$0x8300] =	vst v0  }
0x28: {  	[tilespmem:s18+$0xA300] =	vst v0  }
0x29: {  	[tilespmem:s18+$0x8310] =	vst v0  }
0x2a: {  	[tilespmem:s18+$0xA310] =	vst v0  }
0x2b: {  	[tilespmem:s18+$0x8320] =	vst v0  }
0x2c: {  	[tilespmem:s18+$0xA320] =	vst v0  }
0x2d: {  	[tilespmem:s18+$0x8330] =	vst v0  }
0x2e: {  	[tilespmem:s18+$0xA330] =	vst v0  }
0x2f: {  	[tilespmem:s18+$0x8340] =	vst v0  }
0x30: {  	[tilespmem:s18+$0xA340] =	vst v0  }
.Ltmp0:
0x31: {  	[tilespmem:s18+$0x8350] =	vst v0;
	(pc) =	sbr.rel @p0 .LBB2_2-.Ltmp0, $4  }
0x32: {  	[tilespmem:s18+$0xA350] =	vst v0  }
0x33: {  	[tilespmem:s18+$0x8360] =	vst v0  }
0x34: {  	[tilespmem:s18+$0xA360] =	vst v0  }
0x35: {  	[tilespmem:s18+$0x8370] =	vst v0;
	s18 =	sshra.s32 s19, $0x2;
	s19 =	sadd.s32 $0x200, s19  }
0x36: {  	[tilespmem:s18+$0xA370] =	vst v0  }
0x37: {  	[tilespmem:s18+$0x8300] =	vst v0  }
0x38: {  	[tilespmem:s18+$0xA300] =	vst v0  }
0x39: {  	[tilespmem:s18+$0x8310] =	vst v0  }
0x3a: {  	[tilespmem:s18+$0xA310] =	vst v0  }
0x3b: {  	[tilespmem:s18+$0x8320] =	vst v0  }
0x3c: {  	[tilespmem:s18+$0xA320] =	vst v0  }
0x3d: {  	[tilespmem:s18+$0x8330] =	vst v0  }
0x3e: {  	[tilespmem:s18+$0xA330] =	vst v0  }
0x3f: {  	[tilespmem:s18+$0x8340] =	vst v0  }
0x40: {  	[tilespmem:s18+$0xA340] =	vst v0  }
0x41: {  	[tilespmem:s18+$0x8350] =	vst v0  }
0x42: {  	[tilespmem:s18+$0xA350] =	vst v0  }
0x43: {  	[tilespmem:s18+$0x8360] =	vst v0  }
0x44: {  	[tilespmem:s18+$0xA360] =	vst v0  }
0x45: {  	[tilespmem:s18+$0x8370] =	vst v0  }
0x46: {  	[spmem:s21] =	stream.linear.scatter [tilespmem:s0], [sflag:$0x7], $0x2000, $0x38;
	[tilespmem:$0x1FF80] =	vst v63  }
0x47: {  	_ =	swait.ge [sflag:s3], $0x2000  }
0x48: {  	[sflag:s3] =	ssyncset.done $0x0  }
0x49: {  	[sflag:s3] =	ssyncadd.s32 $0xFFFFE000  }
0x4a: {  	[spmem:s30] =	stream.linear.scatter [tilespmem:s0], [sflag:$0x7], $0x2000, $0x38;
	[tilespmem:$0x1FF80] =	vst v63  }
0x4b: {  	_ =	swait.ge [sflag:s3], $0x2000  }
0x4c: {  	[sflag:s3] =	ssyncset.done $0x0  }
0x4d: {  	s20 =	rddreg [dreg:$0xe];
	[sflag:s3] =	ssyncadd.s32 $0xFFFFE000  }
0x4e: {  	[spmem:s20] =	stream.linear.scatter [tilespmem:s0], [sflag:$0x7], $0x2000, $0x38;
	[tilespmem:$0x1FF80] =	vst v63  }
0x4f: {  	_ =	swait.ge [sflag:s3], $0x2000  }
0x50: {  	[sflag:s3] =	ssyncset.done $0x0  }
0x51: {  	s22 =	smov.u32 s21;
	s21 =	rddreg [dreg:$0xf];
	[sflag:s3] =	ssyncadd.s32 $0xFFFFE000  }
0x52: {  	[spmem:s21] =	stream.linear.scatter [tilespmem:s0], [sflag:$0x7], $0x2000, $0x38;
	[tilespmem:$0x1FF80] =	vst v63  }
0x53: {  	_ =	swait.ge [sflag:s3], $0x2000  }
0x54: {  	[sflag:s3] =	ssyncset.done $0x0  }
0x55: {  	s19 =	rddreg [dreg:$0x10];
	[sflag:s3] =	ssyncadd.s32 $0xFFFFE000  }
0x56: {  	[spmem:s19] =	stream.linear.scatter [tilespmem:s0], [sflag:$0x7], $0x2000, $0x38;
	[tilespmem:$0x1FF80] =	vst v63  }
0x57: {  	_ =	swait.ge [sflag:s3], $0x2000  }
0x58: {  	[sflag:s3] =	ssyncset.done $0x0  }
0x59: {  	s20 =	rddreg [dreg:$0x11];
	[sflag:s3] =	ssyncadd.s32 $0xFFFFE000  }
0x5a: {  	[spmem:s20] =	stream.linear.scatter [tilespmem:s0], [sflag:$0x7], $0x2000, $0x38;
	[tilespmem:$0x1FF80] =	vst v63  }
0x5b: {  	_ =	swait.ge [sflag:s3], $0x2000  }
0x5c: {  	[sflag:s3] =	ssyncset.done $0x0  }
0x5d: {  	[sflag:s3] =	ssyncadd.s32 $0xFFFFE000  }
0x5e: {  	[spmem:s24] =	stream.linear.scatter [tilespmem:s0], [sflag:$0x7], $0x2000, $0x38;
	[tilespmem:$0x1FF80] =	vst v63  }
0x5f: {  	_ =	swait.ge [sflag:s3], $0x2000  }
0x60: {  	[sflag:s3] =	ssyncset.done $0x0  }
0x61: {  	[sflag:s3] =	ssyncadd.s32 $0xFFFFE000  }
0x62: {  	[spmem:s25] =	stream.linear.scatter [tilespmem:s0], [sflag:$0x7], $0x2000, $0x38;
	[tilespmem:$0x1FF80] =	vst v63  }
0x63: {  	_ =	swait.ge [sflag:s3], $0x2000  }
0x64: {  	[sflag:s3] =	ssyncset.done $0x0  }
0x65: {  	[sflag:s3] =	ssyncadd.s32 $0xFFFFE000  }
0x66: {  	[spmem:s26] =	stream.linear.scatter [tilespmem:s0], [sflag:$0x7], $0x2000, $0x38;
	[tilespmem:$0x1FF80] =	vst v63  }
0x67: {  	_ =	swait.ge [sflag:s3], $0x2000  }
0x68: {  	[sflag:s3] =	ssyncset.done $0x0  }
0x69: {  	[sflag:s3] =	ssyncadd.s32 $0xFFFFE000  }
0x6a: {  	[spmem:s29] =	stream.linear.scatter [tilespmem:s0], [sflag:$0x7], $0x1C00, $0x38;
	[tilespmem:$0x1FF80] =	vst v63  }
0x6b: {  	_ =	swait.ge [sflag:s3], $0x1C00  }
0x6c: {  	[sflag:s3] =	ssyncset.done $0x0  }
0x6d: {  	s23 =	smov.u32 s30;
	[sflag:s3] =	ssyncadd.s32 $0xFFFFE400  }
0x6e: {  	s30 =	simm.s32 $0x0;
	s19 =	simm.s32 $0xC300;
	s21 =	rddreg [dreg:$0x1]  }
0x6f: {  	[tilespmem:s19], [sflag:$0x7] =	stream.linear.gather [hbm4b:s21+s30], $0x80, $0x38;
	[tilespmem:$0x1FF80] =	vst v63  }
0x70: {  	_ =	swait.ge [sflag:s3], $0x80  }
0x71: {  	[sflag:s3] =	ssyncset.done $0x0  }
0x72: {  	[sflag:s3] =	ssyncadd.s32 $0xFFFFFF80  }
0x73: {  	[bflag:$0x0] =	sbarrier.arrive $0xFFFF  }
0x74: {  	s19 =	rddreg [dreg:$0x12]  }
0x75: {  	[tilespmem:s30], [sflag:$0x7] =	stream.linear.gather [hbm4b:s19+s30], $0x40, $0x38;
	[tilespmem:$0x1FF80] =	vst v63  }
0x76: {  	_ =	swait.ge [sflag:s3], $0x40  }
0x77: {  	[sflag:s3] =	ssyncset.done $0x0  }
0x78: {  	[sflag:s3] =	ssyncadd.s32 $0xFFFFFFC0  }
0x79: {  	v4 =	vld [tilespmem:$0x0];
	_ =	sdelay $0x1  }
0x7a: {  	v5 =	vld [tilespmem:$0x10];
	_ =	sdelay $0x1  }
0x7b: {  	v6 =	vld [tilespmem:$0x20]  }
0x7c: {  	v7 =	vand.u32 $0x3FFF, v4  }
0x7d: {  	v63 =	vld [tilespmem:$0x30];
	v4 =	vshra.s32 v4, $0xE;
	[tilespmem:$0x100] =	vst v7  }
0x7e: {  	[tilespmem:$0x180] =	vst v4;
	v4 =	vand.u32 $0x3FFF, v5  }
0x7f: {  	[tilespmem:$0x110] =	vst v4;
	v4 =	vshra.s32 v5, $0xE  }
0x80: {  	[tilespmem:$0x190] =	vst v4;
	v4 =	vand.u32 $0x3FFF, v6  }
0x81: {  	[tilespmem:$0x120] =	vst v4;
	v4 =	vshra.s32 v6, $0xE  }
0x82: {  	[tilespmem:$0x1A0] =	vst v4;
	v4 =	vand.u32 $0x3FFF, v63  }
0x83: {  	[tilespmem:$0x130] =	vst v4;
	v4 =	vshra.s32 v63, $0xE  }
0x84: {  	s20 =	simm.s32 $0x100;
	s21 =	simm.s32 $0x300;
	[tilespmem:$0x1B0] =	vst v4  }
0x85: {  	[tilespmem:s21], [sflag:$0x1] =	stream.indirect.gather [hbm4b:s15+s4], $0x80, s20, s4, $0xb8;
	[tilespmem:$0x1FF80] =	vst v63  }
0x86: {  	s19 =	simm.s32 $0x2300  }
0x87: {  	[tilespmem:s19], [sflag:$0x1] =	stream.indirect.gather [hbm4b:s16+s4], $0x80, s5, s4, $0xb8;
	[tilespmem:$0x1FF80] =	vst v63  }
0x88: {  	s20 =	rddreg [dreg:$0x14];
	s21 =	simm.s32 $0x80  }
0x89: {  	[tilespmem:s21], [sflag:$0x6] =	stream.linear.gather [hbm4b:s20+s30], $0x40, $0x38;
	[tilespmem:$0x1FF80] =	vst v63  }
.LBB2_4:
0x8a: {  	p0 =	seq.s32 s30, $0x0  }
0x8b: {  	s18 =	simm.s32 @!p0 $0x4  }
0x8c: {  	_ =	swait.ge @!p0 [sflag:s18], $0x2000  }
0x8d: {  	[sflag:s18] =	ssyncset.done @!p0 $0x0  }
0x8e: {  	[sflag:s18] =	ssyncadd.s32 @!p0 $0xFFFFE000  }
0x8f: {  	_ =	swait.ge [sflag:s6], $0x40  }
0x90: {  	[sflag:s6] =	ssyncset.done $0x0  }
0x91: {  	[sflag:s6] =	ssyncadd.s32 $0xFFFFFFC0  }
0x92: {  	v4 =	vld [tilespmem:$0x80];
	_ =	sdelay $0x1  }
0x93: {  	v5 =	vld [tilespmem:$0x90];
	_ =	sdelay $0x1  }
0x94: {  	v6 =	vld [tilespmem:$0xA0]  }
0x95: {  	v7 =	vand.u32 $0x3FFF, v4  }
0x96: {  	v4 =	vshra.s32 v4, $0xE;
	[tilespmem:$0x200] =	vst v7;
	v7 =	vld [tilespmem:$0xB0]  }
0x97: {  	[tilespmem:$0x280] =	vst v4;
	v4 =	vand.u32 $0x3FFF, v5  }
0x98: {  	[tilespmem:$0x210] =	vst v4;
	v4 =	vshra.s32 v5, $0xE  }
0x99: {  	[tilespmem:$0x290] =	vst v4;
	v4 =	vand.u32 $0x3FFF, v6  }
0x9a: {  	[tilespmem:$0x220] =	vst v4;
	v4 =	vshra.s32 v6, $0xE  }
0x9b: {  	[tilespmem:$0x2A0] =	vst v4;
	v4 =	vand.u32 $0x3FFF, v7  }
0x9c: {  	s18 =	sshll.u32 s30, $0x7;
	p0 =	seq.s32 s30, $0x51;
	[tilespmem:$0x230] =	vst v4;
	v4 =	vshra.s32 v7, $0xE  }
0x9d: {  	s19 =	sadd.s32 @!p0 s18, s31;
	[tilespmem:$0x2B0] =	vst v4  }
0x9e: {  	[tilespmem:s8], [sflag:$0x2] =	stream.indirect.gather [hbm4b:s15+s4], $0x80, s7, s4, $0xb8;
	[tilespmem:$0x1FF80] =	vst v63  }
0x9f: {  	s19 =	sshrl.u32 @!p0 s19, $0x3  }
0xa0: {  	[tilespmem:s10], [sflag:$0x2] =	stream.indirect.gather [hbm4b:s16+s4], $0x80, s9, s4, $0xb8;
	[tilespmem:$0x1FF80] =	vst v63  }
0xa1: {  	s20 =	simm.s32 @!p0 $0x0;
	s19 =	sadd.s32 @!p0 s17, s19  }
0xa2: {  	[tilespmem:s20], [sflag:$0x5] =	stream.linear.gather @!p0 [hbm4b:s19+s20], $0x40, $0x38;
	[tilespmem:$0x1FF80] =	vst v63  }
0xa3: {  	_ =	swait.ge [sflag:s13], $0x2000  }
0xa4: {  	[sflag:s13] =	ssyncset.done $0x0  }
0xa5: {  	[sflag:s13] =	ssyncadd.s32 $0xFFFFE000  }
0xa6: {  	_ =	swait.ge [sflag:s13], $0x2000  }
0xa7: {  	[sflag:s13] =	ssyncset.done $0x0  }
0xa8: {  	s19 =	simm.s32 $0x0;
	[sflag:s13] =	ssyncadd.s32 $0xFFFFE000  }
0xa9: {  	v4 =	vld [tilespmem:s19+$0x300]  }
0xaa: {  	v5 =	vld [tilespmem:s19+$0x2300];
	_ =	sdelay $0x4  }
0xab: {  	v6 =	vld [tilespmem:$0xC300];
	v5 =	vadd.f32 v5, v4;
	_ =	sdelay $0x1  }
0xac: {  	v7 =	vmul.f32 $2.000000030e-01, v5;
	_ =	sdelay $0x1  }
0xad: {  	v5 =	vmax.f32 v5, v7  }
0xae: {  	v5 =	vmul.f32 v5, v6;
	_ =	sdelay $0x1  }
0xaf: {  	v6 =	vperm.xlane v5, v1;
	_ =	sdelay $0x1  }
0xb0: {  	v5 =	vadd.f32 v5, v6;
	_ =	sdelay $0x1  }
0xb1: {  	v6 =	vperm.xlane v5, v2;
	_ =	sdelay $0x1  }
0xb2: {  	v5 =	vadd.f32 v5, v6;
	_ =	sdelay $0x1  }
0xb3: {  	v6 =	vperm.xlane v5, v3;
	_ =	sdelay $0x1  }
0xb4: {  	v5 =	vadd.f32 v5, v6;
	_ =	sdelay $0x1  }
0xb5: {  	v5 =	vmul.f32 $1.442695020e+00, v5;
	_ =	sdelay $0x1  }
0xb6: {  	(erf) = vpow2.f32 v5;
	_ =	sdelay $0x6  }
0xb7: {  	v6 =	vld [tilespmem:s19+$0x2310]  }
0xb8: {  	v5 =	vld [tilespmem:s19+$0x310]  }
0xb9: {  	v7 =	vpop (erf)  }
0xba: {  	v4 =	vmul.f32 v7, v4  }
0xbb: {  	[tilespmem:s19+$0x8340] =	vst v7  }
0xbc: {  	[tilespmem:s19+$0x8300] =	vst v4  }
0xbd: {  	v4 =	vadd.f32 v6, v5;
	v6 =	vld [tilespmem:$0xC310];
	_ =	sdelay $0x1  }
0xbe: {  	v7 =	vmul.f32 $2.000000030e-01, v4;
	_ =	sdelay $0x1  }
0xbf: {  	v4 =	vmax.f32 v4, v7  }
0xc0: {  	v4 =	vmul.f32 v4, v6;
	_ =	sdelay $0x1  }
0xc1: {  	v6 =	vperm.xlane v4, v1;
	_ =	sdelay $0x1  }
0xc2: {  	v4 =	vadd.f32 v4, v6;
	_ =	sdelay $0x1  }
0xc3: {  	v6 =	vperm.xlane v4, v2;
	_ =	sdelay $0x1  }
0xc4: {  	v4 =	vadd.f32 v4, v6;
	_ =	sdelay $0x1  }
0xc5: {  	v6 =	vperm.xlane v4, v3;
	_ =	sdelay $0x1  }
0xc6: {  	v4 =	vadd.f32 v4, v6;
	_ =	sdelay $0x1  }
0xc7: {  	v4 =	vmul.f32 $1.442695020e+00, v4;
	_ =	sdelay $0x1  }
0xc8: {  	(erf) = vpow2.f32 v4;
	_ =	sdelay $0x6  }
0xc9: {  	v6 =	vld [tilespmem:s19+$0x320]  }
0xca: {  	v4 =	vld [tilespmem:s19+$0x2320]  }
0xcb: {  	v7 =	vpop (erf)  }
0xcc: {  	v5 =	vmul.f32 v7, v5  }
0xcd: {  	[tilespmem:s19+$0x8350] =	vst v7  }
0xce: {  	[tilespmem:s19+$0x8310] =	vst v5  }
0xcf: {  	v4 =	vadd.f32 v4, v6;
	v5 =	vld [tilespmem:$0xC320];
	_ =	sdelay $0x1  }
0xd0: {  	v7 =	vmul.f32 $2.000000030e-01, v4;
	_ =	sdelay $0x1  }
0xd1: {  	v4 =	vmax.f32 v4, v7  }
0xd2: {  	v4 =	vmul.f32 v4, v5;
	_ =	sdelay $0x1  }
0xd3: {  	v5 =	vperm.xlane v4, v1;
	_ =	sdelay $0x1  }
0xd4: {  	v4 =	vadd.f32 v4, v5;
	_ =	sdelay $0x1  }
0xd5: {  	v5 =	vperm.xlane v4, v2;
	_ =	sdelay $0x1  }
0xd6: {  	v4 =	vadd.f32 v4, v5;
	_ =	sdelay $0x1  }
0xd7: {  	v5 =	vperm.xlane v4, v3;
	_ =	sdelay $0x1  }
0xd8: {  	v4 =	vadd.f32 v4, v5;
	_ =	sdelay $0x1  }
0xd9: {  	v4 =	vmul.f32 $1.442695020e+00, v4;
	_ =	sdelay $0x1  }
0xda: {  	(erf) = vpow2.f32 v4;
	_ =	sdelay $0x6  }
0xdb: {  	v5 =	vld [tilespmem:s19+$0x2330]  }
0xdc: {  	v4 =	vld [tilespmem:s19+$0x330]  }
0xdd: {  	v7 =	vpop (erf)  }
0xde: {  	v6 =	vmul.f32 v7, v6  }
0xdf: {  	[tilespmem:s19+$0x8360] =	vst v7  }
0xe0: {  	[tilespmem:s19+$0x8320] =	vst v6  }
0xe1: {  	v5 =	vadd.f32 v5, v4;
	v6 =	vld [tilespmem:$0xC330];
	_ =	sdelay $0x1  }
0xe2: {  	v7 =	vmul.f32 $2.000000030e-01, v5;
	_ =	sdelay $0x1  }
0xe3: {  	v5 =	vmax.f32 v5, v7  }
0xe4: {  	v5 =	vmul.f32 v5, v6;
	_ =	sdelay $0x1  }
0xe5: {  	v6 =	vperm.xlane v5, v1;
	_ =	sdelay $0x1  }
0xe6: {  	v5 =	vadd.f32 v5, v6;
	_ =	sdelay $0x1  }
0xe7: {  	v6 =	vperm.xlane v5, v2;
	_ =	sdelay $0x1  }
0xe8: {  	v5 =	vadd.f32 v5, v6;
	_ =	sdelay $0x1  }
0xe9: {  	v6 =	vperm.xlane v5, v3;
	_ =	sdelay $0x1  }
0xea: {  	v5 =	vadd.f32 v5, v6;
	_ =	sdelay $0x1  }
0xeb: {  	v5 =	vmul.f32 $1.442695020e+00, v5;
	_ =	sdelay $0x1  }
0xec: {  	(erf) = vpow2.f32 v5;
	_ =	sdelay $0x5  }
0xed: {  	s21 =	simm.s32 $0x80  }
0xee: {  	s20 =	simm.s32 $0x400;
	v5 =	vld [tilespmem:s21+$0x300]  }
.LBB2_5:
0xef: {  	p1 =	sne.s32 s20, $0x7E00;
	v6 =	vld [tilespmem:s21+$0x2300]  }
0xf0: {  	v7 =	vpop (erf)  }
0xf1: {  	v4 =	vmul.f32 v7, v4;
	[tilespmem:s19+$0x8370] =	vst v7;
	_ =	sdelay $0x1  }
0xf2: {  	[tilespmem:s19+$0x8330] =	vst v4;
	s19 =	smov.u32 s21  }
0xf3: {  	v4 =	vadd.f32 v6, v5;
	v6 =	vld [tilespmem:$0xC300];
	_ =	sdelay $0x1  }
0xf4: {  	v7 =	vmul.f32 $2.000000030e-01, v4;
	_ =	sdelay $0x1  }
0xf5: {  	v4 =	vmax.f32 v4, v7  }
0xf6: {  	v4 =	vmul.f32 v4, v6;
	_ =	sdelay $0x1  }
0xf7: {  	v6 =	vperm.xlane v4, v1;
	_ =	sdelay $0x1  }
0xf8: {  	v4 =	vadd.f32 v4, v6;
	_ =	sdelay $0x1  }
0xf9: {  	v6 =	vperm.xlane v4, v2;
	_ =	sdelay $0x1  }
0xfa: {  	v4 =	vadd.f32 v4, v6;
	_ =	sdelay $0x1  }
0xfb: {  	v6 =	vperm.xlane v4, v3;
	_ =	sdelay $0x1  }
0xfc: {  	v4 =	vadd.f32 v4, v6;
	_ =	sdelay $0x1  }
0xfd: {  	v4 =	vmul.f32 $1.442695020e+00, v4;
	_ =	sdelay $0x1  }
0xfe: {  	(erf) = vpow2.f32 v4;
	_ =	sdelay $0x6  }
0xff: {  	v4 =	vld [tilespmem:s19+$0x310]  }
0x100: {  	v6 =	vld [tilespmem:s19+$0x2310]  }
0x101: {  	v7 =	vpop (erf)  }
0x102: {  	v5 =	vmul.f32 v7, v5;
	[tilespmem:s19+$0x8340] =	vst v7;
	_ =	sdelay $0x1  }
0x103: {  	[tilespmem:s19+$0x8300] =	vst v5  }
0x104: {  	v5 =	vadd.f32 v6, v4;
	v6 =	vld [tilespmem:$0xC310];
	_ =	sdelay $0x1  }
0x105: {  	v7 =	vmul.f32 $2.000000030e-01, v5;
	_ =	sdelay $0x1  }
0x106: {  	v5 =	vmax.f32 v5, v7  }
0x107: {  	v5 =	vmul.f32 v5, v6;
	_ =	sdelay $0x1  }
0x108: {  	v6 =	vperm.xlane v5, v1;
	_ =	sdelay $0x1  }
0x109: {  	v5 =	vadd.f32 v5, v6;
	_ =	sdelay $0x1  }
0x10a: {  	v6 =	vperm.xlane v5, v2;
	_ =	sdelay $0x1  }
0x10b: {  	v5 =	vadd.f32 v5, v6;
	_ =	sdelay $0x1  }
0x10c: {  	v6 =	vperm.xlane v5, v3;
	_ =	sdelay $0x1  }
0x10d: {  	v5 =	vadd.f32 v5, v6;
	_ =	sdelay $0x1  }
0x10e: {  	v5 =	vmul.f32 $1.442695020e+00, v5;
	_ =	sdelay $0x1  }
0x10f: {  	(erf) = vpow2.f32 v5;
	_ =	sdelay $0x6  }
0x110: {  	v5 =	vld [tilespmem:s19+$0x320]  }
0x111: {  	v6 =	vld [tilespmem:s19+$0x2320]  }
0x112: {  	v7 =	vpop (erf)  }
0x113: {  	v4 =	vmul.f32 v7, v4;
	[tilespmem:s19+$0x8350] =	vst v7;
	_ =	sdelay $0x1  }
0x114: {  	[tilespmem:s19+$0x8310] =	vst v4  }
0x115: {  	v4 =	vadd.f32 v6, v5;
	v6 =	vld [tilespmem:$0xC320];
	_ =	sdelay $0x1  }
0x116: {  	v7 =	vmul.f32 $2.000000030e-01, v4;
	_ =	sdelay $0x1  }
0x117: {  	v4 =	vmax.f32 v4, v7  }
0x118: {  	v4 =	vmul.f32 v4, v6;
	_ =	sdelay $0x1  }
0x119: {  	v6 =	vperm.xlane v4, v1;
	_ =	sdelay $0x1  }
0x11a: {  	v4 =	vadd.f32 v4, v6;
	_ =	sdelay $0x1  }
0x11b: {  	v6 =	vperm.xlane v4, v2;
	_ =	sdelay $0x1  }
0x11c: {  	v4 =	vadd.f32 v4, v6;
	_ =	sdelay $0x1  }
0x11d: {  	v6 =	vperm.xlane v4, v3;
	_ =	sdelay $0x1  }
0x11e: {  	v4 =	vadd.f32 v4, v6;
	_ =	sdelay $0x1  }
0x11f: {  	v4 =	vmul.f32 $1.442695020e+00, v4;
	_ =	sdelay $0x1  }
0x120: {  	(erf) = vpow2.f32 v4;
	_ =	sdelay $0x6  }
0x121: {  	v4 =	vld [tilespmem:s19+$0x330]  }
0x122: {  	v6 =	vld [tilespmem:s19+$0x2330]  }
0x123: {  	v7 =	vpop (erf)  }
0x124: {  	v5 =	vmul.f32 v7, v5;
	[tilespmem:s19+$0x8360] =	vst v7;
	_ =	sdelay $0x1  }
0x125: {  	[tilespmem:s19+$0x8320] =	vst v5  }
0x126: {  	v5 =	vadd.f32 v6, v4;
	v6 =	vld [tilespmem:$0xC330];
	_ =	sdelay $0x1  }
0x127: {  	v7 =	vmul.f32 $2.000000030e-01, v5;
	_ =	sdelay $0x1  }
0x128: {  	v5 =	vmax.f32 v5, v7  }
0x129: {  	v5 =	vmul.f32 v5, v6;
	_ =	sdelay $0x1  }
0x12a: {  	v6 =	vperm.xlane v5, v1;
	_ =	sdelay $0x1  }
0x12b: {  	v5 =	vadd.f32 v5, v6;
	_ =	sdelay $0x1  }
0x12c: {  	v6 =	vperm.xlane v5, v2;
	_ =	sdelay $0x1  }
0x12d: {  	v5 =	vadd.f32 v5, v6;
	_ =	sdelay $0x1  }
0x12e: {  	v6 =	vperm.xlane v5, v3;
	_ =	sdelay $0x1  }
0x12f: {  	v5 =	vadd.f32 v5, v6;
	_ =	sdelay $0x1  }
0x130: {  	v5 =	vmul.f32 $1.442695020e+00, v5;
	_ =	sdelay $0x1  }
0x131: {  	(erf) = vpow2.f32 v5;
	_ =	sdelay $0x2  }
.Ltmp1:
0x132: {  	(pc) =	sbr.rel @p1 .LBB2_5-.Ltmp1, $3  }
0x133: {  	_ =	sdelay $0x1  }
0x134: {  	s21 =	sshra.s32 s20, $0x2  }
0x135: {  	s20 =	sadd.s32 $0x200, s20;
	v5 =	vld [tilespmem:s21+$0x300]  }
0x136: {  	v6 =	vld [tilespmem:s21+$0x2300]  }
0x137: {  	v7 =	vpop (erf)  }
0x138: {  	v4 =	vmul.f32 v7, v4  }
0x139: {  	[tilespmem:s19+$0x8370] =	vst v7  }
0x13a: {  	[tilespmem:s19+$0x8330] =	vst v4  }
0x13b: {  	v4 =	vadd.f32 v6, v5;
	v6 =	vld [tilespmem:$0xC300];
	_ =	sdelay $0x1  }
0x13c: {  	v7 =	vmul.f32 $2.000000030e-01, v4;
	_ =	sdelay $0x1  }
0x13d: {  	v4 =	vmax.f32 v4, v7  }
0x13e: {  	v4 =	vmul.f32 v4, v6;
	_ =	sdelay $0x1  }
0x13f: {  	v6 =	vperm.xlane v4, v1;
	_ =	sdelay $0x1  }
0x140: {  	v4 =	vadd.f32 v4, v6;
	_ =	sdelay $0x1  }
0x141: {  	v6 =	vperm.xlane v4, v2;
	_ =	sdelay $0x1  }
0x142: {  	v4 =	vadd.f32 v4, v6;
	_ =	sdelay $0x1  }
0x143: {  	v6 =	vperm.xlane v4, v3;
	_ =	sdelay $0x1  }
0x144: {  	v4 =	vadd.f32 v4, v6;
	_ =	sdelay $0x1  }
0x145: {  	v4 =	vmul.f32 $1.442695020e+00, v4;
	_ =	sdelay $0x1  }
0x146: {  	(erf) = vpow2.f32 v4;
	_ =	sdelay $0x6  }
0x147: {  	v6 =	vld [tilespmem:s21+$0x2310]  }
0x148: {  	v4 =	vld [tilespmem:s21+$0x310]  }
0x149: {  	v7 =	vpop (erf)  }
0x14a: {  	v5 =	vmul.f32 v7, v5  }
0x14b: {  	[tilespmem:s21+$0x8340] =	vst v7  }
0x14c: {  	[tilespmem:s21+$0x8300] =	vst v5  }
0x14d: {  	v5 =	vadd.f32 v6, v4;
	v6 =	vld [tilespmem:$0xC310];
	_ =	sdelay $0x1  }
0x14e: {  	v7 =	vmul.f32 $2.000000030e-01, v5;
	_ =	sdelay $0x1  }
0x14f: {  	v5 =	vmax.f32 v5, v7  }
0x150: {  	v5 =	vmul.f32 v5, v6;
	_ =	sdelay $0x1  }
0x151: {  	v6 =	vperm.xlane v5, v1;
	_ =	sdelay $0x1  }
0x152: {  	v5 =	vadd.f32 v5, v6;
	_ =	sdelay $0x1  }
0x153: {  	v6 =	vperm.xlane v5, v2;
	_ =	sdelay $0x1  }
0x154: {  	v5 =	vadd.f32 v5, v6;
	_ =	sdelay $0x1  }
0x155: {  	v6 =	vperm.xlane v5, v3;
	_ =	sdelay $0x1  }
0x156: {  	v5 =	vadd.f32 v5, v6;
	_ =	sdelay $0x1  }
0x157: {  	v5 =	vmul.f32 $1.442695020e+00, v5;
	_ =	sdelay $0x1  }
0x158: {  	(erf) = vpow2.f32 v5;
	_ =	sdelay $0x6  }
0x159: {  	v6 =	vld [tilespmem:s21+$0x2320]  }
0x15a: {  	v5 =	vld [tilespmem:s21+$0x320]  }
0x15b: {  	v7 =	vpop (erf)  }
0x15c: {  	v4 =	vmul.f32 v7, v4  }
0x15d: {  	[tilespmem:s21+$0x8350] =	vst v7  }
0x15e: {  	[tilespmem:s21+$0x8310] =	vst v4  }
0x15f: {  	v4 =	vadd.f32 v6, v5;
	v6 =	vld [tilespmem:$0xC320];
	_ =	sdelay $0x1  }
0x160: {  	v7 =	vmul.f32 $2.000000030e-01, v4;
	_ =	sdelay $0x1  }
0x161: {  	v4 =	vmax.f32 v4, v7  }
0x162: {  	v4 =	vmul.f32 v4, v6;
	_ =	sdelay $0x1  }
0x163: {  	v6 =	vperm.xlane v4, v1;
	_ =	sdelay $0x1  }
0x164: {  	v4 =	vadd.f32 v4, v6;
	_ =	sdelay $0x1  }
0x165: {  	v6 =	vperm.xlane v4, v2;
	_ =	sdelay $0x1  }
0x166: {  	v4 =	vadd.f32 v4, v6;
	_ =	sdelay $0x1  }
0x167: {  	v6 =	vperm.xlane v4, v3;
	_ =	sdelay $0x1  }
0x168: {  	v4 =	vadd.f32 v4, v6;
	_ =	sdelay $0x1  }
0x169: {  	v4 =	vmul.f32 $1.442695020e+00, v4;
	_ =	sdelay $0x1  }
0x16a: {  	(erf) = vpow2.f32 v4;
	_ =	sdelay $0x6  }
0x16b: {  	v6 =	vld [tilespmem:s21+$0x2330]  }
0x16c: {  	v4 =	vld [tilespmem:s21+$0x330]  }
0x16d: {  	v7 =	vpop (erf)  }
0x16e: {  	v5 =	vmul.f32 v7, v5  }
0x16f: {  	[tilespmem:s21+$0x8360] =	vst v7  }
0x170: {  	[tilespmem:s21+$0x8320] =	vst v5  }
0x171: {  	v5 =	vadd.f32 v6, v4;
	v6 =	vld [tilespmem:$0xC330];
	_ =	sdelay $0x1  }
0x172: {  	v7 =	vmul.f32 $2.000000030e-01, v5;
	_ =	sdelay $0x1  }
0x173: {  	v5 =	vmax.f32 v5, v7  }
0x174: {  	v5 =	vmul.f32 v5, v6;
	_ =	sdelay $0x1  }
0x175: {  	v6 =	vperm.xlane v5, v1;
	_ =	sdelay $0x1  }
0x176: {  	v5 =	vadd.f32 v5, v6;
	_ =	sdelay $0x1  }
0x177: {  	v6 =	vperm.xlane v5, v2;
	_ =	sdelay $0x1  }
0x178: {  	v5 =	vadd.f32 v5, v6;
	_ =	sdelay $0x1  }
0x179: {  	v6 =	vperm.xlane v5, v3;
	_ =	sdelay $0x1  }
0x17a: {  	v5 =	vadd.f32 v5, v6;
	_ =	sdelay $0x1  }
0x17b: {  	v5 =	vmul.f32 $1.442695020e+00, v5;
	_ =	sdelay $0x1  }
0x17c: {  	(erf) = vpow2.f32 v5;
	_ =	sdelay $0x8  }
0x17d: {  	v5 =	vpop (erf)  }
0x17e: {  	v4 =	vmul.f32 v5, v4  }
0x17f: {  	[tilespmem:s21+$0x8370] =	vst v5  }
0x180: {  	[tilespmem:s21+$0x8330] =	vst v4  }
0x181: {  	[spmem:s12] =	stream.indirect.scatter.add.f32 [tilespmem:s0], [sflag:$0x3], $0x80, s5, s4, $0xb8;
	[tilespmem:$0x1FF80] =	vst v63  }
0x182: {  	_ =	swait.ge [sflag:s14], $0x2000  }
0x183: {  	[sflag:s14] =	ssyncset.done $0x0  }
0x184: {  	s19 =	simm.s32 @!p0 $0x5;
	[sflag:s14] =	ssyncadd.s32 $0xFFFFE000  }
0x185: {  	_ =	swait.ge @!p0 [sflag:s19], $0x40  }
0x186: {  	[sflag:s19] =	ssyncset.done @!p0 $0x0  }
0x187: {  	[sflag:s19] =	ssyncadd.s32 @!p0 $0xFFFFFFC0  }
0x188: {  	v4 =	vld @!p0 [tilespmem:$0x0];
	_ =	sdelay $0x1  }
0x189: {  	v5 =	vld @!p0 [tilespmem:$0x10];
	_ =	sdelay $0x1  }
0x18a: {  	v6 =	vld @!p0 [tilespmem:$0x20]  }
0x18b: {  	v7 =	vand.u32 @!p0 $0x3FFF, v4  }
0x18c: {  	v4 =	vshra.s32 @!p0 v4, $0xE;
	[tilespmem:$0x100] =	vst @!p0 v7;
	v7 =	vld @!p0 [tilespmem:$0x30]  }
0x18d: {  	[tilespmem:$0x180] =	vst @!p0 v4;
	v4 =	vand.u32 @!p0 $0x3FFF, v5  }
0x18e: {  	[tilespmem:$0x110] =	vst @!p0 v4;
	v4 =	vshra.s32 @!p0 v5, $0xE  }
0x18f: {  	[tilespmem:$0x190] =	vst @!p0 v4;
	v4 =	vand.u32 @!p0 $0x3FFF, v6  }
0x190: {  	[tilespmem:$0x120] =	vst @!p0 v4;
	v4 =	vshra.s32 @!p0 v6, $0xE  }
0x191: {  	[tilespmem:$0x1A0] =	vst @!p0 v4;
	v4 =	vand.u32 @!p0 $0x3FFF, v7  }
0x192: {  	s20 =	simm.s32 @!p0 $0x100;
	[tilespmem:$0x130] =	vst @!p0 v4;
	v4 =	vshra.s32 @!p0 v7, $0xE  }
0x193: {  	s18 =	sadd.s32 @!p0 s18, s28;
	s21 =	simm.s32 @!p0 $0x300;
	s19 =	simm.s32 @!p0 $0x40;
	[tilespmem:$0x1B0] =	vst @!p0 v4  }
0x194: {  	[tilespmem:s21], [sflag:$0x1] =	stream.indirect.gather @!p0 [hbm4b:s15+s19], $0x80, s20, s19, $0xb8;
	[tilespmem:$0x1FF80] =	vst v63  }
0x195: {  	s18 =	sshrl.u32 @!p0 s18, $0x3;
	s20 =	simm.s32 @!p0 $0x180;
	s21 =	simm.s32 @!p0 $0x2300  }
0x196: {  	[tilespmem:s21], [sflag:$0x1] =	stream.indirect.gather @!p0 [hbm4b:s16+s19], $0x80, s20, s19, $0xb8;
	[tilespmem:$0x1FF80] =	vst v63  }
0x197: {  	s18 =	sadd.s32 @!p0 s17, s18;
	s19 =	simm.s32 @!p0 $0x0;
	s20 =	simm.s32 @!p0 $0x80  }
0x198: {  	[tilespmem:s20], [sflag:$0x6] =	stream.linear.gather @!p0 [hbm4b:s18+s19], $0x40, $0x38;
	[tilespmem:$0x1FF80] =	vst v63  }
0x199: {  	_ =	swait.ge [sflag:s11], $0x2000  }
0x19a: {  	[sflag:s11] =	ssyncset.done $0x0  }
0x19b: {  	[sflag:s11] =	ssyncadd.s32 $0xFFFFE000  }
0x19c: {  	_ =	swait.ge [sflag:s11], $0x2000  }
0x19d: {  	[sflag:s11] =	ssyncset.done $0x0  }
0x19e: {  	s18 =	simm.s32 $0x0;
	[sflag:s11] =	ssyncadd.s32 $0xFFFFE000  }
0x19f: {  	v4 =	vld [tilespmem:s18+$0x4300]  }
0x1a0: {  	v5 =	vld [tilespmem:s18+$0x6300];
	_ =	sdelay $0x4  }
0x1a1: {  	v6 =	vld [tilespmem:$0xC300];
	v5 =	vadd.f32 v5, v4;
	_ =	sdelay $0x1  }
0x1a2: {  	v7 =	vmul.f32 $2.000000030e-01, v5;
	_ =	sdelay $0x1  }
0x1a3: {  	v5 =	vmax.f32 v5, v7  }
0x1a4: {  	v5 =	vmul.f32 v5, v6;
	_ =	sdelay $0x1  }
0x1a5: {  	v6 =	vperm.xlane v5, v1;
	_ =	sdelay $0x1  }
0x1a6: {  	v5 =	vadd.f32 v5, v6;
	_ =	sdelay $0x1  }
0x1a7: {  	v6 =	vperm.xlane v5, v2;
	_ =	sdelay $0x1  }
0x1a8: {  	v5 =	vadd.f32 v5, v6;
	_ =	sdelay $0x1  }
0x1a9: {  	v6 =	vperm.xlane v5, v3;
	_ =	sdelay $0x1  }
0x1aa: {  	v5 =	vadd.f32 v5, v6;
	_ =	sdelay $0x1  }
0x1ab: {  	v5 =	vmul.f32 $1.442695020e+00, v5;
	_ =	sdelay $0x1  }
0x1ac: {  	(erf) = vpow2.f32 v5;
	_ =	sdelay $0x6  }
0x1ad: {  	v6 =	vld [tilespmem:s18+$0x6310]  }
0x1ae: {  	v5 =	vld [tilespmem:s18+$0x4310]  }
0x1af: {  	v7 =	vpop (erf)  }
0x1b0: {  	v4 =	vmul.f32 v7, v4  }
0x1b1: {  	[tilespmem:s18+$0xA340] =	vst v7  }
0x1b2: {  	[tilespmem:s18+$0xA300] =	vst v4  }
0x1b3: {  	v4 =	vadd.f32 v6, v5;
	v6 =	vld [tilespmem:$0xC310];
	_ =	sdelay $0x1  }
0x1b4: {  	v7 =	vmul.f32 $2.000000030e-01, v4;
	_ =	sdelay $0x1  }
0x1b5: {  	v4 =	vmax.f32 v4, v7  }
0x1b6: {  	v4 =	vmul.f32 v4, v6;
	_ =	sdelay $0x1  }
0x1b7: {  	v6 =	vperm.xlane v4, v1;
	_ =	sdelay $0x1  }
0x1b8: {  	v4 =	vadd.f32 v4, v6;
	_ =	sdelay $0x1  }
0x1b9: {  	v6 =	vperm.xlane v4, v2;
	_ =	sdelay $0x1  }
0x1ba: {  	v4 =	vadd.f32 v4, v6;
	_ =	sdelay $0x1  }
0x1bb: {  	v6 =	vperm.xlane v4, v3;
	_ =	sdelay $0x1  }
0x1bc: {  	v4 =	vadd.f32 v4, v6;
	_ =	sdelay $0x1  }
0x1bd: {  	v4 =	vmul.f32 $1.442695020e+00, v4;
	_ =	sdelay $0x1  }
0x1be: {  	(erf) = vpow2.f32 v4;
	_ =	sdelay $0x6  }
0x1bf: {  	v6 =	vld [tilespmem:s18+$0x4320]  }
0x1c0: {  	v4 =	vld [tilespmem:s18+$0x6320]  }
0x1c1: {  	v7 =	vpop (erf)  }
0x1c2: {  	v5 =	vmul.f32 v7, v5  }
0x1c3: {  	[tilespmem:s18+$0xA350] =	vst v7  }
0x1c4: {  	[tilespmem:s18+$0xA310] =	vst v5  }
0x1c5: {  	v4 =	vadd.f32 v4, v6;
	v5 =	vld [tilespmem:$0xC320];
	_ =	sdelay $0x1  }
0x1c6: {  	v7 =	vmul.f32 $2.000000030e-01, v4;
	_ =	sdelay $0x1  }
0x1c7: {  	v4 =	vmax.f32 v4, v7  }
0x1c8: {  	v4 =	vmul.f32 v4, v5;
	_ =	sdelay $0x1  }
0x1c9: {  	v5 =	vperm.xlane v4, v1;
	_ =	sdelay $0x1  }
0x1ca: {  	v4 =	vadd.f32 v4, v5;
	_ =	sdelay $0x1  }
0x1cb: {  	v5 =	vperm.xlane v4, v2;
	_ =	sdelay $0x1  }
0x1cc: {  	v4 =	vadd.f32 v4, v5;
	_ =	sdelay $0x1  }
0x1cd: {  	v5 =	vperm.xlane v4, v3;
	_ =	sdelay $0x1  }
0x1ce: {  	v4 =	vadd.f32 v4, v5;
	_ =	sdelay $0x1  }
0x1cf: {  	v4 =	vmul.f32 $1.442695020e+00, v4;
	_ =	sdelay $0x1  }
0x1d0: {  	(erf) = vpow2.f32 v4;
	_ =	sdelay $0x6  }
0x1d1: {  	v5 =	vld [tilespmem:s18+$0x6330]  }
0x1d2: {  	v4 =	vld [tilespmem:s18+$0x4330]  }
0x1d3: {  	v7 =	vpop (erf)  }
0x1d4: {  	v6 =	vmul.f32 v7, v6  }
0x1d5: {  	[tilespmem:s18+$0xA360] =	vst v7  }
0x1d6: {  	[tilespmem:s18+$0xA320] =	vst v6  }
0x1d7: {  	v5 =	vadd.f32 v5, v4;
	v6 =	vld [tilespmem:$0xC330];
	_ =	sdelay $0x1  }
0x1d8: {  	v7 =	vmul.f32 $2.000000030e-01, v5;
	_ =	sdelay $0x1  }
0x1d9: {  	v5 =	vmax.f32 v5, v7  }
0x1da: {  	v5 =	vmul.f32 v5, v6;
	_ =	sdelay $0x1  }
0x1db: {  	v6 =	vperm.xlane v5, v1;
	_ =	sdelay $0x1  }
0x1dc: {  	v5 =	vadd.f32 v5, v6;
	_ =	sdelay $0x1  }
0x1dd: {  	v6 =	vperm.xlane v5, v2;
	_ =	sdelay $0x1  }
0x1de: {  	v5 =	vadd.f32 v5, v6;
	_ =	sdelay $0x1  }
0x1df: {  	v6 =	vperm.xlane v5, v3;
	_ =	sdelay $0x1  }
0x1e0: {  	v5 =	vadd.f32 v5, v6;
	_ =	sdelay $0x1  }
0x1e1: {  	v5 =	vmul.f32 $1.442695020e+00, v5;
	_ =	sdelay $0x1  }
0x1e2: {  	(erf) = vpow2.f32 v5;
	_ =	sdelay $0x5  }
0x1e3: {  	s20 =	simm.s32 $0x80  }
0x1e4: {  	s19 =	simm.s32 $0x400;
	v5 =	vld [tilespmem:s20+$0x4300]  }
.LBB2_7:
0x1e5: {  	p0 =	sne.s32 s19, $0x7E00;
	v6 =	vld [tilespmem:s20+$0x6300]  }
0x1e6: {  	v7 =	vpop (erf)  }
0x1e7: {  	v4 =	vmul.f32 v7, v4;
	[tilespmem:s18+$0xA370] =	vst v7;
	_ =	sdelay $0x1  }
0x1e8: {  	[tilespmem:s18+$0xA330] =	vst v4;
	s18 =	smov.u32 s20  }
0x1e9: {  	v4 =	vadd.f32 v6, v5;
	v6 =	vld [tilespmem:$0xC300];
	_ =	sdelay $0x1  }
0x1ea: {  	v7 =	vmul.f32 $2.000000030e-01, v4;
	_ =	sdelay $0x1  }
0x1eb: {  	v4 =	vmax.f32 v4, v7  }
0x1ec: {  	v4 =	vmul.f32 v4, v6;
	_ =	sdelay $0x1  }
0x1ed: {  	v6 =	vperm.xlane v4, v1;
	_ =	sdelay $0x1  }
0x1ee: {  	v4 =	vadd.f32 v4, v6;
	_ =	sdelay $0x1  }
0x1ef: {  	v6 =	vperm.xlane v4, v2;
	_ =	sdelay $0x1  }
0x1f0: {  	v4 =	vadd.f32 v4, v6;
	_ =	sdelay $0x1  }
0x1f1: {  	v6 =	vperm.xlane v4, v3;
	_ =	sdelay $0x1  }
0x1f2: {  	v4 =	vadd.f32 v4, v6;
	_ =	sdelay $0x1  }
0x1f3: {  	v4 =	vmul.f32 $1.442695020e+00, v4;
	_ =	sdelay $0x1  }
0x1f4: {  	(erf) = vpow2.f32 v4;
	_ =	sdelay $0x6  }
0x1f5: {  	v4 =	vld [tilespmem:s18+$0x4310]  }
0x1f6: {  	v6 =	vld [tilespmem:s18+$0x6310]  }
0x1f7: {  	v7 =	vpop (erf)  }
0x1f8: {  	v5 =	vmul.f32 v7, v5;
	[tilespmem:s18+$0xA340] =	vst v7;
	_ =	sdelay $0x1  }
0x1f9: {  	[tilespmem:s18+$0xA300] =	vst v5  }
0x1fa: {  	v5 =	vadd.f32 v6, v4;
	v6 =	vld [tilespmem:$0xC310];
	_ =	sdelay $0x1  }
0x1fb: {  	v7 =	vmul.f32 $2.000000030e-01, v5;
	_ =	sdelay $0x1  }
0x1fc: {  	v5 =	vmax.f32 v5, v7  }
0x1fd: {  	v5 =	vmul.f32 v5, v6;
	_ =	sdelay $0x1  }
0x1fe: {  	v6 =	vperm.xlane v5, v1;
	_ =	sdelay $0x1  }
0x1ff: {  	v5 =	vadd.f32 v5, v6;
	_ =	sdelay $0x1  }
0x200: {  	v6 =	vperm.xlane v5, v2;
	_ =	sdelay $0x1  }
0x201: {  	v5 =	vadd.f32 v5, v6;
	_ =	sdelay $0x1  }
0x202: {  	v6 =	vperm.xlane v5, v3;
	_ =	sdelay $0x1  }
0x203: {  	v5 =	vadd.f32 v5, v6;
	_ =	sdelay $0x1  }
0x204: {  	v5 =	vmul.f32 $1.442695020e+00, v5;
	_ =	sdelay $0x1  }
0x205: {  	(erf) = vpow2.f32 v5;
	_ =	sdelay $0x6  }
0x206: {  	v5 =	vld [tilespmem:s18+$0x4320]  }
0x207: {  	v6 =	vld [tilespmem:s18+$0x6320]  }
0x208: {  	v7 =	vpop (erf)  }
0x209: {  	v4 =	vmul.f32 v7, v4;
	[tilespmem:s18+$0xA350] =	vst v7;
	_ =	sdelay $0x1  }
0x20a: {  	[tilespmem:s18+$0xA310] =	vst v4  }
0x20b: {  	v4 =	vadd.f32 v6, v5;
	v6 =	vld [tilespmem:$0xC320];
	_ =	sdelay $0x1  }
0x20c: {  	v7 =	vmul.f32 $2.000000030e-01, v4;
	_ =	sdelay $0x1  }
0x20d: {  	v4 =	vmax.f32 v4, v7  }
0x20e: {  	v4 =	vmul.f32 v4, v6;
	_ =	sdelay $0x1  }
0x20f: {  	v6 =	vperm.xlane v4, v1;
	_ =	sdelay $0x1  }
0x210: {  	v4 =	vadd.f32 v4, v6;
	_ =	sdelay $0x1  }
0x211: {  	v6 =	vperm.xlane v4, v2;
	_ =	sdelay $0x1  }
0x212: {  	v4 =	vadd.f32 v4, v6;
	_ =	sdelay $0x1  }
0x213: {  	v6 =	vperm.xlane v4, v3;
	_ =	sdelay $0x1  }
0x214: {  	v4 =	vadd.f32 v4, v6;
	_ =	sdelay $0x1  }
0x215: {  	v4 =	vmul.f32 $1.442695020e+00, v4;
	_ =	sdelay $0x1  }
0x216: {  	(erf) = vpow2.f32 v4;
	_ =	sdelay $0x6  }
0x217: {  	v4 =	vld [tilespmem:s18+$0x4330]  }
0x218: {  	v6 =	vld [tilespmem:s18+$0x6330]  }
0x219: {  	v7 =	vpop (erf)  }
0x21a: {  	v5 =	vmul.f32 v7, v5;
	[tilespmem:s18+$0xA360] =	vst v7;
	_ =	sdelay $0x1  }
0x21b: {  	[tilespmem:s18+$0xA320] =	vst v5  }
0x21c: {  	v5 =	vadd.f32 v6, v4;
	v6 =	vld [tilespmem:$0xC330];
	_ =	sdelay $0x1  }
0x21d: {  	v7 =	vmul.f32 $2.000000030e-01, v5;
	_ =	sdelay $0x1  }
0x21e: {  	v5 =	vmax.f32 v5, v7  }
0x21f: {  	v5 =	vmul.f32 v5, v6;
	_ =	sdelay $0x1  }
0x220: {  	v6 =	vperm.xlane v5, v1;
	_ =	sdelay $0x1  }
0x221: {  	v5 =	vadd.f32 v5, v6;
	_ =	sdelay $0x1  }
0x222: {  	v6 =	vperm.xlane v5, v2;
	_ =	sdelay $0x1  }
0x223: {  	v5 =	vadd.f32 v5, v6;
	_ =	sdelay $0x1  }
0x224: {  	v6 =	vperm.xlane v5, v3;
	_ =	sdelay $0x1  }
0x225: {  	v5 =	vadd.f32 v5, v6;
	_ =	sdelay $0x1  }
0x226: {  	v5 =	vmul.f32 $1.442695020e+00, v5;
	_ =	sdelay $0x1  }
0x227: {  	(erf) = vpow2.f32 v5;
	_ =	sdelay $0x2  }
.Ltmp2:
0x228: {  	(pc) =	sbr.rel @p0 .LBB2_7-.Ltmp2, $3  }
0x229: {  	_ =	sdelay $0x1  }
0x22a: {  	s20 =	sshra.s32 s19, $0x2  }
0x22b: {  	s19 =	sadd.s32 $0x200, s19;
	v5 =	vld [tilespmem:s20+$0x4300]  }
0x22c: {  	v6 =	vld [tilespmem:s20+$0x6300]  }
0x22d: {  	v7 =	vpop (erf)  }
0x22e: {  	v4 =	vmul.f32 v7, v4  }
0x22f: {  	[tilespmem:s18+$0xA370] =	vst v7  }
0x230: {  	[tilespmem:s18+$0xA330] =	vst v4  }
0x231: {  	v4 =	vadd.f32 v6, v5;
	v50 =	vld [tilespmem:$0xC300];
	_ =	sdelay $0x1  }
0x232: {  	v51 =	vmul.f32 $2.000000030e-01, v4;
	_ =	sdelay $0x1  }
0x233: {  	v4 =	vmax.f32 v4, v51  }
0x234: {  	v4 =	vmul.f32 v4, v50;
	_ =	sdelay $0x1  }
0x235: {  	v6 =	vperm.xlane v4, v1;
	_ =	sdelay $0x1  }
0x236: {  	v4 =	vadd.f32 v4, v6;
	_ =	sdelay $0x1  }
0x237: {  	v6 =	vperm.xlane v4, v2;
	_ =	sdelay $0x1  }
0x238: {  	v4 =	vadd.f32 v4, v6;
	_ =	sdelay $0x1  }
0x239: {  	v6 =	vperm.xlane v4, v3;
	_ =	sdelay $0x1  }
0x23a: {  	v4 =	vadd.f32 v4, v6;
	_ =	sdelay $0x1  }
0x23b: {  	v4 =	vmul.f32 $1.442695020e+00, v4;
	_ =	sdelay $0x1  }
0x23c: {  	(erf) = vpow2.f32 v4;
	_ =	sdelay $0x6  }
0x23d: {  	v52 =	vld [tilespmem:s20+$0x6310]  }
0x23e: {  	v4 =	vld [tilespmem:s20+$0x4310]  }
0x23f: {  	v53 =	vpop (erf)  }
0x240: {  	v5 =	vmul.f32 v53, v5  }
0x241: {  	[tilespmem:s20+$0xA340] =	vst v53  }
0x242: {  	[tilespmem:s20+$0xA300] =	vst v5  }
0x243: {  	v5 =	vadd.f32 v52, v4;
	v54 =	vld [tilespmem:$0xC310];
	_ =	sdelay $0x1  }
0x244: {  	v55 =	vmul.f32 $2.000000030e-01, v5;
	_ =	sdelay $0x1  }
0x245: {  	v5 =	vmax.f32 v5, v55  }
0x246: {  	v5 =	vmul.f32 v5, v54;
	_ =	sdelay $0x1  }
0x247: {  	v6 =	vperm.xlane v5, v1;
	_ =	sdelay $0x1  }
0x248: {  	v5 =	vadd.f32 v5, v6;
	_ =	sdelay $0x1  }
0x249: {  	v6 =	vperm.xlane v5, v2;
	_ =	sdelay $0x1  }
0x24a: {  	v5 =	vadd.f32 v5, v6;
	_ =	sdelay $0x1  }
0x24b: {  	v6 =	vperm.xlane v5, v3;
	_ =	sdelay $0x1  }
0x24c: {  	v5 =	vadd.f32 v5, v6;
	_ =	sdelay $0x1  }
0x24d: {  	v5 =	vmul.f32 $1.442695020e+00, v5;
	_ =	sdelay $0x1  }
0x24e: {  	(erf) = vpow2.f32 v5;
	_ =	sdelay $0x6  }
0x24f: {  	v56 =	vld [tilespmem:s20+$0x6320]  }
0x250: {  	v5 =	vld [tilespmem:s20+$0x4320]  }
0x251: {  	v57 =	vpop (erf)  }
0x252: {  	v4 =	vmul.f32 v57, v4  }
0x253: {  	[tilespmem:s20+$0xA350] =	vst v57  }
0x254: {  	[tilespmem:s20+$0xA310] =	vst v4  }
0x255: {  	v4 =	vadd.f32 v56, v5;
	v58 =	vld [tilespmem:$0xC320];
	_ =	sdelay $0x1  }
0x256: {  	v59 =	vmul.f32 $2.000000030e-01, v4;
	_ =	sdelay $0x1  }
0x257: {  	v4 =	vmax.f32 v4, v59  }
0x258: {  	v4 =	vmul.f32 v4, v58;
	_ =	sdelay $0x1  }
0x259: {  	v6 =	vperm.xlane v4, v1;
	_ =	sdelay $0x1  }
0x25a: {  	v4 =	vadd.f32 v4, v6;
	_ =	sdelay $0x1  }
0x25b: {  	v6 =	vperm.xlane v4, v2;
	_ =	sdelay $0x1  }
0x25c: {  	v4 =	vadd.f32 v4, v6;
	_ =	sdelay $0x1  }
0x25d: {  	v6 =	vperm.xlane v4, v3;
	_ =	sdelay $0x1  }
0x25e: {  	v4 =	vadd.f32 v4, v6;
	_ =	sdelay $0x1  }
0x25f: {  	v4 =	vmul.f32 $1.442695020e+00, v4;
	_ =	sdelay $0x1  }
0x260: {  	(erf) = vpow2.f32 v4;
	_ =	sdelay $0x6  }
0x261: {  	v60 =	vld [tilespmem:s20+$0x6330]  }
0x262: {  	v4 =	vld [tilespmem:s20+$0x4330]  }
0x263: {  	v61 =	vpop (erf)  }
0x264: {  	v5 =	vmul.f32 v61, v5  }
0x265: {  	[tilespmem:s20+$0xA360] =	vst v61  }
0x266: {  	[tilespmem:s20+$0xA320] =	vst v5  }
0x267: {  	v5 =	vadd.f32 v60, v4;
	v62 =	vld [tilespmem:$0xC330];
	_ =	sdelay $0x1  }
0x268: {  	v63 =	vmul.f32 $2.000000030e-01, v5;
	_ =	sdelay $0x1  }
0x269: {  	v5 =	vmax.f32 v5, v63  }
0x26a: {  	v5 =	vmul.f32 v5, v62;
	_ =	sdelay $0x1  }
0x26b: {  	v6 =	vperm.xlane v5, v1;
	_ =	sdelay $0x1  }
0x26c: {  	v5 =	vadd.f32 v5, v6;
	_ =	sdelay $0x1  }
0x26d: {  	v6 =	vperm.xlane v5, v2;
	_ =	sdelay $0x1  }
0x26e: {  	v5 =	vadd.f32 v5, v6;
	_ =	sdelay $0x1  }
0x26f: {  	v6 =	vperm.xlane v5, v3;
	_ =	sdelay $0x1  }
0x270: {  	v5 =	vadd.f32 v5, v6;
	_ =	sdelay $0x1  }
0x271: {  	v5 =	vmul.f32 $1.442695020e+00, v5;
	_ =	sdelay $0x1  }
0x272: {  	(erf) = vpow2.f32 v5;
	_ =	sdelay $0x6  }
0x273: {  	s30 =	sadd.s32 $0x1, s30  }
0x274: {  	p0 =	sne.s32 s30, $0x52  }
.Ltmp3:
0x275: {  	v5 =	vpop (erf);
	(pc) =	sbr.rel @p0 .LBB2_4-.Ltmp3, $4  }
0x276: {  	v4 =	vmul.f32 v5, v4  }
0x277: {  	[tilespmem:s20+$0xA370] =	vst v5  }
0x278: {  	[tilespmem:s20+$0xA330] =	vst v4  }
0x279: {  	[spmem:s12] =	stream.indirect.scatter.add.f32 [tilespmem:s1], [sflag:$0x4], $0x80, s9, s4, $0xb8;
	[tilespmem:$0x1FF80] =	vst v63  }
0x27a: {  	s18 =	simm.s32 $0x4  }
0x27b: {  	_ =	swait.ge [sflag:s18], $0x2000  }
0x27c: {  	[sflag:s18] =	ssyncset.done $0x0  }
0x27d: {  	s21 =	stileid.u32;
	[sflag:s18] =	ssyncadd.s32 $0xFFFFE000  }
0x27e: {  	s18 =	sshll.u32 s21, $0x6;
	[bflag:$0x0] =	sbarrier.arrive $0xFFFF  }
0x27f: {  	s19 =	sshrl.u32 s22, $0x3;
	s18 =	sor.u32 $0x1C07, s18;
	s20 =	rddreg [dreg:$0x4]  }
0x280: {  	[hbm:s20], [sflag:s18] =	dma.local [spmem:s19], $0x400  }
0x281: {  	_ =	swait.ge [sflag:s3], $0x400  }
0x282: {  	s30 =	smov.u32 s23;
	s21 =	smov.u32 s22;
	[sflag:s3] =	ssyncset.done $0x0  }
0x283: {  	s22 =	sshrl.u32 s23, $0x3;
	s23 =	rddreg [dreg:$0x5];
	[sflag:s3] =	ssyncadd.s32 $0xFFFFFC00  }
0x284: {  	[hbm:s23], [sflag:s18] =	dma.local [spmem:s22], $0x400  }
0x285: {  	_ =	swait.ge [sflag:s3], $0x400  }
0x286: {  	[sflag:s3] =	ssyncset.done $0x0;
	s22 =	rddreg [dreg:$0xe]  }
0x287: {  	s23 =	rddreg [dreg:$0x6];
	[sflag:s3] =	ssyncadd.s32 $0xFFFFFC00;
	s19 =	sshrl.u32 s22, $0x3  }
0x288: {  	[hbm:s23], [sflag:s18] =	dma.local [spmem:s19], $0x400  }
0x289: {  	_ =	swait.ge [sflag:s3], $0x400  }
0x28a: {  	[sflag:s3] =	ssyncset.done $0x0;
	s22 =	rddreg [dreg:$0xf]  }
0x28b: {  	s23 =	rddreg [dreg:$0x7];
	[sflag:s3] =	ssyncadd.s32 $0xFFFFFC00;
	s19 =	sshrl.u32 s22, $0x3  }
0x28c: {  	[hbm:s23], [sflag:s18] =	dma.local [spmem:s19], $0x400  }
0x28d: {  	_ =	swait.ge [sflag:s3], $0x400  }
0x28e: {  	[sflag:s3] =	ssyncset.done $0x0;
	s22 =	rddreg [dreg:$0x10]  }
0x28f: {  	s23 =	rddreg [dreg:$0x8];
	[sflag:s3] =	ssyncadd.s32 $0xFFFFFC00;
	s19 =	sshrl.u32 s22, $0x3  }
0x290: {  	[hbm:s23], [sflag:s18] =	dma.local [spmem:s19], $0x400  }
0x291: {  	_ =	swait.ge [sflag:s3], $0x400  }
0x292: {  	[sflag:s3] =	ssyncset.done $0x0;
	s22 =	rddreg [dreg:$0x11]  }
0x293: {  	s23 =	rddreg [dreg:$0x9];
	[sflag:s3] =	ssyncadd.s32 $0xFFFFFC00;
	s19 =	sshrl.u32 s22, $0x3  }
0x294: {  	[hbm:s23], [sflag:s18] =	dma.local [spmem:s19], $0x400  }
0x295: {  	_ =	swait.ge [sflag:s3], $0x400  }
0x296: {  	[sflag:s3] =	ssyncset.done $0x0  }
0x297: {  	s22 =	sshrl.u32 s24, $0x3;
	s23 =	rddreg [dreg:$0xa];
	[sflag:s3] =	ssyncadd.s32 $0xFFFFFC00  }
0x298: {  	[hbm:s23], [sflag:s18] =	dma.local [spmem:s22], $0x400  }
0x299: {  	_ =	swait.ge [sflag:s3], $0x400  }
0x29a: {  	[sflag:s3] =	ssyncset.done $0x0  }
0x29b: {  	s22 =	sshrl.u32 s25, $0x3;
	s23 =	rddreg [dreg:$0xb];
	[sflag:s3] =	ssyncadd.s32 $0xFFFFFC00  }
0x29c: {  	[hbm:s23], [sflag:s18] =	dma.local [spmem:s22], $0x400  }
0x29d: {  	_ =	swait.ge [sflag:s3], $0x400  }
0x29e: {  	[sflag:s3] =	ssyncset.done $0x0  }
0x29f: {  	s22 =	sshrl.u32 s26, $0x3;
	s23 =	rddreg [dreg:$0xc];
	[sflag:s3] =	ssyncadd.s32 $0xFFFFFC00  }
0x2a0: {  	[hbm:s23], [sflag:s18] =	dma.local [spmem:s22], $0x400  }
0x2a1: {  	_ =	swait.ge [sflag:s3], $0x400  }
0x2a2: {  	[sflag:s3] =	ssyncset.done $0x0  }
0x2a3: {  	s20 =	sshrl.u32 s29, $0x3;
	s22 =	rddreg [dreg:$0xd];
	[sflag:s3] =	ssyncadd.s32 $0xFFFFFC00  }
0x2a4: {  	[hbm:s22], [sflag:s18] =	dma.local [spmem:s20], $0x380  }
0x2a5: {  	_ =	swait.ge [sflag:s3], $0x380  }
0x2a6: {  	s2 =	sadd.s32 $0x1, s2;
	s23 =	rddreg [dreg:$0x13]  }
0x2a7: {  	p0 =	sne.s32 s2, s23  }
.Ltmp4:
0x2a8: {  	_ = 	snop;
	(pc) =	sbr.rel @p0 .LBB2_1-.Ltmp4, $3  }
0x2a9: {  	_ =	sdelay $0x1  }
0x2aa: {  	[sflag:s3] =	ssyncset.done $0x0  }
0x2ab: {  	[sflag:s3] =	ssyncadd.s32 $0xFFFFFC80  }
0x2ac: {  	_ =	sfence.sel $0x180000  }
0x2ad: {  	[bflag:$0x0] =	sbarrier.arrive $0xFFFF  }
0x2ae: {  	_ =	strace $0x90000047  }
0x2af: {  	s0 =	stileid.u32;
	[bflag:$0x2] =	sbarrier.arrive $0xFFFF  }
0x2b0: {  	p0 =	sne.s32 s0, $0x0;
	s0 =	rddreg [dreg:$0x3]  }
0x2b1: {  	s0 =	sadd.s32 @!p0 $0x100000, s0  }
0x2b2: {  	[sflag:s0] =	ssyncadd.tile.s32 @!p0 $0x1;
	_ =	shalt  }
.Lfunc_end2:
_tile_overlayer_lowered:
.L_overlay_start_2:
0x2b3: {  	(tag) =	ssettag $0x2  }
0x2b4: {  	s0 =	rddreg [dreg:$0x0];
	s2 =	stileid.u32  }
0x2b5: {  	s1 =	rddreg [dreg:$0x1];
	p0 =	sne.s32 s2, $0x0  }
0x2b6: {  	s3 =	rddreg [dreg:$0x2];
	[bflag:$0x3] =	sbarrier.arrive $0xFFFF;
	s2 =	simm.s32 @!p0 $0x1C07  }
0x2b7: {  	[timem:s3], [sflag:s2] =	dma.local @!p0 [hbm:s0], s1  }
0x2b8: {  	s0 =	simm.s32 @!p0 $0x7  }
0x2b9: {  	_ =	swait.ge @!p0 [sflag:s0], s1  }
0x2ba: {  	s1 =	ssub.s32 @!p0 $0x0, s1;
	[sflag:s0] =	ssyncset.done @!p0 $0x0  }
0x2bb: {  	[sflag:s0] =	ssyncadd.s32 @!p0 s1  }
0x2bc: {  	[bflag:$0x3] =	sbarrier.arrive $0xFFFF  }
0x2bd: {  	_ =	shalt  }

</sc_bundles>
